<compile_context>
chip_gen: v7x
topology: tpu7x:2x2x1
jax: 0.10.2.dev20260603
libtpu: 0.0.44.dev20260713+nightly
codegen_flags: <defaults>
</compile_context>

<pallas_src>
import functools

import jax
import jax.numpy as jnp
from jax import lax
from jax.experimental import pallas as pl
from jax.experimental.pallas import tpu as pltpu
from jax.experimental.pallas import tpu_sc as plsc

BATCH = 16384
HIST = 50
DIM = 32
NC = 2
NS = 16
NW = NC * NS

K = 4
BC = BATCH // K
SEQ_C = BC * HIST
SEQ_PER_W = SEQ_C // NW
SEQ_ROWS = SEQ_PER_W // 128
T_GROUP = 5
B_PER_W = BC // NW
INNER = T_GROUP * B_PER_W // 128
CHUNK = INNER * 128
OUTER = HIST // T_GROUP
B_ROWS = B_PER_W // 128


def _sc_gather(seq_idx, uidx, iidx, src_uid, src_iid, tgt_iid):
    mesh = plsc.VectorSubcoreMesh(core_axis_name="c", subcore_axis_name="s",
                                  num_cores=NC, num_subcores=NS)

    def body(seq_hbm, uidx_hbm, iidx_hbm, uid_tab, siid_tab, tiid_tab,
             ufea_out, u_out, iid_out,
             idx_v, rows_v, uidx_v, iidx_v, sem):
        wid = lax.axis_index("s") * NC + lax.axis_index("c")

        pltpu.sync_copy(seq_hbm.at[wid], idx_v)
        wb = wid * B_PER_W

        def group(g, carry):
            cps = []
            for j in range(INNER):
                cps.append(pltpu.async_copy(
                    siid_tab.at[idx_v.at[g * INNER + j]],
                    rows_v.at[pl.ds(j * 128, 128)], sem))
            for cp in cps:
                cp.wait()
            for s in range(T_GROUP):
                t = g * T_GROUP + s
                pltpu.sync_copy(
                    rows_v.at[pl.ds(s * B_PER_W, B_PER_W)],
                    ufea_out.at[pl.ds(t * BC + wb, B_PER_W)])
            return carry

        lax.fori_loop(0, OUTER, group, 0, unroll=False)

        pltpu.sync_copy(uidx_hbm.at[wid], uidx_v)
        cps = [pltpu.async_copy(uid_tab.at[uidx_v.at[j]],
                                rows_v.at[pl.ds(j * 128, 128)], sem)
               for j in range(B_ROWS)]
        for cp in cps:
            cp.wait()
        pltpu.sync_copy(rows_v.at[pl.ds(0, B_PER_W)],
                        u_out.at[pl.ds(wb, B_PER_W)])

        pltpu.sync_copy(iidx_hbm.at[wid], iidx_v)
        cps = [pltpu.async_copy(tiid_tab.at[iidx_v.at[j]],
                                rows_v.at[pl.ds(j * 128, 128)], sem)
               for j in range(B_ROWS)]
        for cp in cps:
            cp.wait()
        pltpu.sync_copy(rows_v.at[pl.ds(0, B_PER_W)],
                        iid_out.at[pl.ds(wb, B_PER_W)])

    run = pl.kernel(
        body,
        out_type=(
            jax.ShapeDtypeStruct((SEQ_C, DIM), jnp.float32),
            jax.ShapeDtypeStruct((BC, DIM), jnp.float32),
            jax.ShapeDtypeStruct((BC, DIM), jnp.float32),
        ),
        mesh=mesh,
        scratch_types=[
            pltpu.VMEM((SEQ_ROWS, 128), jnp.int32),
            pltpu.VMEM((CHUNK, DIM), jnp.float32),
            pltpu.VMEM((B_ROWS, 128), jnp.int32),
            pltpu.VMEM((B_ROWS, 128), jnp.int32),
            pltpu.SemaphoreType.DMA,
        ],
        compiler_params=pltpu.CompilerParams(use_tc_tiling_on_sc=False),
    )
    return run(seq_idx, uidx, iidx, src_uid, src_iid, tgt_iid)


def _tc_body(ufea_ref, seq_ref, u_ref, iid_ref,
             w1_ref, b1_ref, w2_ref, wd1_ref, bd1_ref, wd2_ref, bd2_ref,
             out_ref, *, bb):
    uf3 = ufea_ref[...]
    uf = uf3.reshape(HIST * bb, DIM)
    h = jnp.maximum(
        jnp.dot(uf, w1_ref[...], preferred_element_type=jnp.float32)
        + b1_ref[...], 0.0)
    e = jnp.sum(h * w2_ref[...], axis=1).reshape(HIST, bb)
    t = e - (seq_ref[...] == 0).astype(jnp.float32) * 1e8
    m = jnp.max(t, axis=0, keepdims=True)
    p = jnp.exp(t - m)
    att = p / jnp.sum(p, axis=0, keepdims=True)
    his = jnp.sum(uf3 * att[:, :, None], axis=0)
    g = jnp.maximum(
        jnp.dot(his, wd1_ref[...], preferred_element_type=jnp.float32)
        + bd1_ref[...], 0.0)
    dec = (jnp.dot(g, wd2_ref[...], preferred_element_type=jnp.float32)
           + bd2_ref[...])
    u = u_ref[...]
    acc = jnp.zeros((bb, DIM), jnp.float32)
    for j in range(DIM):
        acc = acc + u[:, j:j + 1] * dec[:, j * DIM:(j + 1) * DIM]
    out_ref[...] = jnp.sum(acc * iid_ref[...], axis=1)


def _tc_dense(ufea, seqT, u, iid, W1, b1, w2, Wd1, bd1, Wd2, bd2, bb=256):
    nblk = BC // bb
    full = lambda shape: pl.BlockSpec(shape, lambda i: (0,) * len(shape))
    return pl.pallas_call(
        functools.partial(_tc_body, bb=bb),
        grid=(nblk,),
        in_specs=[
            pl.BlockSpec((HIST, bb, DIM), lambda i: (0, i, 0)),
            pl.BlockSpec((HIST, bb), lambda i: (0, i)),
            pl.BlockSpec((bb, DIM), lambda i: (i, 0)),
            pl.BlockSpec((bb, DIM), lambda i: (i, 0)),
            full((DIM, DIM)), full((1, DIM)), full((1, DIM)),
            full((DIM, 2 * DIM)), full((1, 2 * DIM)),
            full((2 * DIM, DIM * DIM)), full((1, DIM * DIM)),
        ],
        out_specs=pl.BlockSpec((bb,), lambda i: (i,)),
        out_shape=jax.ShapeDtypeStruct((BC,), jnp.float32),
    )(ufea, seqT, u, iid, W1, b1, w2, Wd1, bd1, Wd2, bd2)


def kernel(x, src_uid, src_iid, tgt_iid, W1, b1, W2, Wd1, bd1, Wd2, bd2):
    x = x.astype(jnp.int32)
    b1r = b1.reshape(1, DIM)
    W2r = W2.reshape(1, DIM)
    bd1r = bd1.reshape(1, 2 * DIM)
    bd2r = bd2.reshape(1, DIM * DIM)

    gathered = []
    for c in range(K):
        xc = lax.dynamic_slice_in_dim(x, c * BC, BC, axis=0)
        seqT = xc[:, 2:].T
        seq_idx = seqT.reshape(HIST, NW, B_PER_W).transpose(1, 0, 2) \
                      .reshape(NW, SEQ_ROWS, 128)
        uidx = xc[:, 0].reshape(NW, B_ROWS, 128)
        iidx = xc[:, 1].reshape(NW, B_ROWS, 128)
        ufea, u, iid = _sc_gather(seq_idx, uidx, iidx,
                                  src_uid, src_iid, tgt_iid)
        gathered.append((ufea.reshape(HIST, BC, DIM), seqT, u, iid))

    outs = []
    for ufea, seqT, u, iid in gathered:
        outs.append(_tc_dense(ufea, seqT, u, iid,
                              W1, b1r, W2r, Wd1, bd1r, Wd2, bd2r))
    return jnp.concatenate(outs, axis=0)

# --- scband reference (transcript-rebuilt; emitter-appended) ---
"""Pipeline reference for scband-mfbased-model-87771951661724 (READ-ONLY COPY).

The authoritative reference and input builder live on the scoring server;
editing this copy changes nothing except your own understanding.
"""

import jax, jax.numpy as jnp
import numpy as np

UID = 1000000
IID = 1000000
D = 32
META = 64
B = 16384
HIST = 50


def setup_inputs(seed: int = 0) -> dict:
    key = jax.random.key(seed)
    ks = jax.random.split(key, 12)
    x = jax.random.randint(ks[0], (B, 2 + HIST), 0, UID)
    src_uid = jax.random.normal(ks[1], (UID, D), dtype=jnp.float32) * 0.02
    src_iid = jax.random.normal(ks[2], (IID + 1, D), dtype=jnp.float32) * 0.02
    tgt_iid = jax.random.normal(ks[3], (IID + 1, D), dtype=jnp.float32) * 0.02
    W1 = jax.random.normal(ks[4], (D, D), dtype=jnp.float32) * 0.1
    b1 = jnp.zeros((D,), dtype=jnp.float32)
    W2 = jax.random.normal(ks[5], (D, 1), dtype=jnp.float32) * 0.1
    Wd1 = jax.random.normal(ks[6], (D, META), dtype=jnp.float32) * 0.1
    bd1 = jnp.zeros((META,), dtype=jnp.float32)
    Wd2 = jax.random.normal(ks[7], (META, D * D), dtype=jnp.float32) * 0.05
    bd2 = jnp.zeros((D * D,), dtype=jnp.float32)
    return {"x": x, "src_uid": src_uid, "src_iid": src_iid, "tgt_iid": tgt_iid,
            "W1": W1, "b1": b1, "W2": W2, "Wd1": Wd1, "bd1": bd1, "Wd2": Wd2, "bd2": bd2}


def reference(x, src_uid, src_iid, tgt_iid, W1, b1, W2, Wd1, bd1, Wd2, bd2):
    # stage == 'train_meta' path of MFBasedModel.forward
    iid_emb = jnp.take(tgt_iid, x[:, 1], axis=0)[:, None, :]          # [B,1,D]
    uid_emb_src = jnp.take(src_uid, x[:, 0], axis=0)[:, None, :]      # [B,1,D]
    seq = x[:, 2:]                                                     # [B,HIST]
    ufea = jnp.take(src_iid, seq, axis=0)                              # [B,HIST,D]
    # MetaNet
    mask = (seq == 0).astype(jnp.float32)                              # [B,HIST]
    h = jax.nn.relu(ufea @ W1 + b1)                                    # [B,HIST,D]
    event_K = h @ W2                                                   # [B,HIST,1]
    t = event_K - mask[:, :, None] * 100000000.0
    att = jax.nn.softmax(t, axis=1)
    his_fea = jnp.sum(att * ufea, axis=1)                              # [B,D]
    dec = jax.nn.relu(his_fea @ Wd1 + bd1) @ Wd2 + bd2                 # [B,D*D]
    mapping = dec.reshape(-1, D, D)                                    # [B,D,D]
    uid_emb = jnp.einsum('bij,bjk->bik', uid_emb_src, mapping)         # [B,1,D]
    emb = jnp.concatenate([uid_emb, iid_emb], axis=1)                  # [B,2,D]
    out = jnp.sum(emb[:, 0, :] * emb[:, 1, :], axis=1)                 # [B]
    return out

if __name__ == "__main__":
    import jax
    _d = setup_inputs()
    print(jax.jit(kernel)(*tuple(_d.values())))

</pallas_src>

<mosaic_0001>
#map = affine_map<(d0, d1) -> (0, 0, 0)>
#map1 = affine_map<(d0, d1) -> (0, 0)>
module attributes {stable_mosaic.version = 14 : i64} {
  func.func @body(%arg0: i32, %arg1: i32, %arg2: memref<32x50x128xi32, #tpu.memory_space<hbm>>, %arg3: memref<32x1x128xi32, #tpu.memory_space<hbm>>, %arg4: memref<32x1x128xi32, #tpu.memory_space<hbm>>, %arg5: memref<1000000x32xf32, #tpu.memory_space<hbm>>, %arg6: memref<1000001x32xf32, #tpu.memory_space<hbm>>, %arg7: memref<1000001x32xf32, #tpu.memory_space<hbm>>, %arg8: memref<204800x32xf32, #tpu.memory_space<hbm>>, %arg9: memref<4096x32xf32, #tpu.memory_space<hbm>>, %arg10: memref<4096x32xf32, #tpu.memory_space<hbm>>, %arg11: memref<50x128xi32, #tpu.memory_space<vmem>>, %arg12: memref<640x32xf32, #tpu.memory_space<vmem>>, %arg13: memref<1x128xi32, #tpu.memory_space<vmem>>, %arg14: memref<1x128xi32, #tpu.memory_space<vmem>>, %arg15: memref<!tpu.dma_semaphore, #tpu.memory_space<semaphore_mem>>) attributes {dimension_semantics = [#tpu.dimension_semantics<core_parallel>, #tpu.dimension_semantics<subcore_parallel>], iteration_bounds = array<i64: 2, 16>, scalar_prefetch = 0 : i64, scratch_operands = 5 : i64, tpu.core_type = #tpu.core_type<sc_vector_subcore>, window_params = [{transform_indices = #map}, {transform_indices = #map}, {transform_indices = #map}, {transform_indices = #map1}, {transform_indices = #map1}, {transform_indices = #map1}, {transform_indices = #map1}, {transform_indices = #map1}, {transform_indices = #map1}]} {
    %mul3A = arith.constant 2 : i32
    %mul3A_0 = arith.muli %arg1, %mul3A : i32
    %add3A = arith.addi %mul3A_0, %arg0 : i32
    "tpu.region"() ({
      %run_scoped3A = tpu.sem_alloc : memref<!tpu.dma_semaphore, #tpu.memory_space<semaphore_mem>>
      %dma_start3A_46 = arith.constant 0 : i32
      %dma_start3A_47 = arith.constant 0 : i32
      %dma_start3A_48 = tpu.memref_slice %arg2[%add3A, %dma_start3A_46, %dma_start3A_47] : memref<32x50x128xi32, #tpu.memory_space<hbm>> -> memref<1x50x128xi32, #tpu.memory_space<hbm>>
      %dma_start3A_49 = tpu.memref_squeeze %dma_start3A_48 : memref<1x50x128xi32, #tpu.memory_space<hbm>> -> memref<50x128xi32, #tpu.memory_space<hbm>>
      %dma_start3A_50 = arith.constant 0 : i32
      %dma_start3A_51 = arith.constant 0 : i32
      %dma_start3A_52 = tpu.memref_slice %arg2[%add3A, %dma_start3A_50, %dma_start3A_51] : memref<32x50x128xi32, #tpu.memory_space<hbm>> -> memref<1x50x128xi32, #tpu.memory_space<hbm>>
      %dma_start3A_53 = tpu.memref_squeeze %dma_start3A_52 : memref<1x50x128xi32, #tpu.memory_space<hbm>> -> memref<50x128xi32, #tpu.memory_space<hbm>>
      tpu.enqueue_dma source(%dma_start3A_53 : memref<50x128xi32, #tpu.memory_space<hbm>>) target(%arg11 : memref<50x128xi32, #tpu.memory_space<vmem>>) target_semaphore(%run_scoped3A : memref<!tpu.dma_semaphore, #tpu.memory_space<semaphore_mem>>)
      %dma_wait3A_54 = arith.constant 0 : i32
      %dma_wait3A_55 = arith.constant 0 : i32
      %dma_wait3A_56 = tpu.memref_slice %arg2[%add3A, %dma_wait3A_54, %dma_wait3A_55] : memref<32x50x128xi32, #tpu.memory_space<hbm>> -> memref<1x50x128xi32, #tpu.memory_space<hbm>>
      %dma_wait3A_57 = tpu.memref_squeeze %dma_wait3A_56 : memref<1x50x128xi32, #tpu.memory_space<hbm>> -> memref<50x128xi32, #tpu.memory_space<hbm>>
      %dma_wait3A_58 = arith.constant 0 : i32
      %dma_wait3A_59 = arith.constant 0 : i32
      %dma_wait3A_60 = tpu.memref_slice %arg2[%add3A, %dma_wait3A_58, %dma_wait3A_59] : memref<32x50x128xi32, #tpu.memory_space<hbm>> -> memref<1x50x128xi32, #tpu.memory_space<hbm>>
      %dma_wait3A_61 = tpu.memref_squeeze %dma_wait3A_60 : memref<1x50x128xi32, #tpu.memory_space<hbm>> -> memref<50x128xi32, #tpu.memory_space<hbm>>
      tpu.wait_dma2 semaphore(%run_scoped3A : memref<!tpu.dma_semaphore, #tpu.memory_space<semaphore_mem>>) src(%dma_wait3A_61 : memref<50x128xi32, #tpu.memory_space<hbm>>) dst(%arg11 : memref<50x128xi32, #tpu.memory_space<vmem>>)
      tpu.yield
    }) : () -> ()
    %mul3A_1 = arith.constant 128 : i32
    %mul3A_2 = arith.muli %add3A, %mul3A_1 : i32
    %scan3A = arith.constant 0 : i32
    %scan3A_3 = arith.constant 0 : i32
    %scan3A_4 = arith.constant 10 : i32
    %scan3A_5 = arith.addi %scan3A_3, %scan3A_4 : i32
    %scan3A_6 = arith.constant 1 : i32
    scf.for %scan3A_46 = %scan3A_3 to %scan3A_5 step %scan3A_6  : i32 {
      %mul3A_47 = arith.constant 5 : i32
      %mul3A_48 = arith.muli %scan3A_46, %mul3A_47 : i32
      %add3A_49 = arith.constant 0 : i32
      %add3A_50 = arith.addi %mul3A_48, %add3A_49 : i32
      %dma_start3A_51 = arith.constant 0 : i32
      %dma_start3A_52 = arith.constant 0 : i32
      %dma_start3A_53 = tpu.memref_slice %arg12[%dma_start3A_51, %dma_start3A_52] : memref<640x32xf32, #tpu.memory_space<vmem>> -> memref<128x32xf32, #tpu.memory_space<vmem>>
      %dma_start3A_54 = arith.constant 0 : i32
      %dma_start3A_55 = tpu.memref_slice %arg11[%add3A_50, %dma_start3A_54] : memref<50x128xi32, #tpu.memory_space<vmem>> -> memref<1x128xi32, #tpu.memory_space<vmem>>
      %dma_start3A_56 = tpu.memref_squeeze %dma_start3A_55 : memref<1x128xi32, #tpu.memory_space<vmem>> -> memref<128xi32, #tpu.memory_space<vmem>>
      %dma_start3A_57 = arith.constant 0 : i32
      %dma_start3A_58 = arith.constant 0 : i32
      %dma_start3A_59 = tpu.memref_slice %arg6[%dma_start3A_57, %dma_start3A_58] : memref<1000001x32xf32, #tpu.memory_space<hbm>> -> memref<1000001x32xf32, #tpu.memory_space<hbm>>
      tpu.enqueue_indirect_dma source(%dma_start3A_59 : memref<1000001x32xf32, #tpu.memory_space<hbm>>) target(%dma_start3A_53 : memref<128x32xf32, #tpu.memory_space<vmem>>) offsets(%dma_start3A_56 : memref<128xi32, #tpu.memory_space<vmem>>) semaphore(%arg15 : memref<!tpu.dma_semaphore, #tpu.memory_space<semaphore_mem>>)
      %mul3A_60 = arith.constant 5 : i32
      %mul3A_61 = arith.muli %scan3A_46, %mul3A_60 : i32
      %add3A_62 = arith.constant 1 : i32
      %add3A_63 = arith.addi %mul3A_61, %add3A_62 : i32
      %dma_start3A_64 = arith.constant 128 : i32
      %dma_start3A_65 = arith.constant 0 : i32
      %dma_start3A_66 = tpu.memref_slice %arg12[%dma_start3A_64, %dma_start3A_65] : memref<640x32xf32, #tpu.memory_space<vmem>> -> memref<128x32xf32, #tpu.memory_space<vmem>>
      %dma_start3A_67 = arith.constant 0 : i32
      %dma_start3A_68 = tpu.memref_slice %arg11[%add3A_63, %dma_start3A_67] : memref<50x128xi32, #tpu.memory_space<vmem>> -> memref<1x128xi32, #tpu.memory_space<vmem>>
      %dma_start3A_69 = tpu.memref_squeeze %dma_start3A_68 : memref<1x128xi32, #tpu.memory_space<vmem>> -> memref<128xi32, #tpu.memory_space<vmem>>
      %dma_start3A_70 = arith.constant 0 : i32
      %dma_start3A_71 = arith.constant 0 : i32
      %dma_start3A_72 = tpu.memref_slice %arg6[%dma_start3A_70, %dma_start3A_71] : memref<1000001x32xf32, #tpu.memory_space<hbm>> -> memref<1000001x32xf32, #tpu.memory_space<hbm>>
      tpu.enqueue_indirect_dma source(%dma_start3A_72 : memref<1000001x32xf32, #tpu.memory_space<hbm>>) target(%dma_start3A_66 : memref<128x32xf32, #tpu.memory_space<vmem>>) offsets(%dma_start3A_69 : memref<128xi32, #tpu.memory_space<vmem>>) semaphore(%arg15 : memref<!tpu.dma_semaphore, #tpu.memory_space<semaphore_mem>>)
      %mul3A_73 = arith.constant 5 : i32
      %mul3A_74 = arith.muli %scan3A_46, %mul3A_73 : i32
      %add3A_75 = arith.constant 2 : i32
      %add3A_76 = arith.addi %mul3A_74, %add3A_75 : i32
      %dma_start3A_77 = arith.constant 256 : i32
      %dma_start3A_78 = arith.constant 0 : i32
      %dma_start3A_79 = tpu.memref_slice %arg12[%dma_start3A_77, %dma_start3A_78] : memref<640x32xf32, #tpu.memory_space<vmem>> -> memref<128x32xf32, #tpu.memory_space<vmem>>
      %dma_start3A_80 = arith.constant 0 : i32
      %dma_start3A_81 = tpu.memref_slice %arg11[%add3A_76, %dma_start3A_80] : memref<50x128xi32, #tpu.memory_space<vmem>> -> memref<1x128xi32, #tpu.memory_space<vmem>>
      %dma_start3A_82 = tpu.memref_squeeze %dma_start3A_81 : memref<1x128xi32, #tpu.memory_space<vmem>> -> memref<128xi32, #tpu.memory_space<vmem>>
      %dma_start3A_83 = arith.constant 0 : i32
      %dma_start3A_84 = arith.constant 0 : i32
      %dma_start3A_85 = tpu.memref_slice %arg6[%dma_start3A_83, %dma_start3A_84] : memref<1000001x32xf32, #tpu.memory_space<hbm>> -> memref<1000001x32xf32, #tpu.memory_space<hbm>>
      tpu.enqueue_indirect_dma source(%dma_start3A_85 : memref<1000001x32xf32, #tpu.memory_space<hbm>>) target(%dma_start3A_79 : memref<128x32xf32, #tpu.memory_space<vmem>>) offsets(%dma_start3A_82 : memref<128xi32, #tpu.memory_space<vmem>>) semaphore(%arg15 : memref<!tpu.dma_semaphore, #tpu.memory_space<semaphore_mem>>)
      %mul3A_86 = arith.constant 5 : i32
      %mul3A_87 = arith.muli %scan3A_46, %mul3A_86 : i32
      %add3A_88 = arith.constant 3 : i32
      %add3A_89 = arith.addi %mul3A_87, %add3A_88 : i32
      %dma_start3A_90 = arith.constant 384 : i32
      %dma_start3A_91 = arith.constant 0 : i32
      %dma_start3A_92 = tpu.memref_slice %arg12[%dma_start3A_90, %dma_start3A_91] : memref<640x32xf32, #tpu.memory_space<vmem>> -> memref<128x32xf32, #tpu.memory_space<vmem>>
      %dma_start3A_93 = arith.constant 0 : i32
      %dma_start3A_94 = tpu.memref_slice %arg11[%add3A_89, %dma_start3A_93] : memref<50x128xi32, #tpu.memory_space<vmem>> -> memref<1x128xi32, #tpu.memory_space<vmem>>
      %dma_start3A_95 = tpu.memref_squeeze %dma_start3A_94 : memref<1x128xi32, #tpu.memory_space<vmem>> -> memref<128xi32, #tpu.memory_space<vmem>>
      %dma_start3A_96 = arith.constant 0 : i32
      %dma_start3A_97 = arith.constant 0 : i32
      %dma_start3A_98 = tpu.memref_slice %arg6[%dma_start3A_96, %dma_start3A_97] : memref<1000001x32xf32, #tpu.memory_space<hbm>> -> memref<1000001x32xf32, #tpu.memory_space<hbm>>
      tpu.enqueue_indirect_dma source(%dma_start3A_98 : memref<1000001x32xf32, #tpu.memory_space<hbm>>) target(%dma_start3A_92 : memref<128x32xf32, #tpu.memory_space<vmem>>) offsets(%dma_start3A_95 : memref<128xi32, #tpu.memory_space<vmem>>) semaphore(%arg15 : memref<!tpu.dma_semaphore, #tpu.memory_space<semaphore_mem>>)
      %mul3A_99 = arith.constant 5 : i32
      %mul3A_100 = arith.muli %scan3A_46, %mul3A_99 : i32
      %add3A_101 = arith.constant 4 : i32
      %add3A_102 = arith.addi %mul3A_100, %add3A_101 : i32
      %dma_start3A_103 = arith.constant 512 : i32
      %dma_start3A_104 = arith.constant 0 : i32
      %dma_start3A_105 = tpu.memref_slice %arg12[%dma_start3A_103, %dma_start3A_104] : memref<640x32xf32, #tpu.memory_space<vmem>> -> memref<128x32xf32, #tpu.memory_space<vmem>>
      %dma_start3A_106 = arith.constant 0 : i32
      %dma_start3A_107 = tpu.memref_slice %arg11[%add3A_102, %dma_start3A_106] : memref<50x128xi32, #tpu.memory_space<vmem>> -> memref<1x128xi32, #tpu.memory_space<vmem>>
      %dma_start3A_108 = tpu.memref_squeeze %dma_start3A_107 : memref<1x128xi32, #tpu.memory_space<vmem>> -> memref<128xi32, #tpu.memory_space<vmem>>
      %dma_start3A_109 = arith.constant 0 : i32
      %dma_start3A_110 = arith.constant 0 : i32
      %dma_start3A_111 = tpu.memref_slice %arg6[%dma_start3A_109, %dma_start3A_110] : memref<1000001x32xf32, #tpu.memory_space<hbm>> -> memref<1000001x32xf32, #tpu.memory_space<hbm>>
      tpu.enqueue_indirect_dma source(%dma_start3A_111 : memref<1000001x32xf32, #tpu.memory_space<hbm>>) target(%dma_start3A_105 : memref<128x32xf32, #tpu.memory_space<vmem>>) offsets(%dma_start3A_108 : memref<128xi32, #tpu.memory_space<vmem>>) semaphore(%arg15 : memref<!tpu.dma_semaphore, #tpu.memory_space<semaphore_mem>>)
      %dma_wait3A_112 = arith.constant 0 : i32
      %dma_wait3A_113 = arith.constant 0 : i32
      %dma_wait3A_114 = tpu.memref_slice %arg12[%dma_wait3A_112, %dma_wait3A_113] : memref<640x32xf32, #tpu.memory_space<vmem>> -> memref<128x32xf32, #tpu.memory_space<vmem>>
      %dma_wait3A_115 = arith.constant 0 : i32
      %dma_wait3A_116 = tpu.memref_slice %arg11[%add3A_50, %dma_wait3A_115] : memref<50x128xi32, #tpu.memory_space<vmem>> -> memref<1x128xi32, #tpu.memory_space<vmem>>
      %dma_wait3A_117 = tpu.memref_squeeze %dma_wait3A_116 : memref<1x128xi32, #tpu.memory_space<vmem>> -> memref<128xi32, #tpu.memory_space<vmem>>
      %dma_wait3A_118 = arith.constant 0 : i32
      %dma_wait3A_119 = arith.constant 0 : i32
      %dma_wait3A_120 = tpu.memref_slice %arg6[%dma_wait3A_118, %dma_wait3A_119] : memref<1000001x32xf32, #tpu.memory_space<hbm>> -> memref<1000001x32xf32, #tpu.memory_space<hbm>>
      tpu.wait_indirect_dma semaphore(%arg15 : memref<!tpu.dma_semaphore, #tpu.memory_space<semaphore_mem>>) src(%dma_wait3A_120 : memref<1000001x32xf32, #tpu.memory_space<hbm>>) dst(%dma_wait3A_114 : memref<128x32xf32, #tpu.memory_space<vmem>>)
      %dma_wait3A_121 = arith.constant 128 : i32
      %dma_wait3A_122 = arith.constant 0 : i32
      %dma_wait3A_123 = tpu.memref_slice %arg12[%dma_wait3A_121, %dma_wait3A_122] : memref<640x32xf32, #tpu.memory_space<vmem>> -> memref<128x32xf32, #tpu.memory_space<vmem>>
      %dma_wait3A_124 = arith.constant 0 : i32
      %dma_wait3A_125 = tpu.memref_slice %arg11[%add3A_63, %dma_wait3A_124] : memref<50x128xi32, #tpu.memory_space<vmem>> -> memref<1x128xi32, #tpu.memory_space<vmem>>
      %dma_wait3A_126 = tpu.memref_squeeze %dma_wait3A_125 : memref<1x128xi32, #tpu.memory_space<vmem>> -> memref<128xi32, #tpu.memory_space<vmem>>
      %dma_wait3A_127 = arith.constant 0 : i32
      %dma_wait3A_128 = arith.constant 0 : i32
      %dma_wait3A_129 = tpu.memref_slice %arg6[%dma_wait3A_127, %dma_wait3A_128] : memref<1000001x32xf32, #tpu.memory_space<hbm>> -> memref<1000001x32xf32, #tpu.memory_space<hbm>>
      tpu.wait_indirect_dma semaphore(%arg15 : memref<!tpu.dma_semaphore, #tpu.memory_space<semaphore_mem>>) src(%dma_wait3A_129 : memref<1000001x32xf32, #tpu.memory_space<hbm>>) dst(%dma_wait3A_123 : memref<128x32xf32, #tpu.memory_space<vmem>>)
      %dma_wait3A_130 = arith.constant 256 : i32
      %dma_wait3A_131 = arith.constant 0 : i32
      %dma_wait3A_132 = tpu.memref_slice %arg12[%dma_wait3A_130, %dma_wait3A_131] : memref<640x32xf32, #tpu.memory_space<vmem>> -> memref<128x32xf32, #tpu.memory_space<vmem>>
      %dma_wait3A_133 = arith.constant 0 : i32
      %dma_wait3A_134 = tpu.memref_slice %arg11[%add3A_76, %dma_wait3A_133] : memref<50x128xi32, #tpu.memory_space<vmem>> -> memref<1x128xi32, #tpu.memory_space<vmem>>
      %dma_wait3A_135 = tpu.memref_squeeze %dma_wait3A_134 : memref<1x128xi32, #tpu.memory_space<vmem>> -> memref<128xi32, #tpu.memory_space<vmem>>
      %dma_wait3A_136 = arith.constant 0 : i32
      %dma_wait3A_137 = arith.constant 0 : i32
      %dma_wait3A_138 = tpu.memref_slice %arg6[%dma_wait3A_136, %dma_wait3A_137] : memref<1000001x32xf32, #tpu.memory_space<hbm>> -> memref<1000001x32xf32, #tpu.memory_space<hbm>>
      tpu.wait_indirect_dma semaphore(%arg15 : memref<!tpu.dma_semaphore, #tpu.memory_space<semaphore_mem>>) src(%dma_wait3A_138 : memref<1000001x32xf32, #tpu.memory_space<hbm>>) dst(%dma_wait3A_132 : memref<128x32xf32, #tpu.memory_space<vmem>>)
      %dma_wait3A_139 = arith.constant 384 : i32
      %dma_wait3A_140 = arith.constant 0 : i32
      %dma_wait3A_141 = tpu.memref_slice %arg12[%dma_wait3A_139, %dma_wait3A_140] : memref<640x32xf32, #tpu.memory_space<vmem>> -> memref<128x32xf32, #tpu.memory_space<vmem>>
      %dma_wait3A_142 = arith.constant 0 : i32
      %dma_wait3A_143 = tpu.memref_slice %arg11[%add3A_89, %dma_wait3A_142] : memref<50x128xi32, #tpu.memory_space<vmem>> -> memref<1x128xi32, #tpu.memory_space<vmem>>
      %dma_wait3A_144 = tpu.memref_squeeze %dma_wait3A_143 : memref<1x128xi32, #tpu.memory_space<vmem>> -> memref<128xi32, #tpu.memory_space<vmem>>
      %dma_wait3A_145 = arith.constant 0 : i32
      %dma_wait3A_146 = arith.constant 0 : i32
      %dma_wait3A_147 = tpu.memref_slice %arg6[%dma_wait3A_145, %dma_wait3A_146] : memref<1000001x32xf32, #tpu.memory_space<hbm>> -> memref<1000001x32xf32, #tpu.memory_space<hbm>>
      tpu.wait_indirect_dma semaphore(%arg15 : memref<!tpu.dma_semaphore, #tpu.memory_space<semaphore_mem>>) src(%dma_wait3A_147 : memref<1000001x32xf32, #tpu.memory_space<hbm>>) dst(%dma_wait3A_141 : memref<128x32xf32, #tpu.memory_space<vmem>>)
      %dma_wait3A_148 = arith.constant 512 : i32
      %dma_wait3A_149 = arith.constant 0 : i32
      %dma_wait3A_150 = tpu.memref_slice %arg12[%dma_wait3A_148, %dma_wait3A_149] : memref<640x32xf32, #tpu.memory_space<vmem>> -> memref<128x32xf32, #tpu.memory_space<vmem>>
      %dma_wait3A_151 = arith.constant 0 : i32
      %dma_wait3A_152 = tpu.memref_slice %arg11[%add3A_102, %dma_wait3A_151] : memref<50x128xi32, #tpu.memory_space<vmem>> -> memref<1x128xi32, #tpu.memory_space<vmem>>
      %dma_wait3A_153 = tpu.memref_squeeze %dma_wait3A_152 : memref<1x128xi32, #tpu.memory_space<vmem>> -> memref<128xi32, #tpu.memory_space<vmem>>
      %dma_wait3A_154 = arith.constant 0 : i32
      %dma_wait3A_155 = arith.constant 0 : i32
      %dma_wait3A_156 = tpu.memref_slice %arg6[%dma_wait3A_154, %dma_wait3A_155] : memref<1000001x32xf32, #tpu.memory_space<hbm>> -> memref<1000001x32xf32, #tpu.memory_space<hbm>>
      tpu.wait_indirect_dma semaphore(%arg15 : memref<!tpu.dma_semaphore, #tpu.memory_space<semaphore_mem>>) src(%dma_wait3A_156 : memref<1000001x32xf32, #tpu.memory_space<hbm>>) dst(%dma_wait3A_150 : memref<128x32xf32, #tpu.memory_space<vmem>>)
      %mul3A_157 = arith.constant 5 : i32
      %mul3A_158 = arith.muli %scan3A_46, %mul3A_157 : i32
      %add3A_159 = arith.constant 0 : i32
      %add3A_160 = arith.addi %mul3A_158, %add3A_159 : i32
      %mul3A_161 = arith.constant 4096 : i32
      %mul3A_162 = arith.muli %add3A_160, %mul3A_161 : i32
      %add3A_163 = arith.addi %mul3A_162, %mul3A_2 : i32
      "tpu.region"() ({
        %run_scoped3A = tpu.sem_alloc : memref<!tpu.dma_semaphore, #tpu.memory_space<semaphore_mem>>
        %dma_start3A_192 = arith.constant 0 : i32
        %dma_start3A_193 = arith.constant 0 : i32
        %dma_start3A_194 = tpu.memref_slice %arg12[%dma_start3A_192, %dma_start3A_193] : memref<640x32xf32, #tpu.memory_space<vmem>> -> memref<128x32xf32, #tpu.memory_space<vmem>>
        %dma_start3A_195 = arith.constant 0 : i32
        %dma_start3A_196 = tpu.memref_slice %arg8[%add3A_163, %dma_start3A_195] : memref<204800x32xf32, #tpu.memory_space<hbm>> -> memref<128x32xf32, #tpu.memory_space<hbm>>
        %dma_start3A_197 = arith.constant 0 : i32
        %dma_start3A_198 = tpu.memref_slice %arg8[%add3A_163, %dma_start3A_197] : memref<204800x32xf32, #tpu.memory_space<hbm>> -> memref<128x32xf32, #tpu.memory_space<hbm>>
        %dma_start3A_199 = arith.constant 0 : i32
        %dma_start3A_200 = arith.constant 0 : i32
        %dma_start3A_201 = tpu.memref_slice %arg12[%dma_start3A_199, %dma_start3A_200] : memref<640x32xf32, #tpu.memory_space<vmem>> -> memref<128x32xf32, #tpu.memory_space<vmem>>
        tpu.enqueue_dma source(%dma_start3A_201 : memref<128x32xf32, #tpu.memory_space<vmem>>) target(%dma_start3A_198 : memref<128x32xf32, #tpu.memory_space<hbm>>) target_semaphore(%run_scoped3A : memref<!tpu.dma_semaphore, #tpu.memory_space<semaphore_mem>>)
        %dma_wait3A_202 = arith.constant 0 : i32
        %dma_wait3A_203 = arith.constant 0 : i32
        %dma_wait3A_204 = tpu.memref_slice %arg12[%dma_wait3A_202, %dma_wait3A_203] : memref<640x32xf32, #tpu.memory_space<vmem>> -> memref<128x32xf32, #tpu.memory_space<vmem>>
        %dma_wait3A_205 = arith.constant 0 : i32
        %dma_wait3A_206 = tpu.memref_slice %arg8[%add3A_163, %dma_wait3A_205] : memref<204800x32xf32, #tpu.memory_space<hbm>> -> memref<128x32xf32, #tpu.memory_space<hbm>>
        %dma_wait3A_207 = arith.constant 0 : i32
        %dma_wait3A_208 = tpu.memref_slice %arg8[%add3A_163, %dma_wait3A_207] : memref<204800x32xf32, #tpu.memory_space<hbm>> -> memref<128x32xf32, #tpu.memory_space<hbm>>
        %dma_wait3A_209 = arith.constant 0 : i32
        %dma_wait3A_210 = arith.constant 0 : i32
        %dma_wait3A_211 = tpu.memref_slice %arg12[%dma_wait3A_209, %dma_wait3A_210] : memref<640x32xf32, #tpu.memory_space<vmem>> -> memref<128x32xf32, #tpu.memory_space<vmem>>
        tpu.wait_dma2 semaphore(%run_scoped3A : memref<!tpu.dma_semaphore, #tpu.memory_space<semaphore_mem>>) src(%dma_wait3A_211 : memref<128x32xf32, #tpu.memory_space<vmem>>) dst(%dma_wait3A_208 : memref<128x32xf32, #tpu.memory_space<hbm>>)
        tpu.yield
      }) : () -> ()
      %mul3A_164 = arith.constant 5 : i32
      %mul3A_165 = arith.muli %scan3A_46, %mul3A_164 : i32
      %add3A_166 = arith.constant 1 : i32
      %add3A_167 = arith.addi %mul3A_165, %add3A_166 : i32
      %mul3A_168 = arith.constant 4096 : i32
      %mul3A_169 = arith.muli %add3A_167, %mul3A_168 : i32
      %add3A_170 = arith.addi %mul3A_169, %mul3A_2 : i32
      "tpu.region"() ({
        %run_scoped3A = tpu.sem_alloc : memref<!tpu.dma_semaphore, #tpu.memory_space<semaphore_mem>>
        %dma_start3A_192 = arith.constant 128 : i32
        %dma_start3A_193 = arith.constant 0 : i32
        %dma_start3A_194 = tpu.memref_slice %arg12[%dma_start3A_192, %dma_start3A_193] : memref<640x32xf32, #tpu.memory_space<vmem>> -> memref<128x32xf32, #tpu.memory_space<vmem>>
        %dma_start3A_195 = arith.constant 0 : i32
        %dma_start3A_196 = tpu.memref_slice %arg8[%add3A_170, %dma_start3A_195] : memref<204800x32xf32, #tpu.memory_space<hbm>> -> memref<128x32xf32, #tpu.memory_space<hbm>>
        %dma_start3A_197 = arith.constant 0 : i32
        %dma_start3A_198 = tpu.memref_slice %arg8[%add3A_170, %dma_start3A_197] : memref<204800x32xf32, #tpu.memory_space<hbm>> -> memref<128x32xf32, #tpu.memory_space<hbm>>
        %dma_start3A_199 = arith.constant 128 : i32
        %dma_start3A_200 = arith.constant 0 : i32
        %dma_start3A_201 = tpu.memref_slice %arg12[%dma_start3A_199, %dma_start3A_200] : memref<640x32xf32, #tpu.memory_space<vmem>> -> memref<128x32xf32, #tpu.memory_space<vmem>>
        tpu.enqueue_dma source(%dma_start3A_201 : memref<128x32xf32, #tpu.memory_space<vmem>>) target(%dma_start3A_198 : memref<128x32xf32, #tpu.memory_space<hbm>>) target_semaphore(%run_scoped3A : memref<!tpu.dma_semaphore, #tpu.memory_space<semaphore_mem>>)
        %dma_wait3A_202 = arith.constant 128 : i32
        %dma_wait3A_203 = arith.constant 0 : i32
        %dma_wait3A_204 = tpu.memref_slice %arg12[%dma_wait3A_202, %dma_wait3A_203] : memref<640x32xf32, #tpu.memory_space<vmem>> -> memref<128x32xf32, #tpu.memory_space<vmem>>
        %dma_wait3A_205 = arith.constant 0 : i32
        %dma_wait3A_206 = tpu.memref_slice %arg8[%add3A_170, %dma_wait3A_205] : memref<204800x32xf32, #tpu.memory_space<hbm>> -> memref<128x32xf32, #tpu.memory_space<hbm>>
        %dma_wait3A_207 = arith.constant 0 : i32
        %dma_wait3A_208 = tpu.memref_slice %arg8[%add3A_170, %dma_wait3A_207] : memref<204800x32xf32, #tpu.memory_space<hbm>> -> memref<128x32xf32, #tpu.memory_space<hbm>>
        %dma_wait3A_209 = arith.constant 128 : i32
        %dma_wait3A_210 = arith.constant 0 : i32
        %dma_wait3A_211 = tpu.memref_slice %arg12[%dma_wait3A_209, %dma_wait3A_210] : memref<640x32xf32, #tpu.memory_space<vmem>> -> memref<128x32xf32, #tpu.memory_space<vmem>>
        tpu.wait_dma2 semaphore(%run_scoped3A : memref<!tpu.dma_semaphore, #tpu.memory_space<semaphore_mem>>) src(%dma_wait3A_211 : memref<128x32xf32, #tpu.memory_space<vmem>>) dst(%dma_wait3A_208 : memref<128x32xf32, #tpu.memory_space<hbm>>)
        tpu.yield
      }) : () -> ()
      %mul3A_171 = arith.constant 5 : i32
      %mul3A_172 = arith.muli %scan3A_46, %mul3A_171 : i32
      %add3A_173 = arith.constant 2 : i32
      %add3A_174 = arith.addi %mul3A_172, %add3A_173 : i32
      %mul3A_175 = arith.constant 4096 : i32
      %mul3A_176 = arith.muli %add3A_174, %mul3A_175 : i32
      %add3A_177 = arith.addi %mul3A_176, %mul3A_2 : i32
      "tpu.region"() ({
        %run_scoped3A = tpu.sem_alloc : memref<!tpu.dma_semaphore, #tpu.memory_space<semaphore_mem>>
        %dma_start3A_192 = arith.constant 256 : i32
        %dma_start3A_193 = arith.constant 0 : i32
        %dma_start3A_194 = tpu.memref_slice %arg12[%dma_start3A_192, %dma_start3A_193] : memref<640x32xf32, #tpu.memory_space<vmem>> -> memref<128x32xf32, #tpu.memory_space<vmem>>
        %dma_start3A_195 = arith.constant 0 : i32
        %dma_start3A_196 = tpu.memref_slice %arg8[%add3A_177, %dma_start3A_195] : memref<204800x32xf32, #tpu.memory_space<hbm>> -> memref<128x32xf32, #tpu.memory_space<hbm>>
        %dma_start3A_197 = arith.constant 0 : i32
        %dma_start3A_198 = tpu.memref_slice %arg8[%add3A_177, %dma_start3A_197] : memref<204800x32xf32, #tpu.memory_space<hbm>> -> memref<128x32xf32, #tpu.memory_space<hbm>>
        %dma_start3A_199 = arith.constant 256 : i32
        %dma_start3A_200 = arith.constant 0 : i32
        %dma_start3A_201 = tpu.memref_slice %arg12[%dma_start3A_199, %dma_start3A_200] : memref<640x32xf32, #tpu.memory_space<vmem>> -> memref<128x32xf32, #tpu.memory_space<vmem>>
        tpu.enqueue_dma source(%dma_start3A_201 : memref<128x32xf32, #tpu.memory_space<vmem>>) target(%dma_start3A_198 : memref<128x32xf32, #tpu.memory_space<hbm>>) target_semaphore(%run_scoped3A : memref<!tpu.dma_semaphore, #tpu.memory_space<semaphore_mem>>)
        %dma_wait3A_202 = arith.constant 256 : i32
        %dma_wait3A_203 = arith.constant 0 : i32
        %dma_wait3A_204 = tpu.memref_slice %arg12[%dma_wait3A_202, %dma_wait3A_203] : memref<640x32xf32, #tpu.memory_space<vmem>> -> memref<128x32xf32, #tpu.memory_space<vmem>>
        %dma_wait3A_205 = arith.constant 0 : i32
        %dma_wait3A_206 = tpu.memref_slice %arg8[%add3A_177, %dma_wait3A_205] : memref<204800x32xf32, #tpu.memory_space<hbm>> -> memref<128x32xf32, #tpu.memory_space<hbm>>
        %dma_wait3A_207 = arith.constant 0 : i32
        %dma_wait3A_208 = tpu.memref_slice %arg8[%add3A_177, %dma_wait3A_207] : memref<204800x32xf32, #tpu.memory_space<hbm>> -> memref<128x32xf32, #tpu.memory_space<hbm>>
        %dma_wait3A_209 = arith.constant 256 : i32
        %dma_wait3A_210 = arith.constant 0 : i32
        %dma_wait3A_211 = tpu.memref_slice %arg12[%dma_wait3A_209, %dma_wait3A_210] : memref<640x32xf32, #tpu.memory_space<vmem>> -> memref<128x32xf32, #tpu.memory_space<vmem>>
        tpu.wait_dma2 semaphore(%run_scoped3A : memref<!tpu.dma_semaphore, #tpu.memory_space<semaphore_mem>>) src(%dma_wait3A_211 : memref<128x32xf32, #tpu.memory_space<vmem>>) dst(%dma_wait3A_208 : memref<128x32xf32, #tpu.memory_space<hbm>>)
        tpu.yield
      }) : () -> ()
      %mul3A_178 = arith.constant 5 : i32
      %mul3A_179 = arith.muli %scan3A_46, %mul3A_178 : i32
      %add3A_180 = arith.constant 3 : i32
      %add3A_181 = arith.addi %mul3A_179, %add3A_180 : i32
      %mul3A_182 = arith.constant 4096 : i32
      %mul3A_183 = arith.muli %add3A_181, %mul3A_182 : i32
      %add3A_184 = arith.addi %mul3A_183, %mul3A_2 : i32
      "tpu.region"() ({
        %run_scoped3A = tpu.sem_alloc : memref<!tpu.dma_semaphore, #tpu.memory_space<semaphore_mem>>
        %dma_start3A_192 = arith.constant 384 : i32
        %dma_start3A_193 = arith.constant 0 : i32
        %dma_start3A_194 = tpu.memref_slice %arg12[%dma_start3A_192, %dma_start3A_193] : memref<640x32xf32, #tpu.memory_space<vmem>> -> memref<128x32xf32, #tpu.memory_space<vmem>>
        %dma_start3A_195 = arith.constant 0 : i32
        %dma_start3A_196 = tpu.memref_slice %arg8[%add3A_184, %dma_start3A_195] : memref<204800x32xf32, #tpu.memory_space<hbm>> -> memref<128x32xf32, #tpu.memory_space<hbm>>
        %dma_start3A_197 = arith.constant 0 : i32
        %dma_start3A_198 = tpu.memref_slice %arg8[%add3A_184, %dma_start3A_197] : memref<204800x32xf32, #tpu.memory_space<hbm>> -> memref<128x32xf32, #tpu.memory_space<hbm>>
        %dma_start3A_199 = arith.constant 384 : i32
        %dma_start3A_200 = arith.constant 0 : i32
        %dma_start3A_201 = tpu.memref_slice %arg12[%dma_start3A_199, %dma_start3A_200] : memref<640x32xf32, #tpu.memory_space<vmem>> -> memref<128x32xf32, #tpu.memory_space<vmem>>
        tpu.enqueue_dma source(%dma_start3A_201 : memref<128x32xf32, #tpu.memory_space<vmem>>) target(%dma_start3A_198 : memref<128x32xf32, #tpu.memory_space<hbm>>) target_semaphore(%run_scoped3A : memref<!tpu.dma_semaphore, #tpu.memory_space<semaphore_mem>>)
        %dma_wait3A_202 = arith.constant 384 : i32
        %dma_wait3A_203 = arith.constant 0 : i32
        %dma_wait3A_204 = tpu.memref_slice %arg12[%dma_wait3A_202, %dma_wait3A_203] : memref<640x32xf32, #tpu.memory_space<vmem>> -> memref<128x32xf32, #tpu.memory_space<vmem>>
        %dma_wait3A_205 = arith.constant 0 : i32
        %dma_wait3A_206 = tpu.memref_slice %arg8[%add3A_184, %dma_wait3A_205] : memref<204800x32xf32, #tpu.memory_space<hbm>> -> memref<128x32xf32, #tpu.memory_space<hbm>>
        %dma_wait3A_207 = arith.constant 0 : i32
        %dma_wait3A_208 = tpu.memref_slice %arg8[%add3A_184, %dma_wait3A_207] : memref<204800x32xf32, #tpu.memory_space<hbm>> -> memref<128x32xf32, #tpu.memory_space<hbm>>
        %dma_wait3A_209 = arith.constant 384 : i32
        %dma_wait3A_210 = arith.constant 0 : i32
        %dma_wait3A_211 = tpu.memref_slice %arg12[%dma_wait3A_209, %dma_wait3A_210] : memref<640x32xf32, #tpu.memory_space<vmem>> -> memref<128x32xf32, #tpu.memory_space<vmem>>
        tpu.wait_dma2 semaphore(%run_scoped3A : memref<!tpu.dma_semaphore, #tpu.memory_space<semaphore_mem>>) src(%dma_wait3A_211 : memref<128x32xf32, #tpu.memory_space<vmem>>) dst(%dma_wait3A_208 : memref<128x32xf32, #tpu.memory_space<hbm>>)
        tpu.yield
      }) : () -> ()
      %mul3A_185 = arith.constant 5 : i32
      %mul3A_186 = arith.muli %scan3A_46, %mul3A_185 : i32
      %add3A_187 = arith.constant 4 : i32
      %add3A_188 = arith.addi %mul3A_186, %add3A_187 : i32
      %mul3A_189 = arith.constant 4096 : i32
      %mul3A_190 = arith.muli %add3A_188, %mul3A_189 : i32
      %add3A_191 = arith.addi %mul3A_190, %mul3A_2 : i32
      "tpu.region"() ({
        %run_scoped3A = tpu.sem_alloc : memref<!tpu.dma_semaphore, #tpu.memory_space<semaphore_mem>>
        %dma_start3A_192 = arith.constant 512 : i32
        %dma_start3A_193 = arith.constant 0 : i32
        %dma_start3A_194 = tpu.memref_slice %arg12[%dma_start3A_192, %dma_start3A_193] : memref<640x32xf32, #tpu.memory_space<vmem>> -> memref<128x32xf32, #tpu.memory_space<vmem>>
        %dma_start3A_195 = arith.constant 0 : i32
        %dma_start3A_196 = tpu.memref_slice %arg8[%add3A_191, %dma_start3A_195] : memref<204800x32xf32, #tpu.memory_space<hbm>> -> memref<128x32xf32, #tpu.memory_space<hbm>>
        %dma_start3A_197 = arith.constant 0 : i32
        %dma_start3A_198 = tpu.memref_slice %arg8[%add3A_191, %dma_start3A_197] : memref<204800x32xf32, #tpu.memory_space<hbm>> -> memref<128x32xf32, #tpu.memory_space<hbm>>
        %dma_start3A_199 = arith.constant 512 : i32
        %dma_start3A_200 = arith.constant 0 : i32
        %dma_start3A_201 = tpu.memref_slice %arg12[%dma_start3A_199, %dma_start3A_200] : memref<640x32xf32, #tpu.memory_space<vmem>> -> memref<128x32xf32, #tpu.memory_space<vmem>>
        tpu.enqueue_dma source(%dma_start3A_201 : memref<128x32xf32, #tpu.memory_space<vmem>>) target(%dma_start3A_198 : memref<128x32xf32, #tpu.memory_space<hbm>>) target_semaphore(%run_scoped3A : memref<!tpu.dma_semaphore, #tpu.memory_space<semaphore_mem>>)
        %dma_wait3A_202 = arith.constant 512 : i32
        %dma_wait3A_203 = arith.constant 0 : i32
        %dma_wait3A_204 = tpu.memref_slice %arg12[%dma_wait3A_202, %dma_wait3A_203] : memref<640x32xf32, #tpu.memory_space<vmem>> -> memref<128x32xf32, #tpu.memory_space<vmem>>
        %dma_wait3A_205 = arith.constant 0 : i32
        %dma_wait3A_206 = tpu.memref_slice %arg8[%add3A_191, %dma_wait3A_205] : memref<204800x32xf32, #tpu.memory_space<hbm>> -> memref<128x32xf32, #tpu.memory_space<hbm>>
        %dma_wait3A_207 = arith.constant 0 : i32
        %dma_wait3A_208 = tpu.memref_slice %arg8[%add3A_191, %dma_wait3A_207] : memref<204800x32xf32, #tpu.memory_space<hbm>> -> memref<128x32xf32, #tpu.memory_space<hbm>>
        %dma_wait3A_209 = arith.constant 512 : i32
        %dma_wait3A_210 = arith.constant 0 : i32
        %dma_wait3A_211 = tpu.memref_slice %arg12[%dma_wait3A_209, %dma_wait3A_210] : memref<640x32xf32, #tpu.memory_space<vmem>> -> memref<128x32xf32, #tpu.memory_space<vmem>>
        tpu.wait_dma2 semaphore(%run_scoped3A : memref<!tpu.dma_semaphore, #tpu.memory_space<semaphore_mem>>) src(%dma_wait3A_211 : memref<128x32xf32, #tpu.memory_space<vmem>>) dst(%dma_wait3A_208 : memref<128x32xf32, #tpu.memory_space<hbm>>)
        tpu.yield
      }) : () -> ()
    }
    %scan3A_7 = arith.constant 10 : i32
    "tpu.region"() ({
      %run_scoped3A = tpu.sem_alloc : memref<!tpu.dma_semaphore, #tpu.memory_space<semaphore_mem>>
      %dma_start3A_46 = arith.constant 0 : i32
      %dma_start3A_47 = arith.constant 0 : i32
      %dma_start3A_48 = tpu.memref_slice %arg3[%add3A, %dma_start3A_46, %dma_start3A_47] : memref<32x1x128xi32, #tpu.memory_space<hbm>> -> memref<1x1x128xi32, #tpu.memory_space<hbm>>
      %dma_start3A_49 = tpu.memref_squeeze %dma_start3A_48 : memref<1x1x128xi32, #tpu.memory_space<hbm>> -> memref<1x128xi32, #tpu.memory_space<hbm>>
      %dma_start3A_50 = arith.constant 0 : i32
      %dma_start3A_51 = arith.constant 0 : i32
      %dma_start3A_52 = tpu.memref_slice %arg3[%add3A, %dma_start3A_50, %dma_start3A_51] : memref<32x1x128xi32, #tpu.memory_space<hbm>> -> memref<1x1x128xi32, #tpu.memory_space<hbm>>
      %dma_start3A_53 = tpu.memref_squeeze %dma_start3A_52 : memref<1x1x128xi32, #tpu.memory_space<hbm>> -> memref<1x128xi32, #tpu.memory_space<hbm>>
      tpu.enqueue_dma source(%dma_start3A_53 : memref<1x128xi32, #tpu.memory_space<hbm>>) target(%arg13 : memref<1x128xi32, #tpu.memory_space<vmem>>) target_semaphore(%run_scoped3A : memref<!tpu.dma_semaphore, #tpu.memory_space<semaphore_mem>>)
      %dma_wait3A_54 = arith.constant 0 : i32
      %dma_wait3A_55 = arith.constant 0 : i32
      %dma_wait3A_56 = tpu.memref_slice %arg3[%add3A, %dma_wait3A_54, %dma_wait3A_55] : memref<32x1x128xi32, #tpu.memory_space<hbm>> -> memref<1x1x128xi32, #tpu.memory_space<hbm>>
      %dma_wait3A_57 = tpu.memref_squeeze %dma_wait3A_56 : memref<1x1x128xi32, #tpu.memory_space<hbm>> -> memref<1x128xi32, #tpu.memory_space<hbm>>
      %dma_wait3A_58 = arith.constant 0 : i32
      %dma_wait3A_59 = arith.constant 0 : i32
      %dma_wait3A_60 = tpu.memref_slice %arg3[%add3A, %dma_wait3A_58, %dma_wait3A_59] : memref<32x1x128xi32, #tpu.memory_space<hbm>> -> memref<1x1x128xi32, #tpu.memory_space<hbm>>
      %dma_wait3A_61 = tpu.memref_squeeze %dma_wait3A_60 : memref<1x1x128xi32, #tpu.memory_space<hbm>> -> memref<1x128xi32, #tpu.memory_space<hbm>>
      tpu.wait_dma2 semaphore(%run_scoped3A : memref<!tpu.dma_semaphore, #tpu.memory_space<semaphore_mem>>) src(%dma_wait3A_61 : memref<1x128xi32, #tpu.memory_space<hbm>>) dst(%arg13 : memref<1x128xi32, #tpu.memory_space<vmem>>)
      tpu.yield
    }) : () -> ()
    %dma_start3A = arith.constant 0 : i32
    %dma_start3A_8 = arith.constant 0 : i32
    %dma_start3A_9 = arith.constant 0 : i32
    %dma_start3A_10 = tpu.memref_slice %arg12[%dma_start3A_8, %dma_start3A_9] : memref<640x32xf32, #tpu.memory_space<vmem>> -> memref<128x32xf32, #tpu.memory_space<vmem>>
    %dma_start3A_11 = arith.constant 0 : i32
    %dma_start3A_12 = tpu.memref_slice %arg13[%dma_start3A, %dma_start3A_11] : memref<1x128xi32, #tpu.memory_space<vmem>> -> memref<1x128xi32, #tpu.memory_space<vmem>>
    %dma_start3A_13 = tpu.memref_squeeze %dma_start3A_12 : memref<1x128xi32, #tpu.memory_space<vmem>> -> memref<128xi32, #tpu.memory_space<vmem>>
    %dma_start3A_14 = arith.constant 0 : i32
    %dma_start3A_15 = arith.constant 0 : i32
    %dma_start3A_16 = tpu.memref_slice %arg5[%dma_start3A_14, %dma_start3A_15] : memref<1000000x32xf32, #tpu.memory_space<hbm>> -> memref<1000000x32xf32, #tpu.memory_space<hbm>>
    tpu.enqueue_indirect_dma source(%dma_start3A_16 : memref<1000000x32xf32, #tpu.memory_space<hbm>>) target(%dma_start3A_10 : memref<128x32xf32, #tpu.memory_space<vmem>>) offsets(%dma_start3A_13 : memref<128xi32, #tpu.memory_space<vmem>>) semaphore(%arg15 : memref<!tpu.dma_semaphore, #tpu.memory_space<semaphore_mem>>)
    %dma_wait3A = arith.constant 0 : i32
    %dma_wait3A_17 = arith.constant 0 : i32
    %dma_wait3A_18 = arith.constant 0 : i32
    %dma_wait3A_19 = tpu.memref_slice %arg12[%dma_wait3A_17, %dma_wait3A_18] : memref<640x32xf32, #tpu.memory_space<vmem>> -> memref<128x32xf32, #tpu.memory_space<vmem>>
    %dma_wait3A_20 = arith.constant 0 : i32
    %dma_wait3A_21 = tpu.memref_slice %arg13[%dma_wait3A, %dma_wait3A_20] : memref<1x128xi32, #tpu.memory_space<vmem>> -> memref<1x128xi32, #tpu.memory_space<vmem>>
    %dma_wait3A_22 = tpu.memref_squeeze %dma_wait3A_21 : memref<1x128xi32, #tpu.memory_space<vmem>> -> memref<128xi32, #tpu.memory_space<vmem>>
    %dma_wait3A_23 = arith.constant 0 : i32
    %dma_wait3A_24 = arith.constant 0 : i32
    %dma_wait3A_25 = tpu.memref_slice %arg5[%dma_wait3A_23, %dma_wait3A_24] : memref<1000000x32xf32, #tpu.memory_space<hbm>> -> memref<1000000x32xf32, #tpu.memory_space<hbm>>
    tpu.wait_indirect_dma semaphore(%arg15 : memref<!tpu.dma_semaphore, #tpu.memory_space<semaphore_mem>>) src(%dma_wait3A_25 : memref<1000000x32xf32, #tpu.memory_space<hbm>>) dst(%dma_wait3A_19 : memref<128x32xf32, #tpu.memory_space<vmem>>)
    "tpu.region"() ({
      %run_scoped3A = tpu.sem_alloc : memref<!tpu.dma_semaphore, #tpu.memory_space<semaphore_mem>>
      %dma_start3A_46 = arith.constant 0 : i32
      %dma_start3A_47 = arith.constant 0 : i32
      %dma_start3A_48 = tpu.memref_slice %arg12[%dma_start3A_46, %dma_start3A_47] : memref<640x32xf32, #tpu.memory_space<vmem>> -> memref<128x32xf32, #tpu.memory_space<vmem>>
      %dma_start3A_49 = arith.constant 0 : i32
      %dma_start3A_50 = tpu.memref_slice %arg9[%mul3A_2, %dma_start3A_49] : memref<4096x32xf32, #tpu.memory_space<hbm>> -> memref<128x32xf32, #tpu.memory_space<hbm>>
      %dma_start3A_51 = arith.constant 0 : i32
      %dma_start3A_52 = tpu.memref_slice %arg9[%mul3A_2, %dma_start3A_51] : memref<4096x32xf32, #tpu.memory_space<hbm>> -> memref<128x32xf32, #tpu.memory_space<hbm>>
      %dma_start3A_53 = arith.constant 0 : i32
      %dma_start3A_54 = arith.constant 0 : i32
      %dma_start3A_55 = tpu.memref_slice %arg12[%dma_start3A_53, %dma_start3A_54] : memref<640x32xf32, #tpu.memory_space<vmem>> -> memref<128x32xf32, #tpu.memory_space<vmem>>
      tpu.enqueue_dma source(%dma_start3A_55 : memref<128x32xf32, #tpu.memory_space<vmem>>) target(%dma_start3A_52 : memref<128x32xf32, #tpu.memory_space<hbm>>) target_semaphore(%run_scoped3A : memref<!tpu.dma_semaphore, #tpu.memory_space<semaphore_mem>>)
      %dma_wait3A_56 = arith.constant 0 : i32
      %dma_wait3A_57 = arith.constant 0 : i32
      %dma_wait3A_58 = tpu.memref_slice %arg12[%dma_wait3A_56, %dma_wait3A_57] : memref<640x32xf32, #tpu.memory_space<vmem>> -> memref<128x32xf32, #tpu.memory_space<vmem>>
      %dma_wait3A_59 = arith.constant 0 : i32
      %dma_wait3A_60 = tpu.memref_slice %arg9[%mul3A_2, %dma_wait3A_59] : memref<4096x32xf32, #tpu.memory_space<hbm>> -> memref<128x32xf32, #tpu.memory_space<hbm>>
      %dma_wait3A_61 = arith.constant 0 : i32
      %dma_wait3A_62 = tpu.memref_slice %arg9[%mul3A_2, %dma_wait3A_61] : memref<4096x32xf32, #tpu.memory_space<hbm>> -> memref<128x32xf32, #tpu.memory_space<hbm>>
      %dma_wait3A_63 = arith.constant 0 : i32
      %dma_wait3A_64 = arith.constant 0 : i32
      %dma_wait3A_65 = tpu.memref_slice %arg12[%dma_wait3A_63, %dma_wait3A_64] : memref<640x32xf32, #tpu.memory_space<vmem>> -> memref<128x32xf32, #tpu.memory_space<vmem>>
      tpu.wait_dma2 semaphore(%run_scoped3A : memref<!tpu.dma_semaphore, #tpu.memory_space<semaphore_mem>>) src(%dma_wait3A_65 : memref<128x32xf32, #tpu.memory_space<vmem>>) dst(%dma_wait3A_62 : memref<128x32xf32, #tpu.memory_space<hbm>>)
      tpu.yield
    }) : () -> ()
    "tpu.region"() ({
      %run_scoped3A = tpu.sem_alloc : memref<!tpu.dma_semaphore, #tpu.memory_space<semaphore_mem>>
      %dma_start3A_46 = arith.constant 0 : i32
      %dma_start3A_47 = arith.constant 0 : i32
      %dma_start3A_48 = tpu.memref_slice %arg4[%add3A, %dma_start3A_46, %dma_start3A_47] : memref<32x1x128xi32, #tpu.memory_space<hbm>> -> memref<1x1x128xi32, #tpu.memory_space<hbm>>
      %dma_start3A_49 = tpu.memref_squeeze %dma_start3A_48 : memref<1x1x128xi32, #tpu.memory_space<hbm>> -> memref<1x128xi32, #tpu.memory_space<hbm>>
      %dma_start3A_50 = arith.constant 0 : i32
      %dma_start3A_51 = arith.constant 0 : i32
      %dma_start3A_52 = tpu.memref_slice %arg4[%add3A, %dma_start3A_50, %dma_start3A_51] : memref<32x1x128xi32, #tpu.memory_space<hbm>> -> memref<1x1x128xi32, #tpu.memory_space<hbm>>
      %dma_start3A_53 = tpu.memref_squeeze %dma_start3A_52 : memref<1x1x128xi32, #tpu.memory_space<hbm>> -> memref<1x128xi32, #tpu.memory_space<hbm>>
      tpu.enqueue_dma source(%dma_start3A_53 : memref<1x128xi32, #tpu.memory_space<hbm>>) target(%arg14 : memref<1x128xi32, #tpu.memory_space<vmem>>) target_semaphore(%run_scoped3A : memref<!tpu.dma_semaphore, #tpu.memory_space<semaphore_mem>>)
      %dma_wait3A_54 = arith.constant 0 : i32
      %dma_wait3A_55 = arith.constant 0 : i32
      %dma_wait3A_56 = tpu.memref_slice %arg4[%add3A, %dma_wait3A_54, %dma_wait3A_55] : memref<32x1x128xi32, #tpu.memory_space<hbm>> -> memref<1x1x128xi32, #tpu.memory_space<hbm>>
      %dma_wait3A_57 = tpu.memref_squeeze %dma_wait3A_56 : memref<1x1x128xi32, #tpu.memory_space<hbm>> -> memref<1x128xi32, #tpu.memory_space<hbm>>
      %dma_wait3A_58 = arith.constant 0 : i32
      %dma_wait3A_59 = arith.constant 0 : i32
      %dma_wait3A_60 = tpu.memref_slice %arg4[%add3A, %dma_wait3A_58, %dma_wait3A_59] : memref<32x1x128xi32, #tpu.memory_space<hbm>> -> memref<1x1x128xi32, #tpu.memory_space<hbm>>
      %dma_wait3A_61 = tpu.memref_squeeze %dma_wait3A_60 : memref<1x1x128xi32, #tpu.memory_space<hbm>> -> memref<1x128xi32, #tpu.memory_space<hbm>>
      tpu.wait_dma2 semaphore(%run_scoped3A : memref<!tpu.dma_semaphore, #tpu.memory_space<semaphore_mem>>) src(%dma_wait3A_61 : memref<1x128xi32, #tpu.memory_space<hbm>>) dst(%arg14 : memref<1x128xi32, #tpu.memory_space<vmem>>)
      tpu.yield
    }) : () -> ()
    %dma_start3A_26 = arith.constant 0 : i32
    %dma_start3A_27 = arith.constant 0 : i32
    %dma_start3A_28 = arith.constant 0 : i32
    %dma_start3A_29 = tpu.memref_slice %arg12[%dma_start3A_27, %dma_start3A_28] : memref<640x32xf32, #tpu.memory_space<vmem>> -> memref<128x32xf32, #tpu.memory_space<vmem>>
    %dma_start3A_30 = arith.constant 0 : i32
    %dma_start3A_31 = tpu.memref_slice %arg14[%dma_start3A_26, %dma_start3A_30] : memref<1x128xi32, #tpu.memory_space<vmem>> -> memref<1x128xi32, #tpu.memory_space<vmem>>
    %dma_start3A_32 = tpu.memref_squeeze %dma_start3A_31 : memref<1x128xi32, #tpu.memory_space<vmem>> -> memref<128xi32, #tpu.memory_space<vmem>>
    %dma_start3A_33 = arith.constant 0 : i32
    %dma_start3A_34 = arith.constant 0 : i32
    %dma_start3A_35 = tpu.memref_slice %arg7[%dma_start3A_33, %dma_start3A_34] : memref<1000001x32xf32, #tpu.memory_space<hbm>> -> memref<1000001x32xf32, #tpu.memory_space<hbm>>
    tpu.enqueue_indirect_dma source(%dma_start3A_35 : memref<1000001x32xf32, #tpu.memory_space<hbm>>) target(%dma_start3A_29 : memref<128x32xf32, #tpu.memory_space<vmem>>) offsets(%dma_start3A_32 : memref<128xi32, #tpu.memory_space<vmem>>) semaphore(%arg15 : memref<!tpu.dma_semaphore, #tpu.memory_space<semaphore_mem>>)
    %dma_wait3A_36 = arith.constant 0 : i32
    %dma_wait3A_37 = arith.constant 0 : i32
    %dma_wait3A_38 = arith.constant 0 : i32
    %dma_wait3A_39 = tpu.memref_slice %arg12[%dma_wait3A_37, %dma_wait3A_38] : memref<640x32xf32, #tpu.memory_space<vmem>> -> memref<128x32xf32, #tpu.memory_space<vmem>>
    %dma_wait3A_40 = arith.constant 0 : i32
    %dma_wait3A_41 = tpu.memref_slice %arg14[%dma_wait3A_36, %dma_wait3A_40] : memref<1x128xi32, #tpu.memory_space<vmem>> -> memref<1x128xi32, #tpu.memory_space<vmem>>
    %dma_wait3A_42 = tpu.memref_squeeze %dma_wait3A_41 : memref<1x128xi32, #tpu.memory_space<vmem>> -> memref<128xi32, #tpu.memory_space<vmem>>
    %dma_wait3A_43 = arith.constant 0 : i32
    %dma_wait3A_44 = arith.constant 0 : i32
    %dma_wait3A_45 = tpu.memref_slice %arg7[%dma_wait3A_43, %dma_wait3A_44] : memref<1000001x32xf32, #tpu.memory_space<hbm>> -> memref<1000001x32xf32, #tpu.memory_space<hbm>>
    tpu.wait_indirect_dma semaphore(%arg15 : memref<!tpu.dma_semaphore, #tpu.memory_space<semaphore_mem>>) src(%dma_wait3A_45 : memref<1000001x32xf32, #tpu.memory_space<hbm>>) dst(%dma_wait3A_39 : memref<128x32xf32, #tpu.memory_space<vmem>>)
    "tpu.region"() ({
      %run_scoped3A = tpu.sem_alloc : memref<!tpu.dma_semaphore, #tpu.memory_space<semaphore_mem>>
      %dma_start3A_46 = arith.constant 0 : i32
      %dma_start3A_47 = arith.constant 0 : i32
      %dma_start3A_48 = tpu.memref_slice %arg12[%dma_start3A_46, %dma_start3A_47] : memref<640x32xf32, #tpu.memory_space<vmem>> -> memref<128x32xf32, #tpu.memory_space<vmem>>
      %dma_start3A_49 = arith.constant 0 : i32
      %dma_start3A_50 = tpu.memref_slice %arg10[%mul3A_2, %dma_start3A_49] : memref<4096x32xf32, #tpu.memory_space<hbm>> -> memref<128x32xf32, #tpu.memory_space<hbm>>
      %dma_start3A_51 = arith.constant 0 : i32
      %dma_start3A_52 = tpu.memref_slice %arg10[%mul3A_2, %dma_start3A_51] : memref<4096x32xf32, #tpu.memory_space<hbm>> -> memref<128x32xf32, #tpu.memory_space<hbm>>
      %dma_start3A_53 = arith.constant 0 : i32
      %dma_start3A_54 = arith.constant 0 : i32
      %dma_start3A_55 = tpu.memref_slice %arg12[%dma_start3A_53, %dma_start3A_54] : memref<640x32xf32, #tpu.memory_space<vmem>> -> memref<128x32xf32, #tpu.memory_space<vmem>>
      tpu.enqueue_dma source(%dma_start3A_55 : memref<128x32xf32, #tpu.memory_space<vmem>>) target(%dma_start3A_52 : memref<128x32xf32, #tpu.memory_space<hbm>>) target_semaphore(%run_scoped3A : memref<!tpu.dma_semaphore, #tpu.memory_space<semaphore_mem>>)
      %dma_wait3A_56 = arith.constant 0 : i32
      %dma_wait3A_57 = arith.constant 0 : i32
      %dma_wait3A_58 = tpu.memref_slice %arg12[%dma_wait3A_56, %dma_wait3A_57] : memref<640x32xf32, #tpu.memory_space<vmem>> -> memref<128x32xf32, #tpu.memory_space<vmem>>
      %dma_wait3A_59 = arith.constant 0 : i32
      %dma_wait3A_60 = tpu.memref_slice %arg10[%mul3A_2, %dma_wait3A_59] : memref<4096x32xf32, #tpu.memory_space<hbm>> -> memref<128x32xf32, #tpu.memory_space<hbm>>
      %dma_wait3A_61 = arith.constant 0 : i32
      %dma_wait3A_62 = tpu.memref_slice %arg10[%mul3A_2, %dma_wait3A_61] : memref<4096x32xf32, #tpu.memory_space<hbm>> -> memref<128x32xf32, #tpu.memory_space<hbm>>
      %dma_wait3A_63 = arith.constant 0 : i32
      %dma_wait3A_64 = arith.constant 0 : i32
      %dma_wait3A_65 = tpu.memref_slice %arg12[%dma_wait3A_63, %dma_wait3A_64] : memref<640x32xf32, #tpu.memory_space<vmem>> -> memref<128x32xf32, #tpu.memory_space<vmem>>
      tpu.wait_dma2 semaphore(%run_scoped3A : memref<!tpu.dma_semaphore, #tpu.memory_space<semaphore_mem>>) src(%dma_wait3A_65 : memref<128x32xf32, #tpu.memory_space<vmem>>) dst(%dma_wait3A_62 : memref<128x32xf32, #tpu.memory_space<hbm>>)
      tpu.yield
    }) : () -> ()
    return
  }
}

#map = affine_map<(d0, d1) -> (0, 0, 0)>
#map1 = affine_map<(d0, d1) -> (0, 0)>
module attributes {stable_mosaic.version = 14 : i64} {
  func.func @body(%arg0: i32, %arg1: i32, %arg2: memref<32x50x128xi32, #tpu.memory_space<hbm>>, %arg3: memref<32x1x128xi32, #tpu.memory_space<hbm>>, %arg4: memref<32x1x128xi32, #tpu.memory_space<hbm>>, %arg5: memref<1000000x32xf32, #tpu.memory_space<hbm>>, %arg6: memref<1000001x32xf32, #tpu.memory_space<hbm>>, %arg7: memref<1000001x32xf32, #tpu.memory_space<hbm>>, %arg8: memref<204800x32xf32, #tpu.memory_space<hbm>>, %arg9: memref<4096x32xf32, #tpu.memory_space<hbm>>, %arg10: memref<4096x32xf32, #tpu.memory_space<hbm>>, %arg11: memref<50x128xi32, #tpu.memory_space<vmem>>, %arg12: memref<640x32xf32, #tpu.memory_space<vmem>>, %arg13: memref<1x128xi32, #tpu.memory_space<vmem>>, %arg14: memref<1x128xi32, #tpu.memory_space<vmem>>, %arg15: memref<!tpu.dma_semaphore, #tpu.memory_space<semaphore_mem>>) attributes {dimension_semantics = [#tpu.dimension_semantics<core_parallel>, #tpu.dimension_semantics<subcore_parallel>], iteration_bounds = array<i64: 2, 16>, scalar_prefetch = 0 : i64, scratch_operands = 5 : i64, tpu.core_type = #tpu.core_type<sc_vector_subcore>, window_params = [{transform_indices = #map}, {transform_indices = #map}, {transform_indices = #map}, {transform_indices = #map1}, {transform_indices = #map1}, {transform_indices = #map1}, {transform_indices = #map1}, {transform_indices = #map1}, {transform_indices = #map1}]} {
    %mul3A = arith.constant 2 : i32
    %mul3A_0 = arith.muli %arg1, %mul3A : i32
    %add3A = arith.addi %mul3A_0, %arg0 : i32
    "tpu.region"() ({
      %run_scoped3A = tpu.sem_alloc : memref<!tpu.dma_semaphore, #tpu.memory_space<semaphore_mem>>
      %dma_start3A_46 = arith.constant 0 : i32
      %dma_start3A_47 = arith.constant 0 : i32
      %dma_start3A_48 = tpu.memref_slice %arg2[%add3A, %dma_start3A_46, %dma_start3A_47] : memref<32x50x128xi32, #tpu.memory_space<hbm>> -> memref<1x50x128xi32, #tpu.memory_space<hbm>>
      %dma_start3A_49 = tpu.memref_squeeze %dma_start3A_48 : memref<1x50x128xi32, #tpu.memory_space<hbm>> -> memref<50x128xi32, #tpu.memory_space<hbm>>
      %dma_start3A_50 = arith.constant 0 : i32
      %dma_start3A_51 = arith.constant 0 : i32
      %dma_start3A_52 = tpu.memref_slice %arg2[%add3A, %dma_start3A_50, %dma_start3A_51] : memref<32x50x128xi32, #tpu.memory_space<hbm>> -> memref<1x50x128xi32, #tpu.memory_space<hbm>>
      %dma_start3A_53 = tpu.memref_squeeze %dma_start3A_52 : memref<1x50x128xi32, #tpu.memory_space<hbm>> -> memref<50x128xi32, #tpu.memory_space<hbm>>
      tpu.enqueue_dma source(%dma_start3A_53 : memref<50x128xi32, #tpu.memory_space<hbm>>) target(%arg11 : memref<50x128xi32, #tpu.memory_space<vmem>>) target_semaphore(%run_scoped3A : memref<!tpu.dma_semaphore, #tpu.memory_space<semaphore_mem>>)
      %dma_wait3A_54 = arith.constant 0 : i32
      %dma_wait3A_55 = arith.constant 0 : i32
      %dma_wait3A_56 = tpu.memref_slice %arg2[%add3A, %dma_wait3A_54, %dma_wait3A_55] : memref<32x50x128xi32, #tpu.memory_space<hbm>> -> memref<1x50x128xi32, #tpu.memory_space<hbm>>
      %dma_wait3A_57 = tpu.memref_squeeze %dma_wait3A_56 : memref<1x50x128xi32, #tpu.memory_space<hbm>> -> memref<50x128xi32, #tpu.memory_space<hbm>>
      %dma_wait3A_58 = arith.constant 0 : i32
      %dma_wait3A_59 = arith.constant 0 : i32
      %dma_wait3A_60 = tpu.memref_slice %arg2[%add3A, %dma_wait3A_58, %dma_wait3A_59] : memref<32x50x128xi32, #tpu.memory_space<hbm>> -> memref<1x50x128xi32, #tpu.memory_space<hbm>>
      %dma_wait3A_61 = tpu.memref_squeeze %dma_wait3A_60 : memref<1x50x128xi32, #tpu.memory_space<hbm>> -> memref<50x128xi32, #tpu.memory_space<hbm>>
      tpu.wait_dma2 semaphore(%run_scoped3A : memref<!tpu.dma_semaphore, #tpu.memory_space<semaphore_mem>>) src(%dma_wait3A_61 : memref<50x128xi32, #tpu.memory_space<hbm>>) dst(%arg11 : memref<50x128xi32, #tpu.memory_space<vmem>>)
      tpu.yield
    }) : () -> ()
    %mul3A_1 = arith.constant 128 : i32
    %mul3A_2 = arith.muli %add3A, %mul3A_1 : i32
    %scan3A = arith.constant 0 : i32
    %scan3A_3 = arith.constant 0 : i32
    %scan3A_4 = arith.constant 10 : i32
    %scan3A_5 = arith.addi %scan3A_3, %scan3A_4 : i32
    %scan3A_6 = arith.constant 1 : i32
    scf.for %scan3A_46 = %scan3A_3 to %scan3A_5 step %scan3A_6  : i32 {
      %mul3A_47 = arith.constant 5 : i32
      %mul3A_48 = arith.muli %scan3A_46, %mul3A_47 : i32
      %add3A_49 = arith.constant 0 : i32
      %add3A_50 = arith.addi %mul3A_48, %add3A_49 : i32
      %dma_start3A_51 = arith.constant 0 : i32
      %dma_start3A_52 = arith.constant 0 : i32
      %dma_start3A_53 = tpu.memref_slice %arg12[%dma_start3A_51, %dma_start3A_52] : memref<640x32xf32, #tpu.memory_space<vmem>> -> memref<128x32xf32, #tpu.memory_space<vmem>>
      %dma_start3A_54 = arith.constant 0 : i32
      %dma_start3A_55 = tpu.memref_slice %arg11[%add3A_50, %dma_start3A_54] : memref<50x128xi32, #tpu.memory_space<vmem>> -> memref<1x128xi32, #tpu.memory_space<vmem>>
      %dma_start3A_56 = tpu.memref_squeeze %dma_start3A_55 : memref<1x128xi32, #tpu.memory_space<vmem>> -> memref<128xi32, #tpu.memory_space<vmem>>
      %dma_start3A_57 = arith.constant 0 : i32
      %dma_start3A_58 = arith.constant 0 : i32
      %dma_start3A_59 = tpu.memref_slice %arg6[%dma_start3A_57, %dma_start3A_58] : memref<1000001x32xf32, #tpu.memory_space<hbm>> -> memref<1000001x32xf32, #tpu.memory_space<hbm>>
      tpu.enqueue_indirect_dma source(%dma_start3A_59 : memref<1000001x32xf32, #tpu.memory_space<hbm>>) target(%dma_start3A_53 : memref<128x32xf32, #tpu.memory_space<vmem>>) offsets(%dma_start3A_56 : memref<128xi32, #tpu.memory_space<vmem>>) semaphore(%arg15 : memref<!tpu.dma_semaphore, #tpu.memory_space<semaphore_mem>>)
      %mul3A_60 = arith.constant 5 : i32
      %mul3A_61 = arith.muli %scan3A_46, %mul3A_60 : i32
      %add3A_62 = arith.constant 1 : i32
      %add3A_63 = arith.addi %mul3A_61, %add3A_62 : i32
      %dma_start3A_64 = arith.constant 128 : i32
      %dma_start3A_65 = arith.constant 0 : i32
      %dma_start3A_66 = tpu.memref_slice %arg12[%dma_start3A_64, %dma_start3A_65] : memref<640x32xf32, #tpu.memory_space<vmem>> -> memref<128x32xf32, #tpu.memory_space<vmem>>
      %dma_start3A_67 = arith.constant 0 : i32
      %dma_start3A_68 = tpu.memref_slice %arg11[%add3A_63, %dma_start3A_67] : memref<50x128xi32, #tpu.memory_space<vmem>> -> memref<1x128xi32, #tpu.memory_space<vmem>>
      %dma_start3A_69 = tpu.memref_squeeze %dma_start3A_68 : memref<1x128xi32, #tpu.memory_space<vmem>> -> memref<128xi32, #tpu.memory_space<vmem>>
      %dma_start3A_70 = arith.constant 0 : i32
      %dma_start3A_71 = arith.constant 0 : i32
      %dma_start3A_72 = tpu.memref_slice %arg6[%dma_start3A_70, %dma_start3A_71] : memref<1000001x32xf32, #tpu.memory_space<hbm>> -> memref<1000001x32xf32, #tpu.memory_space<hbm>>
      tpu.enqueue_indirect_dma source(%dma_start3A_72 : memref<1000001x32xf32, #tpu.memory_space<hbm>>) target(%dma_start3A_66 : memref<128x32xf32, #tpu.memory_space<vmem>>) offsets(%dma_start3A_69 : memref<128xi32, #tpu.memory_space<vmem>>) semaphore(%arg15 : memref<!tpu.dma_semaphore, #tpu.memory_space<semaphore_mem>>)
      %mul3A_73 = arith.constant 5 : i32
      %mul3A_74 = arith.muli %scan3A_46, %mul3A_73 : i32
      %add3A_75 = arith.constant 2 : i32
      %add3A_76 = arith.addi %mul3A_74, %add3A_75 : i32
      %dma_start3A_77 = arith.constant 256 : i32
      %dma_start3A_78 = arith.constant 0 : i32
      %dma_start3A_79 = tpu.memref_slice %arg12[%dma_start3A_77, %dma_start3A_78] : memref<640x32xf32, #tpu.memory_space<vmem>> -> memref<128x32xf32, #tpu.memory_space<vmem>>
      %dma_start3A_80 = arith.constant 0 : i32
      %dma_start3A_81 = tpu.memref_slice %arg11[%add3A_76, %dma_start3A_80] : memref<50x128xi32, #tpu.memory_space<vmem>> -> memref<1x128xi32, #tpu.memory_space<vmem>>
      %dma_start3A_82 = tpu.memref_squeeze %dma_start3A_81 : memref<1x128xi32, #tpu.memory_space<vmem>> -> memref<128xi32, #tpu.memory_space<vmem>>
      %dma_start3A_83 = arith.constant 0 : i32
      %dma_start3A_84 = arith.constant 0 : i32
      %dma_start3A_85 = tpu.memref_slice %arg6[%dma_start3A_83, %dma_start3A_84] : memref<1000001x32xf32, #tpu.memory_space<hbm>> -> memref<1000001x32xf32, #tpu.memory_space<hbm>>
      tpu.enqueue_indirect_dma source(%dma_start3A_85 : memref<1000001x32xf32, #tpu.memory_space<hbm>>) target(%dma_start3A_79 : memref<128x32xf32, #tpu.memory_space<vmem>>) offsets(%dma_start3A_82 : memref<128xi32, #tpu.memory_space<vmem>>) semaphore(%arg15 : memref<!tpu.dma_semaphore, #tpu.memory_space<semaphore_mem>>)
      %mul3A_86 = arith.constant 5 : i32
      %mul3A_87 = arith.muli %scan3A_46, %mul3A_86 : i32
      %add3A_88 = arith.constant 3 : i32
      %add3A_89 = arith.addi %mul3A_87, %add3A_88 : i32
      %dma_start3A_90 = arith.constant 384 : i32
      %dma_start3A_91 = arith.constant 0 : i32
      %dma_start3A_92 = tpu.memref_slice %arg12[%dma_start3A_90, %dma_start3A_91] : memref<640x32xf32, #tpu.memory_space<vmem>> -> memref<128x32xf32, #tpu.memory_space<vmem>>
      %dma_start3A_93 = arith.constant 0 : i32
      %dma_start3A_94 = tpu.memref_slice %arg11[%add3A_89, %dma_start3A_93] : memref<50x128xi32, #tpu.memory_space<vmem>> -> memref<1x128xi32, #tpu.memory_space<vmem>>
      %dma_start3A_95 = tpu.memref_squeeze %dma_start3A_94 : memref<1x128xi32, #tpu.memory_space<vmem>> -> memref<128xi32, #tpu.memory_space<vmem>>
      %dma_start3A_96 = arith.constant 0 : i32
      %dma_start3A_97 = arith.constant 0 : i32
      %dma_start3A_98 = tpu.memref_slice %arg6[%dma_start3A_96, %dma_start3A_97] : memref<1000001x32xf32, #tpu.memory_space<hbm>> -> memref<1000001x32xf32, #tpu.memory_space<hbm>>
      tpu.enqueue_indirect_dma source(%dma_start3A_98 : memref<1000001x32xf32, #tpu.memory_space<hbm>>) target(%dma_start3A_92 : memref<128x32xf32, #tpu.memory_space<vmem>>) offsets(%dma_start3A_95 : memref<128xi32, #tpu.memory_space<vmem>>) semaphore(%arg15 : memref<!tpu.dma_semaphore, #tpu.memory_space<semaphore_mem>>)
      %mul3A_99 = arith.constant 5 : i32
      %mul3A_100 = arith.muli %scan3A_46, %mul3A_99 : i32
      %add3A_101 = arith.constant 4 : i32
      %add3A_102 = arith.addi %mul3A_100, %add3A_101 : i32
      %dma_start3A_103 = arith.constant 512 : i32
      %dma_start3A_104 = arith.constant 0 : i32
      %dma_start3A_105 = tpu.memref_slice %arg12[%dma_start3A_103, %dma_start3A_104] : memref<640x32xf32, #tpu.memory_space<vmem>> -> memref<128x32xf32, #tpu.memory_space<vmem>>
      %dma_start3A_106 = arith.constant 0 : i32
      %dma_start3A_107 = tpu.memref_slice %arg11[%add3A_102, %dma_start3A_106] : memref<50x128xi32, #tpu.memory_space<vmem>> -> memref<1x128xi32, #tpu.memory_space<vmem>>
      %dma_start3A_108 = tpu.memref_squeeze %dma_start3A_107 : memref<1x128xi32, #tpu.memory_space<vmem>> -> memref<128xi32, #tpu.memory_space<vmem>>
      %dma_start3A_109 = arith.constant 0 : i32
      %dma_start3A_110 = arith.constant 0 : i32
      %dma_start3A_111 = tpu.memref_slice %arg6[%dma_start3A_109, %dma_start3A_110] : memref<1000001x32xf32, #tpu.memory_space<hbm>> -> memref<1000001x32xf32, #tpu.memory_space<hbm>>
      tpu.enqueue_indirect_dma source(%dma_start3A_111 : memref<1000001x32xf32, #tpu.memory_space<hbm>>) target(%dma_start3A_105 : memref<128x32xf32, #tpu.memory_space<vmem>>) offsets(%dma_start3A_108 : memref<128xi32, #tpu.memory_space<vmem>>) semaphore(%arg15 : memref<!tpu.dma_semaphore, #tpu.memory_space<semaphore_mem>>)
      %dma_wait3A_112 = arith.constant 0 : i32
      %dma_wait3A_113 = arith.constant 0 : i32
      %dma_wait3A_114 = tpu.memref_slice %arg12[%dma_wait3A_112, %dma_wait3A_113] : memref<640x32xf32, #tpu.memory_space<vmem>> -> memref<128x32xf32, #tpu.memory_space<vmem>>
      %dma_wait3A_115 = arith.constant 0 : i32
      %dma_wait3A_116 = tpu.memref_slice %arg11[%add3A_50, %dma_wait3A_115] : memref<50x128xi32, #tpu.memory_space<vmem>> -> memref<1x128xi32, #tpu.memory_space<vmem>>
      %dma_wait3A_117 = tpu.memref_squeeze %dma_wait3A_116 : memref<1x128xi32, #tpu.memory_space<vmem>> -> memref<128xi32, #tpu.memory_space<vmem>>
      %dma_wait3A_118 = arith.constant 0 : i32
      %dma_wait3A_119 = arith.constant 0 : i32
      %dma_wait3A_120 = tpu.memref_slice %arg6[%dma_wait3A_118, %dma_wait3A_119] : memref<1000001x32xf32, #tpu.memory_space<hbm>> -> memref<1000001x32xf32, #tpu.memory_space<hbm>>
      tpu.wait_indirect_dma semaphore(%arg15 : memref<!tpu.dma_semaphore, #tpu.memory_space<semaphore_mem>>) src(%dma_wait3A_120 : memref<1000001x32xf32, #tpu.memory_space<hbm>>) dst(%dma_wait3A_114 : memref<128x32xf32, #tpu.memory_space<vmem>>)
      %dma_wait3A_121 = arith.constant 128 : i32
      %dma_wait3A_122 = arith.constant 0 : i32
      %dma_wait3A_123 = tpu.memref_slice %arg12[%dma_wait3A_121, %dma_wait3A_122] : memref<640x32xf32, #tpu.memory_space<vmem>> -> memref<128x32xf32, #tpu.memory_space<vmem>>
      %dma_wait3A_124 = arith.constant 0 : i32
      %dma_wait3A_125 = tpu.memref_slice %arg11[%add3A_63, %dma_wait3A_124] : memref<50x128xi32, #tpu.memory_space<vmem>> -> memref<1x128xi32, #tpu.memory_space<vmem>>
      %dma_wait3A_126 = tpu.memref_squeeze %dma_wait3A_125 : memref<1x128xi32, #tpu.memory_space<vmem>> -> memref<128xi32, #tpu.memory_space<vmem>>
      %dma_wait3A_127 = arith.constant 0 : i32
      %dma_wait3A_128 = arith.constant 0 : i32
      %dma_wait3A_129 = tpu.memref_slice %arg6[%dma_wait3A_127, %dma_wait3A_128] : memref<1000001x32xf32, #tpu.memory_space<hbm>> -> memref<1000001x32xf32, #tpu.memory_space<hbm>>
      tpu.wait_indirect_dma semaphore(%arg15 : memref<!tpu.dma_semaphore, #tpu.memory_space<semaphore_mem>>) src(%dma_wait3A_129 : memref<1000001x32xf32, #tpu.memory_space<hbm>>) dst(%dma_wait3A_123 : memref<128x32xf32, #tpu.memory_space<vmem>>)
      %dma_wait3A_130 = arith.constant 256 : i32
      %dma_wait3A_131 = arith.constant 0 : i32
      %dma_wait3A_132 = tpu.memref_slice %arg12[%dma_wait3A_130, %dma_wait3A_131] : memref<640x32xf32, #tpu.memory_space<vmem>> -> memref<128x32xf32, #tpu.memory_space<vmem>>
      %dma_wait3A_133 = arith.constant 0 : i32
      %dma_wait3A_134 = tpu.memref_slice %arg11[%add3A_76, %dma_wait3A_133] : memref<50x128xi32, #tpu.memory_space<vmem>> -> memref<1x128xi32, #tpu.memory_space<vmem>>
      %dma_wait3A_135 = tpu.memref_squeeze %dma_wait3A_134 : memref<1x128xi32, #tpu.memory_space<vmem>> -> memref<128xi32, #tpu.memory_space<vmem>>
      %dma_wait3A_136 = arith.constant 0 : i32
      %dma_wait3A_137 = arith.constant 0 : i32
      %dma_wait3A_138 = tpu.memref_slice %arg6[%dma_wait3A_136, %dma_wait3A_137] : memref<1000001x32xf32, #tpu.memory_space<hbm>> -> memref<1000001x32xf32, #tpu.memory_space<hbm>>
      tpu.wait_indirect_dma semaphore(%arg15 : memref<!tpu.dma_semaphore, #tpu.memory_space<semaphore_mem>>) src(%dma_wait3A_138 : memref<1000001x32xf32, #tpu.memory_space<hbm>>) dst(%dma_wait3A_132 : memref<128x32xf32, #tpu.memory_space<vmem>>)
      %dma_wait3A_139 = arith.constant 384 : i32
      %dma_wait3A_140 = arith.constant 0 : i32
      %dma_wait3A_141 = tpu.memref_slice %arg12[%dma_wait3A_139, %dma_wait3A_140] : memref<640x32xf32, #tpu.memory_space<vmem>> -> memref<128x32xf32, #tpu.memory_space<vmem>>
      %dma_wait3A_142 = arith.constant 0 : i32
      %dma_wait3A_143 = tpu.memref_slice %arg11[%add3A_89, %dma_wait3A_142] : memref<50x128xi32, #tpu.memory_space<vmem>> -> memref<1x128xi32, #tpu.memory_space<vmem>>
      %dma_wait3A_144 = tpu.memref_squeeze %dma_wait3A_143 : memref<1x128xi32, #tpu.memory_space<vmem>> -> memref<128xi32, #tpu.memory_space<vmem>>
      %dma_wait3A_145 = arith.constant 0 : i32
      %dma_wait3A_146 = arith.constant 0 : i32
      %dma_wait3A_147 = tpu.memref_slice %arg6[%dma_wait3A_145, %dma_wait3A_146] : memref<1000001x32xf32, #tpu.memory_space<hbm>> -> memref<1000001x32xf32, #tpu.memory_space<hbm>>
      tpu.wait_indirect_dma semaphore(%arg15 : memref<!tpu.dma_semaphore, #tpu.memory_space<semaphore_mem>>) src(%dma_wait3A_147 : memref<1000001x32xf32, #tpu.memory_space<hbm>>) dst(%dma_wait3A_141 : memref<128x32xf32, #tpu.memory_space<vmem>>)
      %dma_wait3A_148 = arith.constant 512 : i32
      %dma_wait3A_149 = arith.constant 0 : i32
      %dma_wait3A_150 = tpu.memref_slice %arg12[%dma_wait3A_148, %dma_wait3A_149] : memref<640x32xf32, #tpu.memory_space<vmem>> -> memref<128x32xf32, #tpu.memory_space<vmem>>
      %dma_wait3A_151 = arith.constant 0 : i32
      %dma_wait3A_152 = tpu.memref_slice %arg11[%add3A_102, %dma_wait3A_151] : memref<50x128xi32, #tpu.memory_space<vmem>> -> memref<1x128xi32, #tpu.memory_space<vmem>>
      %dma_wait3A_153 = tpu.memref_squeeze %dma_wait3A_152 : memref<1x128xi32, #tpu.memory_space<vmem>> -> memref<128xi32, #tpu.memory_space<vmem>>
      %dma_wait3A_154 = arith.constant 0 : i32
      %dma_wait3A_155 = arith.constant 0 : i32
      %dma_wait3A_156 = tpu.memref_slice %arg6[%dma_wait3A_154, %dma_wait3A_155] : memref<1000001x32xf32, #tpu.memory_space<hbm>> -> memref<1000001x32xf32, #tpu.memory_space<hbm>>
      tpu.wait_indirect_dma semaphore(%arg15 : memref<!tpu.dma_semaphore, #tpu.memory_space<semaphore_mem>>) src(%dma_wait3A_156 : memref<1000001x32xf32, #tpu.memory_space<hbm>>) dst(%dma_wait3A_150 : memref<128x32xf32, #tpu.memory_space<vmem>>)
      %mul3A_157 = arith.constant 5 : i32
      %mul3A_158 = arith.muli %scan3A_46, %mul3A_157 : i32
      %add3A_159 = arith.constant 0 : i32
      %add3A_160 = arith.addi %mul3A_158, %add3A_159 : i32
      %mul3A_161 = arith.constant 4096 : i32
      %mul3A_162 = arith.muli %add3A_160, %mul3A_161 : i32
      %add3A_163 = arith.addi %mul3A_162, %mul3A_2 : i32
      "tpu.region"() ({
        %run_scoped3A = tpu.sem_alloc : memref<!tpu.dma_semaphore, #tpu.memory_space<semaphore_mem>>
        %dma_start3A_192 = arith.constant 0 : i32
        %dma_start3A_193 = arith.constant 0 : i32
        %dma_start3A_194 = tpu.memref_slice %arg12[%dma_start3A_192, %dma_start3A_193] : memref<640x32xf32, #tpu.memory_space<vmem>> -> memref<128x32xf32, #tpu.memory_space<vmem>>
        %dma_start3A_195 = arith.constant 0 : i32
        %dma_start3A_196 = tpu.memref_slice %arg8[%add3A_163, %dma_start3A_195] : memref<204800x32xf32, #tpu.memory_space<hbm>> -> memref<128x32xf32, #tpu.memory_space<hbm>>
        %dma_start3A_197 = arith.constant 0 : i32
        %dma_start3A_198 = tpu.memref_slice %arg8[%add3A_163, %dma_start3A_197] : memref<204800x32xf32, #tpu.memory_space<hbm>> -> memref<128x32xf32, #tpu.memory_space<hbm>>
        %dma_start3A_199 = arith.constant 0 : i32
        %dma_start3A_200 = arith.constant 0 : i32
        %dma_start3A_201 = tpu.memref_slice %arg12[%dma_start3A_199, %dma_start3A_200] : memref<640x32xf32, #tpu.memory_space<vmem>> -> memref<128x32xf32, #tpu.memory_space<vmem>>
        tpu.enqueue_dma source(%dma_start3A_201 : memref<128x32xf32, #tpu.memory_space<vmem>>) target(%dma_start3A_198 : memref<128x32xf32, #tpu.memory_space<hbm>>) target_semaphore(%run_scoped3A : memref<!tpu.dma_semaphore, #tpu.memory_space<semaphore_mem>>)
        %dma_wait3A_202 = arith.constant 0 : i32
        %dma_wait3A_203 = arith.constant 0 : i32
        %dma_wait3A_204 = tpu.memref_slice %arg12[%dma_wait3A_202, %dma_wait3A_203] : memref<640x32xf32, #tpu.memory_space<vmem>> -> memref<128x32xf32, #tpu.memory_space<vmem>>
        %dma_wait3A_205 = arith.constant 0 : i32
        %dma_wait3A_206 = tpu.memref_slice %arg8[%add3A_163, %dma_wait3A_205] : memref<204800x32xf32, #tpu.memory_space<hbm>> -> memref<128x32xf32, #tpu.memory_space<hbm>>
        %dma_wait3A_207 = arith.constant 0 : i32
        %dma_wait3A_208 = tpu.memref_slice %arg8[%add3A_163, %dma_wait3A_207] : memref<204800x32xf32, #tpu.memory_space<hbm>> -> memref<128x32xf32, #tpu.memory_space<hbm>>
        %dma_wait3A_209 = arith.constant 0 : i32
        %dma_wait3A_210 = arith.constant 0 : i32
        %dma_wait3A_211 = tpu.memref_slice %arg12[%dma_wait3A_209, %dma_wait3A_210] : memref<640x32xf32, #tpu.memory_space<vmem>> -> memref<128x32xf32, #tpu.memory_space<vmem>>
        tpu.wait_dma2 semaphore(%run_scoped3A : memref<!tpu.dma_semaphore, #tpu.memory_space<semaphore_mem>>) src(%dma_wait3A_211 : memref<128x32xf32, #tpu.memory_space<vmem>>) dst(%dma_wait3A_208 : memref<128x32xf32, #tpu.memory_space<hbm>>)
        tpu.yield
      }) : () -> ()
      %mul3A_164 = arith.constant 5 : i32
      %mul3A_165 = arith.muli %scan3A_46, %mul3A_164 : i32
      %add3A_166 = arith.constant 1 : i32
      %add3A_167 = arith.addi %mul3A_165, %add3A_166 : i32
      %mul3A_168 = arith.constant 4096 : i32
      %mul3A_169 = arith.muli %add3A_167, %mul3A_168 : i32
      %add3A_170 = arith.addi %mul3A_169, %mul3A_2 : i32
      "tpu.region"() ({
        %run_scoped3A = tpu.sem_alloc : memref<!tpu.dma_semaphore, #tpu.memory_space<semaphore_mem>>
        %dma_start3A_192 = arith.constant 128 : i32
        %dma_start3A_193 = arith.constant 0 : i32
        %dma_start3A_194 = tpu.memref_slice %arg12[%dma_start3A_192, %dma_start3A_193] : memref<640x32xf32, #tpu.memory_space<vmem>> -> memref<128x32xf32, #tpu.memory_space<vmem>>
        %dma_start3A_195 = arith.constant 0 : i32
        %dma_start3A_196 = tpu.memref_slice %arg8[%add3A_170, %dma_start3A_195] : memref<204800x32xf32, #tpu.memory_space<hbm>> -> memref<128x32xf32, #tpu.memory_space<hbm>>
        %dma_start3A_197 = arith.constant 0 : i32
        %dma_start3A_198 = tpu.memref_slice %arg8[%add3A_170, %dma_start3A_197] : memref<204800x32xf32, #tpu.memory_space<hbm>> -> memref<128x32xf32, #tpu.memory_space<hbm>>
        %dma_start3A_199 = arith.constant 128 : i32
        %dma_start3A_200 = arith.constant 0 : i32
        %dma_start3A_201 = tpu.memref_slice %arg12[%dma_start3A_199, %dma_start3A_200] : memref<640x32xf32, #tpu.memory_space<vmem>> -> memref<128x32xf32, #tpu.memory_space<vmem>>
        tpu.enqueue_dma source(%dma_start3A_201 : memref<128x32xf32, #tpu.memory_space<vmem>>) target(%dma_start3A_198 : memref<128x32xf32, #tpu.memory_space<hbm>>) target_semaphore(%run_scoped3A : memref<!tpu.dma_semaphore, #tpu.memory_space<semaphore_mem>>)
        %dma_wait3A_202 = arith.constant 128 : i32
        %dma_wait3A_203 = arith.constant 0 : i32
        %dma_wait3A_204 = tpu.memref_slice %arg12[%dma_wait3A_202, %dma_wait3A_203] : memref<640x32xf32, #tpu.memory_space<vmem>> -> memref<128x32xf32, #tpu.memory_space<vmem>>
        %dma_wait3A_205 = arith.constant 0 : i32
        %dma_wait3A_206 = tpu.memref_slice %arg8[%add3A_170, %dma_wait3A_205] : memref<204800x32xf32, #tpu.memory_space<hbm>> -> memref<128x32xf32, #tpu.memory_space<hbm>>
        %dma_wait3A_207 = arith.constant 0 : i32
        %dma_wait3A_208 = tpu.memref_slice %arg8[%add3A_170, %dma_wait3A_207] : memref<204800x32xf32, #tpu.memory_space<hbm>> -> memref<128x32xf32, #tpu.memory_space<hbm>>
        %dma_wait3A_209 = arith.constant 128 : i32
        %dma_wait3A_210 = arith.constant 0 : i32
        %dma_wait3A_211 = tpu.memref_slice %arg12[%dma_wait3A_209, %dma_wait3A_210] : memref<640x32xf32, #tpu.memory_space<vmem>> -> memref<128x32xf32, #tpu.memory_space<vmem>>
        tpu.wait_dma2 semaphore(%run_scoped3A : memref<!tpu.dma_semaphore, #tpu.memory_space<semaphore_mem>>) src(%dma_wait3A_211 : memref<128x32xf32, #tpu.memory_space<vmem>>) dst(%dma_wait3A_208 : memref<128x32xf32, #tpu.memory_space<hbm>>)
        tpu.yield
      }) : () -> ()
      %mul3A_171 = arith.constant 5 : i32
      %mul3A_172 = arith.muli %scan3A_46, %mul3A_171 : i32
      %add3A_173 = arith.constant 2 : i32
      %add3A_174 = arith.addi %mul3A_172, %add3A_173 : i32
      %mul3A_175 = arith.constant 4096 : i32
      %mul3A_176 = arith.muli %add3A_174, %mul3A_175 : i32
      %add3A_177 = arith.addi %mul3A_176, %mul3A_2 : i32
      "tpu.region"() ({
        %run_scoped3A = tpu.sem_alloc : memref<!tpu.dma_semaphore, #tpu.memory_space<semaphore_mem>>
        %dma_start3A_192 = arith.constant 256 : i32
        %dma_start3A_193 = arith.constant 0 : i32
        %dma_start3A_194 = tpu.memref_slice %arg12[%dma_start3A_192, %dma_start3A_193] : memref<640x32xf32, #tpu.memory_space<vmem>> -> memref<128x32xf32, #tpu.memory_space<vmem>>
        %dma_start3A_195 = arith.constant 0 : i32
        %dma_start3A_196 = tpu.memref_slice %arg8[%add3A_177, %dma_start3A_195] : memref<204800x32xf32, #tpu.memory_space<hbm>> -> memref<128x32xf32, #tpu.memory_space<hbm>>
        %dma_start3A_197 = arith.constant 0 : i32
        %dma_start3A_198 = tpu.memref_slice %arg8[%add3A_177, %dma_start3A_197] : memref<204800x32xf32, #tpu.memory_space<hbm>> -> memref<128x32xf32, #tpu.memory_space<hbm>>
        %dma_start3A_199 = arith.constant 256 : i32
        %dma_start3A_200 = arith.constant 0 : i32
        %dma_start3A_201 = tpu.memref_slice %arg12[%dma_start3A_199, %dma_start3A_200] : memref<640x32xf32, #tpu.memory_space<vmem>> -> memref<128x32xf32, #tpu.memory_space<vmem>>
        tpu.enqueue_dma source(%dma_start3A_201 : memref<128x32xf32, #tpu.memory_space<vmem>>) target(%dma_start3A_198 : memref<128x32xf32, #tpu.memory_space<hbm>>) target_semaphore(%run_scoped3A : memref<!tpu.dma_semaphore, #tpu.memory_space<semaphore_mem>>)
        %dma_wait3A_202 = arith.constant 256 : i32
        %dma_wait3A_203 = arith.constant 0 : i32
        %dma_wait3A_204 = tpu.memref_slice %arg12[%dma_wait3A_202, %dma_wait3A_203] : memref<640x32xf32, #tpu.memory_space<vmem>> -> memref<128x32xf32, #tpu.memory_space<vmem>>
        %dma_wait3A_205 = arith.constant 0 : i32
        %dma_wait3A_206 = tpu.memref_slice %arg8[%add3A_177, %dma_wait3A_205] : memref<204800x32xf32, #tpu.memory_space<hbm>> -> memref<128x32xf32, #tpu.memory_space<hbm>>
        %dma_wait3A_207 = arith.constant 0 : i32
        %dma_wait3A_208 = tpu.memref_slice %arg8[%add3A_177, %dma_wait3A_207] : memref<204800x32xf32, #tpu.memory_space<hbm>> -> memref<128x32xf32, #tpu.memory_space<hbm>>
        %dma_wait3A_209 = arith.constant 256 : i32
        %dma_wait3A_210 = arith.constant 0 : i32
        %dma_wait3A_211 = tpu.memref_slice %arg12[%dma_wait3A_209, %dma_wait3A_210] : memref<640x32xf32, #tpu.memory_space<vmem>> -> memref<128x32xf32, #tpu.memory_space<vmem>>
        tpu.wait_dma2 semaphore(%run_scoped3A : memref<!tpu.dma_semaphore, #tpu.memory_space<semaphore_mem>>) src(%dma_wait3A_211 : memref<128x32xf32, #tpu.memory_space<vmem>>) dst(%dma_wait3A_208 : memref<128x32xf32, #tpu.memory_space<hbm>>)
        tpu.yield
      }) : () -> ()
      %mul3A_178 = arith.constant 5 : i32
      %mul3A_179 = arith.muli %scan3A_46, %mul3A_178 : i32
      %add3A_180 = arith.constant 3 : i32
      %add3A_181 = arith.addi %mul3A_179, %add3A_180 : i32
      %mul3A_182 = arith.constant 4096 : i32
      %mul3A_183 = arith.muli %add3A_181, %mul3A_182 : i32
      %add3A_184 = arith.addi %mul3A_183, %mul3A_2 : i32
      "tpu.region"() ({
        %run_scoped3A = tpu.sem_alloc : memref<!tpu.dma_semaphore, #tpu.memory_space<semaphore_mem>>
        %dma_start3A_192 = arith.constant 384 : i32
        %dma_start3A_193 = arith.constant 0 : i32
        %dma_start3A_194 = tpu.memref_slice %arg12[%dma_start3A_192, %dma_start3A_193] : memref<640x32xf32, #tpu.memory_space<vmem>> -> memref<128x32xf32, #tpu.memory_space<vmem>>
        %dma_start3A_195 = arith.constant 0 : i32
        %dma_start3A_196 = tpu.memref_slice %arg8[%add3A_184, %dma_start3A_195] : memref<204800x32xf32, #tpu.memory_space<hbm>> -> memref<128x32xf32, #tpu.memory_space<hbm>>
        %dma_start3A_197 = arith.constant 0 : i32
        %dma_start3A_198 = tpu.memref_slice %arg8[%add3A_184, %dma_start3A_197] : memref<204800x32xf32, #tpu.memory_space<hbm>> -> memref<128x32xf32, #tpu.memory_space<hbm>>
        %dma_start3A_199 = arith.constant 384 : i32
        %dma_start3A_200 = arith.constant 0 : i32
        %dma_start3A_201 = tpu.memref_slice %arg12[%dma_start3A_199, %dma_start3A_200] : memref<640x32xf32, #tpu.memory_space<vmem>> -> memref<128x32xf32, #tpu.memory_space<vmem>>
        tpu.enqueue_dma source(%dma_start3A_201 : memref<128x32xf32, #tpu.memory_space<vmem>>) target(%dma_start3A_198 : memref<128x32xf32, #tpu.memory_space<hbm>>) target_semaphore(%run_scoped3A : memref<!tpu.dma_semaphore, #tpu.memory_space<semaphore_mem>>)
        %dma_wait3A_202 = arith.constant 384 : i32
        %dma_wait3A_203 = arith.constant 0 : i32
        %dma_wait3A_204 = tpu.memref_slice %arg12[%dma_wait3A_202, %dma_wait3A_203] : memref<640x32xf32, #tpu.memory_space<vmem>> -> memref<128x32xf32, #tpu.memory_space<vmem>>
        %dma_wait3A_205 = arith.constant 0 : i32
        %dma_wait3A_206 = tpu.memref_slice %arg8[%add3A_184, %dma_wait3A_205] : memref<204800x32xf32, #tpu.memory_space<hbm>> -> memref<128x32xf32, #tpu.memory_space<hbm>>
        %dma_wait3A_207 = arith.constant 0 : i32
        %dma_wait3A_208 = tpu.memref_slice %arg8[%add3A_184, %dma_wait3A_207] : memref<204800x32xf32, #tpu.memory_space<hbm>> -> memref<128x32xf32, #tpu.memory_space<hbm>>
        %dma_wait3A_209 = arith.constant 384 : i32
        %dma_wait3A_210 = arith.constant 0 : i32
        %dma_wait3A_211 = tpu.memref_slice %arg12[%dma_wait3A_209, %dma_wait3A_210] : memref<640x32xf32, #tpu.memory_space<vmem>> -> memref<128x32xf32, #tpu.memory_space<vmem>>
        tpu.wait_dma2 semaphore(%run_scoped3A : memref<!tpu.dma_semaphore, #tpu.memory_space<semaphore_mem>>) src(%dma_wait3A_211 : memref<128x32xf32, #tpu.memory_space<vmem>>) dst(%dma_wait3A_208 : memref<128x32xf32, #tpu.memory_space<hbm>>)
        tpu.yield
      }) : () -> ()
      %mul3A_185 = arith.constant 5 : i32
      %mul3A_186 = arith.muli %scan3A_46, %mul3A_185 : i32
      %add3A_187 = arith.constant 4 : i32
      %add3A_188 = arith.addi %mul3A_186, %add3A_187 : i32
      %mul3A_189 = arith.constant 4096 : i32
      %mul3A_190 = arith.muli %add3A_188, %mul3A_189 : i32
      %add3A_191 = arith.addi %mul3A_190, %mul3A_2 : i32
      "tpu.region"() ({
        %run_scoped3A = tpu.sem_alloc : memref<!tpu.dma_semaphore, #tpu.memory_space<semaphore_mem>>
        %dma_start3A_192 = arith.constant 512 : i32
        %dma_start3A_193 = arith.constant 0 : i32
        %dma_start3A_194 = tpu.memref_slice %arg12[%dma_start3A_192, %dma_start3A_193] : memref<640x32xf32, #tpu.memory_space<vmem>> -> memref<128x32xf32, #tpu.memory_space<vmem>>
        %dma_start3A_195 = arith.constant 0 : i32
        %dma_start3A_196 = tpu.memref_slice %arg8[%add3A_191, %dma_start3A_195] : memref<204800x32xf32, #tpu.memory_space<hbm>> -> memref<128x32xf32, #tpu.memory_space<hbm>>
        %dma_start3A_197 = arith.constant 0 : i32
        %dma_start3A_198 = tpu.memref_slice %arg8[%add3A_191, %dma_start3A_197] : memref<204800x32xf32, #tpu.memory_space<hbm>> -> memref<128x32xf32, #tpu.memory_space<hbm>>
        %dma_start3A_199 = arith.constant 512 : i32
        %dma_start3A_200 = arith.constant 0 : i32
        %dma_start3A_201 = tpu.memref_slice %arg12[%dma_start3A_199, %dma_start3A_200] : memref<640x32xf32, #tpu.memory_space<vmem>> -> memref<128x32xf32, #tpu.memory_space<vmem>>
        tpu.enqueue_dma source(%dma_start3A_201 : memref<128x32xf32, #tpu.memory_space<vmem>>) target(%dma_start3A_198 : memref<128x32xf32, #tpu.memory_space<hbm>>) target_semaphore(%run_scoped3A : memref<!tpu.dma_semaphore, #tpu.memory_space<semaphore_mem>>)
        %dma_wait3A_202 = arith.constant 512 : i32
        %dma_wait3A_203 = arith.constant 0 : i32
        %dma_wait3A_204 = tpu.memref_slice %arg12[%dma_wait3A_202, %dma_wait3A_203] : memref<640x32xf32, #tpu.memory_space<vmem>> -> memref<128x32xf32, #tpu.memory_space<vmem>>
        %dma_wait3A_205 = arith.constant 0 : i32
        %dma_wait3A_206 = tpu.memref_slice %arg8[%add3A_191, %dma_wait3A_205] : memref<204800x32xf32, #tpu.memory_space<hbm>> -> memref<128x32xf32, #tpu.memory_space<hbm>>
        %dma_wait3A_207 = arith.constant 0 : i32
        %dma_wait3A_208 = tpu.memref_slice %arg8[%add3A_191, %dma_wait3A_207] : memref<204800x32xf32, #tpu.memory_space<hbm>> -> memref<128x32xf32, #tpu.memory_space<hbm>>
        %dma_wait3A_209 = arith.constant 512 : i32
        %dma_wait3A_210 = arith.constant 0 : i32
        %dma_wait3A_211 = tpu.memref_slice %arg12[%dma_wait3A_209, %dma_wait3A_210] : memref<640x32xf32, #tpu.memory_space<vmem>> -> memref<128x32xf32, #tpu.memory_space<vmem>>
        tpu.wait_dma2 semaphore(%run_scoped3A : memref<!tpu.dma_semaphore, #tpu.memory_space<semaphore_mem>>) src(%dma_wait3A_211 : memref<128x32xf32, #tpu.memory_space<vmem>>) dst(%dma_wait3A_208 : memref<128x32xf32, #tpu.memory_space<hbm>>)
        tpu.yield
      }) : () -> ()
    }
    %scan3A_7 = arith.constant 10 : i32
    "tpu.region"() ({
      %run_scoped3A = tpu.sem_alloc : memref<!tpu.dma_semaphore, #tpu.memory_space<semaphore_mem>>
      %dma_start3A_46 = arith.constant 0 : i32
      %dma_start3A_47 = arith.constant 0 : i32
      %dma_start3A_48 = tpu.memref_slice %arg3[%add3A, %dma_start3A_46, %dma_start3A_47] : memref<32x1x128xi32, #tpu.memory_space<hbm>> -> memref<1x1x128xi32, #tpu.memory_space<hbm>>
      %dma_start3A_49 = tpu.memref_squeeze %dma_start3A_48 : memref<1x1x128xi32, #tpu.memory_space<hbm>> -> memref<1x128xi32, #tpu.memory_space<hbm>>
      %dma_start3A_50 = arith.constant 0 : i32
      %dma_start3A_51 = arith.constant 0 : i32
      %dma_start3A_52 = tpu.memref_slice %arg3[%add3A, %dma_start3A_50, %dma_start3A_51] : memref<32x1x128xi32, #tpu.memory_space<hbm>> -> memref<1x1x128xi32, #tpu.memory_space<hbm>>
      %dma_start3A_53 = tpu.memref_squeeze %dma_start3A_52 : memref<1x1x128xi32, #tpu.memory_space<hbm>> -> memref<1x128xi32, #tpu.memory_space<hbm>>
      tpu.enqueue_dma source(%dma_start3A_53 : memref<1x128xi32, #tpu.memory_space<hbm>>) target(%arg13 : memref<1x128xi32, #tpu.memory_space<vmem>>) target_semaphore(%run_scoped3A : memref<!tpu.dma_semaphore, #tpu.memory_space<semaphore_mem>>)
      %dma_wait3A_54 = arith.constant 0 : i32
      %dma_wait3A_55 = arith.constant 0 : i32
      %dma_wait3A_56 = tpu.memref_slice %arg3[%add3A, %dma_wait3A_54, %dma_wait3A_55] : memref<32x1x128xi32, #tpu.memory_space<hbm>> -> memref<1x1x128xi32, #tpu.memory_space<hbm>>
      %dma_wait3A_57 = tpu.memref_squeeze %dma_wait3A_56 : memref<1x1x128xi32, #tpu.memory_space<hbm>> -> memref<1x128xi32, #tpu.memory_space<hbm>>
      %dma_wait3A_58 = arith.constant 0 : i32
      %dma_wait3A_59 = arith.constant 0 : i32
      %dma_wait3A_60 = tpu.memref_slice %arg3[%add3A, %dma_wait3A_58, %dma_wait3A_59] : memref<32x1x128xi32, #tpu.memory_space<hbm>> -> memref<1x1x128xi32, #tpu.memory_space<hbm>>
      %dma_wait3A_61 = tpu.memref_squeeze %dma_wait3A_60 : memref<1x1x128xi32, #tpu.memory_space<hbm>> -> memref<1x128xi32, #tpu.memory_space<hbm>>
      tpu.wait_dma2 semaphore(%run_scoped3A : memref<!tpu.dma_semaphore, #tpu.memory_space<semaphore_mem>>) src(%dma_wait3A_61 : memref<1x128xi32, #tpu.memory_space<hbm>>) dst(%arg13 : memref<1x128xi32, #tpu.memory_space<vmem>>)
      tpu.yield
    }) : () -> ()
    %dma_start3A = arith.constant 0 : i32
    %dma_start3A_8 = arith.constant 0 : i32
    %dma_start3A_9 = arith.constant 0 : i32
    %dma_start3A_10 = tpu.memref_slice %arg12[%dma_start3A_8, %dma_start3A_9] : memref<640x32xf32, #tpu.memory_space<vmem>> -> memref<128x32xf32, #tpu.memory_space<vmem>>
    %dma_start3A_11 = arith.constant 0 : i32
    %dma_start3A_12 = tpu.memref_slice %arg13[%dma_start3A, %dma_start3A_11] : memref<1x128xi32, #tpu.memory_space<vmem>> -> memref<1x128xi32, #tpu.memory_space<vmem>>
    %dma_start3A_13 = tpu.memref_squeeze %dma_start3A_12 : memref<1x128xi32, #tpu.memory_space<vmem>> -> memref<128xi32, #tpu.memory_space<vmem>>
    %dma_start3A_14 = arith.constant 0 : i32
    %dma_start3A_15 = arith.constant 0 : i32
    %dma_start3A_16 = tpu.memref_slice %arg5[%dma_start3A_14, %dma_start3A_15] : memref<1000000x32xf32, #tpu.memory_space<hbm>> -> memref<1000000x32xf32, #tpu.memory_space<hbm>>
    tpu.enqueue_indirect_dma source(%dma_start3A_16 : memref<1000000x32xf32, #tpu.memory_space<hbm>>) target(%dma_start3A_10 : memref<128x32xf32, #tpu.memory_space<vmem>>) offsets(%dma_start3A_13 : memref<128xi32, #tpu.memory_space<vmem>>) semaphore(%arg15 : memref<!tpu.dma_semaphore, #tpu.memory_space<semaphore_mem>>)
    %dma_wait3A = arith.constant 0 : i32
    %dma_wait3A_17 = arith.constant 0 : i32
    %dma_wait3A_18 = arith.constant 0 : i32
    %dma_wait3A_19 = tpu.memref_slice %arg12[%dma_wait3A_17, %dma_wait3A_18] : memref<640x32xf32, #tpu.memory_space<vmem>> -> memref<128x32xf32, #tpu.memory_space<vmem>>
    %dma_wait3A_20 = arith.constant 0 : i32
    %dma_wait3A_21 = tpu.memref_slice %arg13[%dma_wait3A, %dma_wait3A_20] : memref<1x128xi32, #tpu.memory_space<vmem>> -> memref<1x128xi32, #tpu.memory_space<vmem>>
    %dma_wait3A_22 = tpu.memref_squeeze %dma_wait3A_21 : memref<1x128xi32, #tpu.memory_space<vmem>> -> memref<128xi32, #tpu.memory_space<vmem>>
    %dma_wait3A_23 = arith.constant 0 : i32
    %dma_wait3A_24 = arith.constant 0 : i32
    %dma_wait3A_25 = tpu.memref_slice %arg5[%dma_wait3A_23, %dma_wait3A_24] : memref<1000000x32xf32, #tpu.memory_space<hbm>> -> memref<1000000x32xf32, #tpu.memory_space<hbm>>
    tpu.wait_indirect_dma semaphore(%arg15 : memref<!tpu.dma_semaphore, #tpu.memory_space<semaphore_mem>>) src(%dma_wait3A_25 : memref<1000000x32xf32, #tpu.memory_space<hbm>>) dst(%dma_wait3A_19 : memref<128x32xf32, #tpu.memory_space<vmem>>)
    "tpu.region"() ({
      %run_scoped3A = tpu.sem_alloc : memref<!tpu.dma_semaphore, #tpu.memory_space<semaphore_mem>>
      %dma_start3A_46 = arith.constant 0 : i32
      %dma_start3A_47 = arith.constant 0 : i32
      %dma_start3A_48 = tpu.memref_slice %arg12[%dma_start3A_46, %dma_start3A_47] : memref<640x32xf32, #tpu.memory_space<vmem>> -> memref<128x32xf32, #tpu.memory_space<vmem>>
      %dma_start3A_49 = arith.constant 0 : i32
      %dma_start3A_50 = tpu.memref_slice %arg9[%mul3A_2, %dma_start3A_49] : memref<4096x32xf32, #tpu.memory_space<hbm>> -> memref<128x32xf32, #tpu.memory_space<hbm>>
      %dma_start3A_51 = arith.constant 0 : i32
      %dma_start3A_52 = tpu.memref_slice %arg9[%mul3A_2, %dma_start3A_51] : memref<4096x32xf32, #tpu.memory_space<hbm>> -> memref<128x32xf32, #tpu.memory_space<hbm>>
      %dma_start3A_53 = arith.constant 0 : i32
      %dma_start3A_54 = arith.constant 0 : i32
      %dma_start3A_55 = tpu.memref_slice %arg12[%dma_start3A_53, %dma_start3A_54] : memref<640x32xf32, #tpu.memory_space<vmem>> -> memref<128x32xf32, #tpu.memory_space<vmem>>
      tpu.enqueue_dma source(%dma_start3A_55 : memref<128x32xf32, #tpu.memory_space<vmem>>) target(%dma_start3A_52 : memref<128x32xf32, #tpu.memory_space<hbm>>) target_semaphore(%run_scoped3A : memref<!tpu.dma_semaphore, #tpu.memory_space<semaphore_mem>>)
      %dma_wait3A_56 = arith.constant 0 : i32
      %dma_wait3A_57 = arith.constant 0 : i32
      %dma_wait3A_58 = tpu.memref_slice %arg12[%dma_wait3A_56, %dma_wait3A_57] : memref<640x32xf32, #tpu.memory_space<vmem>> -> memref<128x32xf32, #tpu.memory_space<vmem>>
      %dma_wait3A_59 = arith.constant 0 : i32
      %dma_wait3A_60 = tpu.memref_slice %arg9[%mul3A_2, %dma_wait3A_59] : memref<4096x32xf32, #tpu.memory_space<hbm>> -> memref<128x32xf32, #tpu.memory_space<hbm>>
      %dma_wait3A_61 = arith.constant 0 : i32
      %dma_wait3A_62 = tpu.memref_slice %arg9[%mul3A_2, %dma_wait3A_61] : memref<4096x32xf32, #tpu.memory_space<hbm>> -> memref<128x32xf32, #tpu.memory_space<hbm>>
      %dma_wait3A_63 = arith.constant 0 : i32
      %dma_wait3A_64 = arith.constant 0 : i32
      %dma_wait3A_65 = tpu.memref_slice %arg12[%dma_wait3A_63, %dma_wait3A_64] : memref<640x32xf32, #tpu.memory_space<vmem>> -> memref<128x32xf32, #tpu.memory_space<vmem>>
      tpu.wait_dma2 semaphore(%run_scoped3A : memref<!tpu.dma_semaphore, #tpu.memory_space<semaphore_mem>>) src(%dma_wait3A_65 : memref<128x32xf32, #tpu.memory_space<vmem>>) dst(%dma_wait3A_62 : memref<128x32xf32, #tpu.memory_space<hbm>>)
      tpu.yield
    }) : () -> ()
    "tpu.region"() ({
      %run_scoped3A = tpu.sem_alloc : memref<!tpu.dma_semaphore, #tpu.memory_space<semaphore_mem>>
      %dma_start3A_46 = arith.constant 0 : i32
      %dma_start3A_47 = arith.constant 0 : i32
      %dma_start3A_48 = tpu.memref_slice %arg4[%add3A, %dma_start3A_46, %dma_start3A_47] : memref<32x1x128xi32, #tpu.memory_space<hbm>> -> memref<1x1x128xi32, #tpu.memory_space<hbm>>
      %dma_start3A_49 = tpu.memref_squeeze %dma_start3A_48 : memref<1x1x128xi32, #tpu.memory_space<hbm>> -> memref<1x128xi32, #tpu.memory_space<hbm>>
      %dma_start3A_50 = arith.constant 0 : i32
      %dma_start3A_51 = arith.constant 0 : i32
      %dma_start3A_52 = tpu.memref_slice %arg4[%add3A, %dma_start3A_50, %dma_start3A_51] : memref<32x1x128xi32, #tpu.memory_space<hbm>> -> memref<1x1x128xi32, #tpu.memory_space<hbm>>
      %dma_start3A_53 = tpu.memref_squeeze %dma_start3A_52 : memref<1x1x128xi32, #tpu.memory_space<hbm>> -> memref<1x128xi32, #tpu.memory_space<hbm>>
      tpu.enqueue_dma source(%dma_start3A_53 : memref<1x128xi32, #tpu.memory_space<hbm>>) target(%arg14 : memref<1x128xi32, #tpu.memory_space<vmem>>) target_semaphore(%run_scoped3A : memref<!tpu.dma_semaphore, #tpu.memory_space<semaphore_mem>>)
      %dma_wait3A_54 = arith.constant 0 : i32
      %dma_wait3A_55 = arith.constant 0 : i32
      %dma_wait3A_56 = tpu.memref_slice %arg4[%add3A, %dma_wait3A_54, %dma_wait3A_55] : memref<32x1x128xi32, #tpu.memory_space<hbm>> -> memref<1x1x128xi32, #tpu.memory_space<hbm>>
      %dma_wait3A_57 = tpu.memref_squeeze %dma_wait3A_56 : memref<1x1x128xi32, #tpu.memory_space<hbm>> -> memref<1x128xi32, #tpu.memory_space<hbm>>
      %dma_wait3A_58 = arith.constant 0 : i32
      %dma_wait3A_59 = arith.constant 0 : i32
      %dma_wait3A_60 = tpu.memref_slice %arg4[%add3A, %dma_wait3A_58, %dma_wait3A_59] : memref<32x1x128xi32, #tpu.memory_space<hbm>> -> memref<1x1x128xi32, #tpu.memory_space<hbm>>
      %dma_wait3A_61 = tpu.memref_squeeze %dma_wait3A_60 : memref<1x1x128xi32, #tpu.memory_space<hbm>> -> memref<1x128xi32, #tpu.memory_space<hbm>>
      tpu.wait_dma2 semaphore(%run_scoped3A : memref<!tpu.dma_semaphore, #tpu.memory_space<semaphore_mem>>) src(%dma_wait3A_61 : memref<1x128xi32, #tpu.memory_space<hbm>>) dst(%arg14 : memref<1x128xi32, #tpu.memory_space<vmem>>)
      tpu.yield
    }) : () -> ()
    %dma_start3A_26 = arith.constant 0 : i32
    %dma_start3A_27 = arith.constant 0 : i32
    %dma_start3A_28 = arith.constant 0 : i32
    %dma_start3A_29 = tpu.memref_slice %arg12[%dma_start3A_27, %dma_start3A_28] : memref<640x32xf32, #tpu.memory_space<vmem>> -> memref<128x32xf32, #tpu.memory_space<vmem>>
    %dma_start3A_30 = arith.constant 0 : i32
    %dma_start3A_31 = tpu.memref_slice %arg14[%dma_start3A_26, %dma_start3A_30] : memref<1x128xi32, #tpu.memory_space<vmem>> -> memref<1x128xi32, #tpu.memory_space<vmem>>
    %dma_start3A_32 = tpu.memref_squeeze %dma_start3A_31 : memref<1x128xi32, #tpu.memory_space<vmem>> -> memref<128xi32, #tpu.memory_space<vmem>>
    %dma_start3A_33 = arith.constant 0 : i32
    %dma_start3A_34 = arith.constant 0 : i32
    %dma_start3A_35 = tpu.memref_slice %arg7[%dma_start3A_33, %dma_start3A_34] : memref<1000001x32xf32, #tpu.memory_space<hbm>> -> memref<1000001x32xf32, #tpu.memory_space<hbm>>
    tpu.enqueue_indirect_dma source(%dma_start3A_35 : memref<1000001x32xf32, #tpu.memory_space<hbm>>) target(%dma_start3A_29 : memref<128x32xf32, #tpu.memory_space<vmem>>) offsets(%dma_start3A_32 : memref<128xi32, #tpu.memory_space<vmem>>) semaphore(%arg15 : memref<!tpu.dma_semaphore, #tpu.memory_space<semaphore_mem>>)
    %dma_wait3A_36 = arith.constant 0 : i32
    %dma_wait3A_37 = arith.constant 0 : i32
    %dma_wait3A_38 = arith.constant 0 : i32
    %dma_wait3A_39 = tpu.memref_slice %arg12[%dma_wait3A_37, %dma_wait3A_38] : memref<640x32xf32, #tpu.memory_space<vmem>> -> memref<128x32xf32, #tpu.memory_space<vmem>>
    %dma_wait3A_40 = arith.constant 0 : i32
    %dma_wait3A_41 = tpu.memref_slice %arg14[%dma_wait3A_36, %dma_wait3A_40] : memref<1x128xi32, #tpu.memory_space<vmem>> -> memref<1x128xi32, #tpu.memory_space<vmem>>
    %dma_wait3A_42 = tpu.memref_squeeze %dma_wait3A_41 : memref<1x128xi32, #tpu.memory_space<vmem>> -> memref<128xi32, #tpu.memory_space<vmem>>
    %dma_wait3A_43 = arith.constant 0 : i32
    %dma_wait3A_44 = arith.constant 0 : i32
    %dma_wait3A_45 = tpu.memref_slice %arg7[%dma_wait3A_43, %dma_wait3A_44] : memref<1000001x32xf32, #tpu.memory_space<hbm>> -> memref<1000001x32xf32, #tpu.memory_space<hbm>>
    tpu.wait_indirect_dma semaphore(%arg15 : memref<!tpu.dma_semaphore, #tpu.memory_space<semaphore_mem>>) src(%dma_wait3A_45 : memref<1000001x32xf32, #tpu.memory_space<hbm>>) dst(%dma_wait3A_39 : memref<128x32xf32, #tpu.memory_space<vmem>>)
    "tpu.region"() ({
      %run_scoped3A = tpu.sem_alloc : memref<!tpu.dma_semaphore, #tpu.memory_space<semaphore_mem>>
      %dma_start3A_46 = arith.constant 0 : i32
      %dma_start3A_47 = arith.constant 0 : i32
      %dma_start3A_48 = tpu.memref_slice %arg12[%dma_start3A_46, %dma_start3A_47] : memref<640x32xf32, #tpu.memory_space<vmem>> -> memref<128x32xf32, #tpu.memory_space<vmem>>
      %dma_start3A_49 = arith.constant 0 : i32
      %dma_start3A_50 = tpu.memref_slice %arg10[%mul3A_2, %dma_start3A_49] : memref<4096x32xf32, #tpu.memory_space<hbm>> -> memref<128x32xf32, #tpu.memory_space<hbm>>
      %dma_start3A_51 = arith.constant 0 : i32
      %dma_start3A_52 = tpu.memref_slice %arg10[%mul3A_2, %dma_start3A_51] : memref<4096x32xf32, #tpu.memory_space<hbm>> -> memref<128x32xf32, #tpu.memory_space<hbm>>
      %dma_start3A_53 = arith.constant 0 : i32
      %dma_start3A_54 = arith.constant 0 : i32
      %dma_start3A_55 = tpu.memref_slice %arg12[%dma_start3A_53, %dma_start3A_54] : memref<640x32xf32, #tpu.memory_space<vmem>> -> memref<128x32xf32, #tpu.memory_space<vmem>>
      tpu.enqueue_dma source(%dma_start3A_55 : memref<128x32xf32, #tpu.memory_space<vmem>>) target(%dma_start3A_52 : memref<128x32xf32, #tpu.memory_space<hbm>>) target_semaphore(%run_scoped3A : memref<!tpu.dma_semaphore, #tpu.memory_space<semaphore_mem>>)
      %dma_wait3A_56 = arith.constant 0 : i32
      %dma_wait3A_57 = arith.constant 0 : i32
      %dma_wait3A_58 = tpu.memref_slice %arg12[%dma_wait3A_56, %dma_wait3A_57] : memref<640x32xf32, #tpu.memory_space<vmem>> -> memref<128x32xf32, #tpu.memory_space<vmem>>
      %dma_wait3A_59 = arith.constant 0 : i32
      %dma_wait3A_60 = tpu.memref_slice %arg10[%mul3A_2, %dma_wait3A_59] : memref<4096x32xf32, #tpu.memory_space<hbm>> -> memref<128x32xf32, #tpu.memory_space<hbm>>
      %dma_wait3A_61 = arith.constant 0 : i32
      %dma_wait3A_62 = tpu.memref_slice %arg10[%mul3A_2, %dma_wait3A_61] : memref<4096x32xf32, #tpu.memory_space<hbm>> -> memref<128x32xf32, #tpu.memory_space<hbm>>
      %dma_wait3A_63 = arith.constant 0 : i32
      %dma_wait3A_64 = arith.constant 0 : i32
      %dma_wait3A_65 = tpu.memref_slice %arg12[%dma_wait3A_63, %dma_wait3A_64] : memref<640x32xf32, #tpu.memory_space<vmem>> -> memref<128x32xf32, #tpu.memory_space<vmem>>
      tpu.wait_dma2 semaphore(%run_scoped3A : memref<!tpu.dma_semaphore, #tpu.memory_space<semaphore_mem>>) src(%dma_wait3A_65 : memref<128x32xf32, #tpu.memory_space<vmem>>) dst(%dma_wait3A_62 : memref<128x32xf32, #tpu.memory_space<hbm>>)
      tpu.yield
    }) : () -> ()
    return
  }
}

#map = affine_map<(d0, d1) -> (0, 0, 0)>
#map1 = affine_map<(d0, d1) -> (0, 0)>
module attributes {stable_mosaic.version = 14 : i64} {
  func.func @body(%arg0: i32, %arg1: i32, %arg2: memref<32x50x128xi32, #tpu.memory_space<hbm>>, %arg3: memref<32x1x128xi32, #tpu.memory_space<hbm>>, %arg4: memref<32x1x128xi32, #tpu.memory_space<hbm>>, %arg5: memref<1000000x32xf32, #tpu.memory_space<hbm>>, %arg6: memref<1000001x32xf32, #tpu.memory_space<hbm>>, %arg7: memref<1000001x32xf32, #tpu.memory_space<hbm>>, %arg8: memref<204800x32xf32, #tpu.memory_space<hbm>>, %arg9: memref<4096x32xf32, #tpu.memory_space<hbm>>, %arg10: memref<4096x32xf32, #tpu.memory_space<hbm>>, %arg11: memref<50x128xi32, #tpu.memory_space<vmem>>, %arg12: memref<640x32xf32, #tpu.memory_space<vmem>>, %arg13: memref<1x128xi32, #tpu.memory_space<vmem>>, %arg14: memref<1x128xi32, #tpu.memory_space<vmem>>, %arg15: memref<!tpu.dma_semaphore, #tpu.memory_space<semaphore_mem>>) attributes {dimension_semantics = [#tpu.dimension_semantics<core_parallel>, #tpu.dimension_semantics<subcore_parallel>], iteration_bounds = array<i64: 2, 16>, scalar_prefetch = 0 : i64, scratch_operands = 5 : i64, tpu.core_type = #tpu.core_type<sc_vector_subcore>, window_params = [{transform_indices = #map}, {transform_indices = #map}, {transform_indices = #map}, {transform_indices = #map1}, {transform_indices = #map1}, {transform_indices = #map1}, {transform_indices = #map1}, {transform_indices = #map1}, {transform_indices = #map1}]} {
    %mul3A = arith.constant 2 : i32
    %mul3A_0 = arith.muli %arg1, %mul3A : i32
    %add3A = arith.addi %mul3A_0, %arg0 : i32
    "tpu.region"() ({
      %run_scoped3A = tpu.sem_alloc : memref<!tpu.dma_semaphore, #tpu.memory_space<semaphore_mem>>
      %dma_start3A_46 = arith.constant 0 : i32
      %dma_start3A_47 = arith.constant 0 : i32
      %dma_start3A_48 = tpu.memref_slice %arg2[%add3A, %dma_start3A_46, %dma_start3A_47] : memref<32x50x128xi32, #tpu.memory_space<hbm>> -> memref<1x50x128xi32, #tpu.memory_space<hbm>>
      %dma_start3A_49 = tpu.memref_squeeze %dma_start3A_48 : memref<1x50x128xi32, #tpu.memory_space<hbm>> -> memref<50x128xi32, #tpu.memory_space<hbm>>
      %dma_start3A_50 = arith.constant 0 : i32
      %dma_start3A_51 = arith.constant 0 : i32
      %dma_start3A_52 = tpu.memref_slice %arg2[%add3A, %dma_start3A_50, %dma_start3A_51] : memref<32x50x128xi32, #tpu.memory_space<hbm>> -> memref<1x50x128xi32, #tpu.memory_space<hbm>>
      %dma_start3A_53 = tpu.memref_squeeze %dma_start3A_52 : memref<1x50x128xi32, #tpu.memory_space<hbm>> -> memref<50x128xi32, #tpu.memory_space<hbm>>
      tpu.enqueue_dma source(%dma_start3A_53 : memref<50x128xi32, #tpu.memory_space<hbm>>) target(%arg11 : memref<50x128xi32, #tpu.memory_space<vmem>>) target_semaphore(%run_scoped3A : memref<!tpu.dma_semaphore, #tpu.memory_space<semaphore_mem>>)
      %dma_wait3A_54 = arith.constant 0 : i32
      %dma_wait3A_55 = arith.constant 0 : i32
      %dma_wait3A_56 = tpu.memref_slice %arg2[%add3A, %dma_wait3A_54, %dma_wait3A_55] : memref<32x50x128xi32, #tpu.memory_space<hbm>> -> memref<1x50x128xi32, #tpu.memory_space<hbm>>
      %dma_wait3A_57 = tpu.memref_squeeze %dma_wait3A_56 : memref<1x50x128xi32, #tpu.memory_space<hbm>> -> memref<50x128xi32, #tpu.memory_space<hbm>>
      %dma_wait3A_58 = arith.constant 0 : i32
      %dma_wait3A_59 = arith.constant 0 : i32
      %dma_wait3A_60 = tpu.memref_slice %arg2[%add3A, %dma_wait3A_58, %dma_wait3A_59] : memref<32x50x128xi32, #tpu.memory_space<hbm>> -> memref<1x50x128xi32, #tpu.memory_space<hbm>>
      %dma_wait3A_61 = tpu.memref_squeeze %dma_wait3A_60 : memref<1x50x128xi32, #tpu.memory_space<hbm>> -> memref<50x128xi32, #tpu.memory_space<hbm>>
      tpu.wait_dma2 semaphore(%run_scoped3A : memref<!tpu.dma_semaphore, #tpu.memory_space<semaphore_mem>>) src(%dma_wait3A_61 : memref<50x128xi32, #tpu.memory_space<hbm>>) dst(%arg11 : memref<50x128xi32, #tpu.memory_space<vmem>>)
      tpu.yield
    }) : () -> ()
    %mul3A_1 = arith.constant 128 : i32
    %mul3A_2 = arith.muli %add3A, %mul3A_1 : i32
    %scan3A = arith.constant 0 : i32
    %scan3A_3 = arith.constant 0 : i32
    %scan3A_4 = arith.constant 10 : i32
    %scan3A_5 = arith.addi %scan3A_3, %scan3A_4 : i32
    %scan3A_6 = arith.constant 1 : i32
    scf.for %scan3A_46 = %scan3A_3 to %scan3A_5 step %scan3A_6  : i32 {
      %mul3A_47 = arith.constant 5 : i32
      %mul3A_48 = arith.muli %scan3A_46, %mul3A_47 : i32
      %add3A_49 = arith.constant 0 : i32
      %add3A_50 = arith.addi %mul3A_48, %add3A_49 : i32
      %dma_start3A_51 = arith.constant 0 : i32
      %dma_start3A_52 = arith.constant 0 : i32
      %dma_start3A_53 = tpu.memref_slice %arg12[%dma_start3A_51, %dma_start3A_52] : memref<640x32xf32, #tpu.memory_space<vmem>> -> memref<128x32xf32, #tpu.memory_space<vmem>>
      %dma_start3A_54 = arith.constant 0 : i32
      %dma_start3A_55 = tpu.memref_slice %arg11[%add3A_50, %dma_start3A_54] : memref<50x128xi32, #tpu.memory_space<vmem>> -> memref<1x128xi32, #tpu.memory_space<vmem>>
      %dma_start3A_56 = tpu.memref_squeeze %dma_start3A_55 : memref<1x128xi32, #tpu.memory_space<vmem>> -> memref<128xi32, #tpu.memory_space<vmem>>
      %dma_start3A_57 = arith.constant 0 : i32
      %dma_start3A_58 = arith.constant 0 : i32
      %dma_start3A_59 = tpu.memref_slice %arg6[%dma_start3A_57, %dma_start3A_58] : memref<1000001x32xf32, #tpu.memory_space<hbm>> -> memref<1000001x32xf32, #tpu.memory_space<hbm>>
      tpu.enqueue_indirect_dma source(%dma_start3A_59 : memref<1000001x32xf32, #tpu.memory_space<hbm>>) target(%dma_start3A_53 : memref<128x32xf32, #tpu.memory_space<vmem>>) offsets(%dma_start3A_56 : memref<128xi32, #tpu.memory_space<vmem>>) semaphore(%arg15 : memref<!tpu.dma_semaphore, #tpu.memory_space<semaphore_mem>>)
      %mul3A_60 = arith.constant 5 : i32
      %mul3A_61 = arith.muli %scan3A_46, %mul3A_60 : i32
      %add3A_62 = arith.constant 1 : i32
      %add3A_63 = arith.addi %mul3A_61, %add3A_62 : i32
      %dma_start3A_64 = arith.constant 128 : i32
      %dma_start3A_65 = arith.constant 0 : i32
      %dma_start3A_66 = tpu.memref_slice %arg12[%dma_start3A_64, %dma_start3A_65] : memref<640x32xf32, #tpu.memory_space<vmem>> -> memref<128x32xf32, #tpu.memory_space<vmem>>
      %dma_start3A_67 = arith.constant 0 : i32
      %dma_start3A_68 = tpu.memref_slice %arg11[%add3A_63, %dma_start3A_67] : memref<50x128xi32, #tpu.memory_space<vmem>> -> memref<1x128xi32, #tpu.memory_space<vmem>>
      %dma_start3A_69 = tpu.memref_squeeze %dma_start3A_68 : memref<1x128xi32, #tpu.memory_space<vmem>> -> memref<128xi32, #tpu.memory_space<vmem>>
      %dma_start3A_70 = arith.constant 0 : i32
      %dma_start3A_71 = arith.constant 0 : i32
      %dma_start3A_72 = tpu.memref_slice %arg6[%dma_start3A_70, %dma_start3A_71] : memref<1000001x32xf32, #tpu.memory_space<hbm>> -> memref<1000001x32xf32, #tpu.memory_space<hbm>>
      tpu.enqueue_indirect_dma source(%dma_start3A_72 : memref<1000001x32xf32, #tpu.memory_space<hbm>>) target(%dma_start3A_66 : memref<128x32xf32, #tpu.memory_space<vmem>>) offsets(%dma_start3A_69 : memref<128xi32, #tpu.memory_space<vmem>>) semaphore(%arg15 : memref<!tpu.dma_semaphore, #tpu.memory_space<semaphore_mem>>)
      %mul3A_73 = arith.constant 5 : i32
      %mul3A_74 = arith.muli %scan3A_46, %mul3A_73 : i32
      %add3A_75 = arith.constant 2 : i32
      %add3A_76 = arith.addi %mul3A_74, %add3A_75 : i32
      %dma_start3A_77 = arith.constant 256 : i32
      %dma_start3A_78 = arith.constant 0 : i32
      %dma_start3A_79 = tpu.memref_slice %arg12[%dma_start3A_77, %dma_start3A_78] : memref<640x32xf32, #tpu.memory_space<vmem>> -> memref<128x32xf32, #tpu.memory_space<vmem>>
      %dma_start3A_80 = arith.constant 0 : i32
      %dma_start3A_81 = tpu.memref_slice %arg11[%add3A_76, %dma_start3A_80] : memref<50x128xi32, #tpu.memory_space<vmem>> -> memref<1x128xi32, #tpu.memory_space<vmem>>
      %dma_start3A_82 = tpu.memref_squeeze %dma_start3A_81 : memref<1x128xi32, #tpu.memory_space<vmem>> -> memref<128xi32, #tpu.memory_space<vmem>>
      %dma_start3A_83 = arith.constant 0 : i32
      %dma_start3A_84 = arith.constant 0 : i32
      %dma_start3A_85 = tpu.memref_slice %arg6[%dma_start3A_83, %dma_start3A_84] : memref<1000001x32xf32, #tpu.memory_space<hbm>> -> memref<1000001x32xf32, #tpu.memory_space<hbm>>
      tpu.enqueue_indirect_dma source(%dma_start3A_85 : memref<1000001x32xf32, #tpu.memory_space<hbm>>) target(%dma_start3A_79 : memref<128x32xf32, #tpu.memory_space<vmem>>) offsets(%dma_start3A_82 : memref<128xi32, #tpu.memory_space<vmem>>) semaphore(%arg15 : memref<!tpu.dma_semaphore, #tpu.memory_space<semaphore_mem>>)
      %mul3A_86 = arith.constant 5 : i32
      %mul3A_87 = arith.muli %scan3A_46, %mul3A_86 : i32
      %add3A_88 = arith.constant 3 : i32
      %add3A_89 = arith.addi %mul3A_87, %add3A_88 : i32
      %dma_start3A_90 = arith.constant 384 : i32
      %dma_start3A_91 = arith.constant 0 : i32
      %dma_start3A_92 = tpu.memref_slice %arg12[%dma_start3A_90, %dma_start3A_91] : memref<640x32xf32, #tpu.memory_space<vmem>> -> memref<128x32xf32, #tpu.memory_space<vmem>>
      %dma_start3A_93 = arith.constant 0 : i32
      %dma_start3A_94 = tpu.memref_slice %arg11[%add3A_89, %dma_start3A_93] : memref<50x128xi32, #tpu.memory_space<vmem>> -> memref<1x128xi32, #tpu.memory_space<vmem>>
      %dma_start3A_95 = tpu.memref_squeeze %dma_start3A_94 : memref<1x128xi32, #tpu.memory_space<vmem>> -> memref<128xi32, #tpu.memory_space<vmem>>
      %dma_start3A_96 = arith.constant 0 : i32
      %dma_start3A_97 = arith.constant 0 : i32
      %dma_start3A_98 = tpu.memref_slice %arg6[%dma_start3A_96, %dma_start3A_97] : memref<1000001x32xf32, #tpu.memory_space<hbm>> -> memref<1000001x32xf32, #tpu.memory_space<hbm>>
      tpu.enqueue_indirect_dma source(%dma_start3A_98 : memref<1000001x32xf32, #tpu.memory_space<hbm>>) target(%dma_start3A_92 : memref<128x32xf32, #tpu.memory_space<vmem>>) offsets(%dma_start3A_95 : memref<128xi32, #tpu.memory_space<vmem>>) semaphore(%arg15 : memref<!tpu.dma_semaphore, #tpu.memory_space<semaphore_mem>>)
      %mul3A_99 = arith.constant 5 : i32
      %mul3A_100 = arith.muli %scan3A_46, %mul3A_99 : i32
      %add3A_101 = arith.constant 4 : i32
      %add3A_102 = arith.addi %mul3A_100, %add3A_101 : i32
      %dma_start3A_103 = arith.constant 512 : i32
      %dma_start3A_104 = arith.constant 0 : i32
      %dma_start3A_105 = tpu.memref_slice %arg12[%dma_start3A_103, %dma_start3A_104] : memref<640x32xf32, #tpu.memory_space<vmem>> -> memref<128x32xf32, #tpu.memory_space<vmem>>
      %dma_start3A_106 = arith.constant 0 : i32
      %dma_start3A_107 = tpu.memref_slice %arg11[%add3A_102, %dma_start3A_106] : memref<50x128xi32, #tpu.memory_space<vmem>> -> memref<1x128xi32, #tpu.memory_space<vmem>>
      %dma_start3A_108 = tpu.memref_squeeze %dma_start3A_107 : memref<1x128xi32, #tpu.memory_space<vmem>> -> memref<128xi32, #tpu.memory_space<vmem>>
      %dma_start3A_109 = arith.constant 0 : i32
      %dma_start3A_110 = arith.constant 0 : i32
      %dma_start3A_111 = tpu.memref_slice %arg6[%dma_start3A_109, %dma_start3A_110] : memref<1000001x32xf32, #tpu.memory_space<hbm>> -> memref<1000001x32xf32, #tpu.memory_space<hbm>>
      tpu.enqueue_indirect_dma source(%dma_start3A_111 : memref<1000001x32xf32, #tpu.memory_space<hbm>>) target(%dma_start3A_105 : memref<128x32xf32, #tpu.memory_space<vmem>>) offsets(%dma_start3A_108 : memref<128xi32, #tpu.memory_space<vmem>>) semaphore(%arg15 : memref<!tpu.dma_semaphore, #tpu.memory_space<semaphore_mem>>)
      %dma_wait3A_112 = arith.constant 0 : i32
      %dma_wait3A_113 = arith.constant 0 : i32
      %dma_wait3A_114 = tpu.memref_slice %arg12[%dma_wait3A_112, %dma_wait3A_113] : memref<640x32xf32, #tpu.memory_space<vmem>> -> memref<128x32xf32, #tpu.memory_space<vmem>>
      %dma_wait3A_115 = arith.constant 0 : i32
      %dma_wait3A_116 = tpu.memref_slice %arg11[%add3A_50, %dma_wait3A_115] : memref<50x128xi32, #tpu.memory_space<vmem>> -> memref<1x128xi32, #tpu.memory_space<vmem>>
      %dma_wait3A_117 = tpu.memref_squeeze %dma_wait3A_116 : memref<1x128xi32, #tpu.memory_space<vmem>> -> memref<128xi32, #tpu.memory_space<vmem>>
      %dma_wait3A_118 = arith.constant 0 : i32
      %dma_wait3A_119 = arith.constant 0 : i32
      %dma_wait3A_120 = tpu.memref_slice %arg6[%dma_wait3A_118, %dma_wait3A_119] : memref<1000001x32xf32, #tpu.memory_space<hbm>> -> memref<1000001x32xf32, #tpu.memory_space<hbm>>
      tpu.wait_indirect_dma semaphore(%arg15 : memref<!tpu.dma_semaphore, #tpu.memory_space<semaphore_mem>>) src(%dma_wait3A_120 : memref<1000001x32xf32, #tpu.memory_space<hbm>>) dst(%dma_wait3A_114 : memref<128x32xf32, #tpu.memory_space<vmem>>)
      %dma_wait3A_121 = arith.constant 128 : i32
      %dma_wait3A_122 = arith.constant 0 : i32
      %dma_wait3A_123 = tpu.memref_slice %arg12[%dma_wait3A_121, %dma_wait3A_122] : memref<640x32xf32, #tpu.memory_space<vmem>> -> memref<128x32xf32, #tpu.memory_space<vmem>>
      %dma_wait3A_124 = arith.constant 0 : i32
      %dma_wait3A_125 = tpu.memref_slice %arg11[%add3A_63, %dma_wait3A_124] : memref<50x128xi32, #tpu.memory_space<vmem>> -> memref<1x128xi32, #tpu.memory_space<vmem>>
      %dma_wait3A_126 = tpu.memref_squeeze %dma_wait3A_125 : memref<1x128xi32, #tpu.memory_space<vmem>> -> memref<128xi32, #tpu.memory_space<vmem>>
      %dma_wait3A_127 = arith.constant 0 : i32
      %dma_wait3A_128 = arith.constant 0 : i32
      %dma_wait3A_129 = tpu.memref_slice %arg6[%dma_wait3A_127, %dma_wait3A_128] : memref<1000001x32xf32, #tpu.memory_space<hbm>> -> memref<1000001x32xf32, #tpu.memory_space<hbm>>
      tpu.wait_indirect_dma semaphore(%arg15 : memref<!tpu.dma_semaphore, #tpu.memory_space<semaphore_mem>>) src(%dma_wait3A_129 : memref<1000001x32xf32, #tpu.memory_space<hbm>>) dst(%dma_wait3A_123 : memref<128x32xf32, #tpu.memory_space<vmem>>)
      %dma_wait3A_130 = arith.constant 256 : i32
      %dma_wait3A_131 = arith.constant 0 : i32
      %dma_wait3A_132 = tpu.memref_slice %arg12[%dma_wait3A_130, %dma_wait3A_131] : memref<640x32xf32, #tpu.memory_space<vmem>> -> memref<128x32xf32, #tpu.memory_space<vmem>>
      %dma_wait3A_133 = arith.constant 0 : i32
      %dma_wait3A_134 = tpu.memref_slice %arg11[%add3A_76, %dma_wait3A_133] : memref<50x128xi32, #tpu.memory_space<vmem>> -> memref<1x128xi32, #tpu.memory_space<vmem>>
      %dma_wait3A_135 = tpu.memref_squeeze %dma_wait3A_134 : memref<1x128xi32, #tpu.memory_space<vmem>> -> memref<128xi32, #tpu.memory_space<vmem>>
      %dma_wait3A_136 = arith.constant 0 : i32
      %dma_wait3A_137 = arith.constant 0 : i32
      %dma_wait3A_138 = tpu.memref_slice %arg6[%dma_wait3A_136, %dma_wait3A_137] : memref<1000001x32xf32, #tpu.memory_space<hbm>> -> memref<1000001x32xf32, #tpu.memory_space<hbm>>
      tpu.wait_indirect_dma semaphore(%arg15 : memref<!tpu.dma_semaphore, #tpu.memory_space<semaphore_mem>>) src(%dma_wait3A_138 : memref<1000001x32xf32, #tpu.memory_space<hbm>>) dst(%dma_wait3A_132 : memref<128x32xf32, #tpu.memory_space<vmem>>)
      %dma_wait3A_139 = arith.constant 384 : i32
      %dma_wait3A_140 = arith.constant 0 : i32
      %dma_wait3A_141 = tpu.memref_slice %arg12[%dma_wait3A_139, %dma_wait3A_140] : memref<640x32xf32, #tpu.memory_space<vmem>> -> memref<128x32xf32, #tpu.memory_space<vmem>>
      %dma_wait3A_142 = arith.constant 0 : i32
      %dma_wait3A_143 = tpu.memref_slice %arg11[%add3A_89, %dma_wait3A_142] : memref<50x128xi32, #tpu.memory_space<vmem>> -> memref<1x128xi32, #tpu.memory_space<vmem>>
      %dma_wait3A_144 = tpu.memref_squeeze %dma_wait3A_143 : memref<1x128xi32, #tpu.memory_space<vmem>> -> memref<128xi32, #tpu.memory_space<vmem>>
      %dma_wait3A_145 = arith.constant 0 : i32
      %dma_wait3A_146 = arith.constant 0 : i32
      %dma_wait3A_147 = tpu.memref_slice %arg6[%dma_wait3A_145, %dma_wait3A_146] : memref<1000001x32xf32, #tpu.memory_space<hbm>> -> memref<1000001x32xf32, #tpu.memory_space<hbm>>
      tpu.wait_indirect_dma semaphore(%arg15 : memref<!tpu.dma_semaphore, #tpu.memory_space<semaphore_mem>>) src(%dma_wait3A_147 : memref<1000001x32xf32, #tpu.memory_space<hbm>>) dst(%dma_wait3A_141 : memref<128x32xf32, #tpu.memory_space<vmem>>)
      %dma_wait3A_148 = arith.constant 512 : i32
      %dma_wait3A_149 = arith.constant 0 : i32
      %dma_wait3A_150 = tpu.memref_slice %arg12[%dma_wait3A_148, %dma_wait3A_149] : memref<640x32xf32, #tpu.memory_space<vmem>> -> memref<128x32xf32, #tpu.memory_space<vmem>>
      %dma_wait3A_151 = arith.constant 0 : i32
      %dma_wait3A_152 = tpu.memref_slice %arg11[%add3A_102, %dma_wait3A_151] : memref<50x128xi32, #tpu.memory_space<vmem>> -> memref<1x128xi32, #tpu.memory_space<vmem>>
      %dma_wait3A_153 = tpu.memref_squeeze %dma_wait3A_152 : memref<1x128xi32, #tpu.memory_space<vmem>> -> memref<128xi32, #tpu.memory_space<vmem>>
      %dma_wait3A_154 = arith.constant 0 : i32
      %dma_wait3A_155 = arith.constant 0 : i32
      %dma_wait3A_156 = tpu.memref_slice %arg6[%dma_wait3A_154, %dma_wait3A_155] : memref<1000001x32xf32, #tpu.memory_space<hbm>> -> memref<1000001x32xf32, #tpu.memory_space<hbm>>
      tpu.wait_indirect_dma semaphore(%arg15 : memref<!tpu.dma_semaphore, #tpu.memory_space<semaphore_mem>>) src(%dma_wait3A_156 : memref<1000001x32xf32, #tpu.memory_space<hbm>>) dst(%dma_wait3A_150 : memref<128x32xf32, #tpu.memory_space<vmem>>)
      %mul3A_157 = arith.constant 5 : i32
      %mul3A_158 = arith.muli %scan3A_46, %mul3A_157 : i32
      %add3A_159 = arith.constant 0 : i32
      %add3A_160 = arith.addi %mul3A_158, %add3A_159 : i32
      %mul3A_161 = arith.constant 4096 : i32
      %mul3A_162 = arith.muli %add3A_160, %mul3A_161 : i32
      %add3A_163 = arith.addi %mul3A_162, %mul3A_2 : i32
      "tpu.region"() ({
        %run_scoped3A = tpu.sem_alloc : memref<!tpu.dma_semaphore, #tpu.memory_space<semaphore_mem>>
        %dma_start3A_192 = arith.constant 0 : i32
        %dma_start3A_193 = arith.constant 0 : i32
        %dma_start3A_194 = tpu.memref_slice %arg12[%dma_start3A_192, %dma_start3A_193] : memref<640x32xf32, #tpu.memory_space<vmem>> -> memref<128x32xf32, #tpu.memory_space<vmem>>
        %dma_start3A_195 = arith.constant 0 : i32
        %dma_start3A_196 = tpu.memref_slice %arg8[%add3A_163, %dma_start3A_195] : memref<204800x32xf32, #tpu.memory_space<hbm>> -> memref<128x32xf32, #tpu.memory_space<hbm>>
        %dma_start3A_197 = arith.constant 0 : i32
        %dma_start3A_198 = tpu.memref_slice %arg8[%add3A_163, %dma_start3A_197] : memref<204800x32xf32, #tpu.memory_space<hbm>> -> memref<128x32xf32, #tpu.memory_space<hbm>>
        %dma_start3A_199 = arith.constant 0 : i32
        %dma_start3A_200 = arith.constant 0 : i32
        %dma_start3A_201 = tpu.memref_slice %arg12[%dma_start3A_199, %dma_start3A_200] : memref<640x32xf32, #tpu.memory_space<vmem>> -> memref<128x32xf32, #tpu.memory_space<vmem>>
        tpu.enqueue_dma source(%dma_start3A_201 : memref<128x32xf32, #tpu.memory_space<vmem>>) target(%dma_start3A_198 : memref<128x32xf32, #tpu.memory_space<hbm>>) target_semaphore(%run_scoped3A : memref<!tpu.dma_semaphore, #tpu.memory_space<semaphore_mem>>)
        %dma_wait3A_202 = arith.constant 0 : i32
        %dma_wait3A_203 = arith.constant 0 : i32
        %dma_wait3A_204 = tpu.memref_slice %arg12[%dma_wait3A_202, %dma_wait3A_203] : memref<640x32xf32, #tpu.memory_space<vmem>> -> memref<128x32xf32, #tpu.memory_space<vmem>>
        %dma_wait3A_205 = arith.constant 0 : i32
        %dma_wait3A_206 = tpu.memref_slice %arg8[%add3A_163, %dma_wait3A_205] : memref<204800x32xf32, #tpu.memory_space<hbm>> -> memref<128x32xf32, #tpu.memory_space<hbm>>
        %dma_wait3A_207 = arith.constant 0 : i32
        %dma_wait3A_208 = tpu.memref_slice %arg8[%add3A_163, %dma_wait3A_207] : memref<204800x32xf32, #tpu.memory_space<hbm>> -> memref<128x32xf32, #tpu.memory_space<hbm>>
        %dma_wait3A_209 = arith.constant 0 : i32
        %dma_wait3A_210 = arith.constant 0 : i32
        %dma_wait3A_211 = tpu.memref_slice %arg12[%dma_wait3A_209, %dma_wait3A_210] : memref<640x32xf32, #tpu.memory_space<vmem>> -> memref<128x32xf32, #tpu.memory_space<vmem>>
        tpu.wait_dma2 semaphore(%run_scoped3A : memref<!tpu.dma_semaphore, #tpu.memory_space<semaphore_mem>>) src(%dma_wait3A_211 : memref<128x32xf32, #tpu.memory_space<vmem>>) dst(%dma_wait3A_208 : memref<128x32xf32, #tpu.memory_space<hbm>>)
        tpu.yield
      }) : () -> ()
      %mul3A_164 = arith.constant 5 : i32
      %mul3A_165 = arith.muli %scan3A_46, %mul3A_164 : i32
      %add3A_166 = arith.constant 1 : i32
      %add3A_167 = arith.addi %mul3A_165, %add3A_166 : i32
      %mul3A_168 = arith.constant 4096 : i32
      %mul3A_169 = arith.muli %add3A_167, %mul3A_168 : i32
      %add3A_170 = arith.addi %mul3A_169, %mul3A_2 : i32
      "tpu.region"() ({
        %run_scoped3A = tpu.sem_alloc : memref<!tpu.dma_semaphore, #tpu.memory_space<semaphore_mem>>
        %dma_start3A_192 = arith.constant 128 : i32
        %dma_start3A_193 = arith.constant 0 : i32
        %dma_start3A_194 = tpu.memref_slice %arg12[%dma_start3A_192, %dma_start3A_193] : memref<640x32xf32, #tpu.memory_space<vmem>> -> memref<128x32xf32, #tpu.memory_space<vmem>>
        %dma_start3A_195 = arith.constant 0 : i32
        %dma_start3A_196 = tpu.memref_slice %arg8[%add3A_170, %dma_start3A_195] : memref<204800x32xf32, #tpu.memory_space<hbm>> -> memref<128x32xf32, #tpu.memory_space<hbm>>
        %dma_start3A_197 = arith.constant 0 : i32
        %dma_start3A_198 = tpu.memref_slice %arg8[%add3A_170, %dma_start3A_197] : memref<204800x32xf32, #tpu.memory_space<hbm>> -> memref<128x32xf32, #tpu.memory_space<hbm>>
        %dma_start3A_199 = arith.constant 128 : i32
        %dma_start3A_200 = arith.constant 0 : i32
        %dma_start3A_201 = tpu.memref_slice %arg12[%dma_start3A_199, %dma_start3A_200] : memref<640x32xf32, #tpu.memory_space<vmem>> -> memref<128x32xf32, #tpu.memory_space<vmem>>
        tpu.enqueue_dma source(%dma_start3A_201 : memref<128x32xf32, #tpu.memory_space<vmem>>) target(%dma_start3A_198 : memref<128x32xf32, #tpu.memory_space<hbm>>) target_semaphore(%run_scoped3A : memref<!tpu.dma_semaphore, #tpu.memory_space<semaphore_mem>>)
        %dma_wait3A_202 = arith.constant 128 : i32
        %dma_wait3A_203 = arith.constant 0 : i32
        %dma_wait3A_204 = tpu.memref_slice %arg12[%dma_wait3A_202, %dma_wait3A_203] : memref<640x32xf32, #tpu.memory_space<vmem>> -> memref<128x32xf32, #tpu.memory_space<vmem>>
        %dma_wait3A_205 = arith.constant 0 : i32
        %dma_wait3A_206 = tpu.memref_slice %arg8[%add3A_170, %dma_wait3A_205] : memref<204800x32xf32, #tpu.memory_space<hbm>> -> memref<128x32xf32, #tpu.memory_space<hbm>>
        %dma_wait3A_207 = arith.constant 0 : i32
        %dma_wait3A_208 = tpu.memref_slice %arg8[%add3A_170, %dma_wait3A_207] : memref<204800x32xf32, #tpu.memory_space<hbm>> -> memref<128x32xf32, #tpu.memory_space<hbm>>
        %dma_wait3A_209 = arith.constant 128 : i32
        %dma_wait3A_210 = arith.constant 0 : i32
        %dma_wait3A_211 = tpu.memref_slice %arg12[%dma_wait3A_209, %dma_wait3A_210] : memref<640x32xf32, #tpu.memory_space<vmem>> -> memref<128x32xf32, #tpu.memory_space<vmem>>
        tpu.wait_dma2 semaphore(%run_scoped3A : memref<!tpu.dma_semaphore, #tpu.memory_space<semaphore_mem>>) src(%dma_wait3A_211 : memref<128x32xf32, #tpu.memory_space<vmem>>) dst(%dma_wait3A_208 : memref<128x32xf32, #tpu.memory_space<hbm>>)
        tpu.yield
      }) : () -> ()
      %mul3A_171 = arith.constant 5 : i32
      %mul3A_172 = arith.muli %scan3A_46, %mul3A_171 : i32
      %add3A_173 = arith.constant 2 : i32
      %add3A_174 = arith.addi %mul3A_172, %add3A_173 : i32
      %mul3A_175 = arith.constant 4096 : i32
      %mul3A_176 = arith.muli %add3A_174, %mul3A_175 : i32
      %add3A_177 = arith.addi %mul3A_176, %mul3A_2 : i32
      "tpu.region"() ({
        %run_scoped3A = tpu.sem_alloc : memref<!tpu.dma_semaphore, #tpu.memory_space<semaphore_mem>>
        %dma_start3A_192 = arith.constant 256 : i32
        %dma_start3A_193 = arith.constant 0 : i32
        %dma_start3A_194 = tpu.memref_slice %arg12[%dma_start3A_192, %dma_start3A_193] : memref<640x32xf32, #tpu.memory_space<vmem>> -> memref<128x32xf32, #tpu.memory_space<vmem>>
        %dma_start3A_195 = arith.constant 0 : i32
        %dma_start3A_196 = tpu.memref_slice %arg8[%add3A_177, %dma_start3A_195] : memref<204800x32xf32, #tpu.memory_space<hbm>> -> memref<128x32xf32, #tpu.memory_space<hbm>>
        %dma_start3A_197 = arith.constant 0 : i32
        %dma_start3A_198 = tpu.memref_slice %arg8[%add3A_177, %dma_start3A_197] : memref<204800x32xf32, #tpu.memory_space<hbm>> -> memref<128x32xf32, #tpu.memory_space<hbm>>
        %dma_start3A_199 = arith.constant 256 : i32
        %dma_start3A_200 = arith.constant 0 : i32
        %dma_start3A_201 = tpu.memref_slice %arg12[%dma_start3A_199, %dma_start3A_200] : memref<640x32xf32, #tpu.memory_space<vmem>> -> memref<128x32xf32, #tpu.memory_space<vmem>>
        tpu.enqueue_dma source(%dma_start3A_201 : memref<128x32xf32, #tpu.memory_space<vmem>>) target(%dma_start3A_198 : memref<128x32xf32, #tpu.memory_space<hbm>>) target_semaphore(%run_scoped3A : memref<!tpu.dma_semaphore, #tpu.memory_space<semaphore_mem>>)
        %dma_wait3A_202 = arith.constant 256 : i32
        %dma_wait3A_203 = arith.constant 0 : i32
        %dma_wait3A_204 = tpu.memref_slice %arg12[%dma_wait3A_202, %dma_wait3A_203] : memref<640x32xf32, #tpu.memory_space<vmem>> -> memref<128x32xf32, #tpu.memory_space<vmem>>
        %dma_wait3A_205 = arith.constant 0 : i32
        %dma_wait3A_206 = tpu.memref_slice %arg8[%add3A_177, %dma_wait3A_205] : memref<204800x32xf32, #tpu.memory_space<hbm>> -> memref<128x32xf32, #tpu.memory_space<hbm>>
        %dma_wait3A_207 = arith.constant 0 : i32
        %dma_wait3A_208 = tpu.memref_slice %arg8[%add3A_177, %dma_wait3A_207] : memref<204800x32xf32, #tpu.memory_space<hbm>> -> memref<128x32xf32, #tpu.memory_space<hbm>>
        %dma_wait3A_209 = arith.constant 256 : i32
        %dma_wait3A_210 = arith.constant 0 : i32
        %dma_wait3A_211 = tpu.memref_slice %arg12[%dma_wait3A_209, %dma_wait3A_210] : memref<640x32xf32, #tpu.memory_space<vmem>> -> memref<128x32xf32, #tpu.memory_space<vmem>>
        tpu.wait_dma2 semaphore(%run_scoped3A : memref<!tpu.dma_semaphore, #tpu.memory_space<semaphore_mem>>) src(%dma_wait3A_211 : memref<128x32xf32, #tpu.memory_space<vmem>>) dst(%dma_wait3A_208 : memref<128x32xf32, #tpu.memory_space<hbm>>)
        tpu.yield
      }) : () -> ()
      %mul3A_178 = arith.constant 5 : i32
      %mul3A_179 = arith.muli %scan3A_46, %mul3A_178 : i32
      %add3A_180 = arith.constant 3 : i32
      %add3A_181 = arith.addi %mul3A_179, %add3A_180 : i32
      %mul3A_182 = arith.constant 4096 : i32
      %mul3A_183 = arith.muli %add3A_181, %mul3A_182 : i32
      %add3A_184 = arith.addi %mul3A_183, %mul3A_2 : i32
      "tpu.region"() ({
        %run_scoped3A = tpu.sem_alloc : memref<!tpu.dma_semaphore, #tpu.memory_space<semaphore_mem>>
        %dma_start3A_192 = arith.constant 384 : i32
        %dma_start3A_193 = arith.constant 0 : i32
        %dma_start3A_194 = tpu.memref_slice %arg12[%dma_start3A_192, %dma_start3A_193] : memref<640x32xf32, #tpu.memory_space<vmem>> -> memref<128x32xf32, #tpu.memory_space<vmem>>
        %dma_start3A_195 = arith.constant 0 : i32
        %dma_start3A_196 = tpu.memref_slice %arg8[%add3A_184, %dma_start3A_195] : memref<204800x32xf32, #tpu.memory_space<hbm>> -> memref<128x32xf32, #tpu.memory_space<hbm>>
        %dma_start3A_197 = arith.constant 0 : i32
        %dma_start3A_198 = tpu.memref_slice %arg8[%add3A_184, %dma_start3A_197] : memref<204800x32xf32, #tpu.memory_space<hbm>> -> memref<128x32xf32, #tpu.memory_space<hbm>>
        %dma_start3A_199 = arith.constant 384 : i32
        %dma_start3A_200 = arith.constant 0 : i32
        %dma_start3A_201 = tpu.memref_slice %arg12[%dma_start3A_199, %dma_start3A_200] : memref<640x32xf32, #tpu.memory_space<vmem>> -> memref<128x32xf32, #tpu.memory_space<vmem>>
        tpu.enqueue_dma source(%dma_start3A_201 : memref<128x32xf32, #tpu.memory_space<vmem>>) target(%dma_start3A_198 : memref<128x32xf32, #tpu.memory_space<hbm>>) target_semaphore(%run_scoped3A : memref<!tpu.dma_semaphore, #tpu.memory_space<semaphore_mem>>)
        %dma_wait3A_202 = arith.constant 384 : i32
        %dma_wait3A_203 = arith.constant 0 : i32
        %dma_wait3A_204 = tpu.memref_slice %arg12[%dma_wait3A_202, %dma_wait3A_203] : memref<640x32xf32, #tpu.memory_space<vmem>> -> memref<128x32xf32, #tpu.memory_space<vmem>>
        %dma_wait3A_205 = arith.constant 0 : i32
        %dma_wait3A_206 = tpu.memref_slice %arg8[%add3A_184, %dma_wait3A_205] : memref<204800x32xf32, #tpu.memory_space<hbm>> -> memref<128x32xf32, #tpu.memory_space<hbm>>
        %dma_wait3A_207 = arith.constant 0 : i32
        %dma_wait3A_208 = tpu.memref_slice %arg8[%add3A_184, %dma_wait3A_207] : memref<204800x32xf32, #tpu.memory_space<hbm>> -> memref<128x32xf32, #tpu.memory_space<hbm>>
        %dma_wait3A_209 = arith.constant 384 : i32
        %dma_wait3A_210 = arith.constant 0 : i32
        %dma_wait3A_211 = tpu.memref_slice %arg12[%dma_wait3A_209, %dma_wait3A_210] : memref<640x32xf32, #tpu.memory_space<vmem>> -> memref<128x32xf32, #tpu.memory_space<vmem>>
        tpu.wait_dma2 semaphore(%run_scoped3A : memref<!tpu.dma_semaphore, #tpu.memory_space<semaphore_mem>>) src(%dma_wait3A_211 : memref<128x32xf32, #tpu.memory_space<vmem>>) dst(%dma_wait3A_208 : memref<128x32xf32, #tpu.memory_space<hbm>>)
        tpu.yield
      }) : () -> ()
      %mul3A_185 = arith.constant 5 : i32
      %mul3A_186 = arith.muli %scan3A_46, %mul3A_185 : i32
      %add3A_187 = arith.constant 4 : i32
      %add3A_188 = arith.addi %mul3A_186, %add3A_187 : i32
      %mul3A_189 = arith.constant 4096 : i32
      %mul3A_190 = arith.muli %add3A_188, %mul3A_189 : i32
      %add3A_191 = arith.addi %mul3A_190, %mul3A_2 : i32
      "tpu.region"() ({
        %run_scoped3A = tpu.sem_alloc : memref<!tpu.dma_semaphore, #tpu.memory_space<semaphore_mem>>
        %dma_start3A_192 = arith.constant 512 : i32
        %dma_start3A_193 = arith.constant 0 : i32
        %dma_start3A_194 = tpu.memref_slice %arg12[%dma_start3A_192, %dma_start3A_193] : memref<640x32xf32, #tpu.memory_space<vmem>> -> memref<128x32xf32, #tpu.memory_space<vmem>>
        %dma_start3A_195 = arith.constant 0 : i32
        %dma_start3A_196 = tpu.memref_slice %arg8[%add3A_191, %dma_start3A_195] : memref<204800x32xf32, #tpu.memory_space<hbm>> -> memref<128x32xf32, #tpu.memory_space<hbm>>
        %dma_start3A_197 = arith.constant 0 : i32
        %dma_start3A_198 = tpu.memref_slice %arg8[%add3A_191, %dma_start3A_197] : memref<204800x32xf32, #tpu.memory_space<hbm>> -> memref<128x32xf32, #tpu.memory_space<hbm>>
        %dma_start3A_199 = arith.constant 512 : i32
        %dma_start3A_200 = arith.constant 0 : i32
        %dma_start3A_201 = tpu.memref_slice %arg12[%dma_start3A_199, %dma_start3A_200] : memref<640x32xf32, #tpu.memory_space<vmem>> -> memref<128x32xf32, #tpu.memory_space<vmem>>
        tpu.enqueue_dma source(%dma_start3A_201 : memref<128x32xf32, #tpu.memory_space<vmem>>) target(%dma_start3A_198 : memref<128x32xf32, #tpu.memory_space<hbm>>) target_semaphore(%run_scoped3A : memref<!tpu.dma_semaphore, #tpu.memory_space<semaphore_mem>>)
        %dma_wait3A_202 = arith.constant 512 : i32
        %dma_wait3A_203 = arith.constant 0 : i32
        %dma_wait3A_204 = tpu.memref_slice %arg12[%dma_wait3A_202, %dma_wait3A_203] : memref<640x32xf32, #tpu.memory_space<vmem>> -> memref<128x32xf32, #tpu.memory_space<vmem>>
        %dma_wait3A_205 = arith.constant 0 : i32
        %dma_wait3A_206 = tpu.memref_slice %arg8[%add3A_191, %dma_wait3A_205] : memref<204800x32xf32, #tpu.memory_space<hbm>> -> memref<128x32xf32, #tpu.memory_space<hbm>>
        %dma_wait3A_207 = arith.constant 0 : i32
        %dma_wait3A_208 = tpu.memref_slice %arg8[%add3A_191, %dma_wait3A_207] : memref<204800x32xf32, #tpu.memory_space<hbm>> -> memref<128x32xf32, #tpu.memory_space<hbm>>
        %dma_wait3A_209 = arith.constant 512 : i32
        %dma_wait3A_210 = arith.constant 0 : i32
        %dma_wait3A_211 = tpu.memref_slice %arg12[%dma_wait3A_209, %dma_wait3A_210] : memref<640x32xf32, #tpu.memory_space<vmem>> -> memref<128x32xf32, #tpu.memory_space<vmem>>
        tpu.wait_dma2 semaphore(%run_scoped3A : memref<!tpu.dma_semaphore, #tpu.memory_space<semaphore_mem>>) src(%dma_wait3A_211 : memref<128x32xf32, #tpu.memory_space<vmem>>) dst(%dma_wait3A_208 : memref<128x32xf32, #tpu.memory_space<hbm>>)
        tpu.yield
      }) : () -> ()
    }
    %scan3A_7 = arith.constant 10 : i32
    "tpu.region"() ({
      %run_scoped3A = tpu.sem_alloc : memref<!tpu.dma_semaphore, #tpu.memory_space<semaphore_mem>>
      %dma_start3A_46 = arith.constant 0 : i32
      %dma_start3A_47 = arith.constant 0 : i32
      %dma_start3A_48 = tpu.memref_slice %arg3[%add3A, %dma_start3A_46, %dma_start3A_47] : memref<32x1x128xi32, #tpu.memory_space<hbm>> -> memref<1x1x128xi32, #tpu.memory_space<hbm>>
      %dma_start3A_49 = tpu.memref_squeeze %dma_start3A_48 : memref<1x1x128xi32, #tpu.memory_space<hbm>> -> memref<1x128xi32, #tpu.memory_space<hbm>>
      %dma_start3A_50 = arith.constant 0 : i32
      %dma_start3A_51 = arith.constant 0 : i32
      %dma_start3A_52 = tpu.memref_slice %arg3[%add3A, %dma_start3A_50, %dma_start3A_51] : memref<32x1x128xi32, #tpu.memory_space<hbm>> -> memref<1x1x128xi32, #tpu.memory_space<hbm>>
      %dma_start3A_53 = tpu.memref_squeeze %dma_start3A_52 : memref<1x1x128xi32, #tpu.memory_space<hbm>> -> memref<1x128xi32, #tpu.memory_space<hbm>>
      tpu.enqueue_dma source(%dma_start3A_53 : memref<1x128xi32, #tpu.memory_space<hbm>>) target(%arg13 : memref<1x128xi32, #tpu.memory_space<vmem>>) target_semaphore(%run_scoped3A : memref<!tpu.dma_semaphore, #tpu.memory_space<semaphore_mem>>)
      %dma_wait3A_54 = arith.constant 0 : i32
      %dma_wait3A_55 = arith.constant 0 : i32
      %dma_wait3A_56 = tpu.memref_slice %arg3[%add3A, %dma_wait3A_54, %dma_wait3A_55] : memref<32x1x128xi32, #tpu.memory_space<hbm>> -> memref<1x1x128xi32, #tpu.memory_space<hbm>>
      %dma_wait3A_57 = tpu.memref_squeeze %dma_wait3A_56 : memref<1x1x128xi32, #tpu.memory_space<hbm>> -> memref<1x128xi32, #tpu.memory_space<hbm>>
      %dma_wait3A_58 = arith.constant 0 : i32
      %dma_wait3A_59 = arith.constant 0 : i32
      %dma_wait3A_60 = tpu.memref_slice %arg3[%add3A, %dma_wait3A_58, %dma_wait3A_59] : memref<32x1x128xi32, #tpu.memory_space<hbm>> -> memref<1x1x128xi32, #tpu.memory_space<hbm>>
      %dma_wait3A_61 = tpu.memref_squeeze %dma_wait3A_60 : memref<1x1x128xi32, #tpu.memory_space<hbm>> -> memref<1x128xi32, #tpu.memory_space<hbm>>
      tpu.wait_dma2 semaphore(%run_scoped3A : memref<!tpu.dma_semaphore, #tpu.memory_space<semaphore_mem>>) src(%dma_wait3A_61 : memref<1x128xi32, #tpu.memory_space<hbm>>) dst(%arg13 : memref<1x128xi32, #tpu.memory_space<vmem>>)
      tpu.yield
    }) : () -> ()
    %dma_start3A = arith.constant 0 : i32
    %dma_start3A_8 = arith.constant 0 : i32
    %dma_start3A_9 = arith.constant 0 : i32
    %dma_start3A_10 = tpu.memref_slice %arg12[%dma_start3A_8, %dma_start3A_9] : memref<640x32xf32, #tpu.memory_space<vmem>> -> memref<128x32xf32, #tpu.memory_space<vmem>>
    %dma_start3A_11 = arith.constant 0 : i32
    %dma_start3A_12 = tpu.memref_slice %arg13[%dma_start3A, %dma_start3A_11] : memref<1x128xi32, #tpu.memory_space<vmem>> -> memref<1x128xi32, #tpu.memory_space<vmem>>
    %dma_start3A_13 = tpu.memref_squeeze %dma_start3A_12 : memref<1x128xi32, #tpu.memory_space<vmem>> -> memref<128xi32, #tpu.memory_space<vmem>>
    %dma_start3A_14 = arith.constant 0 : i32
    %dma_start3A_15 = arith.constant 0 : i32
    %dma_start3A_16 = tpu.memref_slice %arg5[%dma_start3A_14, %dma_start3A_15] : memref<1000000x32xf32, #tpu.memory_space<hbm>> -> memref<1000000x32xf32, #tpu.memory_space<hbm>>
    tpu.enqueue_indirect_dma source(%dma_start3A_16 : memref<1000000x32xf32, #tpu.memory_space<hbm>>) target(%dma_start3A_10 : memref<128x32xf32, #tpu.memory_space<vmem>>) offsets(%dma_start3A_13 : memref<128xi32, #tpu.memory_space<vmem>>) semaphore(%arg15 : memref<!tpu.dma_semaphore, #tpu.memory_space<semaphore_mem>>)
    %dma_wait3A = arith.constant 0 : i32
    %dma_wait3A_17 = arith.constant 0 : i32
    %dma_wait3A_18 = arith.constant 0 : i32
    %dma_wait3A_19 = tpu.memref_slice %arg12[%dma_wait3A_17, %dma_wait3A_18] : memref<640x32xf32, #tpu.memory_space<vmem>> -> memref<128x32xf32, #tpu.memory_space<vmem>>
    %dma_wait3A_20 = arith.constant 0 : i32
    %dma_wait3A_21 = tpu.memref_slice %arg13[%dma_wait3A, %dma_wait3A_20] : memref<1x128xi32, #tpu.memory_space<vmem>> -> memref<1x128xi32, #tpu.memory_space<vmem>>
    %dma_wait3A_22 = tpu.memref_squeeze %dma_wait3A_21 : memref<1x128xi32, #tpu.memory_space<vmem>> -> memref<128xi32, #tpu.memory_space<vmem>>
    %dma_wait3A_23 = arith.constant 0 : i32
    %dma_wait3A_24 = arith.constant 0 : i32
    %dma_wait3A_25 = tpu.memref_slice %arg5[%dma_wait3A_23, %dma_wait3A_24] : memref<1000000x32xf32, #tpu.memory_space<hbm>> -> memref<1000000x32xf32, #tpu.memory_space<hbm>>
    tpu.wait_indirect_dma semaphore(%arg15 : memref<!tpu.dma_semaphore, #tpu.memory_space<semaphore_mem>>) src(%dma_wait3A_25 : memref<1000000x32xf32, #tpu.memory_space<hbm>>) dst(%dma_wait3A_19 : memref<128x32xf32, #tpu.memory_space<vmem>>)
    "tpu.region"() ({
      %run_scoped3A = tpu.sem_alloc : memref<!tpu.dma_semaphore, #tpu.memory_space<semaphore_mem>>
      %dma_start3A_46 = arith.constant 0 : i32
      %dma_start3A_47 = arith.constant 0 : i32
      %dma_start3A_48 = tpu.memref_slice %arg12[%dma_start3A_46, %dma_start3A_47] : memref<640x32xf32, #tpu.memory_space<vmem>> -> memref<128x32xf32, #tpu.memory_space<vmem>>
      %dma_start3A_49 = arith.constant 0 : i32
      %dma_start3A_50 = tpu.memref_slice %arg9[%mul3A_2, %dma_start3A_49] : memref<4096x32xf32, #tpu.memory_space<hbm>> -> memref<128x32xf32, #tpu.memory_space<hbm>>
      %dma_start3A_51 = arith.constant 0 : i32
      %dma_start3A_52 = tpu.memref_slice %arg9[%mul3A_2, %dma_start3A_51] : memref<4096x32xf32, #tpu.memory_space<hbm>> -> memref<128x32xf32, #tpu.memory_space<hbm>>
      %dma_start3A_53 = arith.constant 0 : i32
      %dma_start3A_54 = arith.constant 0 : i32
      %dma_start3A_55 = tpu.memref_slice %arg12[%dma_start3A_53, %dma_start3A_54] : memref<640x32xf32, #tpu.memory_space<vmem>> -> memref<128x32xf32, #tpu.memory_space<vmem>>
      tpu.enqueue_dma source(%dma_start3A_55 : memref<128x32xf32, #tpu.memory_space<vmem>>) target(%dma_start3A_52 : memref<128x32xf32, #tpu.memory_space<hbm>>) target_semaphore(%run_scoped3A : memref<!tpu.dma_semaphore, #tpu.memory_space<semaphore_mem>>)
      %dma_wait3A_56 = arith.constant 0 : i32
      %dma_wait3A_57 = arith.constant 0 : i32
      %dma_wait3A_58 = tpu.memref_slice %arg12[%dma_wait3A_56, %dma_wait3A_57] : memref<640x32xf32, #tpu.memory_space<vmem>> -> memref<128x32xf32, #tpu.memory_space<vmem>>
      %dma_wait3A_59 = arith.constant 0 : i32
      %dma_wait3A_60 = tpu.memref_slice %arg9[%mul3A_2, %dma_wait3A_59] : memref<4096x32xf32, #tpu.memory_space<hbm>> -> memref<128x32xf32, #tpu.memory_space<hbm>>
      %dma_wait3A_61 = arith.constant 0 : i32
      %dma_wait3A_62 = tpu.memref_slice %arg9[%mul3A_2, %dma_wait3A_61] : memref<4096x32xf32, #tpu.memory_space<hbm>> -> memref<128x32xf32, #tpu.memory_space<hbm>>
      %dma_wait3A_63 = arith.constant 0 : i32
      %dma_wait3A_64 = arith.constant 0 : i32
      %dma_wait3A_65 = tpu.memref_slice %arg12[%dma_wait3A_63, %dma_wait3A_64] : memref<640x32xf32, #tpu.memory_space<vmem>> -> memref<128x32xf32, #tpu.memory_space<vmem>>
      tpu.wait_dma2 semaphore(%run_scoped3A : memref<!tpu.dma_semaphore, #tpu.memory_space<semaphore_mem>>) src(%dma_wait3A_65 : memref<128x32xf32, #tpu.memory_space<vmem>>) dst(%dma_wait3A_62 : memref<128x32xf32, #tpu.memory_space<hbm>>)
      tpu.yield
    }) : () -> ()
    "tpu.region"() ({
      %run_scoped3A = tpu.sem_alloc : memref<!tpu.dma_semaphore, #tpu.memory_space<semaphore_mem>>
      %dma_start3A_46 = arith.constant 0 : i32
      %dma_start3A_47 = arith.constant 0 : i32
      %dma_start3A_48 = tpu.memref_slice %arg4[%add3A, %dma_start3A_46, %dma_start3A_47] : memref<32x1x128xi32, #tpu.memory_space<hbm>> -> memref<1x1x128xi32, #tpu.memory_space<hbm>>
      %dma_start3A_49 = tpu.memref_squeeze %dma_start3A_48 : memref<1x1x128xi32, #tpu.memory_space<hbm>> -> memref<1x128xi32, #tpu.memory_space<hbm>>
      %dma_start3A_50 = arith.constant 0 : i32
      %dma_start3A_51 = arith.constant 0 : i32
      %dma_start3A_52 = tpu.memref_slice %arg4[%add3A, %dma_start3A_50, %dma_start3A_51] : memref<32x1x128xi32, #tpu.memory_space<hbm>> -> memref<1x1x128xi32, #tpu.memory_space<hbm>>
      %dma_start3A_53 = tpu.memref_squeeze %dma_start3A_52 : memref<1x1x128xi32, #tpu.memory_space<hbm>> -> memref<1x128xi32, #tpu.memory_space<hbm>>
      tpu.enqueue_dma source(%dma_start3A_53 : memref<1x128xi32, #tpu.memory_space<hbm>>) target(%arg14 : memref<1x128xi32, #tpu.memory_space<vmem>>) target_semaphore(%run_scoped3A : memref<!tpu.dma_semaphore, #tpu.memory_space<semaphore_mem>>)
      %dma_wait3A_54 = arith.constant 0 : i32
      %dma_wait3A_55 = arith.constant 0 : i32
      %dma_wait3A_56 = tpu.memref_slice %arg4[%add3A, %dma_wait3A_54, %dma_wait3A_55] : memref<32x1x128xi32, #tpu.memory_space<hbm>> -> memref<1x1x128xi32, #tpu.memory_space<hbm>>
      %dma_wait3A_57 = tpu.memref_squeeze %dma_wait3A_56 : memref<1x1x128xi32, #tpu.memory_space<hbm>> -> memref<1x128xi32, #tpu.memory_space<hbm>>
      %dma_wait3A_58 = arith.constant 0 : i32
      %dma_wait3A_59 = arith.constant 0 : i32
      %dma_wait3A_60 = tpu.memref_slice %arg4[%add3A, %dma_wait3A_58, %dma_wait3A_59] : memref<32x1x128xi32, #tpu.memory_space<hbm>> -> memref<1x1x128xi32, #tpu.memory_space<hbm>>
      %dma_wait3A_61 = tpu.memref_squeeze %dma_wait3A_60 : memref<1x1x128xi32, #tpu.memory_space<hbm>> -> memref<1x128xi32, #tpu.memory_space<hbm>>
      tpu.wait_dma2 semaphore(%run_scoped3A : memref<!tpu.dma_semaphore, #tpu.memory_space<semaphore_mem>>) src(%dma_wait3A_61 : memref<1x128xi32, #tpu.memory_space<hbm>>) dst(%arg14 : memref<1x128xi32, #tpu.memory_space<vmem>>)
      tpu.yield
    }) : () -> ()
    %dma_start3A_26 = arith.constant 0 : i32
    %dma_start3A_27 = arith.constant 0 : i32
    %dma_start3A_28 = arith.constant 0 : i32
    %dma_start3A_29 = tpu.memref_slice %arg12[%dma_start3A_27, %dma_start3A_28] : memref<640x32xf32, #tpu.memory_space<vmem>> -> memref<128x32xf32, #tpu.memory_space<vmem>>
    %dma_start3A_30 = arith.constant 0 : i32
    %dma_start3A_31 = tpu.memref_slice %arg14[%dma_start3A_26, %dma_start3A_30] : memref<1x128xi32, #tpu.memory_space<vmem>> -> memref<1x128xi32, #tpu.memory_space<vmem>>
    %dma_start3A_32 = tpu.memref_squeeze %dma_start3A_31 : memref<1x128xi32, #tpu.memory_space<vmem>> -> memref<128xi32, #tpu.memory_space<vmem>>
    %dma_start3A_33 = arith.constant 0 : i32
    %dma_start3A_34 = arith.constant 0 : i32
    %dma_start3A_35 = tpu.memref_slice %arg7[%dma_start3A_33, %dma_start3A_34] : memref<1000001x32xf32, #tpu.memory_space<hbm>> -> memref<1000001x32xf32, #tpu.memory_space<hbm>>
    tpu.enqueue_indirect_dma source(%dma_start3A_35 : memref<1000001x32xf32, #tpu.memory_space<hbm>>) target(%dma_start3A_29 : memref<128x32xf32, #tpu.memory_space<vmem>>) offsets(%dma_start3A_32 : memref<128xi32, #tpu.memory_space<vmem>>) semaphore(%arg15 : memref<!tpu.dma_semaphore, #tpu.memory_space<semaphore_mem>>)
    %dma_wait3A_36 = arith.constant 0 : i32
    %dma_wait3A_37 = arith.constant 0 : i32
    %dma_wait3A_38 = arith.constant 0 : i32
    %dma_wait3A_39 = tpu.memref_slice %arg12[%dma_wait3A_37, %dma_wait3A_38] : memref<640x32xf32, #tpu.memory_space<vmem>> -> memref<128x32xf32, #tpu.memory_space<vmem>>
    %dma_wait3A_40 = arith.constant 0 : i32
    %dma_wait3A_41 = tpu.memref_slice %arg14[%dma_wait3A_36, %dma_wait3A_40] : memref<1x128xi32, #tpu.memory_space<vmem>> -> memref<1x128xi32, #tpu.memory_space<vmem>>
    %dma_wait3A_42 = tpu.memref_squeeze %dma_wait3A_41 : memref<1x128xi32, #tpu.memory_space<vmem>> -> memref<128xi32, #tpu.memory_space<vmem>>
    %dma_wait3A_43 = arith.constant 0 : i32
    %dma_wait3A_44 = arith.constant 0 : i32
    %dma_wait3A_45 = tpu.memref_slice %arg7[%dma_wait3A_43, %dma_wait3A_44] : memref<1000001x32xf32, #tpu.memory_space<hbm>> -> memref<1000001x32xf32, #tpu.memory_space<hbm>>
    tpu.wait_indirect_dma semaphore(%arg15 : memref<!tpu.dma_semaphore, #tpu.memory_space<semaphore_mem>>) src(%dma_wait3A_45 : memref<1000001x32xf32, #tpu.memory_space<hbm>>) dst(%dma_wait3A_39 : memref<128x32xf32, #tpu.memory_space<vmem>>)
    "tpu.region"() ({
      %run_scoped3A = tpu.sem_alloc : memref<!tpu.dma_semaphore, #tpu.memory_space<semaphore_mem>>
      %dma_start3A_46 = arith.constant 0 : i32
      %dma_start3A_47 = arith.constant 0 : i32
      %dma_start3A_48 = tpu.memref_slice %arg12[%dma_start3A_46, %dma_start3A_47] : memref<640x32xf32, #tpu.memory_space<vmem>> -> memref<128x32xf32, #tpu.memory_space<vmem>>
      %dma_start3A_49 = arith.constant 0 : i32
      %dma_start3A_50 = tpu.memref_slice %arg10[%mul3A_2, %dma_start3A_49] : memref<4096x32xf32, #tpu.memory_space<hbm>> -> memref<128x32xf32, #tpu.memory_space<hbm>>
      %dma_start3A_51 = arith.constant 0 : i32
      %dma_start3A_52 = tpu.memref_slice %arg10[%mul3A_2, %dma_start3A_51] : memref<4096x32xf32, #tpu.memory_space<hbm>> -> memref<128x32xf32, #tpu.memory_space<hbm>>
      %dma_start3A_53 = arith.constant 0 : i32
      %dma_start3A_54 = arith.constant 0 : i32
      %dma_start3A_55 = tpu.memref_slice %arg12[%dma_start3A_53, %dma_start3A_54] : memref<640x32xf32, #tpu.memory_space<vmem>> -> memref<128x32xf32, #tpu.memory_space<vmem>>
      tpu.enqueue_dma source(%dma_start3A_55 : memref<128x32xf32, #tpu.memory_space<vmem>>) target(%dma_start3A_52 : memref<128x32xf32, #tpu.memory_space<hbm>>) target_semaphore(%run_scoped3A : memref<!tpu.dma_semaphore, #tpu.memory_space<semaphore_mem>>)
      %dma_wait3A_56 = arith.constant 0 : i32
      %dma_wait3A_57 = arith.constant 0 : i32
      %dma_wait3A_58 = tpu.memref_slice %arg12[%dma_wait3A_56, %dma_wait3A_57] : memref<640x32xf32, #tpu.memory_space<vmem>> -> memref<128x32xf32, #tpu.memory_space<vmem>>
      %dma_wait3A_59 = arith.constant 0 : i32
      %dma_wait3A_60 = tpu.memref_slice %arg10[%mul3A_2, %dma_wait3A_59] : memref<4096x32xf32, #tpu.memory_space<hbm>> -> memref<128x32xf32, #tpu.memory_space<hbm>>
      %dma_wait3A_61 = arith.constant 0 : i32
      %dma_wait3A_62 = tpu.memref_slice %arg10[%mul3A_2, %dma_wait3A_61] : memref<4096x32xf32, #tpu.memory_space<hbm>> -> memref<128x32xf32, #tpu.memory_space<hbm>>
      %dma_wait3A_63 = arith.constant 0 : i32
      %dma_wait3A_64 = arith.constant 0 : i32
      %dma_wait3A_65 = tpu.memref_slice %arg12[%dma_wait3A_63, %dma_wait3A_64] : memref<640x32xf32, #tpu.memory_space<vmem>> -> memref<128x32xf32, #tpu.memory_space<vmem>>
      tpu.wait_dma2 semaphore(%run_scoped3A : memref<!tpu.dma_semaphore, #tpu.memory_space<semaphore_mem>>) src(%dma_wait3A_65 : memref<128x32xf32, #tpu.memory_space<vmem>>) dst(%dma_wait3A_62 : memref<128x32xf32, #tpu.memory_space<hbm>>)
      tpu.yield
    }) : () -> ()
    return
  }
}

#map = affine_map<(d0, d1) -> (0, 0, 0)>
#map1 = affine_map<(d0, d1) -> (0, 0)>
module attributes {stable_mosaic.version = 14 : i64} {
  func.func @body(%arg0: i32, %arg1: i32, %arg2: memref<32x50x128xi32, #tpu.memory_space<hbm>>, %arg3: memref<32x1x128xi32, #tpu.memory_space<hbm>>, %arg4: memref<32x1x128xi32, #tpu.memory_space<hbm>>, %arg5: memref<1000000x32xf32, #tpu.memory_space<hbm>>, %arg6: memref<1000001x32xf32, #tpu.memory_space<hbm>>, %arg7: memref<1000001x32xf32, #tpu.memory_space<hbm>>, %arg8: memref<204800x32xf32, #tpu.memory_space<hbm>>, %arg9: memref<4096x32xf32, #tpu.memory_space<hbm>>, %arg10: memref<4096x32xf32, #tpu.memory_space<hbm>>, %arg11: memref<50x128xi32, #tpu.memory_space<vmem>>, %arg12: memref<640x32xf32, #tpu.memory_space<vmem>>, %arg13: memref<1x128xi32, #tpu.memory_space<vmem>>, %arg14: memref<1x128xi32, #tpu.memory_space<vmem>>, %arg15: memref<!tpu.dma_semaphore, #tpu.memory_space<semaphore_mem>>) attributes {dimension_semantics = [#tpu.dimension_semantics<core_parallel>, #tpu.dimension_semantics<subcore_parallel>], iteration_bounds = array<i64: 2, 16>, scalar_prefetch = 0 : i64, scratch_operands = 5 : i64, tpu.core_type = #tpu.core_type<sc_vector_subcore>, window_params = [{transform_indices = #map}, {transform_indices = #map}, {transform_indices = #map}, {transform_indices = #map1}, {transform_indices = #map1}, {transform_indices = #map1}, {transform_indices = #map1}, {transform_indices = #map1}, {transform_indices = #map1}]} {
    %mul3A = arith.constant 2 : i32
    %mul3A_0 = arith.muli %arg1, %mul3A : i32
    %add3A = arith.addi %mul3A_0, %arg0 : i32
    "tpu.region"() ({
      %run_scoped3A = tpu.sem_alloc : memref<!tpu.dma_semaphore, #tpu.memory_space<semaphore_mem>>
      %dma_start3A_46 = arith.constant 0 : i32
      %dma_start3A_47 = arith.constant 0 : i32
      %dma_start3A_48 = tpu.memref_slice %arg2[%add3A, %dma_start3A_46, %dma_start3A_47] : memref<32x50x128xi32, #tpu.memory_space<hbm>> -> memref<1x50x128xi32, #tpu.memory_space<hbm>>
      %dma_start3A_49 = tpu.memref_squeeze %dma_start3A_48 : memref<1x50x128xi32, #tpu.memory_space<hbm>> -> memref<50x128xi32, #tpu.memory_space<hbm>>
      %dma_start3A_50 = arith.constant 0 : i32
      %dma_start3A_51 = arith.constant 0 : i32
      %dma_start3A_52 = tpu.memref_slice %arg2[%add3A, %dma_start3A_50, %dma_start3A_51] : memref<32x50x128xi32, #tpu.memory_space<hbm>> -> memref<1x50x128xi32, #tpu.memory_space<hbm>>
      %dma_start3A_53 = tpu.memref_squeeze %dma_start3A_52 : memref<1x50x128xi32, #tpu.memory_space<hbm>> -> memref<50x128xi32, #tpu.memory_space<hbm>>
      tpu.enqueue_dma source(%dma_start3A_53 : memref<50x128xi32, #tpu.memory_space<hbm>>) target(%arg11 : memref<50x128xi32, #tpu.memory_space<vmem>>) target_semaphore(%run_scoped3A : memref<!tpu.dma_semaphore, #tpu.memory_space<semaphore_mem>>)
      %dma_wait3A_54 = arith.constant 0 : i32
      %dma_wait3A_55 = arith.constant 0 : i32
      %dma_wait3A_56 = tpu.memref_slice %arg2[%add3A, %dma_wait3A_54, %dma_wait3A_55] : memref<32x50x128xi32, #tpu.memory_space<hbm>> -> memref<1x50x128xi32, #tpu.memory_space<hbm>>
      %dma_wait3A_57 = tpu.memref_squeeze %dma_wait3A_56 : memref<1x50x128xi32, #tpu.memory_space<hbm>> -> memref<50x128xi32, #tpu.memory_space<hbm>>
      %dma_wait3A_58 = arith.constant 0 : i32
      %dma_wait3A_59 = arith.constant 0 : i32
      %dma_wait3A_60 = tpu.memref_slice %arg2[%add3A, %dma_wait3A_58, %dma_wait3A_59] : memref<32x50x128xi32, #tpu.memory_space<hbm>> -> memref<1x50x128xi32, #tpu.memory_space<hbm>>
      %dma_wait3A_61 = tpu.memref_squeeze %dma_wait3A_60 : memref<1x50x128xi32, #tpu.memory_space<hbm>> -> memref<50x128xi32, #tpu.memory_space<hbm>>
      tpu.wait_dma2 semaphore(%run_scoped3A : memref<!tpu.dma_semaphore, #tpu.memory_space<semaphore_mem>>) src(%dma_wait3A_61 : memref<50x128xi32, #tpu.memory_space<hbm>>) dst(%arg11 : memref<50x128xi32, #tpu.memory_space<vmem>>)
      tpu.yield
    }) : () -> ()
    %mul3A_1 = arith.constant 128 : i32
    %mul3A_2 = arith.muli %add3A, %mul3A_1 : i32
    %scan3A = arith.constant 0 : i32
    %scan3A_3 = arith.constant 0 : i32
    %scan3A_4 = arith.constant 10 : i32
    %scan3A_5 = arith.addi %scan3A_3, %scan3A_4 : i32
    %scan3A_6 = arith.constant 1 : i32
    scf.for %scan3A_46 = %scan3A_3 to %scan3A_5 step %scan3A_6  : i32 {
      %mul3A_47 = arith.constant 5 : i32
      %mul3A_48 = arith.muli %scan3A_46, %mul3A_47 : i32
      %add3A_49 = arith.constant 0 : i32
      %add3A_50 = arith.addi %mul3A_48, %add3A_49 : i32
      %dma_start3A_51 = arith.constant 0 : i32
      %dma_start3A_52 = arith.constant 0 : i32
      %dma_start3A_53 = tpu.memref_slice %arg12[%dma_start3A_51, %dma_start3A_52] : memref<640x32xf32, #tpu.memory_space<vmem>> -> memref<128x32xf32, #tpu.memory_space<vmem>>
      %dma_start3A_54 = arith.constant 0 : i32
      %dma_start3A_55 = tpu.memref_slice %arg11[%add3A_50, %dma_start3A_54] : memref<50x128xi32, #tpu.memory_space<vmem>> -> memref<1x128xi32, #tpu.memory_space<vmem>>
      %dma_start3A_56 = tpu.memref_squeeze %dma_start3A_55 : memref<1x128xi32, #tpu.memory_space<vmem>> -> memref<128xi32, #tpu.memory_space<vmem>>
      %dma_start3A_57 = arith.constant 0 : i32
      %dma_start3A_58 = arith.constant 0 : i32
      %dma_start3A_59 = tpu.memref_slice %arg6[%dma_start3A_57, %dma_start3A_58] : memref<1000001x32xf32, #tpu.memory_space<hbm>> -> memref<1000001x32xf32, #tpu.memory_space<hbm>>
      tpu.enqueue_indirect_dma source(%dma_start3A_59 : memref<1000001x32xf32, #tpu.memory_space<hbm>>) target(%dma_start3A_53 : memref<128x32xf32, #tpu.memory_space<vmem>>) offsets(%dma_start3A_56 : memref<128xi32, #tpu.memory_space<vmem>>) semaphore(%arg15 : memref<!tpu.dma_semaphore, #tpu.memory_space<semaphore_mem>>)
      %mul3A_60 = arith.constant 5 : i32
      %mul3A_61 = arith.muli %scan3A_46, %mul3A_60 : i32
      %add3A_62 = arith.constant 1 : i32
      %add3A_63 = arith.addi %mul3A_61, %add3A_62 : i32
      %dma_start3A_64 = arith.constant 128 : i32
      %dma_start3A_65 = arith.constant 0 : i32
      %dma_start3A_66 = tpu.memref_slice %arg12[%dma_start3A_64, %dma_start3A_65] : memref<640x32xf32, #tpu.memory_space<vmem>> -> memref<128x32xf32, #tpu.memory_space<vmem>>
      %dma_start3A_67 = arith.constant 0 : i32
      %dma_start3A_68 = tpu.memref_slice %arg11[%add3A_63, %dma_start3A_67] : memref<50x128xi32, #tpu.memory_space<vmem>> -> memref<1x128xi32, #tpu.memory_space<vmem>>
      %dma_start3A_69 = tpu.memref_squeeze %dma_start3A_68 : memref<1x128xi32, #tpu.memory_space<vmem>> -> memref<128xi32, #tpu.memory_space<vmem>>
      %dma_start3A_70 = arith.constant 0 : i32
      %dma_start3A_71 = arith.constant 0 : i32
      %dma_start3A_72 = tpu.memref_slice %arg6[%dma_start3A_70, %dma_start3A_71] : memref<1000001x32xf32, #tpu.memory_space<hbm>> -> memref<1000001x32xf32, #tpu.memory_space<hbm>>
      tpu.enqueue_indirect_dma source(%dma_start3A_72 : memref<1000001x32xf32, #tpu.memory_space<hbm>>) target(%dma_start3A_66 : memref<128x32xf32, #tpu.memory_space<vmem>>) offsets(%dma_start3A_69 : memref<128xi32, #tpu.memory_space<vmem>>) semaphore(%arg15 : memref<!tpu.dma_semaphore, #tpu.memory_space<semaphore_mem>>)
      %mul3A_73 = arith.constant 5 : i32
      %mul3A_74 = arith.muli %scan3A_46, %mul3A_73 : i32
      %add3A_75 = arith.constant 2 : i32
      %add3A_76 = arith.addi %mul3A_74, %add3A_75 : i32
      %dma_start3A_77 = arith.constant 256 : i32
      %dma_start3A_78 = arith.constant 0 : i32
      %dma_start3A_79 = tpu.memref_slice %arg12[%dma_start3A_77, %dma_start3A_78] : memref<640x32xf32, #tpu.memory_space<vmem>> -> memref<128x32xf32, #tpu.memory_space<vmem>>
      %dma_start3A_80 = arith.constant 0 : i32
      %dma_start3A_81 = tpu.memref_slice %arg11[%add3A_76, %dma_start3A_80] : memref<50x128xi32, #tpu.memory_space<vmem>> -> memref<1x128xi32, #tpu.memory_space<vmem>>
      %dma_start3A_82 = tpu.memref_squeeze %dma_start3A_81 : memref<1x128xi32, #tpu.memory_space<vmem>> -> memref<128xi32, #tpu.memory_space<vmem>>
      %dma_start3A_83 = arith.constant 0 : i32
      %dma_start3A_84 = arith.constant 0 : i32
      %dma_start3A_85 = tpu.memref_slice %arg6[%dma_start3A_83, %dma_start3A_84] : memref<1000001x32xf32, #tpu.memory_space<hbm>> -> memref<1000001x32xf32, #tpu.memory_space<hbm>>
      tpu.enqueue_indirect_dma source(%dma_start3A_85 : memref<1000001x32xf32, #tpu.memory_space<hbm>>) target(%dma_start3A_79 : memref<128x32xf32, #tpu.memory_space<vmem>>) offsets(%dma_start3A_82 : memref<128xi32, #tpu.memory_space<vmem>>) semaphore(%arg15 : memref<!tpu.dma_semaphore, #tpu.memory_space<semaphore_mem>>)
      %mul3A_86 = arith.constant 5 : i32
      %mul3A_87 = arith.muli %scan3A_46, %mul3A_86 : i32
      %add3A_88 = arith.constant 3 : i32
      %add3A_89 = arith.addi %mul3A_87, %add3A_88 : i32
      %dma_start3A_90 = arith.constant 384 : i32
      %dma_start3A_91 = arith.constant 0 : i32
      %dma_start3A_92 = tpu.memref_slice %arg12[%dma_start3A_90, %dma_start3A_91] : memref<640x32xf32, #tpu.memory_space<vmem>> -> memref<128x32xf32, #tpu.memory_space<vmem>>
      %dma_start3A_93 = arith.constant 0 : i32
      %dma_start3A_94 = tpu.memref_slice %arg11[%add3A_89, %dma_start3A_93] : memref<50x128xi32, #tpu.memory_space<vmem>> -> memref<1x128xi32, #tpu.memory_space<vmem>>
      %dma_start3A_95 = tpu.memref_squeeze %dma_start3A_94 : memref<1x128xi32, #tpu.memory_space<vmem>> -> memref<128xi32, #tpu.memory_space<vmem>>
      %dma_start3A_96 = arith.constant 0 : i32
      %dma_start3A_97 = arith.constant 0 : i32
      %dma_start3A_98 = tpu.memref_slice %arg6[%dma_start3A_96, %dma_start3A_97] : memref<1000001x32xf32, #tpu.memory_space<hbm>> -> memref<1000001x32xf32, #tpu.memory_space<hbm>>
      tpu.enqueue_indirect_dma source(%dma_start3A_98 : memref<1000001x32xf32, #tpu.memory_space<hbm>>) target(%dma_start3A_92 : memref<128x32xf32, #tpu.memory_space<vmem>>) offsets(%dma_start3A_95 : memref<128xi32, #tpu.memory_space<vmem>>) semaphore(%arg15 : memref<!tpu.dma_semaphore, #tpu.memory_space<semaphore_mem>>)
      %mul3A_99 = arith.constant 5 : i32
      %mul3A_100 = arith.muli %scan3A_46, %mul3A_99 : i32
      %add3A_101 = arith.constant 4 : i32
      %add3A_102 = arith.addi %mul3A_100, %add3A_101 : i32
      %dma_start3A_103 = arith.constant 512 : i32
      %dma_start3A_104 = arith.constant 0 : i32
      %dma_start3A_105 = tpu.memref_slice %arg12[%dma_start3A_103, %dma_start3A_104] : memref<640x32xf32, #tpu.memory_space<vmem>> -> memref<128x32xf32, #tpu.memory_space<vmem>>
      %dma_start3A_106 = arith.constant 0 : i32
      %dma_start3A_107 = tpu.memref_slice %arg11[%add3A_102, %dma_start3A_106] : memref<50x128xi32, #tpu.memory_space<vmem>> -> memref<1x128xi32, #tpu.memory_space<vmem>>
      %dma_start3A_108 = tpu.memref_squeeze %dma_start3A_107 : memref<1x128xi32, #tpu.memory_space<vmem>> -> memref<128xi32, #tpu.memory_space<vmem>>
      %dma_start3A_109 = arith.constant 0 : i32
      %dma_start3A_110 = arith.constant 0 : i32
      %dma_start3A_111 = tpu.memref_slice %arg6[%dma_start3A_109, %dma_start3A_110] : memref<1000001x32xf32, #tpu.memory_space<hbm>> -> memref<1000001x32xf32, #tpu.memory_space<hbm>>
      tpu.enqueue_indirect_dma source(%dma_start3A_111 : memref<1000001x32xf32, #tpu.memory_space<hbm>>) target(%dma_start3A_105 : memref<128x32xf32, #tpu.memory_space<vmem>>) offsets(%dma_start3A_108 : memref<128xi32, #tpu.memory_space<vmem>>) semaphore(%arg15 : memref<!tpu.dma_semaphore, #tpu.memory_space<semaphore_mem>>)
      %dma_wait3A_112 = arith.constant 0 : i32
      %dma_wait3A_113 = arith.constant 0 : i32
      %dma_wait3A_114 = tpu.memref_slice %arg12[%dma_wait3A_112, %dma_wait3A_113] : memref<640x32xf32, #tpu.memory_space<vmem>> -> memref<128x32xf32, #tpu.memory_space<vmem>>
      %dma_wait3A_115 = arith.constant 0 : i32
      %dma_wait3A_116 = tpu.memref_slice %arg11[%add3A_50, %dma_wait3A_115] : memref<50x128xi32, #tpu.memory_space<vmem>> -> memref<1x128xi32, #tpu.memory_space<vmem>>
      %dma_wait3A_117 = tpu.memref_squeeze %dma_wait3A_116 : memref<1x128xi32, #tpu.memory_space<vmem>> -> memref<128xi32, #tpu.memory_space<vmem>>
      %dma_wait3A_118 = arith.constant 0 : i32
      %dma_wait3A_119 = arith.constant 0 : i32
      %dma_wait3A_120 = tpu.memref_slice %arg6[%dma_wait3A_118, %dma_wait3A_119] : memref<1000001x32xf32, #tpu.memory_space<hbm>> -> memref<1000001x32xf32, #tpu.memory_space<hbm>>
      tpu.wait_indirect_dma semaphore(%arg15 : memref<!tpu.dma_semaphore, #tpu.memory_space<semaphore_mem>>) src(%dma_wait3A_120 : memref<1000001x32xf32, #tpu.memory_space<hbm>>) dst(%dma_wait3A_114 : memref<128x32xf32, #tpu.memory_space<vmem>>)
      %dma_wait3A_121 = arith.constant 128 : i32
      %dma_wait3A_122 = arith.constant 0 : i32
      %dma_wait3A_123 = tpu.memref_slice %arg12[%dma_wait3A_121, %dma_wait3A_122] : memref<640x32xf32, #tpu.memory_space<vmem>> -> memref<128x32xf32, #tpu.memory_space<vmem>>
      %dma_wait3A_124 = arith.constant 0 : i32
      %dma_wait3A_125 = tpu.memref_slice %arg11[%add3A_63, %dma_wait3A_124] : memref<50x128xi32, #tpu.memory_space<vmem>> -> memref<1x128xi32, #tpu.memory_space<vmem>>
      %dma_wait3A_126 = tpu.memref_squeeze %dma_wait3A_125 : memref<1x128xi32, #tpu.memory_space<vmem>> -> memref<128xi32, #tpu.memory_space<vmem>>
      %dma_wait3A_127 = arith.constant 0 : i32
      %dma_wait3A_128 = arith.constant 0 : i32
      %dma_wait3A_129 = tpu.memref_slice %arg6[%dma_wait3A_127, %dma_wait3A_128] : memref<1000001x32xf32, #tpu.memory_space<hbm>> -> memref<1000001x32xf32, #tpu.memory_space<hbm>>
      tpu.wait_indirect_dma semaphore(%arg15 : memref<!tpu.dma_semaphore, #tpu.memory_space<semaphore_mem>>) src(%dma_wait3A_129 : memref<1000001x32xf32, #tpu.memory_space<hbm>>) dst(%dma_wait3A_123 : memref<128x32xf32, #tpu.memory_space<vmem>>)
      %dma_wait3A_130 = arith.constant 256 : i32
      %dma_wait3A_131 = arith.constant 0 : i32
      %dma_wait3A_132 = tpu.memref_slice %arg12[%dma_wait3A_130, %dma_wait3A_131] : memref<640x32xf32, #tpu.memory_space<vmem>> -> memref<128x32xf32, #tpu.memory_space<vmem>>
      %dma_wait3A_133 = arith.constant 0 : i32
      %dma_wait3A_134 = tpu.memref_slice %arg11[%add3A_76, %dma_wait3A_133] : memref<50x128xi32, #tpu.memory_space<vmem>> -> memref<1x128xi32, #tpu.memory_space<vmem>>
      %dma_wait3A_135 = tpu.memref_squeeze %dma_wait3A_134 : memref<1x128xi32, #tpu.memory_space<vmem>> -> memref<128xi32, #tpu.memory_space<vmem>>
      %dma_wait3A_136 = arith.constant 0 : i32
      %dma_wait3A_137 = arith.constant 0 : i32
      %dma_wait3A_138 = tpu.memref_slice %arg6[%dma_wait3A_136, %dma_wait3A_137] : memref<1000001x32xf32, #tpu.memory_space<hbm>> -> memref<1000001x32xf32, #tpu.memory_space<hbm>>
      tpu.wait_indirect_dma semaphore(%arg15 : memref<!tpu.dma_semaphore, #tpu.memory_space<semaphore_mem>>) src(%dma_wait3A_138 : memref<1000001x32xf32, #tpu.memory_space<hbm>>) dst(%dma_wait3A_132 : memref<128x32xf32, #tpu.memory_space<vmem>>)
      %dma_wait3A_139 = arith.constant 384 : i32
      %dma_wait3A_140 = arith.constant 0 : i32
      %dma_wait3A_141 = tpu.memref_slice %arg12[%dma_wait3A_139, %dma_wait3A_140] : memref<640x32xf32, #tpu.memory_space<vmem>> -> memref<128x32xf32, #tpu.memory_space<vmem>>
      %dma_wait3A_142 = arith.constant 0 : i32
      %dma_wait3A_143 = tpu.memref_slice %arg11[%add3A_89, %dma_wait3A_142] : memref<50x128xi32, #tpu.memory_space<vmem>> -> memref<1x128xi32, #tpu.memory_space<vmem>>
      %dma_wait3A_144 = tpu.memref_squeeze %dma_wait3A_143 : memref<1x128xi32, #tpu.memory_space<vmem>> -> memref<128xi32, #tpu.memory_space<vmem>>
      %dma_wait3A_145 = arith.constant 0 : i32
      %dma_wait3A_146 = arith.constant 0 : i32
      %dma_wait3A_147 = tpu.memref_slice %arg6[%dma_wait3A_145, %dma_wait3A_146] : memref<1000001x32xf32, #tpu.memory_space<hbm>> -> memref<1000001x32xf32, #tpu.memory_space<hbm>>
      tpu.wait_indirect_dma semaphore(%arg15 : memref<!tpu.dma_semaphore, #tpu.memory_space<semaphore_mem>>) src(%dma_wait3A_147 : memref<1000001x32xf32, #tpu.memory_space<hbm>>) dst(%dma_wait3A_141 : memref<128x32xf32, #tpu.memory_space<vmem>>)
      %dma_wait3A_148 = arith.constant 512 : i32
      %dma_wait3A_149 = arith.constant 0 : i32
      %dma_wait3A_150 = tpu.memref_slice %arg12[%dma_wait3A_148, %dma_wait3A_149] : memref<640x32xf32, #tpu.memory_space<vmem>> -> memref<128x32xf32, #tpu.memory_space<vmem>>
      %dma_wait3A_151 = arith.constant 0 : i32
      %dma_wait3A_152 = tpu.memref_slice %arg11[%add3A_102, %dma_wait3A_151] : memref<50x128xi32, #tpu.memory_space<vmem>> -> memref<1x128xi32, #tpu.memory_space<vmem>>
      %dma_wait3A_153 = tpu.memref_squeeze %dma_wait3A_152 : memref<1x128xi32, #tpu.memory_space<vmem>> -> memref<128xi32, #tpu.memory_space<vmem>>
      %dma_wait3A_154 = arith.constant 0 : i32
      %dma_wait3A_155 = arith.constant 0 : i32
      %dma_wait3A_156 = tpu.memref_slice %arg6[%dma_wait3A_154, %dma_wait3A_155] : memref<1000001x32xf32, #tpu.memory_space<hbm>> -> memref<1000001x32xf32, #tpu.memory_space<hbm>>
      tpu.wait_indirect_dma semaphore(%arg15 : memref<!tpu.dma_semaphore, #tpu.memory_space<semaphore_mem>>) src(%dma_wait3A_156 : memref<1000001x32xf32, #tpu.memory_space<hbm>>) dst(%dma_wait3A_150 : memref<128x32xf32, #tpu.memory_space<vmem>>)
      %mul3A_157 = arith.constant 5 : i32
      %mul3A_158 = arith.muli %scan3A_46, %mul3A_157 : i32
      %add3A_159 = arith.constant 0 : i32
      %add3A_160 = arith.addi %mul3A_158, %add3A_159 : i32
      %mul3A_161 = arith.constant 4096 : i32
      %mul3A_162 = arith.muli %add3A_160, %mul3A_161 : i32
      %add3A_163 = arith.addi %mul3A_162, %mul3A_2 : i32
      "tpu.region"() ({
        %run_scoped3A = tpu.sem_alloc : memref<!tpu.dma_semaphore, #tpu.memory_space<semaphore_mem>>
        %dma_start3A_192 = arith.constant 0 : i32
        %dma_start3A_193 = arith.constant 0 : i32
        %dma_start3A_194 = tpu.memref_slice %arg12[%dma_start3A_192, %dma_start3A_193] : memref<640x32xf32, #tpu.memory_space<vmem>> -> memref<128x32xf32, #tpu.memory_space<vmem>>
        %dma_start3A_195 = arith.constant 0 : i32
        %dma_start3A_196 = tpu.memref_slice %arg8[%add3A_163, %dma_start3A_195] : memref<204800x32xf32, #tpu.memory_space<hbm>> -> memref<128x32xf32, #tpu.memory_space<hbm>>
        %dma_start3A_197 = arith.constant 0 : i32
        %dma_start3A_198 = tpu.memref_slice %arg8[%add3A_163, %dma_start3A_197] : memref<204800x32xf32, #tpu.memory_space<hbm>> -> memref<128x32xf32, #tpu.memory_space<hbm>>
        %dma_start3A_199 = arith.constant 0 : i32
        %dma_start3A_200 = arith.constant 0 : i32
        %dma_start3A_201 = tpu.memref_slice %arg12[%dma_start3A_199, %dma_start3A_200] : memref<640x32xf32, #tpu.memory_space<vmem>> -> memref<128x32xf32, #tpu.memory_space<vmem>>
        tpu.enqueue_dma source(%dma_start3A_201 : memref<128x32xf32, #tpu.memory_space<vmem>>) target(%dma_start3A_198 : memref<128x32xf32, #tpu.memory_space<hbm>>) target_semaphore(%run_scoped3A : memref<!tpu.dma_semaphore, #tpu.memory_space<semaphore_mem>>)
        %dma_wait3A_202 = arith.constant 0 : i32
        %dma_wait3A_203 = arith.constant 0 : i32
        %dma_wait3A_204 = tpu.memref_slice %arg12[%dma_wait3A_202, %dma_wait3A_203] : memref<640x32xf32, #tpu.memory_space<vmem>> -> memref<128x32xf32, #tpu.memory_space<vmem>>
        %dma_wait3A_205 = arith.constant 0 : i32
        %dma_wait3A_206 = tpu.memref_slice %arg8[%add3A_163, %dma_wait3A_205] : memref<204800x32xf32, #tpu.memory_space<hbm>> -> memref<128x32xf32, #tpu.memory_space<hbm>>
        %dma_wait3A_207 = arith.constant 0 : i32
        %dma_wait3A_208 = tpu.memref_slice %arg8[%add3A_163, %dma_wait3A_207] : memref<204800x32xf32, #tpu.memory_space<hbm>> -> memref<128x32xf32, #tpu.memory_space<hbm>>
        %dma_wait3A_209 = arith.constant 0 : i32
        %dma_wait3A_210 = arith.constant 0 : i32
        %dma_wait3A_211 = tpu.memref_slice %arg12[%dma_wait3A_209, %dma_wait3A_210] : memref<640x32xf32, #tpu.memory_space<vmem>> -> memref<128x32xf32, #tpu.memory_space<vmem>>
        tpu.wait_dma2 semaphore(%run_scoped3A : memref<!tpu.dma_semaphore, #tpu.memory_space<semaphore_mem>>) src(%dma_wait3A_211 : memref<128x32xf32, #tpu.memory_space<vmem>>) dst(%dma_wait3A_208 : memref<128x32xf32, #tpu.memory_space<hbm>>)
        tpu.yield
      }) : () -> ()
      %mul3A_164 = arith.constant 5 : i32
      %mul3A_165 = arith.muli %scan3A_46, %mul3A_164 : i32
      %add3A_166 = arith.constant 1 : i32
      %add3A_167 = arith.addi %mul3A_165, %add3A_166 : i32
      %mul3A_168 = arith.constant 4096 : i32
      %mul3A_169 = arith.muli %add3A_167, %mul3A_168 : i32
      %add3A_170 = arith.addi %mul3A_169, %mul3A_2 : i32
      "tpu.region"() ({
        %run_scoped3A = tpu.sem_alloc : memref<!tpu.dma_semaphore, #tpu.memory_space<semaphore_mem>>
        %dma_start3A_192 = arith.constant 128 : i32
        %dma_start3A_193 = arith.constant 0 : i32
        %dma_start3A_194 = tpu.memref_slice %arg12[%dma_start3A_192, %dma_start3A_193] : memref<640x32xf32, #tpu.memory_space<vmem>> -> memref<128x32xf32, #tpu.memory_space<vmem>>
        %dma_start3A_195 = arith.constant 0 : i32
        %dma_start3A_196 = tpu.memref_slice %arg8[%add3A_170, %dma_start3A_195] : memref<204800x32xf32, #tpu.memory_space<hbm>> -> memref<128x32xf32, #tpu.memory_space<hbm>>
        %dma_start3A_197 = arith.constant 0 : i32
        %dma_start3A_198 = tpu.memref_slice %arg8[%add3A_170, %dma_start3A_197] : memref<204800x32xf32, #tpu.memory_space<hbm>> -> memref<128x32xf32, #tpu.memory_space<hbm>>
        %dma_start3A_199 = arith.constant 128 : i32
        %dma_start3A_200 = arith.constant 0 : i32
        %dma_start3A_201 = tpu.memref_slice %arg12[%dma_start3A_199, %dma_start3A_200] : memref<640x32xf32, #tpu.memory_space<vmem>> -> memref<128x32xf32, #tpu.memory_space<vmem>>
        tpu.enqueue_dma source(%dma_start3A_201 : memref<128x32xf32, #tpu.memory_space<vmem>>) target(%dma_start3A_198 : memref<128x32xf32, #tpu.memory_space<hbm>>) target_semaphore(%run_scoped3A : memref<!tpu.dma_semaphore, #tpu.memory_space<semaphore_mem>>)
        %dma_wait3A_202 = arith.constant 128 : i32
        %dma_wait3A_203 = arith.constant 0 : i32
        %dma_wait3A_204 = tpu.memref_slice %arg12[%dma_wait3A_202, %dma_wait3A_203] : memref<640x32xf32, #tpu.memory_space<vmem>> -> memref<128x32xf32, #tpu.memory_space<vmem>>
        %dma_wait3A_205 = arith.constant 0 : i32
        %dma_wait3A_206 = tpu.memref_slice %arg8[%add3A_170, %dma_wait3A_205] : memref<204800x32xf32, #tpu.memory_space<hbm>> -> memref<128x32xf32, #tpu.memory_space<hbm>>
        %dma_wait3A_207 = arith.constant 0 : i32
        %dma_wait3A_208 = tpu.memref_slice %arg8[%add3A_170, %dma_wait3A_207] : memref<204800x32xf32, #tpu.memory_space<hbm>> -> memref<128x32xf32, #tpu.memory_space<hbm>>
        %dma_wait3A_209 = arith.constant 128 : i32
        %dma_wait3A_210 = arith.constant 0 : i32
        %dma_wait3A_211 = tpu.memref_slice %arg12[%dma_wait3A_209, %dma_wait3A_210] : memref<640x32xf32, #tpu.memory_space<vmem>> -> memref<128x32xf32, #tpu.memory_space<vmem>>
        tpu.wait_dma2 semaphore(%run_scoped3A : memref<!tpu.dma_semaphore, #tpu.memory_space<semaphore_mem>>) src(%dma_wait3A_211 : memref<128x32xf32, #tpu.memory_space<vmem>>) dst(%dma_wait3A_208 : memref<128x32xf32, #tpu.memory_space<hbm>>)
        tpu.yield
      }) : () -> ()
      %mul3A_171 = arith.constant 5 : i32
      %mul3A_172 = arith.muli %scan3A_46, %mul3A_171 : i32
      %add3A_173 = arith.constant 2 : i32
      %add3A_174 = arith.addi %mul3A_172, %add3A_173 : i32
      %mul3A_175 = arith.constant 4096 : i32
      %mul3A_176 = arith.muli %add3A_174, %mul3A_175 : i32
      %add3A_177 = arith.addi %mul3A_176, %mul3A_2 : i32
      "tpu.region"() ({
        %run_scoped3A = tpu.sem_alloc : memref<!tpu.dma_semaphore, #tpu.memory_space<semaphore_mem>>
        %dma_start3A_192 = arith.constant 256 : i32
        %dma_start3A_193 = arith.constant 0 : i32
        %dma_start3A_194 = tpu.memref_slice %arg12[%dma_start3A_192, %dma_start3A_193] : memref<640x32xf32, #tpu.memory_space<vmem>> -> memref<128x32xf32, #tpu.memory_space<vmem>>
        %dma_start3A_195 = arith.constant 0 : i32
        %dma_start3A_196 = tpu.memref_slice %arg8[%add3A_177, %dma_start3A_195] : memref<204800x32xf32, #tpu.memory_space<hbm>> -> memref<128x32xf32, #tpu.memory_space<hbm>>
        %dma_start3A_197 = arith.constant 0 : i32
        %dma_start3A_198 = tpu.memref_slice %arg8[%add3A_177, %dma_start3A_197] : memref<204800x32xf32, #tpu.memory_space<hbm>> -> memref<128x32xf32, #tpu.memory_space<hbm>>
        %dma_start3A_199 = arith.constant 256 : i32
        %dma_start3A_200 = arith.constant 0 : i32
        %dma_start3A_201 = tpu.memref_slice %arg12[%dma_start3A_199, %dma_start3A_200] : memref<640x32xf32, #tpu.memory_space<vmem>> -> memref<128x32xf32, #tpu.memory_space<vmem>>
        tpu.enqueue_dma source(%dma_start3A_201 : memref<128x32xf32, #tpu.memory_space<vmem>>) target(%dma_start3A_198 : memref<128x32xf32, #tpu.memory_space<hbm>>) target_semaphore(%run_scoped3A : memref<!tpu.dma_semaphore, #tpu.memory_space<semaphore_mem>>)
        %dma_wait3A_202 = arith.constant 256 : i32
        %dma_wait3A_203 = arith.constant 0 : i32
        %dma_wait3A_204 = tpu.memref_slice %arg12[%dma_wait3A_202, %dma_wait3A_203] : memref<640x32xf32, #tpu.memory_space<vmem>> -> memref<128x32xf32, #tpu.memory_space<vmem>>
        %dma_wait3A_205 = arith.constant 0 : i32
        %dma_wait3A_206 = tpu.memref_slice %arg8[%add3A_177, %dma_wait3A_205] : memref<204800x32xf32, #tpu.memory_space<hbm>> -> memref<128x32xf32, #tpu.memory_space<hbm>>
        %dma_wait3A_207 = arith.constant 0 : i32
        %dma_wait3A_208 = tpu.memref_slice %arg8[%add3A_177, %dma_wait3A_207] : memref<204800x32xf32, #tpu.memory_space<hbm>> -> memref<128x32xf32, #tpu.memory_space<hbm>>
        %dma_wait3A_209 = arith.constant 256 : i32
        %dma_wait3A_210 = arith.constant 0 : i32
        %dma_wait3A_211 = tpu.memref_slice %arg12[%dma_wait3A_209, %dma_wait3A_210] : memref<640x32xf32, #tpu.memory_space<vmem>> -> memref<128x32xf32, #tpu.memory_space<vmem>>
        tpu.wait_dma2 semaphore(%run_scoped3A : memref<!tpu.dma_semaphore, #tpu.memory_space<semaphore_mem>>) src(%dma_wait3A_211 : memref<128x32xf32, #tpu.memory_space<vmem>>) dst(%dma_wait3A_208 : memref<128x32xf32, #tpu.memory_space<hbm>>)
        tpu.yield
      }) : () -> ()
      %mul3A_178 = arith.constant 5 : i32
      %mul3A_179 = arith.muli %scan3A_46, %mul3A_178 : i32
      %add3A_180 = arith.constant 3 : i32
      %add3A_181 = arith.addi %mul3A_179, %add3A_180 : i32
      %mul3A_182 = arith.constant 4096 : i32
      %mul3A_183 = arith.muli %add3A_181, %mul3A_182 : i32
      %add3A_184 = arith.addi %mul3A_183, %mul3A_2 : i32
      "tpu.region"() ({
        %run_scoped3A = tpu.sem_alloc : memref<!tpu.dma_semaphore, #tpu.memory_space<semaphore_mem>>
        %dma_start3A_192 = arith.constant 384 : i32
        %dma_start3A_193 = arith.constant 0 : i32
        %dma_start3A_194 = tpu.memref_slice %arg12[%dma_start3A_192, %dma_start3A_193] : memref<640x32xf32, #tpu.memory_space<vmem>> -> memref<128x32xf32, #tpu.memory_space<vmem>>
        %dma_start3A_195 = arith.constant 0 : i32
        %dma_start3A_196 = tpu.memref_slice %arg8[%add3A_184, %dma_start3A_195] : memref<204800x32xf32, #tpu.memory_space<hbm>> -> memref<128x32xf32, #tpu.memory_space<hbm>>
        %dma_start3A_197 = arith.constant 0 : i32
        %dma_start3A_198 = tpu.memref_slice %arg8[%add3A_184, %dma_start3A_197] : memref<204800x32xf32, #tpu.memory_space<hbm>> -> memref<128x32xf32, #tpu.memory_space<hbm>>
        %dma_start3A_199 = arith.constant 384 : i32
        %dma_start3A_200 = arith.constant 0 : i32
        %dma_start3A_201 = tpu.memref_slice %arg12[%dma_start3A_199, %dma_start3A_200] : memref<640x32xf32, #tpu.memory_space<vmem>> -> memref<128x32xf32, #tpu.memory_space<vmem>>
        tpu.enqueue_dma source(%dma_start3A_201 : memref<128x32xf32, #tpu.memory_space<vmem>>) target(%dma_start3A_198 : memref<128x32xf32, #tpu.memory_space<hbm>>) target_semaphore(%run_scoped3A : memref<!tpu.dma_semaphore, #tpu.memory_space<semaphore_mem>>)
        %dma_wait3A_202 = arith.constant 384 : i32
        %dma_wait3A_203 = arith.constant 0 : i32
        %dma_wait3A_204 = tpu.memref_slice %arg12[%dma_wait3A_202, %dma_wait3A_203] : memref<640x32xf32, #tpu.memory_space<vmem>> -> memref<128x32xf32, #tpu.memory_space<vmem>>
        %dma_wait3A_205 = arith.constant 0 : i32
        %dma_wait3A_206 = tpu.memref_slice %arg8[%add3A_184, %dma_wait3A_205] : memref<204800x32xf32, #tpu.memory_space<hbm>> -> memref<128x32xf32, #tpu.memory_space<hbm>>
        %dma_wait3A_207 = arith.constant 0 : i32
        %dma_wait3A_208 = tpu.memref_slice %arg8[%add3A_184, %dma_wait3A_207] : memref<204800x32xf32, #tpu.memory_space<hbm>> -> memref<128x32xf32, #tpu.memory_space<hbm>>
        %dma_wait3A_209 = arith.constant 384 : i32
        %dma_wait3A_210 = arith.constant 0 : i32
        %dma_wait3A_211 = tpu.memref_slice %arg12[%dma_wait3A_209, %dma_wait3A_210] : memref<640x32xf32, #tpu.memory_space<vmem>> -> memref<128x32xf32, #tpu.memory_space<vmem>>
        tpu.wait_dma2 semaphore(%run_scoped3A : memref<!tpu.dma_semaphore, #tpu.memory_space<semaphore_mem>>) src(%dma_wait3A_211 : memref<128x32xf32, #tpu.memory_space<vmem>>) dst(%dma_wait3A_208 : memref<128x32xf32, #tpu.memory_space<hbm>>)
        tpu.yield
      }) : () -> ()
      %mul3A_185 = arith.constant 5 : i32
      %mul3A_186 = arith.muli %scan3A_46, %mul3A_185 : i32
      %add3A_187 = arith.constant 4 : i32
      %add3A_188 = arith.addi %mul3A_186, %add3A_187 : i32
      %mul3A_189 = arith.constant 4096 : i32
      %mul3A_190 = arith.muli %add3A_188, %mul3A_189 : i32
      %add3A_191 = arith.addi %mul3A_190, %mul3A_2 : i32
      "tpu.region"() ({
        %run_scoped3A = tpu.sem_alloc : memref<!tpu.dma_semaphore, #tpu.memory_space<semaphore_mem>>
        %dma_start3A_192 = arith.constant 512 : i32
        %dma_start3A_193 = arith.constant 0 : i32
        %dma_start3A_194 = tpu.memref_slice %arg12[%dma_start3A_192, %dma_start3A_193] : memref<640x32xf32, #tpu.memory_space<vmem>> -> memref<128x32xf32, #tpu.memory_space<vmem>>
        %dma_start3A_195 = arith.constant 0 : i32
        %dma_start3A_196 = tpu.memref_slice %arg8[%add3A_191, %dma_start3A_195] : memref<204800x32xf32, #tpu.memory_space<hbm>> -> memref<128x32xf32, #tpu.memory_space<hbm>>
        %dma_start3A_197 = arith.constant 0 : i32
        %dma_start3A_198 = tpu.memref_slice %arg8[%add3A_191, %dma_start3A_197] : memref<204800x32xf32, #tpu.memory_space<hbm>> -> memref<128x32xf32, #tpu.memory_space<hbm>>
        %dma_start3A_199 = arith.constant 512 : i32
        %dma_start3A_200 = arith.constant 0 : i32
        %dma_start3A_201 = tpu.memref_slice %arg12[%dma_start3A_199, %dma_start3A_200] : memref<640x32xf32, #tpu.memory_space<vmem>> -> memref<128x32xf32, #tpu.memory_space<vmem>>
        tpu.enqueue_dma source(%dma_start3A_201 : memref<128x32xf32, #tpu.memory_space<vmem>>) target(%dma_start3A_198 : memref<128x32xf32, #tpu.memory_space<hbm>>) target_semaphore(%run_scoped3A : memref<!tpu.dma_semaphore, #tpu.memory_space<semaphore_mem>>)
        %dma_wait3A_202 = arith.constant 512 : i32
        %dma_wait3A_203 = arith.constant 0 : i32
        %dma_wait3A_204 = tpu.memref_slice %arg12[%dma_wait3A_202, %dma_wait3A_203] : memref<640x32xf32, #tpu.memory_space<vmem>> -> memref<128x32xf32, #tpu.memory_space<vmem>>
        %dma_wait3A_205 = arith.constant 0 : i32
        %dma_wait3A_206 = tpu.memref_slice %arg8[%add3A_191, %dma_wait3A_205] : memref<204800x32xf32, #tpu.memory_space<hbm>> -> memref<128x32xf32, #tpu.memory_space<hbm>>
        %dma_wait3A_207 = arith.constant 0 : i32
        %dma_wait3A_208 = tpu.memref_slice %arg8[%add3A_191, %dma_wait3A_207] : memref<204800x32xf32, #tpu.memory_space<hbm>> -> memref<128x32xf32, #tpu.memory_space<hbm>>
        %dma_wait3A_209 = arith.constant 512 : i32
        %dma_wait3A_210 = arith.constant 0 : i32
        %dma_wait3A_211 = tpu.memref_slice %arg12[%dma_wait3A_209, %dma_wait3A_210] : memref<640x32xf32, #tpu.memory_space<vmem>> -> memref<128x32xf32, #tpu.memory_space<vmem>>
        tpu.wait_dma2 semaphore(%run_scoped3A : memref<!tpu.dma_semaphore, #tpu.memory_space<semaphore_mem>>) src(%dma_wait3A_211 : memref<128x32xf32, #tpu.memory_space<vmem>>) dst(%dma_wait3A_208 : memref<128x32xf32, #tpu.memory_space<hbm>>)
        tpu.yield
      }) : () -> ()
    }
    %scan3A_7 = arith.constant 10 : i32
    "tpu.region"() ({
      %run_scoped3A = tpu.sem_alloc : memref<!tpu.dma_semaphore, #tpu.memory_space<semaphore_mem>>
      %dma_start3A_46 = arith.constant 0 : i32
      %dma_start3A_47 = arith.constant 0 : i32
      %dma_start3A_48 = tpu.memref_slice %arg3[%add3A, %dma_start3A_46, %dma_start3A_47] : memref<32x1x128xi32, #tpu.memory_space<hbm>> -> memref<1x1x128xi32, #tpu.memory_space<hbm>>
      %dma_start3A_49 = tpu.memref_squeeze %dma_start3A_48 : memref<1x1x128xi32, #tpu.memory_space<hbm>> -> memref<1x128xi32, #tpu.memory_space<hbm>>
      %dma_start3A_50 = arith.constant 0 : i32
      %dma_start3A_51 = arith.constant 0 : i32
      %dma_start3A_52 = tpu.memref_slice %arg3[%add3A, %dma_start3A_50, %dma_start3A_51] : memref<32x1x128xi32, #tpu.memory_space<hbm>> -> memref<1x1x128xi32, #tpu.memory_space<hbm>>
      %dma_start3A_53 = tpu.memref_squeeze %dma_start3A_52 : memref<1x1x128xi32, #tpu.memory_space<hbm>> -> memref<1x128xi32, #tpu.memory_space<hbm>>
      tpu.enqueue_dma source(%dma_start3A_53 : memref<1x128xi32, #tpu.memory_space<hbm>>) target(%arg13 : memref<1x128xi32, #tpu.memory_space<vmem>>) target_semaphore(%run_scoped3A : memref<!tpu.dma_semaphore, #tpu.memory_space<semaphore_mem>>)
      %dma_wait3A_54 = arith.constant 0 : i32
      %dma_wait3A_55 = arith.constant 0 : i32
      %dma_wait3A_56 = tpu.memref_slice %arg3[%add3A, %dma_wait3A_54, %dma_wait3A_55] : memref<32x1x128xi32, #tpu.memory_space<hbm>> -> memref<1x1x128xi32, #tpu.memory_space<hbm>>
      %dma_wait3A_57 = tpu.memref_squeeze %dma_wait3A_56 : memref<1x1x128xi32, #tpu.memory_space<hbm>> -> memref<1x128xi32, #tpu.memory_space<hbm>>
      %dma_wait3A_58 = arith.constant 0 : i32
      %dma_wait3A_59 = arith.constant 0 : i32
      %dma_wait3A_60 = tpu.memref_slice %arg3[%add3A, %dma_wait3A_58, %dma_wait3A_59] : memref<32x1x128xi32, #tpu.memory_space<hbm>> -> memref<1x1x128xi32, #tpu.memory_space<hbm>>
      %dma_wait3A_61 = tpu.memref_squeeze %dma_wait3A_60 : memref<1x1x128xi32, #tpu.memory_space<hbm>> -> memref<1x128xi32, #tpu.memory_space<hbm>>
      tpu.wait_dma2 semaphore(%run_scoped3A : memref<!tpu.dma_semaphore, #tpu.memory_space<semaphore_mem>>) src(%dma_wait3A_61 : memref<1x128xi32, #tpu.memory_space<hbm>>) dst(%arg13 : memref<1x128xi32, #tpu.memory_space<vmem>>)
      tpu.yield
    }) : () -> ()
    %dma_start3A = arith.constant 0 : i32
    %dma_start3A_8 = arith.constant 0 : i32
    %dma_start3A_9 = arith.constant 0 : i32
    %dma_start3A_10 = tpu.memref_slice %arg12[%dma_start3A_8, %dma_start3A_9] : memref<640x32xf32, #tpu.memory_space<vmem>> -> memref<128x32xf32, #tpu.memory_space<vmem>>
    %dma_start3A_11 = arith.constant 0 : i32
    %dma_start3A_12 = tpu.memref_slice %arg13[%dma_start3A, %dma_start3A_11] : memref<1x128xi32, #tpu.memory_space<vmem>> -> memref<1x128xi32, #tpu.memory_space<vmem>>
    %dma_start3A_13 = tpu.memref_squeeze %dma_start3A_12 : memref<1x128xi32, #tpu.memory_space<vmem>> -> memref<128xi32, #tpu.memory_space<vmem>>
    %dma_start3A_14 = arith.constant 0 : i32
    %dma_start3A_15 = arith.constant 0 : i32
    %dma_start3A_16 = tpu.memref_slice %arg5[%dma_start3A_14, %dma_start3A_15] : memref<1000000x32xf32, #tpu.memory_space<hbm>> -> memref<1000000x32xf32, #tpu.memory_space<hbm>>
    tpu.enqueue_indirect_dma source(%dma_start3A_16 : memref<1000000x32xf32, #tpu.memory_space<hbm>>) target(%dma_start3A_10 : memref<128x32xf32, #tpu.memory_space<vmem>>) offsets(%dma_start3A_13 : memref<128xi32, #tpu.memory_space<vmem>>) semaphore(%arg15 : memref<!tpu.dma_semaphore, #tpu.memory_space<semaphore_mem>>)
    %dma_wait3A = arith.constant 0 : i32
    %dma_wait3A_17 = arith.constant 0 : i32
    %dma_wait3A_18 = arith.constant 0 : i32
    %dma_wait3A_19 = tpu.memref_slice %arg12[%dma_wait3A_17, %dma_wait3A_18] : memref<640x32xf32, #tpu.memory_space<vmem>> -> memref<128x32xf32, #tpu.memory_space<vmem>>
    %dma_wait3A_20 = arith.constant 0 : i32
    %dma_wait3A_21 = tpu.memref_slice %arg13[%dma_wait3A, %dma_wait3A_20] : memref<1x128xi32, #tpu.memory_space<vmem>> -> memref<1x128xi32, #tpu.memory_space<vmem>>
    %dma_wait3A_22 = tpu.memref_squeeze %dma_wait3A_21 : memref<1x128xi32, #tpu.memory_space<vmem>> -> memref<128xi32, #tpu.memory_space<vmem>>
    %dma_wait3A_23 = arith.constant 0 : i32
    %dma_wait3A_24 = arith.constant 0 : i32
    %dma_wait3A_25 = tpu.memref_slice %arg5[%dma_wait3A_23, %dma_wait3A_24] : memref<1000000x32xf32, #tpu.memory_space<hbm>> -> memref<1000000x32xf32, #tpu.memory_space<hbm>>
    tpu.wait_indirect_dma semaphore(%arg15 : memref<!tpu.dma_semaphore, #tpu.memory_space<semaphore_mem>>) src(%dma_wait3A_25 : memref<1000000x32xf32, #tpu.memory_space<hbm>>) dst(%dma_wait3A_19 : memref<128x32xf32, #tpu.memory_space<vmem>>)
    "tpu.region"() ({
      %run_scoped3A = tpu.sem_alloc : memref<!tpu.dma_semaphore, #tpu.memory_space<semaphore_mem>>
      %dma_start3A_46 = arith.constant 0 : i32
      %dma_start3A_47 = arith.constant 0 : i32
      %dma_start3A_48 = tpu.memref_slice %arg12[%dma_start3A_46, %dma_start3A_47] : memref<640x32xf32, #tpu.memory_space<vmem>> -> memref<128x32xf32, #tpu.memory_space<vmem>>
      %dma_start3A_49 = arith.constant 0 : i32
      %dma_start3A_50 = tpu.memref_slice %arg9[%mul3A_2, %dma_start3A_49] : memref<4096x32xf32, #tpu.memory_space<hbm>> -> memref<128x32xf32, #tpu.memory_space<hbm>>
      %dma_start3A_51 = arith.constant 0 : i32
      %dma_start3A_52 = tpu.memref_slice %arg9[%mul3A_2, %dma_start3A_51] : memref<4096x32xf32, #tpu.memory_space<hbm>> -> memref<128x32xf32, #tpu.memory_space<hbm>>
      %dma_start3A_53 = arith.constant 0 : i32
      %dma_start3A_54 = arith.constant 0 : i32
      %dma_start3A_55 = tpu.memref_slice %arg12[%dma_start3A_53, %dma_start3A_54] : memref<640x32xf32, #tpu.memory_space<vmem>> -> memref<128x32xf32, #tpu.memory_space<vmem>>
      tpu.enqueue_dma source(%dma_start3A_55 : memref<128x32xf32, #tpu.memory_space<vmem>>) target(%dma_start3A_52 : memref<128x32xf32, #tpu.memory_space<hbm>>) target_semaphore(%run_scoped3A : memref<!tpu.dma_semaphore, #tpu.memory_space<semaphore_mem>>)
      %dma_wait3A_56 = arith.constant 0 : i32
      %dma_wait3A_57 = arith.constant 0 : i32
      %dma_wait3A_58 = tpu.memref_slice %arg12[%dma_wait3A_56, %dma_wait3A_57] : memref<640x32xf32, #tpu.memory_space<vmem>> -> memref<128x32xf32, #tpu.memory_space<vmem>>
      %dma_wait3A_59 = arith.constant 0 : i32
      %dma_wait3A_60 = tpu.memref_slice %arg9[%mul3A_2, %dma_wait3A_59] : memref<4096x32xf32, #tpu.memory_space<hbm>> -> memref<128x32xf32, #tpu.memory_space<hbm>>
      %dma_wait3A_61 = arith.constant 0 : i32
      %dma_wait3A_62 = tpu.memref_slice %arg9[%mul3A_2, %dma_wait3A_61] : memref<4096x32xf32, #tpu.memory_space<hbm>> -> memref<128x32xf32, #tpu.memory_space<hbm>>
      %dma_wait3A_63 = arith.constant 0 : i32
      %dma_wait3A_64 = arith.constant 0 : i32
      %dma_wait3A_65 = tpu.memref_slice %arg12[%dma_wait3A_63, %dma_wait3A_64] : memref<640x32xf32, #tpu.memory_space<vmem>> -> memref<128x32xf32, #tpu.memory_space<vmem>>
      tpu.wait_dma2 semaphore(%run_scoped3A : memref<!tpu.dma_semaphore, #tpu.memory_space<semaphore_mem>>) src(%dma_wait3A_65 : memref<128x32xf32, #tpu.memory_space<vmem>>) dst(%dma_wait3A_62 : memref<128x32xf32, #tpu.memory_space<hbm>>)
      tpu.yield
    }) : () -> ()
    "tpu.region"() ({
      %run_scoped3A = tpu.sem_alloc : memref<!tpu.dma_semaphore, #tpu.memory_space<semaphore_mem>>
      %dma_start3A_46 = arith.constant 0 : i32
      %dma_start3A_47 = arith.constant 0 : i32
      %dma_start3A_48 = tpu.memref_slice %arg4[%add3A, %dma_start3A_46, %dma_start3A_47] : memref<32x1x128xi32, #tpu.memory_space<hbm>> -> memref<1x1x128xi32, #tpu.memory_space<hbm>>
      %dma_start3A_49 = tpu.memref_squeeze %dma_start3A_48 : memref<1x1x128xi32, #tpu.memory_space<hbm>> -> memref<1x128xi32, #tpu.memory_space<hbm>>
      %dma_start3A_50 = arith.constant 0 : i32
      %dma_start3A_51 = arith.constant 0 : i32
      %dma_start3A_52 = tpu.memref_slice %arg4[%add3A, %dma_start3A_50, %dma_start3A_51] : memref<32x1x128xi32, #tpu.memory_space<hbm>> -> memref<1x1x128xi32, #tpu.memory_space<hbm>>
      %dma_start3A_53 = tpu.memref_squeeze %dma_start3A_52 : memref<1x1x128xi32, #tpu.memory_space<hbm>> -> memref<1x128xi32, #tpu.memory_space<hbm>>
      tpu.enqueue_dma source(%dma_start3A_53 : memref<1x128xi32, #tpu.memory_space<hbm>>) target(%arg14 : memref<1x128xi32, #tpu.memory_space<vmem>>) target_semaphore(%run_scoped3A : memref<!tpu.dma_semaphore, #tpu.memory_space<semaphore_mem>>)
      %dma_wait3A_54 = arith.constant 0 : i32
      %dma_wait3A_55 = arith.constant 0 : i32
      %dma_wait3A_56 = tpu.memref_slice %arg4[%add3A, %dma_wait3A_54, %dma_wait3A_55] : memref<32x1x128xi32, #tpu.memory_space<hbm>> -> memref<1x1x128xi32, #tpu.memory_space<hbm>>
      %dma_wait3A_57 = tpu.memref_squeeze %dma_wait3A_56 : memref<1x1x128xi32, #tpu.memory_space<hbm>> -> memref<1x128xi32, #tpu.memory_space<hbm>>
      %dma_wait3A_58 = arith.constant 0 : i32
      %dma_wait3A_59 = arith.constant 0 : i32
      %dma_wait3A_60 = tpu.memref_slice %arg4[%add3A, %dma_wait3A_58, %dma_wait3A_59] : memref<32x1x128xi32, #tpu.memory_space<hbm>> -> memref<1x1x128xi32, #tpu.memory_space<hbm>>
      %dma_wait3A_61 = tpu.memref_squeeze %dma_wait3A_60 : memref<1x1x128xi32, #tpu.memory_space<hbm>> -> memref<1x128xi32, #tpu.memory_space<hbm>>
      tpu.wait_dma2 semaphore(%run_scoped3A : memref<!tpu.dma_semaphore, #tpu.memory_space<semaphore_mem>>) src(%dma_wait3A_61 : memref<1x128xi32, #tpu.memory_space<hbm>>) dst(%arg14 : memref<1x128xi32, #tpu.memory_space<vmem>>)
      tpu.yield
    }) : () -> ()
    %dma_start3A_26 = arith.constant 0 : i32
    %dma_start3A_27 = arith.constant 0 : i32
    %dma_start3A_28 = arith.constant 0 : i32
    %dma_start3A_29 = tpu.memref_slice %arg12[%dma_start3A_27, %dma_start3A_28] : memref<640x32xf32, #tpu.memory_space<vmem>> -> memref<128x32xf32, #tpu.memory_space<vmem>>
    %dma_start3A_30 = arith.constant 0 : i32
    %dma_start3A_31 = tpu.memref_slice %arg14[%dma_start3A_26, %dma_start3A_30] : memref<1x128xi32, #tpu.memory_space<vmem>> -> memref<1x128xi32, #tpu.memory_space<vmem>>
    %dma_start3A_32 = tpu.memref_squeeze %dma_start3A_31 : memref<1x128xi32, #tpu.memory_space<vmem>> -> memref<128xi32, #tpu.memory_space<vmem>>
    %dma_start3A_33 = arith.constant 0 : i32
    %dma_start3A_34 = arith.constant 0 : i32
    %dma_start3A_35 = tpu.memref_slice %arg7[%dma_start3A_33, %dma_start3A_34] : memref<1000001x32xf32, #tpu.memory_space<hbm>> -> memref<1000001x32xf32, #tpu.memory_space<hbm>>
    tpu.enqueue_indirect_dma source(%dma_start3A_35 : memref<1000001x32xf32, #tpu.memory_space<hbm>>) target(%dma_start3A_29 : memref<128x32xf32, #tpu.memory_space<vmem>>) offsets(%dma_start3A_32 : memref<128xi32, #tpu.memory_space<vmem>>) semaphore(%arg15 : memref<!tpu.dma_semaphore, #tpu.memory_space<semaphore_mem>>)
    %dma_wait3A_36 = arith.constant 0 : i32
    %dma_wait3A_37 = arith.constant 0 : i32
    %dma_wait3A_38 = arith.constant 0 : i32
    %dma_wait3A_39 = tpu.memref_slice %arg12[%dma_wait3A_37, %dma_wait3A_38] : memref<640x32xf32, #tpu.memory_space<vmem>> -> memref<128x32xf32, #tpu.memory_space<vmem>>
    %dma_wait3A_40 = arith.constant 0 : i32
    %dma_wait3A_41 = tpu.memref_slice %arg14[%dma_wait3A_36, %dma_wait3A_40] : memref<1x128xi32, #tpu.memory_space<vmem>> -> memref<1x128xi32, #tpu.memory_space<vmem>>
    %dma_wait3A_42 = tpu.memref_squeeze %dma_wait3A_41 : memref<1x128xi32, #tpu.memory_space<vmem>> -> memref<128xi32, #tpu.memory_space<vmem>>
    %dma_wait3A_43 = arith.constant 0 : i32
    %dma_wait3A_44 = arith.constant 0 : i32
    %dma_wait3A_45 = tpu.memref_slice %arg7[%dma_wait3A_43, %dma_wait3A_44] : memref<1000001x32xf32, #tpu.memory_space<hbm>> -> memref<1000001x32xf32, #tpu.memory_space<hbm>>
    tpu.wait_indirect_dma semaphore(%arg15 : memref<!tpu.dma_semaphore, #tpu.memory_space<semaphore_mem>>) src(%dma_wait3A_45 : memref<1000001x32xf32, #tpu.memory_space<hbm>>) dst(%dma_wait3A_39 : memref<128x32xf32, #tpu.memory_space<vmem>>)
    "tpu.region"() ({
      %run_scoped3A = tpu.sem_alloc : memref<!tpu.dma_semaphore, #tpu.memory_space<semaphore_mem>>
      %dma_start3A_46 = arith.constant 0 : i32
      %dma_start3A_47 = arith.constant 0 : i32
      %dma_start3A_48 = tpu.memref_slice %arg12[%dma_start3A_46, %dma_start3A_47] : memref<640x32xf32, #tpu.memory_space<vmem>> -> memref<128x32xf32, #tpu.memory_space<vmem>>
      %dma_start3A_49 = arith.constant 0 : i32
      %dma_start3A_50 = tpu.memref_slice %arg10[%mul3A_2, %dma_start3A_49] : memref<4096x32xf32, #tpu.memory_space<hbm>> -> memref<128x32xf32, #tpu.memory_space<hbm>>
      %dma_start3A_51 = arith.constant 0 : i32
      %dma_start3A_52 = tpu.memref_slice %arg10[%mul3A_2, %dma_start3A_51] : memref<4096x32xf32, #tpu.memory_space<hbm>> -> memref<128x32xf32, #tpu.memory_space<hbm>>
      %dma_start3A_53 = arith.constant 0 : i32
      %dma_start3A_54 = arith.constant 0 : i32
      %dma_start3A_55 = tpu.memref_slice %arg12[%dma_start3A_53, %dma_start3A_54] : memref<640x32xf32, #tpu.memory_space<vmem>> -> memref<128x32xf32, #tpu.memory_space<vmem>>
      tpu.enqueue_dma source(%dma_start3A_55 : memref<128x32xf32, #tpu.memory_space<vmem>>) target(%dma_start3A_52 : memref<128x32xf32, #tpu.memory_space<hbm>>) target_semaphore(%run_scoped3A : memref<!tpu.dma_semaphore, #tpu.memory_space<semaphore_mem>>)
      %dma_wait3A_56 = arith.constant 0 : i32
      %dma_wait3A_57 = arith.constant 0 : i32
      %dma_wait3A_58 = tpu.memref_slice %arg12[%dma_wait3A_56, %dma_wait3A_57] : memref<640x32xf32, #tpu.memory_space<vmem>> -> memref<128x32xf32, #tpu.memory_space<vmem>>
      %dma_wait3A_59 = arith.constant 0 : i32
      %dma_wait3A_60 = tpu.memref_slice %arg10[%mul3A_2, %dma_wait3A_59] : memref<4096x32xf32, #tpu.memory_space<hbm>> -> memref<128x32xf32, #tpu.memory_space<hbm>>
      %dma_wait3A_61 = arith.constant 0 : i32
      %dma_wait3A_62 = tpu.memref_slice %arg10[%mul3A_2, %dma_wait3A_61] : memref<4096x32xf32, #tpu.memory_space<hbm>> -> memref<128x32xf32, #tpu.memory_space<hbm>>
      %dma_wait3A_63 = arith.constant 0 : i32
      %dma_wait3A_64 = arith.constant 0 : i32
      %dma_wait3A_65 = tpu.memref_slice %arg12[%dma_wait3A_63, %dma_wait3A_64] : memref<640x32xf32, #tpu.memory_space<vmem>> -> memref<128x32xf32, #tpu.memory_space<vmem>>
      tpu.wait_dma2 semaphore(%run_scoped3A : memref<!tpu.dma_semaphore, #tpu.memory_space<semaphore_mem>>) src(%dma_wait3A_65 : memref<128x32xf32, #tpu.memory_space<vmem>>) dst(%dma_wait3A_62 : memref<128x32xf32, #tpu.memory_space<hbm>>)
      tpu.yield
    }) : () -> ()
    return
  }
}

module attributes {stable_mosaic.version = 14 : i64} {
  func.func @_tc_body(%arg0: i32, %arg1: memref<50x256x32xf32, #tpu.memory_space<vmem>>, %arg2: memref<50x256xi32, #tpu.memory_space<vmem>>, %arg3: memref<256x32xf32, #tpu.memory_space<vmem>>, %arg4: memref<256x32xf32, #tpu.memory_space<vmem>>, %arg5: memref<32x32xf32, #tpu.memory_space<vmem>>, %arg6: memref<1x32xf32, #tpu.memory_space<vmem>>, %arg7: memref<1x32xf32, #tpu.memory_space<vmem>>, %arg8: memref<32x64xf32, #tpu.memory_space<vmem>>, %arg9: memref<1x64xf32, #tpu.memory_space<vmem>>, %arg10: memref<64x1024xf32, #tpu.memory_space<vmem>>, %arg11: memref<1x1024xf32, #tpu.memory_space<vmem>>, %arg12: memref<256xf32, #tpu.memory_space<vmem>>) attributes {dimension_semantics = [#tpu.dimension_semantics<arbitrary>], iteration_bounds = array<i64: 16>, scalar_prefetch = 0 : i64, scratch_operands = 0 : i64, tpu.core_type = #tpu.core_type<tc>, window_params = [{transform_indices = @transform_0, window_bounds = array<i64: 50, 256, 32>}, {transform_indices = @transform_1, window_bounds = array<i64: 50, 256>}, {transform_indices = @transform_2, window_bounds = array<i64: 256, 32>}, {transform_indices = @transform_3, window_bounds = array<i64: 256, 32>}, {pipeline_mode = #tpu.pipeline_mode<synchronous>, transform_indices = @transform_4, window_bounds = array<i64: 32, 32>}, {pipeline_mode = #tpu.pipeline_mode<synchronous>, transform_indices = @transform_5, window_bounds = array<i64: 1, 32>}, {pipeline_mode = #tpu.pipeline_mode<synchronous>, transform_indices = @transform_6, window_bounds = array<i64: 1, 32>}, {pipeline_mode = #tpu.pipeline_mode<synchronous>, transform_indices = @transform_7, window_bounds = array<i64: 32, 64>}, {pipeline_mode = #tpu.pipeline_mode<synchronous>, transform_indices = @transform_8, window_bounds = array<i64: 1, 64>}, {pipeline_mode = #tpu.pipeline_mode<synchronous>, transform_indices = @transform_9, window_bounds = array<i64: 64, 1024>}, {pipeline_mode = #tpu.pipeline_mode<synchronous>, transform_indices = @transform_10, window_bounds = array<i64: 1, 1024>}, {transform_indices = @transform_11, window_bounds = array<i64: 256>}]} {
    %get3A = arith.constant 0 : index
    %get3A_0 = arith.constant 0 : index
    %get3A_1 = arith.constant 0 : index
    %get3A_2 = vector.load %arg1[%get3A, %get3A_0, %get3A_1] : memref<50x256x32xf32, #tpu.memory_space<vmem>>, vector<50x256x32xf32>
    %reshape3A = vector.shape_cast %get3A_2 : vector<50x256x32xf32> to vector<12800x32xf32>
    %get3A_3 = arith.constant 0 : index
    %get3A_4 = arith.constant 0 : index
    %get3A_5 = vector.load %arg5[%get3A_3, %get3A_4] : memref<32x32xf32, #tpu.memory_space<vmem>>, vector<32x32xf32>
    %dot_general3A = arith.constant dense<0.000000e+00> : vector<12800x32xf32>
    %dot_general3A_6 = tpu.matmul %reshape3A, %get3A_5, %dot_general3A {dimension_numbers = #tpu.dot_dimension_numbers<[1], [0], [0], [1], [0, 0, 1, 1], [], []>, transpose_lhs_hint = false} : vector<12800x32xf32>, vector<32x32xf32>, vector<12800x32xf32> -> vector<12800x32xf32>
    %get3A_7 = arith.constant 0 : index
    %get3A_8 = arith.constant 0 : index
    %get3A_9 = vector.load %arg6[%get3A_7, %get3A_8] : memref<1x32xf32, #tpu.memory_space<vmem>>, vector<1x32xf32>
    %add3A = vector.broadcast %get3A_9 : vector<1x32xf32> to vector<12800x32xf32>
    %add3A_10 = arith.addf %dot_general3A_6, %add3A : vector<12800x32xf32>
    %max3A = arith.constant 0.000000e+00 : f32
    %max3A_11 = vector.broadcast %max3A : f32 to vector<12800x32xf32>
    %max3A_12 = arith.maximumf %add3A_10, %max3A_11 : vector<12800x32xf32>
    %get3A_13 = arith.constant 0 : index
    %get3A_14 = arith.constant 0 : index
    %get3A_15 = vector.load %arg7[%get3A_13, %get3A_14] : memref<1x32xf32, #tpu.memory_space<vmem>>, vector<1x32xf32>
    %mul3A = vector.broadcast %get3A_15 : vector<1x32xf32> to vector<12800x32xf32>
    %mul3A_16 = arith.mulf %max3A_12, %mul3A : vector<12800x32xf32>
    %reduce_sum3A = arith.constant dense<0.000000e+00> : vector<12800xf32>
    %reduce_sum3A_17 = vector.multi_reduction <add>, %mul3A_16, %reduce_sum3A [1] : vector<12800x32xf32> to vector<12800xf32>
    %reshape3A_18 = vector.shape_cast %reduce_sum3A_17 : vector<12800xf32> to vector<50x256xf32>
    %get3A_19 = arith.constant 0 : index
    %get3A_20 = arith.constant 0 : index
    %get3A_21 = vector.load %arg2[%get3A_19, %get3A_20] : memref<50x256xi32, #tpu.memory_space<vmem>>, vector<50x256xi32>
    %eq3A = arith.constant 0 : i32
    %eq3A_22 = vector.broadcast %eq3A : i32 to vector<50x256xi32>
    %eq3A_23 = arith.cmpi eq, %get3A_21, %eq3A_22 : vector<50x256xi32>
    %convert_element_type3A = arith.extui %eq3A_23 : vector<50x256xi1> to vector<50x256xi32>
    %convert_element_type3A_24 = arith.sitofp %convert_element_type3A : vector<50x256xi32> to vector<50x256xf32>
    %mul3A_25 = arith.constant 1.000000e+08 : f32
    %mul3A_26 = vector.broadcast %mul3A_25 : f32 to vector<50x256xf32>
    %mul3A_27 = arith.mulf %convert_element_type3A_24, %mul3A_26 : vector<50x256xf32>
    %sub3A = arith.subf %reshape3A_18, %mul3A_27 : vector<50x256xf32>
    %reduce_max3A = arith.constant dense<0xFF800000> : vector<256xf32>
    %reduce_max3A_28 = vector.multi_reduction <maximumf>, %sub3A, %reduce_max3A [0] : vector<50x256xf32> to vector<256xf32>
    %broadcast_in_dim3A = vector.shape_cast %reduce_max3A_28 : vector<256xf32> to vector<1x256xf32>
    %sub3A_29 = vector.broadcast %broadcast_in_dim3A : vector<1x256xf32> to vector<50x256xf32>
    %sub3A_30 = arith.subf %sub3A, %sub3A_29 : vector<50x256xf32>
    %exp3A = math.exp %sub3A_30 : vector<50x256xf32>
    %reduce_sum3A_31 = arith.constant dense<0.000000e+00> : vector<256xf32>
    %reduce_sum3A_32 = vector.multi_reduction <add>, %exp3A, %reduce_sum3A_31 [0] : vector<50x256xf32> to vector<256xf32>
    %broadcast_in_dim3A_33 = vector.shape_cast %reduce_sum3A_32 : vector<256xf32> to vector<1x256xf32>
    %div3A = vector.broadcast %broadcast_in_dim3A_33 : vector<1x256xf32> to vector<50x256xf32>
    %div3A_34 = arith.divf %exp3A, %div3A : vector<50x256xf32>
    %broadcast_in_dim3A_35 = vector.shape_cast %div3A_34 : vector<50x256xf32> to vector<50x256x1xf32>
    %mul3A_36 = vector.broadcast %broadcast_in_dim3A_35 : vector<50x256x1xf32> to vector<50x256x32xf32>
    %mul3A_37 = arith.mulf %get3A_2, %mul3A_36 : vector<50x256x32xf32>
    %reduce_sum3A_38 = arith.constant dense<0.000000e+00> : vector<256x32xf32>
    %reduce_sum3A_39 = vector.multi_reduction <add>, %mul3A_37, %reduce_sum3A_38 [0] : vector<50x256x32xf32> to vector<256x32xf32>
    %get3A_40 = arith.constant 0 : index
    %get3A_41 = arith.constant 0 : index
    %get3A_42 = vector.load %arg8[%get3A_40, %get3A_41] : memref<32x64xf32, #tpu.memory_space<vmem>>, vector<32x64xf32>
    %dot_general3A_43 = arith.constant dense<0.000000e+00> : vector<256x64xf32>
    %dot_general3A_44 = tpu.matmul %reduce_sum3A_39, %get3A_42, %dot_general3A_43 {dimension_numbers = #tpu.dot_dimension_numbers<[1], [0], [0], [1], [0, 0, 1, 1], [], []>, transpose_lhs_hint = false} : vector<256x32xf32>, vector<32x64xf32>, vector<256x64xf32> -> vector<256x64xf32>
    %get3A_45 = arith.constant 0 : index
    %get3A_46 = arith.constant 0 : index
    %get3A_47 = vector.load %arg9[%get3A_45, %get3A_46] : memref<1x64xf32, #tpu.memory_space<vmem>>, vector<1x64xf32>
    %add3A_48 = vector.broadcast %get3A_47 : vector<1x64xf32> to vector<256x64xf32>
    %add3A_49 = arith.addf %dot_general3A_44, %add3A_48 : vector<256x64xf32>
    %max3A_50 = arith.constant 0.000000e+00 : f32
    %max3A_51 = vector.broadcast %max3A_50 : f32 to vector<256x64xf32>
    %max3A_52 = arith.maximumf %add3A_49, %max3A_51 : vector<256x64xf32>
    %get3A_53 = arith.constant 0 : index
    %get3A_54 = arith.constant 0 : index
    %get3A_55 = vector.load %arg10[%get3A_53, %get3A_54] : memref<64x1024xf32, #tpu.memory_space<vmem>>, vector<64x1024xf32>
    %dot_general3A_56 = arith.constant dense<0.000000e+00> : vector<256x1024xf32>
    %dot_general3A_57 = tpu.matmul %max3A_52, %get3A_55, %dot_general3A_56 {dimension_numbers = #tpu.dot_dimension_numbers<[1], [0], [0], [1], [0, 0, 1, 1], [], []>, transpose_lhs_hint = false} : vector<256x64xf32>, vector<64x1024xf32>, vector<256x1024xf32> -> vector<256x1024xf32>
    %get3A_58 = arith.constant 0 : index
    %get3A_59 = arith.constant 0 : index
    %get3A_60 = vector.load %arg11[%get3A_58, %get3A_59] : memref<1x1024xf32, #tpu.memory_space<vmem>>, vector<1x1024xf32>
    %add3A_61 = vector.broadcast %get3A_60 : vector<1x1024xf32> to vector<256x1024xf32>
    %add3A_62 = arith.addf %dot_general3A_57, %add3A_61 : vector<256x1024xf32>
    %get3A_63 = arith.constant 0 : index
    %get3A_64 = arith.constant 0 : index
    %get3A_65 = vector.load %arg3[%get3A_63, %get3A_64] : memref<256x32xf32, #tpu.memory_space<vmem>>, vector<256x32xf32>
    %broadcast_in_dim3A_66 = arith.constant 0.000000e+00 : f32
    %broadcast_in_dim3A_67 = vector.broadcast %broadcast_in_dim3A_66 : f32 to vector<256x32xf32>
    %slice3A = vector.extract_strided_slice %get3A_65 {offsets = [0, 0], sizes = [256, 1], strides = [1, 1]} : vector<256x32xf32> to vector<256x1xf32>
    %slice3A_68 = vector.extract_strided_slice %add3A_62 {offsets = [0, 0], sizes = [256, 32], strides = [1, 1]} : vector<256x1024xf32> to vector<256x32xf32>
    %mul3A_69 = vector.broadcast %slice3A : vector<256x1xf32> to vector<256x32xf32>
    %mul3A_70 = arith.mulf %mul3A_69, %slice3A_68 : vector<256x32xf32>
    %add3A_71 = arith.addf %broadcast_in_dim3A_67, %mul3A_70 : vector<256x32xf32>
    %slice3A_72 = vector.extract_strided_slice %get3A_65 {offsets = [0, 1], sizes = [256, 1], strides = [1, 1]} : vector<256x32xf32> to vector<256x1xf32>
    %slice3A_73 = vector.extract_strided_slice %add3A_62 {offsets = [0, 32], sizes = [256, 32], strides = [1, 1]} : vector<256x1024xf32> to vector<256x32xf32>
    %mul3A_74 = vector.broadcast %slice3A_72 : vector<256x1xf32> to vector<256x32xf32>
    %mul3A_75 = arith.mulf %mul3A_74, %slice3A_73 : vector<256x32xf32>
    %add3A_76 = arith.addf %add3A_71, %mul3A_75 : vector<256x32xf32>
    %slice3A_77 = vector.extract_strided_slice %get3A_65 {offsets = [0, 2], sizes = [256, 1], strides = [1, 1]} : vector<256x32xf32> to vector<256x1xf32>
    %slice3A_78 = vector.extract_strided_slice %add3A_62 {offsets = [0, 64], sizes = [256, 32], strides = [1, 1]} : vector<256x1024xf32> to vector<256x32xf32>
    %mul3A_79 = vector.broadcast %slice3A_77 : vector<256x1xf32> to vector<256x32xf32>
    %mul3A_80 = arith.mulf %mul3A_79, %slice3A_78 : vector<256x32xf32>
    %add3A_81 = arith.addf %add3A_76, %mul3A_80 : vector<256x32xf32>
    %slice3A_82 = vector.extract_strided_slice %get3A_65 {offsets = [0, 3], sizes = [256, 1], strides = [1, 1]} : vector<256x32xf32> to vector<256x1xf32>
    %slice3A_83 = vector.extract_strided_slice %add3A_62 {offsets = [0, 96], sizes = [256, 32], strides = [1, 1]} : vector<256x1024xf32> to vector<256x32xf32>
    %mul3A_84 = vector.broadcast %slice3A_82 : vector<256x1xf32> to vector<256x32xf32>
    %mul3A_85 = arith.mulf %mul3A_84, %slice3A_83 : vector<256x32xf32>
    %add3A_86 = arith.addf %add3A_81, %mul3A_85 : vector<256x32xf32>
    %slice3A_87 = vector.extract_strided_slice %get3A_65 {offsets = [0, 4], sizes = [256, 1], strides = [1, 1]} : vector<256x32xf32> to vector<256x1xf32>
    %slice3A_88 = vector.extract_strided_slice %add3A_62 {offsets = [0, 128], sizes = [256, 32], strides = [1, 1]} : vector<256x1024xf32> to vector<256x32xf32>
    %mul3A_89 = vector.broadcast %slice3A_87 : vector<256x1xf32> to vector<256x32xf32>
    %mul3A_90 = arith.mulf %mul3A_89, %slice3A_88 : vector<256x32xf32>
    %add3A_91 = arith.addf %add3A_86, %mul3A_90 : vector<256x32xf32>
    %slice3A_92 = vector.extract_strided_slice %get3A_65 {offsets = [0, 5], sizes = [256, 1], strides = [1, 1]} : vector<256x32xf32> to vector<256x1xf32>
    %slice3A_93 = vector.extract_strided_slice %add3A_62 {offsets = [0, 160], sizes = [256, 32], strides = [1, 1]} : vector<256x1024xf32> to vector<256x32xf32>
    %mul3A_94 = vector.broadcast %slice3A_92 : vector<256x1xf32> to vector<256x32xf32>
    %mul3A_95 = arith.mulf %mul3A_94, %slice3A_93 : vector<256x32xf32>
    %add3A_96 = arith.addf %add3A_91, %mul3A_95 : vector<256x32xf32>
    %slice3A_97 = vector.extract_strided_slice %get3A_65 {offsets = [0, 6], sizes = [256, 1], strides = [1, 1]} : vector<256x32xf32> to vector<256x1xf32>
    %slice3A_98 = vector.extract_strided_slice %add3A_62 {offsets = [0, 192], sizes = [256, 32], strides = [1, 1]} : vector<256x1024xf32> to vector<256x32xf32>
    %mul3A_99 = vector.broadcast %slice3A_97 : vector<256x1xf32> to vector<256x32xf32>
    %mul3A_100 = arith.mulf %mul3A_99, %slice3A_98 : vector<256x32xf32>
    %add3A_101 = arith.addf %add3A_96, %mul3A_100 : vector<256x32xf32>
    %slice3A_102 = vector.extract_strided_slice %get3A_65 {offsets = [0, 7], sizes = [256, 1], strides = [1, 1]} : vector<256x32xf32> to vector<256x1xf32>
    %slice3A_103 = vector.extract_strided_slice %add3A_62 {offsets = [0, 224], sizes = [256, 32], strides = [1, 1]} : vector<256x1024xf32> to vector<256x32xf32>
    %mul3A_104 = vector.broadcast %slice3A_102 : vector<256x1xf32> to vector<256x32xf32>
    %mul3A_105 = arith.mulf %mul3A_104, %slice3A_103 : vector<256x32xf32>
    %add3A_106 = arith.addf %add3A_101, %mul3A_105 : vector<256x32xf32>
    %slice3A_107 = vector.extract_strided_slice %get3A_65 {offsets = [0, 8], sizes = [256, 1], strides = [1, 1]} : vector<256x32xf32> to vector<256x1xf32>
    %slice3A_108 = vector.extract_strided_slice %add3A_62 {offsets = [0, 256], sizes = [256, 32], strides = [1, 1]} : vector<256x1024xf32> to vector<256x32xf32>
    %mul3A_109 = vector.broadcast %slice3A_107 : vector<256x1xf32> to vector<256x32xf32>
    %mul3A_110 = arith.mulf %mul3A_109, %slice3A_108 : vector<256x32xf32>
    %add3A_111 = arith.addf %add3A_106, %mul3A_110 : vector<256x32xf32>
    %slice3A_112 = vector.extract_strided_slice %get3A_65 {offsets = [0, 9], sizes = [256, 1], strides = [1, 1]} : vector<256x32xf32> to vector<256x1xf32>
    %slice3A_113 = vector.extract_strided_slice %add3A_62 {offsets = [0, 288], sizes = [256, 32], strides = [1, 1]} : vector<256x1024xf32> to vector<256x32xf32>
    %mul3A_114 = vector.broadcast %slice3A_112 : vector<256x1xf32> to vector<256x32xf32>
    %mul3A_115 = arith.mulf %mul3A_114, %slice3A_113 : vector<256x32xf32>
    %add3A_116 = arith.addf %add3A_111, %mul3A_115 : vector<256x32xf32>
    %slice3A_117 = vector.extract_strided_slice %get3A_65 {offsets = [0, 10], sizes = [256, 1], strides = [1, 1]} : vector<256x32xf32> to vector<256x1xf32>
    %slice3A_118 = vector.extract_strided_slice %add3A_62 {offsets = [0, 320], sizes = [256, 32], strides = [1, 1]} : vector<256x1024xf32> to vector<256x32xf32>
    %mul3A_119 = vector.broadcast %slice3A_117 : vector<256x1xf32> to vector<256x32xf32>
    %mul3A_120 = arith.mulf %mul3A_119, %slice3A_118 : vector<256x32xf32>
    %add3A_121 = arith.addf %add3A_116, %mul3A_120 : vector<256x32xf32>
    %slice3A_122 = vector.extract_strided_slice %get3A_65 {offsets = [0, 11], sizes = [256, 1], strides = [1, 1]} : vector<256x32xf32> to vector<256x1xf32>
    %slice3A_123 = vector.extract_strided_slice %add3A_62 {offsets = [0, 352], sizes = [256, 32], strides = [1, 1]} : vector<256x1024xf32> to vector<256x32xf32>
    %mul3A_124 = vector.broadcast %slice3A_122 : vector<256x1xf32> to vector<256x32xf32>
    %mul3A_125 = arith.mulf %mul3A_124, %slice3A_123 : vector<256x32xf32>
    %add3A_126 = arith.addf %add3A_121, %mul3A_125 : vector<256x32xf32>
    %slice3A_127 = vector.extract_strided_slice %get3A_65 {offsets = [0, 12], sizes = [256, 1], strides = [1, 1]} : vector<256x32xf32> to vector<256x1xf32>
    %slice3A_128 = vector.extract_strided_slice %add3A_62 {offsets = [0, 384], sizes = [256, 32], strides = [1, 1]} : vector<256x1024xf32> to vector<256x32xf32>
    %mul3A_129 = vector.broadcast %slice3A_127 : vector<256x1xf32> to vector<256x32xf32>
    %mul3A_130 = arith.mulf %mul3A_129, %slice3A_128 : vector<256x32xf32>
    %add3A_131 = arith.addf %add3A_126, %mul3A_130 : vector<256x32xf32>
    %slice3A_132 = vector.extract_strided_slice %get3A_65 {offsets = [0, 13], sizes = [256, 1], strides = [1, 1]} : vector<256x32xf32> to vector<256x1xf32>
    %slice3A_133 = vector.extract_strided_slice %add3A_62 {offsets = [0, 416], sizes = [256, 32], strides = [1, 1]} : vector<256x1024xf32> to vector<256x32xf32>
    %mul3A_134 = vector.broadcast %slice3A_132 : vector<256x1xf32> to vector<256x32xf32>
    %mul3A_135 = arith.mulf %mul3A_134, %slice3A_133 : vector<256x32xf32>
    %add3A_136 = arith.addf %add3A_131, %mul3A_135 : vector<256x32xf32>
    %slice3A_137 = vector.extract_strided_slice %get3A_65 {offsets = [0, 14], sizes = [256, 1], strides = [1, 1]} : vector<256x32xf32> to vector<256x1xf32>
    %slice3A_138 = vector.extract_strided_slice %add3A_62 {offsets = [0, 448], sizes = [256, 32], strides = [1, 1]} : vector<256x1024xf32> to vector<256x32xf32>
    %mul3A_139 = vector.broadcast %slice3A_137 : vector<256x1xf32> to vector<256x32xf32>
    %mul3A_140 = arith.mulf %mul3A_139, %slice3A_138 : vector<256x32xf32>
    %add3A_141 = arith.addf %add3A_136, %mul3A_140 : vector<256x32xf32>
    %slice3A_142 = vector.extract_strided_slice %get3A_65 {offsets = [0, 15], sizes = [256, 1], strides = [1, 1]} : vector<256x32xf32> to vector<256x1xf32>
    %slice3A_143 = vector.extract_strided_slice %add3A_62 {offsets = [0, 480], sizes = [256, 32], strides = [1, 1]} : vector<256x1024xf32> to vector<256x32xf32>
    %mul3A_144 = vector.broadcast %slice3A_142 : vector<256x1xf32> to vector<256x32xf32>
    %mul3A_145 = arith.mulf %mul3A_144, %slice3A_143 : vector<256x32xf32>
    %add3A_146 = arith.addf %add3A_141, %mul3A_145 : vector<256x32xf32>
    %slice3A_147 = vector.extract_strided_slice %get3A_65 {offsets = [0, 16], sizes = [256, 1], strides = [1, 1]} : vector<256x32xf32> to vector<256x1xf32>
    %slice3A_148 = vector.extract_strided_slice %add3A_62 {offsets = [0, 512], sizes = [256, 32], strides = [1, 1]} : vector<256x1024xf32> to vector<256x32xf32>
    %mul3A_149 = vector.broadcast %slice3A_147 : vector<256x1xf32> to vector<256x32xf32>
    %mul3A_150 = arith.mulf %mul3A_149, %slice3A_148 : vector<256x32xf32>
    %add3A_151 = arith.addf %add3A_146, %mul3A_150 : vector<256x32xf32>
    %slice3A_152 = vector.extract_strided_slice %get3A_65 {offsets = [0, 17], sizes = [256, 1], strides = [1, 1]} : vector<256x32xf32> to vector<256x1xf32>
    %slice3A_153 = vector.extract_strided_slice %add3A_62 {offsets = [0, 544], sizes = [256, 32], strides = [1, 1]} : vector<256x1024xf32> to vector<256x32xf32>
    %mul3A_154 = vector.broadcast %slice3A_152 : vector<256x1xf32> to vector<256x32xf32>
    %mul3A_155 = arith.mulf %mul3A_154, %slice3A_153 : vector<256x32xf32>
    %add3A_156 = arith.addf %add3A_151, %mul3A_155 : vector<256x32xf32>
    %slice3A_157 = vector.extract_strided_slice %get3A_65 {offsets = [0, 18], sizes = [256, 1], strides = [1, 1]} : vector<256x32xf32> to vector<256x1xf32>
    %slice3A_158 = vector.extract_strided_slice %add3A_62 {offsets = [0, 576], sizes = [256, 32], strides = [1, 1]} : vector<256x1024xf32> to vector<256x32xf32>
    %mul3A_159 = vector.broadcast %slice3A_157 : vector<256x1xf32> to vector<256x32xf32>
    %mul3A_160 = arith.mulf %mul3A_159, %slice3A_158 : vector<256x32xf32>
    %add3A_161 = arith.addf %add3A_156, %mul3A_160 : vector<256x32xf32>
    %slice3A_162 = vector.extract_strided_slice %get3A_65 {offsets = [0, 19], sizes = [256, 1], strides = [1, 1]} : vector<256x32xf32> to vector<256x1xf32>
    %slice3A_163 = vector.extract_strided_slice %add3A_62 {offsets = [0, 608], sizes = [256, 32], strides = [1, 1]} : vector<256x1024xf32> to vector<256x32xf32>
    %mul3A_164 = vector.broadcast %slice3A_162 : vector<256x1xf32> to vector<256x32xf32>
    %mul3A_165 = arith.mulf %mul3A_164, %slice3A_163 : vector<256x32xf32>
    %add3A_166 = arith.addf %add3A_161, %mul3A_165 : vector<256x32xf32>
    %slice3A_167 = vector.extract_strided_slice %get3A_65 {offsets = [0, 20], sizes = [256, 1], strides = [1, 1]} : vector<256x32xf32> to vector<256x1xf32>
    %slice3A_168 = vector.extract_strided_slice %add3A_62 {offsets = [0, 640], sizes = [256, 32], strides = [1, 1]} : vector<256x1024xf32> to vector<256x32xf32>
    %mul3A_169 = vector.broadcast %slice3A_167 : vector<256x1xf32> to vector<256x32xf32>
    %mul3A_170 = arith.mulf %mul3A_169, %slice3A_168 : vector<256x32xf32>
    %add3A_171 = arith.addf %add3A_166, %mul3A_170 : vector<256x32xf32>
    %slice3A_172 = vector.extract_strided_slice %get3A_65 {offsets = [0, 21], sizes = [256, 1], strides = [1, 1]} : vector<256x32xf32> to vector<256x1xf32>
    %slice3A_173 = vector.extract_strided_slice %add3A_62 {offsets = [0, 672], sizes = [256, 32], strides = [1, 1]} : vector<256x1024xf32> to vector<256x32xf32>
    %mul3A_174 = vector.broadcast %slice3A_172 : vector<256x1xf32> to vector<256x32xf32>
    %mul3A_175 = arith.mulf %mul3A_174, %slice3A_173 : vector<256x32xf32>
    %add3A_176 = arith.addf %add3A_171, %mul3A_175 : vector<256x32xf32>
    %slice3A_177 = vector.extract_strided_slice %get3A_65 {offsets = [0, 22], sizes = [256, 1], strides = [1, 1]} : vector<256x32xf32> to vector<256x1xf32>
    %slice3A_178 = vector.extract_strided_slice %add3A_62 {offsets = [0, 704], sizes = [256, 32], strides = [1, 1]} : vector<256x1024xf32> to vector<256x32xf32>
    %mul3A_179 = vector.broadcast %slice3A_177 : vector<256x1xf32> to vector<256x32xf32>
    %mul3A_180 = arith.mulf %mul3A_179, %slice3A_178 : vector<256x32xf32>
    %add3A_181 = arith.addf %add3A_176, %mul3A_180 : vector<256x32xf32>
    %slice3A_182 = vector.extract_strided_slice %get3A_65 {offsets = [0, 23], sizes = [256, 1], strides = [1, 1]} : vector<256x32xf32> to vector<256x1xf32>
    %slice3A_183 = vector.extract_strided_slice %add3A_62 {offsets = [0, 736], sizes = [256, 32], strides = [1, 1]} : vector<256x1024xf32> to vector<256x32xf32>
    %mul3A_184 = vector.broadcast %slice3A_182 : vector<256x1xf32> to vector<256x32xf32>
    %mul3A_185 = arith.mulf %mul3A_184, %slice3A_183 : vector<256x32xf32>
    %add3A_186 = arith.addf %add3A_181, %mul3A_185 : vector<256x32xf32>
    %slice3A_187 = vector.extract_strided_slice %get3A_65 {offsets = [0, 24], sizes = [256, 1], strides = [1, 1]} : vector<256x32xf32> to vector<256x1xf32>
    %slice3A_188 = vector.extract_strided_slice %add3A_62 {offsets = [0, 768], sizes = [256, 32], strides = [1, 1]} : vector<256x1024xf32> to vector<256x32xf32>
    %mul3A_189 = vector.broadcast %slice3A_187 : vector<256x1xf32> to vector<256x32xf32>
    %mul3A_190 = arith.mulf %mul3A_189, %slice3A_188 : vector<256x32xf32>
    %add3A_191 = arith.addf %add3A_186, %mul3A_190 : vector<256x32xf32>
    %slice3A_192 = vector.extract_strided_slice %get3A_65 {offsets = [0, 25], sizes = [256, 1], strides = [1, 1]} : vector<256x32xf32> to vector<256x1xf32>
    %slice3A_193 = vector.extract_strided_slice %add3A_62 {offsets = [0, 800], sizes = [256, 32], strides = [1, 1]} : vector<256x1024xf32> to vector<256x32xf32>
    %mul3A_194 = vector.broadcast %slice3A_192 : vector<256x1xf32> to vector<256x32xf32>
    %mul3A_195 = arith.mulf %mul3A_194, %slice3A_193 : vector<256x32xf32>
    %add3A_196 = arith.addf %add3A_191, %mul3A_195 : vector<256x32xf32>
    %slice3A_197 = vector.extract_strided_slice %get3A_65 {offsets = [0, 26], sizes = [256, 1], strides = [1, 1]} : vector<256x32xf32> to vector<256x1xf32>
    %slice3A_198 = vector.extract_strided_slice %add3A_62 {offsets = [0, 832], sizes = [256, 32], strides = [1, 1]} : vector<256x1024xf32> to vector<256x32xf32>
    %mul3A_199 = vector.broadcast %slice3A_197 : vector<256x1xf32> to vector<256x32xf32>
    %mul3A_200 = arith.mulf %mul3A_199, %slice3A_198 : vector<256x32xf32>
    %add3A_201 = arith.addf %add3A_196, %mul3A_200 : vector<256x32xf32>
    %slice3A_202 = vector.extract_strided_slice %get3A_65 {offsets = [0, 27], sizes = [256, 1], strides = [1, 1]} : vector<256x32xf32> to vector<256x1xf32>
    %slice3A_203 = vector.extract_strided_slice %add3A_62 {offsets = [0, 864], sizes = [256, 32], strides = [1, 1]} : vector<256x1024xf32> to vector<256x32xf32>
    %mul3A_204 = vector.broadcast %slice3A_202 : vector<256x1xf32> to vector<256x32xf32>
    %mul3A_205 = arith.mulf %mul3A_204, %slice3A_203 : vector<256x32xf32>
    %add3A_206 = arith.addf %add3A_201, %mul3A_205 : vector<256x32xf32>
    %slice3A_207 = vector.extract_strided_slice %get3A_65 {offsets = [0, 28], sizes = [256, 1], strides = [1, 1]} : vector<256x32xf32> to vector<256x1xf32>
    %slice3A_208 = vector.extract_strided_slice %add3A_62 {offsets = [0, 896], sizes = [256, 32], strides = [1, 1]} : vector<256x1024xf32> to vector<256x32xf32>
    %mul3A_209 = vector.broadcast %slice3A_207 : vector<256x1xf32> to vector<256x32xf32>
    %mul3A_210 = arith.mulf %mul3A_209, %slice3A_208 : vector<256x32xf32>
    %add3A_211 = arith.addf %add3A_206, %mul3A_210 : vector<256x32xf32>
    %slice3A_212 = vector.extract_strided_slice %get3A_65 {offsets = [0, 29], sizes = [256, 1], strides = [1, 1]} : vector<256x32xf32> to vector<256x1xf32>
    %slice3A_213 = vector.extract_strided_slice %add3A_62 {offsets = [0, 928], sizes = [256, 32], strides = [1, 1]} : vector<256x1024xf32> to vector<256x32xf32>
    %mul3A_214 = vector.broadcast %slice3A_212 : vector<256x1xf32> to vector<256x32xf32>
    %mul3A_215 = arith.mulf %mul3A_214, %slice3A_213 : vector<256x32xf32>
    %add3A_216 = arith.addf %add3A_211, %mul3A_215 : vector<256x32xf32>
    %slice3A_217 = vector.extract_strided_slice %get3A_65 {offsets = [0, 30], sizes = [256, 1], strides = [1, 1]} : vector<256x32xf32> to vector<256x1xf32>
    %slice3A_218 = vector.extract_strided_slice %add3A_62 {offsets = [0, 960], sizes = [256, 32], strides = [1, 1]} : vector<256x1024xf32> to vector<256x32xf32>
    %mul3A_219 = vector.broadcast %slice3A_217 : vector<256x1xf32> to vector<256x32xf32>
    %mul3A_220 = arith.mulf %mul3A_219, %slice3A_218 : vector<256x32xf32>
    %add3A_221 = arith.addf %add3A_216, %mul3A_220 : vector<256x32xf32>
    %slice3A_222 = vector.extract_strided_slice %get3A_65 {offsets = [0, 31], sizes = [256, 1], strides = [1, 1]} : vector<256x32xf32> to vector<256x1xf32>
    %slice3A_223 = vector.extract_strided_slice %add3A_62 {offsets = [0, 992], sizes = [256, 32], strides = [1, 1]} : vector<256x1024xf32> to vector<256x32xf32>
    %mul3A_224 = vector.broadcast %slice3A_222 : vector<256x1xf32> to vector<256x32xf32>
    %mul3A_225 = arith.mulf %mul3A_224, %slice3A_223 : vector<256x32xf32>
    %add3A_226 = arith.addf %add3A_221, %mul3A_225 : vector<256x32xf32>
    %get3A_227 = arith.constant 0 : index
    %get3A_228 = arith.constant 0 : index
    %get3A_229 = vector.load %arg4[%get3A_227, %get3A_228] : memref<256x32xf32, #tpu.memory_space<vmem>>, vector<256x32xf32>
    %mul3A_230 = arith.mulf %add3A_226, %get3A_229 : vector<256x32xf32>
    %reduce_sum3A_231 = arith.constant dense<0.000000e+00> : vector<256xf32>
    %reduce_sum3A_232 = vector.multi_reduction <add>, %mul3A_230, %reduce_sum3A_231 [1] : vector<256x32xf32> to vector<256xf32>
    %swap3A = arith.constant 0 : index
    %swap3A_233 = vector.load %arg12[%swap3A] : memref<256xf32, #tpu.memory_space<vmem>>, vector<256xf32>
    tpu.vector_store %arg12[%swap3A], %reduce_sum3A_232 {strides = array<i32>} : memref<256xf32, #tpu.memory_space<vmem>>, vector<256xf32>,
    return
  }
  func.func @transform_0(%arg0: i32) -> (i32, i32, i32) {
    %c0_i32 = arith.constant 0 : i32
    %c0_i32_0 = arith.constant 0 : i32
    %c0_i32_1 = arith.constant 0 : i32
    return %c0_i32, %arg0, %c0_i32_0 : i32, i32, i32
  }
  func.func @transform_1(%arg0: i32) -> (i32, i32) {
    %c0_i32 = arith.constant 0 : i32
    %c0_i32_0 = arith.constant 0 : i32
    return %c0_i32, %arg0 : i32, i32
  }
  func.func @transform_2(%arg0: i32) -> (i32, i32) {
    %c0_i32 = arith.constant 0 : i32
    %c0_i32_0 = arith.constant 0 : i32
    return %arg0, %c0_i32 : i32, i32
  }
  func.func @transform_3(%arg0: i32) -> (i32, i32) {
    %c0_i32 = arith.constant 0 : i32
    %c0_i32_0 = arith.constant 0 : i32
    return %arg0, %c0_i32 : i32, i32
  }
  func.func @transform_4(%arg0: i32) -> (i32, i32) {
    %c0_i32 = arith.constant 0 : i32
    %c0_i32_0 = arith.constant 0 : i32
    %c0_i32_1 = arith.constant 0 : i32
    return %c0_i32, %c0_i32_0 : i32, i32
  }
  func.func @transform_5(%arg0: i32) -> (i32, i32) {
    %c0_i32 = arith.constant 0 : i32
    %c0_i32_0 = arith.constant 0 : i32
    %c0_i32_1 = arith.constant 0 : i32
    return %c0_i32, %c0_i32_0 : i32, i32
  }
  func.func @transform_6(%arg0: i32) -> (i32, i32) {
    %c0_i32 = arith.constant 0 : i32
    %c0_i32_0 = arith.constant 0 : i32
    %c0_i32_1 = arith.constant 0 : i32
    return %c0_i32, %c0_i32_0 : i32, i32
  }
  func.func @transform_7(%arg0: i32) -> (i32, i32) {
    %c0_i32 = arith.constant 0 : i32
    %c0_i32_0 = arith.constant 0 : i32
    %c0_i32_1 = arith.constant 0 : i32
    return %c0_i32, %c0_i32_0 : i32, i32
  }
  func.func @transform_8(%arg0: i32) -> (i32, i32) {
    %c0_i32 = arith.constant 0 : i32
    %c0_i32_0 = arith.constant 0 : i32
    %c0_i32_1 = arith.constant 0 : i32
    return %c0_i32, %c0_i32_0 : i32, i32
  }
  func.func @transform_9(%arg0: i32) -> (i32, i32) {
    %c0_i32 = arith.constant 0 : i32
    %c0_i32_0 = arith.constant 0 : i32
    %c0_i32_1 = arith.constant 0 : i32
    return %c0_i32, %c0_i32_0 : i32, i32
  }
  func.func @transform_10(%arg0: i32) -> (i32, i32) {
    %c0_i32 = arith.constant 0 : i32
    %c0_i32_0 = arith.constant 0 : i32
    %c0_i32_1 = arith.constant 0 : i32
    return %c0_i32, %c0_i32_0 : i32, i32
  }
  func.func @transform_11(%arg0: i32) -> i32 {
    %c0_i32 = arith.constant 0 : i32
    return %arg0 : i32
  }
}

</mosaic_0001>

<sc_bundles>
// kernel: kernel.10.cloned.1.call-start
scs
__scs_entry_jumppad:
0x0: {  	(pc) =	sbr.rel $0x88, $3  }
0x1: {  	(tag) =	ssettag $0x0;
	lr =	simm.s32 $0x1  }
0x2: {  	[smem:$0x3F96] =	sst lr;
	_ =	strace $0xD0000000  }
0x3: {  	_ = 	snop  }
0x4: {  	_ = 	snop  }
0x5: {  	_ = 	snop  }
0x6: {  	_ = 	snop  }
0x7: {  	_ = 	snop  }
__scs_overlays_trampoline_lowered:
0x8: {  	[smem:$0x3FA5] =	sst s0  }
0x9: {  	[smem:$0x3FA6] =	sst s1  }
0xa: {  	[smem:$0x3FA7] =	sst s2  }
0xb: {  	[smem:$0x3FA8] =	sst s3  }
0xc: {  	[smem:$0x3FA9] =	sst s4  }
0xd: {  	[smem:$0x3FAA] =	sst s5  }
0xe: {  	[smem:$0x3FAB] =	sst s6  }
0xf: {  	[smem:$0x3FAC] =	sst s7  }
0x10: {  	[smem:$0x3FAD] =	sst s8  }
0x11: {  	[smem:$0x3FAE] =	sst s9;
	s0 =	simm.s32 @!p0 $0x0  }
0x12: {  	s1 =	sld [smem:$0x3F94];
	s0 =	simm.s32 @p0 $0x1  }
0x13: {  	[smem:$0x3FAF] =	sst s0;
	s0 =	simm.s32 @!p1 $0x0  }
0x14: {  	s2 =	sld [smem:$0x3F93];
	s0 =	simm.s32 @p1 $0x1  }
0x15: {  	[smem:$0x3FB0] =	sst s0;
	s0 =	simm.s32 @!p2 $0x0  }
0x16: {  	s3 =	sld [smem:$0x3FDB];
	s0 =	simm.s32 @p2 $0x1  }
0x17: {  	s4 =	simm.s32 $0x1BF5;
	[smem:$0x3FB2] =	sst s0  }
0x18: {  	s0 =	sld [smem:$0x3F95];
	_ =	swait.ge [sflag:s4], $0x0  }
0x19: {  	s7 =	sld [smem:$0x3F96]  }
0x1a: {  	s8 =	sadd.s32 $0xFFFFE003, lr  }
0x1b: {  	s9 =	sadd.s32 $0xFFFFFEF7, lr;
	s5 =	simm.s32 $0xFFFFFFFF;
	p2 =	slt.u32 s8, $0xFFFFF086  }
0x1c: {  	p1 =	slt.u32 s9, $0xF7A;
	s5 =	simm.s32 @!p2 $0x0  }
0x1d: {  	s5 =	simm.s32 @p1 $0x1;
	p0 =	seq.s32 s7, s2  }
0x1e: {  	s7 =	smul.u32 @!p0 $0xF7A, s2;
	p2 =	seq.s32 @!p0 s5, $0x0  }
0x1f: {  	s9 =	smul.u32 $0xF7A, s1;
	s8 =	simm.s32 @!p0 $0x1BF5;
	p2 =	por !p2, p0  }
0x20: {  	[sflag:s8] =	ssyncset.s32 @!p0 $0xFFFFF086;
	s6 =	sadd.s32 @!p0 s3, s7;
	s7 =	simm.s32 @!p0 $0x108  }
0x21: {  	s3 =	sadd.s32 s3, s9;
	s6 =	sadd.s32 @!p0 $0x88, s6;
	s7 =	simm.s32 @p2 $0x1082  }
0x22: {  	[simem:s7], [sflag:s8] =	dma.local @!p0 [hbm:s6], $0xF7A  }
0x23: {  	s9 =	sor.u32 $0xD0000000, s2;
	s6 =	simm.s32 $0x108;
	_ =	swait.ge @!p0 [sflag:s8], $0x0  }
0x24: {  	s3 =	sadd.s32 $0x88, s3;
	s6 =	simm.s32 @!p1 $0x1082;
	[sflag:s4] =	ssyncset.s32 $0xFFFFF086  }
0x25: {  	[simem:s6], [sflag:s4] =	dma.local [hbm:s3], $0xF7A  }
0x26: {  	[smem:$0x3F96] =	sst s1;
	(tag) =	ssettag s2;
	_ =	strace s9  }
0x27: {  	s1 =	sld [smem:$0x3FA6]  }
0x28: {  	s2 =	sld [smem:$0x3FA7]  }
0x29: {  	s4 =	sld [smem:$0x3FA9]  }
0x2a: {  	p0 =	seq.s32 s5, $0x0;
	s5 =	sld [smem:$0x3FAA]  }
0x2b: {  	s6 =	sld [smem:$0x3FAB]  }
0x2c: {  	s7 =	sld [smem:$0x3FAC]  }
0x2d: {  	s3 =	simm.s32 $0x108;
	s8 =	sld [smem:$0x3FAD]  }
0x2e: {  	s3 =	simm.s32 @!p0 $0x1082;
	s9 =	sld [smem:$0x3FAE]  }
0x2f: {  	lr =	sadd.s32 s0, s3;
	s0 =	sld [smem:$0x3FA5]  }
0x30: {  	s3 =	sld [smem:$0x3FA8]  }
0x31: {  	[smem:$0x3FB1] =	sst s10  }
0x32: {  	s10 =	sld [smem:$0x3FAF];
	_ =	sdelay $0x3  }
0x33: {  	p0 =	seq.s32 s10, $0x1;
	s10 =	sld [smem:$0x3FB1];
	_ =	sdelay $0x3  }
0x34: {  	[smem:$0x3FB1] =	sst s10  }
0x35: {  	s10 =	sld [smem:$0x3FB0];
	_ =	sdelay $0x3  }
0x36: {  	p1 =	seq.s32 s10, $0x1;
	s10 =	sld [smem:$0x3FB1];
	_ =	sdelay $0x3  }
0x37: {  	[smem:$0x3FB1] =	sst s10  }
0x38: {  	s10 =	sld [smem:$0x3FB2]  }
0x39: {  	_ = 	snop;
	(pc) =	sbr.ind lr, $3  }
0x3a: {  	_ = 	snop  }
0x3b: {  	_ = 	snop  }
0x3c: {  	p2 =	seq.s32 s10, $0x1;
	s10 =	sld [smem:$0x3FB1]  }
0x3d: {  	_ =	shalt  }
0x3e: {  	_ =	shalt  }
0x3f: {  	_ =	shalt  }
0x40: {  	_ =	shalt  }
0x41: {  	_ =	shalt  }
0x42: {  	_ =	shalt  }
0x43: {  	_ =	shalt  }
0x44: {  	_ =	shalt  }
0x45: {  	_ =	shalt  }
0x46: {  	_ =	shalt  }
0x47: {  	_ =	shalt  }
0x48: {  	_ =	shalt  }
0x49: {  	_ =	shalt  }
0x4a: {  	_ =	shalt  }
0x4b: {  	_ =	shalt  }
0x4c: {  	_ =	shalt  }
0x4d: {  	_ =	shalt  }
0x4e: {  	_ =	shalt  }
0x4f: {  	_ =	shalt  }
0x50: {  	_ =	shalt  }
0x51: {  	_ =	shalt  }
0x52: {  	_ =	shalt  }
0x53: {  	_ =	shalt  }
0x54: {  	_ =	shalt  }
0x55: {  	_ =	shalt  }
0x56: {  	_ =	shalt  }
0x57: {  	_ =	shalt  }
0x58: {  	_ =	shalt  }
0x59: {  	_ =	shalt  }
0x5a: {  	_ =	shalt  }
0x5b: {  	_ =	shalt  }
0x5c: {  	_ =	shalt  }
0x5d: {  	_ =	shalt  }
0x5e: {  	_ =	shalt  }
0x5f: {  	_ =	shalt  }
0x60: {  	_ =	shalt  }
0x61: {  	_ =	shalt  }
0x62: {  	_ =	shalt  }
0x63: {  	_ =	shalt  }
0x64: {  	_ =	shalt  }
0x65: {  	_ =	shalt  }
0x66: {  	_ =	shalt  }
0x67: {  	_ =	shalt  }
0x68: {  	_ =	shalt  }
0x69: {  	_ =	shalt  }
0x6a: {  	_ =	shalt  }
0x6b: {  	_ =	shalt  }
0x6c: {  	_ =	shalt  }
0x6d: {  	_ =	shalt  }
0x6e: {  	_ =	shalt  }
0x6f: {  	_ =	shalt  }
0x70: {  	_ =	shalt  }
0x71: {  	_ =	shalt  }
0x72: {  	_ =	shalt  }
0x73: {  	_ =	shalt  }
0x74: {  	_ =	shalt  }
0x75: {  	_ =	shalt  }
0x76: {  	_ =	shalt  }
0x77: {  	_ =	shalt  }
0x78: {  	_ =	shalt  }
0x79: {  	_ =	shalt  }
0x7a: {  	_ =	shalt  }
0x7b: {  	_ =	shalt  }
0x7c: {  	_ =	shalt  }
0x7d: {  	_ =	shalt  }
0x7e: {  	_ =	shalt  }
0x7f: {  	_ =	shalt  }
0x80: {  	_ =	shalt  }
0x81: {  	_ =	shalt  }
0x82: {  	_ =	shalt  }
0x83: {  	_ =	shalt  }
0x84: {  	_ =	shalt  }
0x85: {  	_ =	shalt  }
0x86: {  	_ =	shalt  }
0x87: {  	_ =	shalt  }
.Lfunc_end0:
.L_simem_size_0:
called_computation_lowered:
.L_overlay_start_0:
0x88: {  	s2 =	sld [smem:$0x3FD9]  }
0x89: {  	s3 =	sld [smem:$0x3FFE];
	_ =	sdelay $0x1  }
0x8a: {  	s1 =	srdreg.scid  }
0x8b: {  	s0 =	sand.u32 $0x1, s1  }
0x8c: {  	s17 =	sshll.u32 s0, $0xA;
	s2 =	sadd.s32 s3, s2  }
0x8d: {  	s2 =	sadd.s32 s2, s17  }
0x8e: {  	[smem:$0x3FBD] =	sst s2  }
0x8f: {  	_ = 	snop  }
0x90: {  	s18 =	sld [smem:$0x3FD0];
	(tm) =	ssettm $0x1  }
0x91: {  	s19 =	sld [smem:$0x3FFB];
	_ =	sdelay $0x3  }
0x92: {  	_ =	strace s19  }
0x93: {  	s2 =	sld [smem:$0x3FFC];
	_ =	sdelay $0x3  }
0x94: {  	_ =	strace s2  }
0x95: {  	s2 =	sld [smem:$0x3FFD];
	_ =	sdelay $0x3  }
0x96: {  	_ =	strace s2  }
0x97: {  	_ =	strace $0x8FFFFFFF  }
0x98: {  	s20 =	sld [smem:$0x3FDB];
	_ =	sdelay $0x1  }
0x99: {  	s4 =	simm.s32 $_scs_section_size  }
0x9a: {  	s5 =	simm.s32 $_size__tile_overlayer_lowered;
	s6 =	simm.s32 $_tile_overlayer_lowered  }
0x9b: {  	s7 =	simm.s32 $0x1BFF;
	s21 =	sshll.u32 s6, $0x1;
	s4 =	sadd.s32 s4, s20  }
0x9c: {  	s22 =	simm.s32 $0x0;
	s5 =	sshll.u32 s5, $0x1;
	s6 =	sadd.s32 s21, s4  }
0x9d: {  	[timem:s22], [sflag:s7] =	dma.local [hbm:s6], s5  }
0x9e: {  	_ =	swait.ge [sflag:s7], s5  }
0x9f: {  	s5 =	ssub.s32 $0x0, s5;
	[sflag:s7] =	ssyncset.done $0x0  }
0xa0: {  	[sflag:s7] =	ssyncadd.s32 s5;
	_ =	sdelay $0x1  }
0xa1: {  	s23 =	simm.s32 $0x1B8B  }
0xa2: {  	_ =	swait.ge [sflag:s23], $0x1  }
0xa3: {  	[sflag:s23] =	ssyncset.done $0x0  }
0xa4: {  	[sflag:s23] =	ssyncadd.s32 $0xFFFFFFFF  }
0xa5: {  	s5 =	sld [smem:$0x0]  }
0xa6: {  	s6 =	sand.u32 $0xFFFFFFFE, s1  }
0xa7: {  	p0 =	sne.s32 s1, s6  }
0xa8: {  	s6 =	sshll.u32 @p0 s6, $0xE  }
0xa9: {  	s6 =	sadd.s32 @p0 $0x11B8D, s6;
	s7 =	sshll.u32 @p0 s5, $0x11  }
0xaa: {  	s6 =	sor.u32 @p0 s7, s6  }
0xab: {  	[sflag:s6] =	ssyncadd.remote.s32 @p0 $0x1;
	_ =	sdelay $0x1  }
0xac: {  	s6 =	simm.s32 @p0 $0x1B8D  }
0xad: {  	_ =	swait.eq @p0 [sflag:s6], $0x1  }
0xae: {  	[sflag:s6] =	ssyncadd.s32 @p0 $0xFFFFFFFF  }
0xaf: {  	s7 =	sshll.u32 @!p0 s1, $0xE  }
0xb0: {  	s7 =	sor.u32 @!p0 $0x4000, s7;
	s6 =	simm.s32 @!p0 $0x1B8D  }
0xb1: {  	s5 =	sshll.u32 @!p0 s5, $0x11;
	s7 =	sadd.s32 @!p0 $0x11B8D, s7;
	_ =	swait.eq @!p0 [sflag:s6], $0x1  }
0xb2: {  	s5 =	sor.u32 @!p0 s5, s7;
	[sflag:s6] =	ssyncadd.s32 @!p0 $0xFFFFFFFF  }
0xb3: {  	s25 =	simm.s32 $0x1B8E;
	s24 =	sld [smem:$0x3FFE];
	[sflag:s5] =	ssyncadd.remote.s32 @!p0 $0x1  }
0xb4: {  	s26 =	simm.s32 $execute0_lowered;
	[smem:$0x3FD2] =	sst s25  }
0xb5: {  	s6 =	sshll.u32 s26, $0x1;
	_ =	strace $0x8000004F;
	[dreg:$0x1] =	wrdreg $0xFFFFFFFF  }
0xb6: {  	s28 =	simm.s32 $_size_execute0_lowered;
	s4 =	sadd.s32 s4, s6;
	[dreg:$0x0] =	wrdreg $0x0  }
0xb7: {  	s6 =	sshll.u32 s28, $0x1;
	[dreg:$0x2] =	wrdreg s4  }
0xb8: {  	[dreg:$0x3] =	wrdreg s6  }
0xb9: {  	[dreg:$0x4] =	wrdreg $0xC0  }
0xba: {  	_ =	task [dreg:s22], $0x5FFFF  }
0xbb: {  	[dreg:$0x1] =	wrdreg $0xFFFFFFFF  }
0xbc: {  	[dreg:$0x0] =	wrdreg $0x60  }
0xbd: {  	[dreg:$0x2] =	wrdreg s24  }
0xbe: {  	[dreg:$0x3] =	wrdreg s18  }
0xbf: {  	[dreg:$0x4] =	wrdreg $0x9  }
0xc0: {  	_ =	task.clear_ibuf [dreg:s22], $0x5FFFF;
	_ =	strace $0x9000004F  }
0xc1: {  	s29 =	simm.s32 $0x9;
	_ =	strace $0x80000051  }
0xc2: {  	_ =	swait.ge [sflag:s29], $0x1  }
0xc3: {  	[sflag:s29] =	ssyncadd.s32 $0xFFFFFFFF  }
0xc4: {  	_ =	strace $0x90000051  }
0xc5: {  	_ =	sfence  }
0xc6: {  	s30 =	sld [smem:$0x0];
	_ =	sdelay $0x2  }
0xc7: {  	s31 =	sshll.u32 s1, $0xD;
	s1 =	sshrl.u32 s1, $0x2  }
0xc8: {  	s4 =	sand.u32 $0x4000, s31;
	s1 =	sadd.s32 s1, s30  }
0xc9: {  	s0 =	sor.u32 s4, s0;
	s1 =	sshll.u32 s1, $0x11  }
0xca: {  	s0 =	sor.u32 s1, s0  }
0xcb: {  	s0 =	sadd.s32 $0x8F2B, s0  }
0xcc: {  	[sflag:s0] =	ssyncadd.remote.s32 $0x1  }
0xcd: {  	_ =	sfence.sel $0xFFFF  }
0xce: {  	[dreg:$0x0] =	wrdreg $0xFFFFFFFF;
	(pc) =	sbr.abs _section_cstart, $3  }
0xcf: {  	[dreg:$0x1] =	wrdreg $0xFFFFFFFF  }
0xd0: {  	_ =	task.clear_ibuf [dreg:s22], $0x2FFFF;
	_ =	strace $0x9FFFFFFF  }
0xd1: {  	(tm) =	ssettm $0x7FFFFFFF  }
tec
execute0_lowered:
.L_overlay_start_1:
0x0: {  	(tag) =	ssettag $0x1  }
0x1: {  	s6 =	rddreg [dreg:$0x0]  }
0x2: {  	s1 =	srdreg.scid;
	s0 =	stileid.u32  }
0x3: {  	s9 =	rddreg [dreg:$0x1];
	s2 =	simm.s32 $0x0;
	s16 =	simm.s32 $0x2900  }
0x4: {  	s17 =	simm.s32 $0x3900;
	s18 =	simm.s32 $0x4900;
	s19 =	simm.s32 $0x5900  }
0x5: {  	s20 =	simm.s32 $0x1;
	s21 =	simm.s32 $0x6900;
	s22 =	simm.s32 $0x6980  }
0x6: {  	s23 =	simm.s32 $0x0;
	s10 =	sand.u32 $0x1, s1;
	s1 =	rddreg [dreg:$0x2]  }
0x7: {  	s3 =	sshll.u32 s0, $0x1;
	[smem:$0x7FF] =	sst s2;
	s4 =	sadd.s32 $0x3D200, s6  }
0x8: {  	s5 =	sadd.s32 $0x40DC00, s6;
	s13 =	sshll.u32 s0, $0xA;
	s7 =	sor.u32 s10, s3  }
0x9: {  	_ =	strace $0x80000050;
	s14 =	ssub.s32 $0x2, s10;
	s13 =	sadd.s32 s13, s6  }
0xa: {  	s31 =	sshll.u32 s10, $0x9;
	s3 =	smul.u32 $0x320, s7;
	s11 =	sshll.u32 s7, $0x4  }
0xb: {  	s7 =	sshll.u32 s7, $0x9;
	s30 =	sshrl.u32 s14, $0x1;
	s12 =	sadd.s32 s11, s6  }
0xc: {  	s15 =	sadd.s32 s7, s6;
	s14 =	ssub.s32 s14, s30;
	s9 =	sadd.s32 s9, s11  }
0xd: {  	s8 =	sadd.s32 s3, s6;
	s3 =	sadd.s32 $0xF7F600, s6;
	s7 =	sadd.s32 $0x5C00, s12  }
0xe: {  	s10 =	sadd.s32 $0xA52600, s15;
	s11 =	smax.u32 s14, $0x1;
	s12 =	sadd.s32 s31, s13  }
0xf: {  	s13 =	simm.s32 $0x2;
	s6 =	sadd.s32 $0x12600, s8;
	s8 =	sadd.s32 $0xA4E600, s15  }
0x10: {  	s14 =	simm.s32 $0x80;
	s12 =	sadd.s32 $0xA66600, s12;
	s15 =	simm.s32 $0x1900  }
.LBB2_1:
0x11: {  	[tilespmem:s2], [sflag:$0x2] =	stream.linear.gather [hbm4b:s6+s2], $0x1900, $0x38;
	[tilespmem:$0x6A00] =	vst v63  }
0x12: {  	_ =	swait.ge [sflag:s13], $0x1900  }
0x13: {  	[sflag:s13] =	ssyncset.done $0x0  }
0x14: {  	s24 =	simm.s32 $0x0;
	[sflag:s13] =	ssyncadd.s32 $0xFFFFE700  }
0x15: {  	[tilespmem:s15], [sflag:$0x1] =	stream.indirect.gather [hbm4b:s4+s14], $0x20, s24, s14, $0xb8;
	[tilespmem:$0x6A00] =	vst v63  }
0x16: {  	s29 =	simm.s32 $0x80  }
0x17: {  	[tilespmem:s16], [sflag:$0x1] =	stream.indirect.gather [hbm4b:s4+s14], $0x20, s29, s14, $0xb8;
	[tilespmem:$0x6A00] =	vst v63  }
0x18: {  	s30 =	simm.s32 $0x100  }
0x19: {  	[tilespmem:s17], [sflag:$0x1] =	stream.indirect.gather [hbm4b:s4+s14], $0x20, s30, s14, $0xb8;
	[tilespmem:$0x6A00] =	vst v63  }
0x1a: {  	s31 =	simm.s32 $0x180  }
0x1b: {  	[tilespmem:s18], [sflag:$0x1] =	stream.indirect.gather [hbm4b:s4+s14], $0x20, s31, s14, $0xb8;
	[tilespmem:$0x6A00] =	vst v63  }
0x1c: {  	s25 =	simm.s32 $0x200  }
0x1d: {  	[tilespmem:s19], [sflag:$0x1] =	stream.indirect.gather [hbm4b:s4+s14], $0x20, s25, s14, $0xb8;
	[tilespmem:$0x6A00] =	vst v63  }
0x1e: {  	_ =	swait.ge [sflag:s20], $0x1000  }
0x1f: {  	[sflag:s20] =	ssyncset.done $0x0  }
0x20: {  	[sflag:s20] =	ssyncadd.s32 $0xFFFFF000  }
0x21: {  	_ =	swait.ge [sflag:s20], $0x1000  }
0x22: {  	[sflag:s20] =	ssyncset.done $0x0  }
0x23: {  	[sflag:s20] =	ssyncadd.s32 $0xFFFFF000  }
0x24: {  	_ =	swait.ge [sflag:s20], $0x1000  }
0x25: {  	[sflag:s20] =	ssyncset.done $0x0  }
0x26: {  	[sflag:s20] =	ssyncadd.s32 $0xFFFFF000  }
0x27: {  	_ =	swait.ge [sflag:s20], $0x1000  }
0x28: {  	[sflag:s20] =	ssyncset.done $0x0  }
0x29: {  	[sflag:s20] =	ssyncadd.s32 $0xFFFFF000  }
0x2a: {  	_ =	swait.ge [sflag:s20], $0x1000  }
0x2b: {  	[sflag:s20] =	ssyncset.done $0x0  }
0x2c: {  	s26 =	sadd.s32 $0xFFFF0000, s12;
	[sflag:s20] =	ssyncadd.s32 $0xFFFFF000  }
0x2d: {  	[hbm4b:s26+s2] =	stream.linear.scatter [tilespmem:s15], [sflag:$0x2], $0x1000, $0x38;
	[tilespmem:$0x6A00] =	vst v63  }
0x2e: {  	_ =	swait.ge [sflag:s13], $0x1000  }
0x2f: {  	[sflag:s13] =	ssyncset.done $0x0  }
0x30: {  	s29 =	sadd.s32 $0xFFFF4000, s12;
	[sflag:s13] =	ssyncadd.s32 $0xFFFFF000  }
0x31: {  	[hbm4b:s29+s2] =	stream.linear.scatter [tilespmem:s16], [sflag:$0x2], $0x1000, $0x38;
	[tilespmem:$0x6A00] =	vst v63  }
0x32: {  	_ =	swait.ge [sflag:s13], $0x1000  }
0x33: {  	[sflag:s13] =	ssyncset.done $0x0  }
0x34: {  	s30 =	sadd.s32 $0xFFFF8000, s12;
	[sflag:s13] =	ssyncadd.s32 $0xFFFFF000  }
0x35: {  	[hbm4b:s30+s2] =	stream.linear.scatter [tilespmem:s17], [sflag:$0x2], $0x1000, $0x38;
	[tilespmem:$0x6A00] =	vst v63  }
0x36: {  	_ =	swait.ge [sflag:s13], $0x1000  }
0x37: {  	[sflag:s13] =	ssyncset.done $0x0  }
0x38: {  	s31 =	sadd.s32 $0xFFFFC000, s12;
	[sflag:s13] =	ssyncadd.s32 $0xFFFFF000  }
0x39: {  	[hbm4b:s31+s2] =	stream.linear.scatter [tilespmem:s18], [sflag:$0x2], $0x1000, $0x38;
	[tilespmem:$0x6A00] =	vst v63  }
0x3a: {  	_ =	swait.ge [sflag:s13], $0x1000  }
0x3b: {  	[sflag:s13] =	ssyncset.done $0x0  }
0x3c: {  	[sflag:s13] =	ssyncadd.s32 $0xFFFFF000  }
0x3d: {  	[hbm4b:s12+s2] =	stream.linear.scatter [tilespmem:s19], [sflag:$0x2], $0x1000, $0x38;
	[tilespmem:$0x6A00] =	vst v63  }
0x3e: {  	s28 =	simm.s32 $0x1400;
	_ =	swait.ge [sflag:s13], $0x1000  }
0x3f: {  	s24 =	sadd.s32 $0x14000, s12;
	s25 =	simm.s32 $0xA00;
	[sflag:s13] =	ssyncset.done $0x0  }
.LBB2_2:
0x40: {  	s29 =	sshra.s32 s25, $0x2  }
0x41: {  	[sflag:s13] =	ssyncadd.s32 $0xFFFFF000;
	s25 =	smov.u32 s28;
	s26 =	sadd.s32 $0xA00, s28  }
0x42: {  	[tilespmem:s15], [sflag:$0x1] =	stream.indirect.gather [hbm4b:s4+s14], $0x20, s29, s14, $0xb8;
	[tilespmem:$0x6A00] =	vst v63  }
0x43: {  	p0 =	sne.s32 s28, $0x5A00;
	s28 =	sadd.s32 $0x80, s29  }
0x44: {  	[tilespmem:s16], [sflag:$0x1] =	stream.indirect.gather [hbm4b:s4+s14], $0x20, s28, s14, $0xb8;
	[tilespmem:$0x6A00] =	vst v63  }
0x45: {  	s28 =	sadd.s32 $0x100, s29  }
0x46: {  	[tilespmem:s17], [sflag:$0x1] =	stream.indirect.gather [hbm4b:s4+s14], $0x20, s28, s14, $0xb8;
	[tilespmem:$0x6A00] =	vst v63  }
0x47: {  	s28 =	sadd.s32 $0x180, s29  }
0x48: {  	[tilespmem:s18], [sflag:$0x1] =	stream.indirect.gather [hbm4b:s4+s14], $0x20, s28, s14, $0xb8;
	[tilespmem:$0x6A00] =	vst v63  }
0x49: {  	s28 =	sadd.s32 $0x200, s29  }
0x4a: {  	[tilespmem:s19], [sflag:$0x1] =	stream.indirect.gather [hbm4b:s4+s14], $0x20, s28, s14, $0xb8;
	[tilespmem:$0x6A00] =	vst v63  }
0x4b: {  	_ =	swait.ge [sflag:s20], $0x1000  }
0x4c: {  	[sflag:s20] =	ssyncset.done $0x0  }
0x4d: {  	[sflag:s20] =	ssyncadd.s32 $0xFFFFF000  }
0x4e: {  	_ =	swait.ge [sflag:s20], $0x1000  }
0x4f: {  	[sflag:s20] =	ssyncset.done $0x0  }
0x50: {  	[sflag:s20] =	ssyncadd.s32 $0xFFFFF000  }
0x51: {  	_ =	swait.ge [sflag:s20], $0x1000  }
0x52: {  	[sflag:s20] =	ssyncset.done $0x0  }
0x53: {  	[sflag:s20] =	ssyncadd.s32 $0xFFFFF000  }
0x54: {  	_ =	swait.ge [sflag:s20], $0x1000  }
0x55: {  	[sflag:s20] =	ssyncset.done $0x0  }
0x56: {  	[sflag:s20] =	ssyncadd.s32 $0xFFFFF000  }
0x57: {  	_ =	swait.ge [sflag:s20], $0x1000  }
0x58: {  	[sflag:s20] =	ssyncset.done $0x0  }
0x59: {  	s28 =	sadd.s32 $0xFFFF0000, s24;
	[sflag:s20] =	ssyncadd.s32 $0xFFFFF000  }
0x5a: {  	[hbm4b:s28+s2] =	stream.linear.scatter [tilespmem:s15], [sflag:$0x2], $0x1000, $0x38;
	[tilespmem:$0x6A00] =	vst v63  }
0x5b: {  	_ =	swait.ge [sflag:s13], $0x1000  }
0x5c: {  	[sflag:s13] =	ssyncset.done $0x0  }
0x5d: {  	s28 =	sadd.s32 $0xFFFF4000, s24;
	[sflag:s13] =	ssyncadd.s32 $0xFFFFF000  }
0x5e: {  	[hbm4b:s28+s2] =	stream.linear.scatter [tilespmem:s16], [sflag:$0x2], $0x1000, $0x38;
	[tilespmem:$0x6A00] =	vst v63  }
0x5f: {  	_ =	swait.ge [sflag:s13], $0x1000  }
0x60: {  	[sflag:s13] =	ssyncset.done $0x0  }
0x61: {  	s28 =	sadd.s32 $0xFFFF8000, s24;
	[sflag:s13] =	ssyncadd.s32 $0xFFFFF000  }
0x62: {  	[hbm4b:s28+s2] =	stream.linear.scatter [tilespmem:s17], [sflag:$0x2], $0x1000, $0x38;
	[tilespmem:$0x6A00] =	vst v63  }
0x63: {  	_ =	swait.ge [sflag:s13], $0x1000  }
0x64: {  	[sflag:s13] =	ssyncset.done $0x0  }
0x65: {  	s28 =	sadd.s32 $0xFFFFC000, s24;
	[sflag:s13] =	ssyncadd.s32 $0xFFFFF000  }
0x66: {  	[hbm4b:s28+s2] =	stream.linear.scatter [tilespmem:s18], [sflag:$0x2], $0x1000, $0x38;
	[tilespmem:$0x6A00] =	vst v63  }
0x67: {  	_ =	swait.ge [sflag:s13], $0x1000  }
.Ltmp0:
0x68: {  	[sflag:s13] =	ssyncset.done $0x0;
	(pc) =	sbr.rel @p0 .LBB2_2-.Ltmp0, $4  }
0x69: {  	[sflag:s13] =	ssyncadd.s32 $0xFFFFF000  }
0x6a: {  	[hbm4b:s24+s2] =	stream.linear.scatter [tilespmem:s19], [sflag:$0x2], $0x1000, $0x38;
	[tilespmem:$0x6A00] =	vst v63  }
0x6b: {  	_ =	swait.ge [sflag:s13], $0x1000  }
0x6c: {  	s28 =	smov.u32 s26;
	s24 =	sadd.s32 $0x14000, s24;
	[sflag:s13] =	ssyncset.done $0x0  }
0x6d: {  	s25 =	sshra.s32 s25, $0x2;
	[sflag:s13] =	ssyncadd.s32 $0xFFFFF000  }
0x6e: {  	[tilespmem:s15], [sflag:$0x1] =	stream.indirect.gather [hbm4b:s4+s14], $0x20, s25, s14, $0xb8;
	[tilespmem:$0x6A00] =	vst v63  }
0x6f: {  	s26 =	sadd.s32 $0x80, s25  }
0x70: {  	[tilespmem:s16], [sflag:$0x1] =	stream.indirect.gather [hbm4b:s4+s14], $0x20, s26, s14, $0xb8;
	[tilespmem:$0x6A00] =	vst v63  }
0x71: {  	s30 =	sadd.s32 $0x100, s25  }
0x72: {  	[tilespmem:s17], [sflag:$0x1] =	stream.indirect.gather [hbm4b:s4+s14], $0x20, s30, s14, $0xb8;
	[tilespmem:$0x6A00] =	vst v63  }
0x73: {  	s31 =	sadd.s32 $0x180, s25  }
0x74: {  	[tilespmem:s18], [sflag:$0x1] =	stream.indirect.gather [hbm4b:s4+s14], $0x20, s31, s14, $0xb8;
	[tilespmem:$0x6A00] =	vst v63  }
0x75: {  	s25 =	sadd.s32 $0x200, s25  }
0x76: {  	[tilespmem:s19], [sflag:$0x1] =	stream.indirect.gather [hbm4b:s4+s14], $0x20, s25, s14, $0xb8;
	[tilespmem:$0x6A00] =	vst v63  }
0x77: {  	_ =	swait.ge [sflag:s20], $0x1000  }
0x78: {  	[sflag:s20] =	ssyncset.done $0x0  }
0x79: {  	[sflag:s20] =	ssyncadd.s32 $0xFFFFF000  }
0x7a: {  	_ =	swait.ge [sflag:s20], $0x1000  }
0x7b: {  	[sflag:s20] =	ssyncset.done $0x0  }
0x7c: {  	[sflag:s20] =	ssyncadd.s32 $0xFFFFF000  }
0x7d: {  	_ =	swait.ge [sflag:s20], $0x1000  }
0x7e: {  	[sflag:s20] =	ssyncset.done $0x0  }
0x7f: {  	[sflag:s20] =	ssyncadd.s32 $0xFFFFF000  }
0x80: {  	_ =	swait.ge [sflag:s20], $0x1000  }
0x81: {  	[sflag:s20] =	ssyncset.done $0x0  }
0x82: {  	[sflag:s20] =	ssyncadd.s32 $0xFFFFF000  }
0x83: {  	_ =	swait.ge [sflag:s20], $0x1000  }
0x84: {  	[sflag:s20] =	ssyncset.done $0x0  }
0x85: {  	s28 =	sadd.s32 $0xFFFF0000, s24;
	[sflag:s20] =	ssyncadd.s32 $0xFFFFF000  }
0x86: {  	[hbm4b:s28+s2] =	stream.linear.scatter [tilespmem:s15], [sflag:$0x2], $0x1000, $0x38;
	[tilespmem:$0x6A00] =	vst v63  }
0x87: {  	_ =	swait.ge [sflag:s13], $0x1000  }
0x88: {  	[sflag:s13] =	ssyncset.done $0x0  }
0x89: {  	s29 =	sadd.s32 $0xFFFF4000, s24;
	[sflag:s13] =	ssyncadd.s32 $0xFFFFF000  }
0x8a: {  	[hbm4b:s29+s2] =	stream.linear.scatter [tilespmem:s16], [sflag:$0x2], $0x1000, $0x38;
	[tilespmem:$0x6A00] =	vst v63  }
0x8b: {  	_ =	swait.ge [sflag:s13], $0x1000  }
0x8c: {  	[sflag:s13] =	ssyncset.done $0x0  }
0x8d: {  	s30 =	sadd.s32 $0xFFFF8000, s24;
	[sflag:s13] =	ssyncadd.s32 $0xFFFFF000  }
0x8e: {  	[hbm4b:s30+s2] =	stream.linear.scatter [tilespmem:s17], [sflag:$0x2], $0x1000, $0x38;
	[tilespmem:$0x6A00] =	vst v63  }
0x8f: {  	_ =	swait.ge [sflag:s13], $0x1000  }
0x90: {  	[sflag:s13] =	ssyncset.done $0x0  }
0x91: {  	s31 =	sadd.s32 $0xFFFFC000, s24;
	[sflag:s13] =	ssyncadd.s32 $0xFFFFF000  }
0x92: {  	[hbm4b:s31+s2] =	stream.linear.scatter [tilespmem:s18], [sflag:$0x2], $0x1000, $0x38;
	[tilespmem:$0x6A00] =	vst v63  }
0x93: {  	_ =	swait.ge [sflag:s13], $0x1000  }
0x94: {  	[sflag:s13] =	ssyncset.done $0x0  }
0x95: {  	[sflag:s13] =	ssyncadd.s32 $0xFFFFF000  }
0x96: {  	[hbm4b:s24+s2] =	stream.linear.scatter [tilespmem:s19], [sflag:$0x2], $0x1000, $0x38;
	[tilespmem:$0x6A00] =	vst v63  }
0x97: {  	_ =	swait.ge [sflag:s13], $0x1000  }
0x98: {  	[sflag:s13] =	ssyncset.done $0x0  }
0x99: {  	[sflag:s13] =	ssyncadd.s32 $0xFFFFF000  }
0x9a: {  	[tilespmem:s21], [sflag:$0x2] =	stream.linear.gather [hbm4b:s7+s2], $0x80, $0x38;
	[tilespmem:$0x6A00] =	vst v63  }
0x9b: {  	_ =	swait.ge [sflag:s13], $0x80  }
0x9c: {  	[sflag:s13] =	ssyncset.done $0x0  }
0x9d: {  	[sflag:s13] =	ssyncadd.s32 $0xFFFFFF80  }
0x9e: {  	[tilespmem:s15], [sflag:$0x1] =	stream.indirect.gather [hbm4b:s3+s14], $0x20, s21, s14, $0xb8;
	[tilespmem:$0x6A00] =	vst v63  }
0x9f: {  	_ =	swait.ge [sflag:s20], $0x1000  }
0xa0: {  	[sflag:s20] =	ssyncset.done $0x0  }
0xa1: {  	[sflag:s20] =	ssyncadd.s32 $0xFFFFF000  }
0xa2: {  	[hbm4b:s8+s2] =	stream.linear.scatter [tilespmem:s15], [sflag:$0x2], $0x1000, $0x38;
	[tilespmem:$0x6A00] =	vst v63  }
0xa3: {  	_ =	swait.ge [sflag:s13], $0x1000  }
0xa4: {  	[sflag:s13] =	ssyncset.done $0x0  }
0xa5: {  	[sflag:s13] =	ssyncadd.s32 $0xFFFFF000  }
0xa6: {  	[tilespmem:s22], [sflag:$0x2] =	stream.linear.gather [hbm4b:s9+s2], $0x80, $0x38;
	[tilespmem:$0x6A00] =	vst v63  }
0xa7: {  	_ =	swait.ge [sflag:s13], $0x80  }
0xa8: {  	[sflag:s13] =	ssyncset.done $0x0  }
0xa9: {  	[sflag:s13] =	ssyncadd.s32 $0xFFFFFF80  }
0xaa: {  	[tilespmem:s15], [sflag:$0x1] =	stream.indirect.gather [hbm4b:s5+s14], $0x20, s22, s14, $0xb8;
	[tilespmem:$0x6A00] =	vst v63  }
0xab: {  	s23 =	sadd.s32 $0x1, s23;
	_ =	swait.ge [sflag:s20], $0x1000  }
0xac: {  	p0 =	sne.s32 s23, s11;
	[sflag:s20] =	ssyncset.done $0x0  }
.Ltmp1:
0xad: {  	[sflag:s20] =	ssyncadd.s32 $0xFFFFF000;
	(pc) =	sbr.rel @p0 .LBB2_1-.Ltmp1, $4  }
0xae: {  	[hbm4b:s10+s2] =	stream.linear.scatter [tilespmem:s15], [sflag:$0x2], $0x1000, $0x38;
	[tilespmem:$0x6A00] =	vst v63  }
0xaf: {  	_ =	swait.ge [sflag:s13], $0x1000  }
0xb0: {  	[sflag:s13] =	ssyncset.done $0x0  }
0xb1: {  	[sflag:s13] =	ssyncadd.s32 $0xFFFFF000  }
0xb2: {  	_ =	sfence.sel $0x180000  }
0xb3: {  	[bflag:$0x0] =	sbarrier.arrive $0xFFFF  }
0xb4: {  	p0 =	sne.s32 s0, $0x0;
	_ =	strace $0x90000050  }
0xb5: {  	s0 =	sadd.s32 @!p0 $0x100000, s1;
	[bflag:$0x2] =	sbarrier.arrive $0xFFFF  }
0xb6: {  	[sflag:s0] =	ssyncadd.tile.s32 @!p0 $0x1;
	_ =	shalt  }
.Lfunc_end2:
_tile_overlayer_lowered:
.L_overlay_start_2:
0xb7: {  	(tag) =	ssettag $0x2  }
0xb8: {  	s0 =	rddreg [dreg:$0x0];
	s2 =	stileid.u32  }
0xb9: {  	s1 =	rddreg [dreg:$0x1];
	p0 =	sne.s32 s2, $0x0  }
0xba: {  	s3 =	rddreg [dreg:$0x2];
	[bflag:$0x3] =	sbarrier.arrive $0xFFFF;
	s2 =	simm.s32 @!p0 $0x1C02  }
0xbb: {  	[timem:s3], [sflag:s2] =	dma.local @!p0 [hbm:s0], s1  }
0xbc: {  	s0 =	simm.s32 @!p0 $0x2  }
0xbd: {  	_ =	swait.ge @!p0 [sflag:s0], s1  }
0xbe: {  	s1 =	ssub.s32 @!p0 $0x0, s1;
	[sflag:s0] =	ssyncset.done @!p0 $0x0  }
0xbf: {  	[sflag:s0] =	ssyncadd.s32 @!p0 s1  }
0xc0: {  	[bflag:$0x3] =	sbarrier.arrive $0xFFFF  }
0xc1: {  	_ =	shalt  }

// kernel: kernel.13.cloned.1.call-start
scs
__scs_entry_jumppad:
0x0: {  	(pc) =	sbr.rel $0x88, $3  }
0x1: {  	(tag) =	ssettag $0x0;
	lr =	simm.s32 $0x1  }
0x2: {  	[smem:$0x3F96] =	sst lr;
	_ =	strace $0xD0000000  }
0x3: {  	_ = 	snop  }
0x4: {  	_ = 	snop  }
0x5: {  	_ = 	snop  }
0x6: {  	_ = 	snop  }
0x7: {  	_ = 	snop  }
__scs_overlays_trampoline_lowered:
0x8: {  	[smem:$0x3FA5] =	sst s0  }
0x9: {  	[smem:$0x3FA6] =	sst s1  }
0xa: {  	[smem:$0x3FA7] =	sst s2  }
0xb: {  	[smem:$0x3FA8] =	sst s3  }
0xc: {  	[smem:$0x3FA9] =	sst s4  }
0xd: {  	[smem:$0x3FAA] =	sst s5  }
0xe: {  	[smem:$0x3FAB] =	sst s6  }
0xf: {  	[smem:$0x3FAC] =	sst s7  }
0x10: {  	[smem:$0x3FAD] =	sst s8  }
0x11: {  	[smem:$0x3FAE] =	sst s9;
	s0 =	simm.s32 @!p0 $0x0  }
0x12: {  	s1 =	sld [smem:$0x3F94];
	s0 =	simm.s32 @p0 $0x1  }
0x13: {  	[smem:$0x3FAF] =	sst s0;
	s0 =	simm.s32 @!p1 $0x0  }
0x14: {  	s2 =	sld [smem:$0x3F93];
	s0 =	simm.s32 @p1 $0x1  }
0x15: {  	[smem:$0x3FB0] =	sst s0;
	s0 =	simm.s32 @!p2 $0x0  }
0x16: {  	s3 =	sld [smem:$0x3FDB];
	s0 =	simm.s32 @p2 $0x1  }
0x17: {  	s4 =	simm.s32 $0x1BF5;
	[smem:$0x3FB2] =	sst s0  }
0x18: {  	s0 =	sld [smem:$0x3F95];
	_ =	swait.ge [sflag:s4], $0x0  }
0x19: {  	s7 =	sld [smem:$0x3F96]  }
0x1a: {  	s8 =	sadd.s32 $0xFFFFE003, lr  }
0x1b: {  	s9 =	sadd.s32 $0xFFFFFEF7, lr;
	s5 =	simm.s32 $0xFFFFFFFF;
	p2 =	slt.u32 s8, $0xFFFFF086  }
0x1c: {  	p1 =	slt.u32 s9, $0xF7A;
	s5 =	simm.s32 @!p2 $0x0  }
0x1d: {  	s5 =	simm.s32 @p1 $0x1;
	p0 =	seq.s32 s7, s2  }
0x1e: {  	s7 =	smul.u32 @!p0 $0xF7A, s2;
	p2 =	seq.s32 @!p0 s5, $0x0  }
0x1f: {  	s9 =	smul.u32 $0xF7A, s1;
	s8 =	simm.s32 @!p0 $0x1BF5;
	p2 =	por !p2, p0  }
0x20: {  	[sflag:s8] =	ssyncset.s32 @!p0 $0xFFFFF086;
	s6 =	sadd.s32 @!p0 s3, s7;
	s7 =	simm.s32 @!p0 $0x108  }
0x21: {  	s3 =	sadd.s32 s3, s9;
	s6 =	sadd.s32 @!p0 $0x88, s6;
	s7 =	simm.s32 @p2 $0x1082  }
0x22: {  	[simem:s7], [sflag:s8] =	dma.local @!p0 [hbm:s6], $0xF7A  }
0x23: {  	s9 =	sor.u32 $0xD0000000, s2;
	s6 =	simm.s32 $0x108;
	_ =	swait.ge @!p0 [sflag:s8], $0x0  }
0x24: {  	s3 =	sadd.s32 $0x88, s3;
	s6 =	simm.s32 @!p1 $0x1082;
	[sflag:s4] =	ssyncset.s32 $0xFFFFF086  }
0x25: {  	[simem:s6], [sflag:s4] =	dma.local [hbm:s3], $0xF7A  }
0x26: {  	[smem:$0x3F96] =	sst s1;
	(tag) =	ssettag s2;
	_ =	strace s9  }
0x27: {  	s1 =	sld [smem:$0x3FA6]  }
0x28: {  	s2 =	sld [smem:$0x3FA7]  }
0x29: {  	s4 =	sld [smem:$0x3FA9]  }
0x2a: {  	p0 =	seq.s32 s5, $0x0;
	s5 =	sld [smem:$0x3FAA]  }
0x2b: {  	s6 =	sld [smem:$0x3FAB]  }
0x2c: {  	s7 =	sld [smem:$0x3FAC]  }
0x2d: {  	s3 =	simm.s32 $0x108;
	s8 =	sld [smem:$0x3FAD]  }
0x2e: {  	s3 =	simm.s32 @!p0 $0x1082;
	s9 =	sld [smem:$0x3FAE]  }
0x2f: {  	lr =	sadd.s32 s0, s3;
	s0 =	sld [smem:$0x3FA5]  }
0x30: {  	s3 =	sld [smem:$0x3FA8]  }
0x31: {  	[smem:$0x3FB1] =	sst s10  }
0x32: {  	s10 =	sld [smem:$0x3FAF];
	_ =	sdelay $0x3  }
0x33: {  	p0 =	seq.s32 s10, $0x1;
	s10 =	sld [smem:$0x3FB1];
	_ =	sdelay $0x3  }
0x34: {  	[smem:$0x3FB1] =	sst s10  }
0x35: {  	s10 =	sld [smem:$0x3FB0];
	_ =	sdelay $0x3  }
0x36: {  	p1 =	seq.s32 s10, $0x1;
	s10 =	sld [smem:$0x3FB1];
	_ =	sdelay $0x3  }
0x37: {  	[smem:$0x3FB1] =	sst s10  }
0x38: {  	s10 =	sld [smem:$0x3FB2]  }
0x39: {  	_ = 	snop;
	(pc) =	sbr.ind lr, $3  }
0x3a: {  	_ = 	snop  }
0x3b: {  	_ = 	snop  }
0x3c: {  	p2 =	seq.s32 s10, $0x1;
	s10 =	sld [smem:$0x3FB1]  }
0x3d: {  	_ =	shalt  }
0x3e: {  	_ =	shalt  }
0x3f: {  	_ =	shalt  }
0x40: {  	_ =	shalt  }
0x41: {  	_ =	shalt  }
0x42: {  	_ =	shalt  }
0x43: {  	_ =	shalt  }
0x44: {  	_ =	shalt  }
0x45: {  	_ =	shalt  }
0x46: {  	_ =	shalt  }
0x47: {  	_ =	shalt  }
0x48: {  	_ =	shalt  }
0x49: {  	_ =	shalt  }
0x4a: {  	_ =	shalt  }
0x4b: {  	_ =	shalt  }
0x4c: {  	_ =	shalt  }
0x4d: {  	_ =	shalt  }
0x4e: {  	_ =	shalt  }
0x4f: {  	_ =	shalt  }
0x50: {  	_ =	shalt  }
0x51: {  	_ =	shalt  }
0x52: {  	_ =	shalt  }
0x53: {  	_ =	shalt  }
0x54: {  	_ =	shalt  }
0x55: {  	_ =	shalt  }
0x56: {  	_ =	shalt  }
0x57: {  	_ =	shalt  }
0x58: {  	_ =	shalt  }
0x59: {  	_ =	shalt  }
0x5a: {  	_ =	shalt  }
0x5b: {  	_ =	shalt  }
0x5c: {  	_ =	shalt  }
0x5d: {  	_ =	shalt  }
0x5e: {  	_ =	shalt  }
0x5f: {  	_ =	shalt  }
0x60: {  	_ =	shalt  }
0x61: {  	_ =	shalt  }
0x62: {  	_ =	shalt  }
0x63: {  	_ =	shalt  }
0x64: {  	_ =	shalt  }
0x65: {  	_ =	shalt  }
0x66: {  	_ =	shalt  }
0x67: {  	_ =	shalt  }
0x68: {  	_ =	shalt  }
0x69: {  	_ =	shalt  }
0x6a: {  	_ =	shalt  }
0x6b: {  	_ =	shalt  }
0x6c: {  	_ =	shalt  }
0x6d: {  	_ =	shalt  }
0x6e: {  	_ =	shalt  }
0x6f: {  	_ =	shalt  }
0x70: {  	_ =	shalt  }
0x71: {  	_ =	shalt  }
0x72: {  	_ =	shalt  }
0x73: {  	_ =	shalt  }
0x74: {  	_ =	shalt  }
0x75: {  	_ =	shalt  }
0x76: {  	_ =	shalt  }
0x77: {  	_ =	shalt  }
0x78: {  	_ =	shalt  }
0x79: {  	_ =	shalt  }
0x7a: {  	_ =	shalt  }
0x7b: {  	_ =	shalt  }
0x7c: {  	_ =	shalt  }
0x7d: {  	_ =	shalt  }
0x7e: {  	_ =	shalt  }
0x7f: {  	_ =	shalt  }
0x80: {  	_ =	shalt  }
0x81: {  	_ =	shalt  }
0x82: {  	_ =	shalt  }
0x83: {  	_ =	shalt  }
0x84: {  	_ =	shalt  }
0x85: {  	_ =	shalt  }
0x86: {  	_ =	shalt  }
0x87: {  	_ =	shalt  }
.Lfunc_end0:
.L_simem_size_0:
called_computation.1_lowered:
.L_overlay_start_0:
0x88: {  	s2 =	sld [smem:$0x3FD9]  }
0x89: {  	s3 =	sld [smem:$0x3FFE];
	_ =	sdelay $0x1  }
0x8a: {  	s1 =	srdreg.scid  }
0x8b: {  	s0 =	sand.u32 $0x1, s1  }
0x8c: {  	s17 =	sshll.u32 s0, $0xA;
	s2 =	sadd.s32 s3, s2  }
0x8d: {  	s2 =	sadd.s32 s2, s17  }
0x8e: {  	[smem:$0x3FBD] =	sst s2  }
0x8f: {  	_ = 	snop  }
0x90: {  	(tm) =	ssettm $0x1  }
0x91: {  	s18 =	sld [smem:$0x3FFB];
	_ =	sdelay $0x3  }
0x92: {  	_ =	strace s18  }
0x93: {  	s2 =	sld [smem:$0x3FFC];
	_ =	sdelay $0x3  }
0x94: {  	_ =	strace s2  }
0x95: {  	s2 =	sld [smem:$0x3FFD];
	_ =	sdelay $0x3  }
0x96: {  	_ =	strace s2  }
0x97: {  	_ =	strace $0x8FFFFFFF  }
0x98: {  	s19 =	sld [smem:$0x3FDB];
	_ =	sdelay $0x1  }
0x99: {  	s20 =	simm.s32 $_scs_section_size  }
0x9a: {  	s4 =	simm.s32 $_size__tile_overlayer_lowered;
	s5 =	simm.s32 $_tile_overlayer_lowered  }
0x9b: {  	s6 =	simm.s32 $0x1BFF;
	s21 =	sshll.u32 s5, $0x1;
	s3 =	sadd.s32 s20, s19  }
0x9c: {  	s22 =	simm.s32 $0x0;
	s4 =	sshll.u32 s4, $0x1;
	s5 =	sadd.s32 s21, s3  }
0x9d: {  	[timem:s22], [sflag:s6] =	dma.local [hbm:s5], s4  }
0x9e: {  	_ =	swait.ge [sflag:s6], s4  }
0x9f: {  	s4 =	ssub.s32 $0x0, s4;
	[sflag:s6] =	ssyncset.done $0x0  }
0xa0: {  	[sflag:s6] =	ssyncadd.s32 s4;
	_ =	sdelay $0x1  }
0xa1: {  	s23 =	simm.s32 $0x1B8B  }
0xa2: {  	_ =	swait.ge [sflag:s23], $0x1  }
0xa3: {  	[sflag:s23] =	ssyncset.done $0x0  }
0xa4: {  	[sflag:s23] =	ssyncadd.s32 $0xFFFFFFFF  }
0xa5: {  	s4 =	sld [smem:$0x0]  }
0xa6: {  	s5 =	sand.u32 $0xFFFFFFFE, s1  }
0xa7: {  	p0 =	sne.s32 s1, s5  }
0xa8: {  	s5 =	sshll.u32 @p0 s5, $0xE  }
0xa9: {  	s5 =	sadd.s32 @p0 $0x11B8D, s5;
	s6 =	sshll.u32 @p0 s4, $0x11  }
0xaa: {  	s5 =	sor.u32 @p0 s6, s5  }
0xab: {  	[sflag:s5] =	ssyncadd.remote.s32 @p0 $0x1;
	_ =	sdelay $0x1  }
0xac: {  	s5 =	simm.s32 @p0 $0x1B8D  }
0xad: {  	_ =	swait.eq @p0 [sflag:s5], $0x1  }
0xae: {  	[sflag:s5] =	ssyncadd.s32 @p0 $0xFFFFFFFF  }
0xaf: {  	s6 =	sshll.u32 @!p0 s1, $0xE  }
0xb0: {  	s6 =	sor.u32 @!p0 $0x4000, s6;
	s5 =	simm.s32 @!p0 $0x1B8D  }
0xb1: {  	s4 =	sshll.u32 @!p0 s4, $0x11;
	s6 =	sadd.s32 @!p0 $0x11B8D, s6;
	_ =	swait.eq @!p0 [sflag:s5], $0x1  }
0xb2: {  	s4 =	sor.u32 @!p0 s4, s6;
	[sflag:s5] =	ssyncadd.s32 @!p0 $0xFFFFFFFF  }
0xb3: {  	s25 =	simm.s32 $0x1B8E;
	s24 =	sld [smem:$0x3FFE];
	[sflag:s4] =	ssyncadd.remote.s32 @!p0 $0x1  }
0xb4: {  	s26 =	simm.s32 $execute0_lowered;
	[smem:$0x3FD2] =	sst s25  }
0xb5: {  	s5 =	sshll.u32 s26, $0x1;
	_ =	strace $0x8000004C;
	[dreg:$0x1] =	wrdreg $0xFFFFFFFF  }
0xb6: {  	s28 =	simm.s32 $_size_execute0_lowered;
	s3 =	sadd.s32 s3, s5;
	[dreg:$0x0] =	wrdreg $0x0  }
0xb7: {  	s5 =	sshll.u32 s28, $0x1;
	[dreg:$0x2] =	wrdreg s3  }
0xb8: {  	[dreg:$0x3] =	wrdreg s5  }
0xb9: {  	[dreg:$0x4] =	wrdreg $0xC0  }
0xba: {  	_ =	task [dreg:s22], $0x5FFFF  }
0xbb: {  	[dreg:$0x1] =	wrdreg $0xFFFFFFFF  }
0xbc: {  	[dreg:$0x0] =	wrdreg $0x60  }
0xbd: {  	[dreg:$0x2] =	wrdreg s24  }
0xbe: {  	[dreg:$0x3] =	wrdreg $0xA  }
0xbf: {  	_ =	task.clear_ibuf [dreg:s22], $0x4FFFF;
	_ =	strace $0x9000004C  }
0xc0: {  	s29 =	simm.s32 $0xA;
	_ =	strace $0x8000004E  }
0xc1: {  	_ =	swait.ge [sflag:s29], $0x1  }
0xc2: {  	[sflag:s29] =	ssyncadd.s32 $0xFFFFFFFF  }
0xc3: {  	_ =	strace $0x9000004E  }
0xc4: {  	_ =	sfence  }
0xc5: {  	s30 =	sld [smem:$0x0];
	_ =	sdelay $0x2  }
0xc6: {  	s31 =	sshll.u32 s1, $0xD;
	s1 =	sshrl.u32 s1, $0x2  }
0xc7: {  	s4 =	sand.u32 $0x4000, s31;
	s1 =	sadd.s32 s1, s30  }
0xc8: {  	s0 =	sor.u32 s4, s0;
	s1 =	sshll.u32 s1, $0x11  }
0xc9: {  	s0 =	sor.u32 s1, s0  }
0xca: {  	s0 =	sadd.s32 $0x8F2B, s0  }
0xcb: {  	[sflag:s0] =	ssyncadd.remote.s32 $0x1  }
0xcc: {  	_ =	sfence.sel $0xFFFF  }
0xcd: {  	[dreg:$0x0] =	wrdreg $0xFFFFFFFF;
	(pc) =	sbr.abs _section_cstart, $3  }
0xce: {  	[dreg:$0x1] =	wrdreg $0xFFFFFFFF  }
0xcf: {  	_ =	task.clear_ibuf [dreg:s22], $0x2FFFF;
	_ =	strace $0x9FFFFFFF  }
0xd0: {  	(tm) =	ssettm $0x7FFFFFFF  }
0xd1: {  	_ =	shalt  }
tec
execute0_lowered:
.L_overlay_start_1:
0x0: {  	(tag) =	ssettag $0x1  }
0x1: {  	s1 =	srdreg.scid;
	s0 =	stileid.u32  }
0x2: {  	s6 =	rddreg [dreg:$0x0];
	s2 =	simm.s32 $0x0;
	s15 =	simm.s32 $0x1900  }
0x3: {  	s16 =	simm.s32 $0x2900;
	s17 =	simm.s32 $0x3900;
	s18 =	simm.s32 $0x4900  }
0x4: {  	s19 =	simm.s32 $0x5900;
	s20 =	simm.s32 $0x1;
	s21 =	simm.s32 $0x6900  }
0x5: {  	s22 =	simm.s32 $0x6980;
	s10 =	sand.u32 $0x1, s1;
	s1 =	rddreg [dreg:$0x1]  }
0x6: {  	s23 =	simm.s32 $0x0;
	s3 =	sshll.u32 s0, $0x1;
	[smem:$0x7FF] =	sst s2  }
0x7: {  	s5 =	sadd.s32 $0x40DC00, s6;
	s11 =	sshll.u32 s0, $0xA;
	s7 =	sor.u32 s10, s3  }
0x8: {  	_ =	strace $0x8000004D;
	s12 =	ssub.s32 $0x2, s10;
	s13 =	sadd.s32 s11, s6  }
0x9: {  	s14 =	sshll.u32 s10, $0x9;
	s3 =	smul.u32 $0x320, s7;
	s4 =	sshll.u32 s7, $0x4  }
0xa: {  	s7 =	sshll.u32 s7, $0x9;
	s30 =	sshrl.u32 s12, $0x1;
	s31 =	sadd.s32 s14, s13  }
0xb: {  	s13 =	simm.s32 $0x2;
	s14 =	simm.s32 $0x80;
	s9 =	sadd.s32 s4, s6  }
0xc: {  	s4 =	sadd.s32 $0x3D200, s6;
	s29 =	sadd.s32 s7, s6;
	s12 =	ssub.s32 s12, s30  }
0xd: {  	s8 =	sadd.s32 s3, s6;
	s3 =	sadd.s32 $0xF7F600, s6;
	s7 =	sadd.s32 $0x5800, s9  }
0xe: {  	s10 =	sadd.s32 $0x982600, s29;
	s11 =	smax.u32 s12, $0x1;
	s12 =	sadd.s32 $0x996600, s31  }
0xf: {  	s9 =	sadd.s32 $0x5A00, s9;
	s6 =	sadd.s32 $0xC200, s8;
	s8 =	sadd.s32 $0x97E600, s29  }
.LBB2_1:
0x10: {  	[tilespmem:s2], [sflag:$0x2] =	stream.linear.gather [hbm4b:s6+s2], $0x1900, $0x38;
	[tilespmem:$0x6A00] =	vst v63  }
0x11: {  	_ =	swait.ge [sflag:s13], $0x1900  }
0x12: {  	[sflag:s13] =	ssyncset.done $0x0  }
0x13: {  	s24 =	simm.s32 $0x0;
	[sflag:s13] =	ssyncadd.s32 $0xFFFFE700  }
0x14: {  	[tilespmem:s15], [sflag:$0x1] =	stream.indirect.gather [hbm4b:s4+s14], $0x20, s24, s14, $0xb8;
	[tilespmem:$0x6A00] =	vst v63  }
0x15: {  	s29 =	simm.s32 $0x80  }
0x16: {  	[tilespmem:s16], [sflag:$0x1] =	stream.indirect.gather [hbm4b:s4+s14], $0x20, s29, s14, $0xb8;
	[tilespmem:$0x6A00] =	vst v63  }
0x17: {  	s30 =	simm.s32 $0x100  }
0x18: {  	[tilespmem:s17], [sflag:$0x1] =	stream.indirect.gather [hbm4b:s4+s14], $0x20, s30, s14, $0xb8;
	[tilespmem:$0x6A00] =	vst v63  }
0x19: {  	s31 =	simm.s32 $0x180  }
0x1a: {  	[tilespmem:s18], [sflag:$0x1] =	stream.indirect.gather [hbm4b:s4+s14], $0x20, s31, s14, $0xb8;
	[tilespmem:$0x6A00] =	vst v63  }
0x1b: {  	s25 =	simm.s32 $0x200  }
0x1c: {  	[tilespmem:s19], [sflag:$0x1] =	stream.indirect.gather [hbm4b:s4+s14], $0x20, s25, s14, $0xb8;
	[tilespmem:$0x6A00] =	vst v63  }
0x1d: {  	_ =	swait.ge [sflag:s20], $0x1000  }
0x1e: {  	[sflag:s20] =	ssyncset.done $0x0  }
0x1f: {  	[sflag:s20] =	ssyncadd.s32 $0xFFFFF000  }
0x20: {  	_ =	swait.ge [sflag:s20], $0x1000  }
0x21: {  	[sflag:s20] =	ssyncset.done $0x0  }
0x22: {  	[sflag:s20] =	ssyncadd.s32 $0xFFFFF000  }
0x23: {  	_ =	swait.ge [sflag:s20], $0x1000  }
0x24: {  	[sflag:s20] =	ssyncset.done $0x0  }
0x25: {  	[sflag:s20] =	ssyncadd.s32 $0xFFFFF000  }
0x26: {  	_ =	swait.ge [sflag:s20], $0x1000  }
0x27: {  	[sflag:s20] =	ssyncset.done $0x0  }
0x28: {  	[sflag:s20] =	ssyncadd.s32 $0xFFFFF000  }
0x29: {  	_ =	swait.ge [sflag:s20], $0x1000  }
0x2a: {  	[sflag:s20] =	ssyncset.done $0x0  }
0x2b: {  	s26 =	sadd.s32 $0xFFFF0000, s12;
	[sflag:s20] =	ssyncadd.s32 $0xFFFFF000  }
0x2c: {  	[hbm4b:s26+s2] =	stream.linear.scatter [tilespmem:s15], [sflag:$0x2], $0x1000, $0x38;
	[tilespmem:$0x6A00] =	vst v63  }
0x2d: {  	_ =	swait.ge [sflag:s13], $0x1000  }
0x2e: {  	[sflag:s13] =	ssyncset.done $0x0  }
0x2f: {  	s29 =	sadd.s32 $0xFFFF4000, s12;
	[sflag:s13] =	ssyncadd.s32 $0xFFFFF000  }
0x30: {  	[hbm4b:s29+s2] =	stream.linear.scatter [tilespmem:s16], [sflag:$0x2], $0x1000, $0x38;
	[tilespmem:$0x6A00] =	vst v63  }
0x31: {  	_ =	swait.ge [sflag:s13], $0x1000  }
0x32: {  	[sflag:s13] =	ssyncset.done $0x0  }
0x33: {  	s30 =	sadd.s32 $0xFFFF8000, s12;
	[sflag:s13] =	ssyncadd.s32 $0xFFFFF000  }
0x34: {  	[hbm4b:s30+s2] =	stream.linear.scatter [tilespmem:s17], [sflag:$0x2], $0x1000, $0x38;
	[tilespmem:$0x6A00] =	vst v63  }
0x35: {  	_ =	swait.ge [sflag:s13], $0x1000  }
0x36: {  	[sflag:s13] =	ssyncset.done $0x0  }
0x37: {  	s31 =	sadd.s32 $0xFFFFC000, s12;
	[sflag:s13] =	ssyncadd.s32 $0xFFFFF000  }
0x38: {  	[hbm4b:s31+s2] =	stream.linear.scatter [tilespmem:s18], [sflag:$0x2], $0x1000, $0x38;
	[tilespmem:$0x6A00] =	vst v63  }
0x39: {  	_ =	swait.ge [sflag:s13], $0x1000  }
0x3a: {  	[sflag:s13] =	ssyncset.done $0x0  }
0x3b: {  	[sflag:s13] =	ssyncadd.s32 $0xFFFFF000  }
0x3c: {  	[hbm4b:s12+s2] =	stream.linear.scatter [tilespmem:s19], [sflag:$0x2], $0x1000, $0x38;
	[tilespmem:$0x6A00] =	vst v63  }
0x3d: {  	s28 =	simm.s32 $0x1400;
	_ =	swait.ge [sflag:s13], $0x1000  }
0x3e: {  	s24 =	sadd.s32 $0x14000, s12;
	s25 =	simm.s32 $0xA00;
	[sflag:s13] =	ssyncset.done $0x0  }
.LBB2_2:
0x3f: {  	s29 =	sshra.s32 s25, $0x2  }
0x40: {  	[sflag:s13] =	ssyncadd.s32 $0xFFFFF000;
	s25 =	smov.u32 s28;
	s26 =	sadd.s32 $0xA00, s28  }
0x41: {  	[tilespmem:s15], [sflag:$0x1] =	stream.indirect.gather [hbm4b:s4+s14], $0x20, s29, s14, $0xb8;
	[tilespmem:$0x6A00] =	vst v63  }
0x42: {  	p0 =	sne.s32 s28, $0x5A00;
	s28 =	sadd.s32 $0x80, s29  }
0x43: {  	[tilespmem:s16], [sflag:$0x1] =	stream.indirect.gather [hbm4b:s4+s14], $0x20, s28, s14, $0xb8;
	[tilespmem:$0x6A00] =	vst v63  }
0x44: {  	s28 =	sadd.s32 $0x100, s29  }
0x45: {  	[tilespmem:s17], [sflag:$0x1] =	stream.indirect.gather [hbm4b:s4+s14], $0x20, s28, s14, $0xb8;
	[tilespmem:$0x6A00] =	vst v63  }
0x46: {  	s28 =	sadd.s32 $0x180, s29  }
0x47: {  	[tilespmem:s18], [sflag:$0x1] =	stream.indirect.gather [hbm4b:s4+s14], $0x20, s28, s14, $0xb8;
	[tilespmem:$0x6A00] =	vst v63  }
0x48: {  	s28 =	sadd.s32 $0x200, s29  }
0x49: {  	[tilespmem:s19], [sflag:$0x1] =	stream.indirect.gather [hbm4b:s4+s14], $0x20, s28, s14, $0xb8;
	[tilespmem:$0x6A00] =	vst v63  }
0x4a: {  	_ =	swait.ge [sflag:s20], $0x1000  }
0x4b: {  	[sflag:s20] =	ssyncset.done $0x0  }
0x4c: {  	[sflag:s20] =	ssyncadd.s32 $0xFFFFF000  }
0x4d: {  	_ =	swait.ge [sflag:s20], $0x1000  }
0x4e: {  	[sflag:s20] =	ssyncset.done $0x0  }
0x4f: {  	[sflag:s20] =	ssyncadd.s32 $0xFFFFF000  }
0x50: {  	_ =	swait.ge [sflag:s20], $0x1000  }
0x51: {  	[sflag:s20] =	ssyncset.done $0x0  }
0x52: {  	[sflag:s20] =	ssyncadd.s32 $0xFFFFF000  }
0x53: {  	_ =	swait.ge [sflag:s20], $0x1000  }
0x54: {  	[sflag:s20] =	ssyncset.done $0x0  }
0x55: {  	[sflag:s20] =	ssyncadd.s32 $0xFFFFF000  }
0x56: {  	_ =	swait.ge [sflag:s20], $0x1000  }
0x57: {  	[sflag:s20] =	ssyncset.done $0x0  }
0x58: {  	s28 =	sadd.s32 $0xFFFF0000, s24;
	[sflag:s20] =	ssyncadd.s32 $0xFFFFF000  }
0x59: {  	[hbm4b:s28+s2] =	stream.linear.scatter [tilespmem:s15], [sflag:$0x2], $0x1000, $0x38;
	[tilespmem:$0x6A00] =	vst v63  }
0x5a: {  	_ =	swait.ge [sflag:s13], $0x1000  }
0x5b: {  	[sflag:s13] =	ssyncset.done $0x0  }
0x5c: {  	s28 =	sadd.s32 $0xFFFF4000, s24;
	[sflag:s13] =	ssyncadd.s32 $0xFFFFF000  }
0x5d: {  	[hbm4b:s28+s2] =	stream.linear.scatter [tilespmem:s16], [sflag:$0x2], $0x1000, $0x38;
	[tilespmem:$0x6A00] =	vst v63  }
0x5e: {  	_ =	swait.ge [sflag:s13], $0x1000  }
0x5f: {  	[sflag:s13] =	ssyncset.done $0x0  }
0x60: {  	s28 =	sadd.s32 $0xFFFF8000, s24;
	[sflag:s13] =	ssyncadd.s32 $0xFFFFF000  }
0x61: {  	[hbm4b:s28+s2] =	stream.linear.scatter [tilespmem:s17], [sflag:$0x2], $0x1000, $0x38;
	[tilespmem:$0x6A00] =	vst v63  }
0x62: {  	_ =	swait.ge [sflag:s13], $0x1000  }
0x63: {  	[sflag:s13] =	ssyncset.done $0x0  }
0x64: {  	s28 =	sadd.s32 $0xFFFFC000, s24;
	[sflag:s13] =	ssyncadd.s32 $0xFFFFF000  }
0x65: {  	[hbm4b:s28+s2] =	stream.linear.scatter [tilespmem:s18], [sflag:$0x2], $0x1000, $0x38;
	[tilespmem:$0x6A00] =	vst v63  }
0x66: {  	_ =	swait.ge [sflag:s13], $0x1000  }
.Ltmp0:
0x67: {  	[sflag:s13] =	ssyncset.done $0x0;
	(pc) =	sbr.rel @p0 .LBB2_2-.Ltmp0, $4  }
0x68: {  	[sflag:s13] =	ssyncadd.s32 $0xFFFFF000  }
0x69: {  	[hbm4b:s24+s2] =	stream.linear.scatter [tilespmem:s19], [sflag:$0x2], $0x1000, $0x38;
	[tilespmem:$0x6A00] =	vst v63  }
0x6a: {  	_ =	swait.ge [sflag:s13], $0x1000  }
0x6b: {  	s28 =	smov.u32 s26;
	s24 =	sadd.s32 $0x14000, s24;
	[sflag:s13] =	ssyncset.done $0x0  }
0x6c: {  	s25 =	sshra.s32 s25, $0x2;
	[sflag:s13] =	ssyncadd.s32 $0xFFFFF000  }
0x6d: {  	[tilespmem:s15], [sflag:$0x1] =	stream.indirect.gather [hbm4b:s4+s14], $0x20, s25, s14, $0xb8;
	[tilespmem:$0x6A00] =	vst v63  }
0x6e: {  	s26 =	sadd.s32 $0x80, s25  }
0x6f: {  	[tilespmem:s16], [sflag:$0x1] =	stream.indirect.gather [hbm4b:s4+s14], $0x20, s26, s14, $0xb8;
	[tilespmem:$0x6A00] =	vst v63  }
0x70: {  	s30 =	sadd.s32 $0x100, s25  }
0x71: {  	[tilespmem:s17], [sflag:$0x1] =	stream.indirect.gather [hbm4b:s4+s14], $0x20, s30, s14, $0xb8;
	[tilespmem:$0x6A00] =	vst v63  }
0x72: {  	s31 =	sadd.s32 $0x180, s25  }
0x73: {  	[tilespmem:s18], [sflag:$0x1] =	stream.indirect.gather [hbm4b:s4+s14], $0x20, s31, s14, $0xb8;
	[tilespmem:$0x6A00] =	vst v63  }
0x74: {  	s25 =	sadd.s32 $0x200, s25  }
0x75: {  	[tilespmem:s19], [sflag:$0x1] =	stream.indirect.gather [hbm4b:s4+s14], $0x20, s25, s14, $0xb8;
	[tilespmem:$0x6A00] =	vst v63  }
0x76: {  	_ =	swait.ge [sflag:s20], $0x1000  }
0x77: {  	[sflag:s20] =	ssyncset.done $0x0  }
0x78: {  	[sflag:s20] =	ssyncadd.s32 $0xFFFFF000  }
0x79: {  	_ =	swait.ge [sflag:s20], $0x1000  }
0x7a: {  	[sflag:s20] =	ssyncset.done $0x0  }
0x7b: {  	[sflag:s20] =	ssyncadd.s32 $0xFFFFF000  }
0x7c: {  	_ =	swait.ge [sflag:s20], $0x1000  }
0x7d: {  	[sflag:s20] =	ssyncset.done $0x0  }
0x7e: {  	[sflag:s20] =	ssyncadd.s32 $0xFFFFF000  }
0x7f: {  	_ =	swait.ge [sflag:s20], $0x1000  }
0x80: {  	[sflag:s20] =	ssyncset.done $0x0  }
0x81: {  	[sflag:s20] =	ssyncadd.s32 $0xFFFFF000  }
0x82: {  	_ =	swait.ge [sflag:s20], $0x1000  }
0x83: {  	[sflag:s20] =	ssyncset.done $0x0  }
0x84: {  	s28 =	sadd.s32 $0xFFFF0000, s24;
	[sflag:s20] =	ssyncadd.s32 $0xFFFFF000  }
0x85: {  	[hbm4b:s28+s2] =	stream.linear.scatter [tilespmem:s15], [sflag:$0x2], $0x1000, $0x38;
	[tilespmem:$0x6A00] =	vst v63  }
0x86: {  	_ =	swait.ge [sflag:s13], $0x1000  }
0x87: {  	[sflag:s13] =	ssyncset.done $0x0  }
0x88: {  	s29 =	sadd.s32 $0xFFFF4000, s24;
	[sflag:s13] =	ssyncadd.s32 $0xFFFFF000  }
0x89: {  	[hbm4b:s29+s2] =	stream.linear.scatter [tilespmem:s16], [sflag:$0x2], $0x1000, $0x38;
	[tilespmem:$0x6A00] =	vst v63  }
0x8a: {  	_ =	swait.ge [sflag:s13], $0x1000  }
0x8b: {  	[sflag:s13] =	ssyncset.done $0x0  }
0x8c: {  	s30 =	sadd.s32 $0xFFFF8000, s24;
	[sflag:s13] =	ssyncadd.s32 $0xFFFFF000  }
0x8d: {  	[hbm4b:s30+s2] =	stream.linear.scatter [tilespmem:s17], [sflag:$0x2], $0x1000, $0x38;
	[tilespmem:$0x6A00] =	vst v63  }
0x8e: {  	_ =	swait.ge [sflag:s13], $0x1000  }
0x8f: {  	[sflag:s13] =	ssyncset.done $0x0  }
0x90: {  	s31 =	sadd.s32 $0xFFFFC000, s24;
	[sflag:s13] =	ssyncadd.s32 $0xFFFFF000  }
0x91: {  	[hbm4b:s31+s2] =	stream.linear.scatter [tilespmem:s18], [sflag:$0x2], $0x1000, $0x38;
	[tilespmem:$0x6A00] =	vst v63  }
0x92: {  	_ =	swait.ge [sflag:s13], $0x1000  }
0x93: {  	[sflag:s13] =	ssyncset.done $0x0  }
0x94: {  	[sflag:s13] =	ssyncadd.s32 $0xFFFFF000  }
0x95: {  	[hbm4b:s24+s2] =	stream.linear.scatter [tilespmem:s19], [sflag:$0x2], $0x1000, $0x38;
	[tilespmem:$0x6A00] =	vst v63  }
0x96: {  	_ =	swait.ge [sflag:s13], $0x1000  }
0x97: {  	[sflag:s13] =	ssyncset.done $0x0  }
0x98: {  	[sflag:s13] =	ssyncadd.s32 $0xFFFFF000  }
0x99: {  	[tilespmem:s21], [sflag:$0x2] =	stream.linear.gather [hbm4b:s7+s2], $0x80, $0x38;
	[tilespmem:$0x6A00] =	vst v63  }
0x9a: {  	_ =	swait.ge [sflag:s13], $0x80  }
0x9b: {  	[sflag:s13] =	ssyncset.done $0x0  }
0x9c: {  	[sflag:s13] =	ssyncadd.s32 $0xFFFFFF80  }
0x9d: {  	[tilespmem:s15], [sflag:$0x1] =	stream.indirect.gather [hbm4b:s3+s14], $0x20, s21, s14, $0xb8;
	[tilespmem:$0x6A00] =	vst v63  }
0x9e: {  	_ =	swait.ge [sflag:s20], $0x1000  }
0x9f: {  	[sflag:s20] =	ssyncset.done $0x0  }
0xa0: {  	[sflag:s20] =	ssyncadd.s32 $0xFFFFF000  }
0xa1: {  	[hbm4b:s8+s2] =	stream.linear.scatter [tilespmem:s15], [sflag:$0x2], $0x1000, $0x38;
	[tilespmem:$0x6A00] =	vst v63  }
0xa2: {  	_ =	swait.ge [sflag:s13], $0x1000  }
0xa3: {  	[sflag:s13] =	ssyncset.done $0x0  }
0xa4: {  	[sflag:s13] =	ssyncadd.s32 $0xFFFFF000  }
0xa5: {  	[tilespmem:s22], [sflag:$0x2] =	stream.linear.gather [hbm4b:s9+s2], $0x80, $0x38;
	[tilespmem:$0x6A00] =	vst v63  }
0xa6: {  	_ =	swait.ge [sflag:s13], $0x80  }
0xa7: {  	[sflag:s13] =	ssyncset.done $0x0  }
0xa8: {  	[sflag:s13] =	ssyncadd.s32 $0xFFFFFF80  }
0xa9: {  	[tilespmem:s15], [sflag:$0x1] =	stream.indirect.gather [hbm4b:s5+s14], $0x20, s22, s14, $0xb8;
	[tilespmem:$0x6A00] =	vst v63  }
0xaa: {  	s23 =	sadd.s32 $0x1, s23;
	_ =	swait.ge [sflag:s20], $0x1000  }
0xab: {  	p0 =	sne.s32 s23, s11;
	[sflag:s20] =	ssyncset.done $0x0  }
.Ltmp1:
0xac: {  	[sflag:s20] =	ssyncadd.s32 $0xFFFFF000;
	(pc) =	sbr.rel @p0 .LBB2_1-.Ltmp1, $4  }
0xad: {  	[hbm4b:s10+s2] =	stream.linear.scatter [tilespmem:s15], [sflag:$0x2], $0x1000, $0x38;
	[tilespmem:$0x6A00] =	vst v63  }
0xae: {  	_ =	swait.ge [sflag:s13], $0x1000  }
0xaf: {  	[sflag:s13] =	ssyncset.done $0x0  }
0xb0: {  	[sflag:s13] =	ssyncadd.s32 $0xFFFFF000  }
0xb1: {  	_ =	sfence.sel $0x180000  }
0xb2: {  	[bflag:$0x0] =	sbarrier.arrive $0xFFFF  }
0xb3: {  	p0 =	sne.s32 s0, $0x0;
	_ =	strace $0x9000004D  }
0xb4: {  	s0 =	sadd.s32 @!p0 $0x100000, s1;
	[bflag:$0x2] =	sbarrier.arrive $0xFFFF  }
0xb5: {  	[sflag:s0] =	ssyncadd.tile.s32 @!p0 $0x1;
	_ =	shalt  }
.Lfunc_end2:
_tile_overlayer_lowered:
.L_overlay_start_2:
0xb6: {  	(tag) =	ssettag $0x2  }
0xb7: {  	s0 =	rddreg [dreg:$0x0];
	s2 =	stileid.u32  }
0xb8: {  	s1 =	rddreg [dreg:$0x1];
	p0 =	sne.s32 s2, $0x0  }
0xb9: {  	s3 =	rddreg [dreg:$0x2];
	[bflag:$0x3] =	sbarrier.arrive $0xFFFF;
	s2 =	simm.s32 @!p0 $0x1C02  }
0xba: {  	[timem:s3], [sflag:s2] =	dma.local @!p0 [hbm:s0], s1  }
0xbb: {  	s0 =	simm.s32 @!p0 $0x2  }
0xbc: {  	_ =	swait.ge @!p0 [sflag:s0], s1  }
0xbd: {  	s1 =	ssub.s32 @!p0 $0x0, s1;
	[sflag:s0] =	ssyncset.done @!p0 $0x0  }
0xbe: {  	[sflag:s0] =	ssyncadd.s32 @!p0 s1  }
0xbf: {  	[bflag:$0x3] =	sbarrier.arrive $0xFFFF  }
0xc0: {  	_ =	shalt  }

// kernel: kernel.16.cloned.1.call-start
scs
__scs_entry_jumppad:
0x0: {  	(pc) =	sbr.rel $0x88, $3  }
0x1: {  	(tag) =	ssettag $0x0;
	lr =	simm.s32 $0x1  }
0x2: {  	[smem:$0x3F96] =	sst lr;
	_ =	strace $0xD0000000  }
0x3: {  	_ = 	snop  }
0x4: {  	_ = 	snop  }
0x5: {  	_ = 	snop  }
0x6: {  	_ = 	snop  }
0x7: {  	_ = 	snop  }
__scs_overlays_trampoline_lowered:
0x8: {  	[smem:$0x3FA5] =	sst s0  }
0x9: {  	[smem:$0x3FA6] =	sst s1  }
0xa: {  	[smem:$0x3FA7] =	sst s2  }
0xb: {  	[smem:$0x3FA8] =	sst s3  }
0xc: {  	[smem:$0x3FA9] =	sst s4  }
0xd: {  	[smem:$0x3FAA] =	sst s5  }
0xe: {  	[smem:$0x3FAB] =	sst s6  }
0xf: {  	[smem:$0x3FAC] =	sst s7  }
0x10: {  	[smem:$0x3FAD] =	sst s8  }
0x11: {  	[smem:$0x3FAE] =	sst s9;
	s0 =	simm.s32 @!p0 $0x0  }
0x12: {  	s1 =	sld [smem:$0x3F94];
	s0 =	simm.s32 @p0 $0x1  }
0x13: {  	[smem:$0x3FAF] =	sst s0;
	s0 =	simm.s32 @!p1 $0x0  }
0x14: {  	s2 =	sld [smem:$0x3F93];
	s0 =	simm.s32 @p1 $0x1  }
0x15: {  	[smem:$0x3FB0] =	sst s0;
	s0 =	simm.s32 @!p2 $0x0  }
0x16: {  	s3 =	sld [smem:$0x3FDB];
	s0 =	simm.s32 @p2 $0x1  }
0x17: {  	s4 =	simm.s32 $0x1BF5;
	[smem:$0x3FB2] =	sst s0  }
0x18: {  	s0 =	sld [smem:$0x3F95];
	_ =	swait.ge [sflag:s4], $0x0  }
0x19: {  	s7 =	sld [smem:$0x3F96]  }
0x1a: {  	s8 =	sadd.s32 $0xFFFFE003, lr  }
0x1b: {  	s9 =	sadd.s32 $0xFFFFFEF7, lr;
	s5 =	simm.s32 $0xFFFFFFFF;
	p2 =	slt.u32 s8, $0xFFFFF086  }
0x1c: {  	p1 =	slt.u32 s9, $0xF7A;
	s5 =	simm.s32 @!p2 $0x0  }
0x1d: {  	s5 =	simm.s32 @p1 $0x1;
	p0 =	seq.s32 s7, s2  }
0x1e: {  	s7 =	smul.u32 @!p0 $0xF7A, s2;
	p2 =	seq.s32 @!p0 s5, $0x0  }
0x1f: {  	s9 =	smul.u32 $0xF7A, s1;
	s8 =	simm.s32 @!p0 $0x1BF5;
	p2 =	por !p2, p0  }
0x20: {  	[sflag:s8] =	ssyncset.s32 @!p0 $0xFFFFF086;
	s6 =	sadd.s32 @!p0 s3, s7;
	s7 =	simm.s32 @!p0 $0x108  }
0x21: {  	s3 =	sadd.s32 s3, s9;
	s6 =	sadd.s32 @!p0 $0x88, s6;
	s7 =	simm.s32 @p2 $0x1082  }
0x22: {  	[simem:s7], [sflag:s8] =	dma.local @!p0 [hbm:s6], $0xF7A  }
0x23: {  	s9 =	sor.u32 $0xD0000000, s2;
	s6 =	simm.s32 $0x108;
	_ =	swait.ge @!p0 [sflag:s8], $0x0  }
0x24: {  	s3 =	sadd.s32 $0x88, s3;
	s6 =	simm.s32 @!p1 $0x1082;
	[sflag:s4] =	ssyncset.s32 $0xFFFFF086  }
0x25: {  	[simem:s6], [sflag:s4] =	dma.local [hbm:s3], $0xF7A  }
0x26: {  	[smem:$0x3F96] =	sst s1;
	(tag) =	ssettag s2;
	_ =	strace s9  }
0x27: {  	s1 =	sld [smem:$0x3FA6]  }
0x28: {  	s2 =	sld [smem:$0x3FA7]  }
0x29: {  	s4 =	sld [smem:$0x3FA9]  }
0x2a: {  	p0 =	seq.s32 s5, $0x0;
	s5 =	sld [smem:$0x3FAA]  }
0x2b: {  	s6 =	sld [smem:$0x3FAB]  }
0x2c: {  	s7 =	sld [smem:$0x3FAC]  }
0x2d: {  	s3 =	simm.s32 $0x108;
	s8 =	sld [smem:$0x3FAD]  }
0x2e: {  	s3 =	simm.s32 @!p0 $0x1082;
	s9 =	sld [smem:$0x3FAE]  }
0x2f: {  	lr =	sadd.s32 s0, s3;
	s0 =	sld [smem:$0x3FA5]  }
0x30: {  	s3 =	sld [smem:$0x3FA8]  }
0x31: {  	[smem:$0x3FB1] =	sst s10  }
0x32: {  	s10 =	sld [smem:$0x3FAF];
	_ =	sdelay $0x3  }
0x33: {  	p0 =	seq.s32 s10, $0x1;
	s10 =	sld [smem:$0x3FB1];
	_ =	sdelay $0x3  }
0x34: {  	[smem:$0x3FB1] =	sst s10  }
0x35: {  	s10 =	sld [smem:$0x3FB0];
	_ =	sdelay $0x3  }
0x36: {  	p1 =	seq.s32 s10, $0x1;
	s10 =	sld [smem:$0x3FB1];
	_ =	sdelay $0x3  }
0x37: {  	[smem:$0x3FB1] =	sst s10  }
0x38: {  	s10 =	sld [smem:$0x3FB2]  }
0x39: {  	_ = 	snop;
	(pc) =	sbr.ind lr, $3  }
0x3a: {  	_ = 	snop  }
0x3b: {  	_ = 	snop  }
0x3c: {  	p2 =	seq.s32 s10, $0x1;
	s10 =	sld [smem:$0x3FB1]  }
0x3d: {  	_ =	shalt  }
0x3e: {  	_ =	shalt  }
0x3f: {  	_ =	shalt  }
0x40: {  	_ =	shalt  }
0x41: {  	_ =	shalt  }
0x42: {  	_ =	shalt  }
0x43: {  	_ =	shalt  }
0x44: {  	_ =	shalt  }
0x45: {  	_ =	shalt  }
0x46: {  	_ =	shalt  }
0x47: {  	_ =	shalt  }
0x48: {  	_ =	shalt  }
0x49: {  	_ =	shalt  }
0x4a: {  	_ =	shalt  }
0x4b: {  	_ =	shalt  }
0x4c: {  	_ =	shalt  }
0x4d: {  	_ =	shalt  }
0x4e: {  	_ =	shalt  }
0x4f: {  	_ =	shalt  }
0x50: {  	_ =	shalt  }
0x51: {  	_ =	shalt  }
0x52: {  	_ =	shalt  }
0x53: {  	_ =	shalt  }
0x54: {  	_ =	shalt  }
0x55: {  	_ =	shalt  }
0x56: {  	_ =	shalt  }
0x57: {  	_ =	shalt  }
0x58: {  	_ =	shalt  }
0x59: {  	_ =	shalt  }
0x5a: {  	_ =	shalt  }
0x5b: {  	_ =	shalt  }
0x5c: {  	_ =	shalt  }
0x5d: {  	_ =	shalt  }
0x5e: {  	_ =	shalt  }
0x5f: {  	_ =	shalt  }
0x60: {  	_ =	shalt  }
0x61: {  	_ =	shalt  }
0x62: {  	_ =	shalt  }
0x63: {  	_ =	shalt  }
0x64: {  	_ =	shalt  }
0x65: {  	_ =	shalt  }
0x66: {  	_ =	shalt  }
0x67: {  	_ =	shalt  }
0x68: {  	_ =	shalt  }
0x69: {  	_ =	shalt  }
0x6a: {  	_ =	shalt  }
0x6b: {  	_ =	shalt  }
0x6c: {  	_ =	shalt  }
0x6d: {  	_ =	shalt  }
0x6e: {  	_ =	shalt  }
0x6f: {  	_ =	shalt  }
0x70: {  	_ =	shalt  }
0x71: {  	_ =	shalt  }
0x72: {  	_ =	shalt  }
0x73: {  	_ =	shalt  }
0x74: {  	_ =	shalt  }
0x75: {  	_ =	shalt  }
0x76: {  	_ =	shalt  }
0x77: {  	_ =	shalt  }
0x78: {  	_ =	shalt  }
0x79: {  	_ =	shalt  }
0x7a: {  	_ =	shalt  }
0x7b: {  	_ =	shalt  }
0x7c: {  	_ =	shalt  }
0x7d: {  	_ =	shalt  }
0x7e: {  	_ =	shalt  }
0x7f: {  	_ =	shalt  }
0x80: {  	_ =	shalt  }
0x81: {  	_ =	shalt  }
0x82: {  	_ =	shalt  }
0x83: {  	_ =	shalt  }
0x84: {  	_ =	shalt  }
0x85: {  	_ =	shalt  }
0x86: {  	_ =	shalt  }
0x87: {  	_ =	shalt  }
.Lfunc_end0:
.L_simem_size_0:
called_computation.2_lowered:
.L_overlay_start_0:
0x88: {  	s2 =	sld [smem:$0x3FD9]  }
0x89: {  	s3 =	sld [smem:$0x3FFE];
	_ =	sdelay $0x1  }
0x8a: {  	s1 =	srdreg.scid  }
0x8b: {  	s0 =	sand.u32 $0x1, s1  }
0x8c: {  	s17 =	sshll.u32 s0, $0xA;
	s2 =	sadd.s32 s3, s2  }
0x8d: {  	s2 =	sadd.s32 s2, s17  }
0x8e: {  	[smem:$0x3FBD] =	sst s2  }
0x8f: {  	_ = 	snop  }
0x90: {  	(tm) =	ssettm $0x1  }
0x91: {  	s18 =	sld [smem:$0x3FFB];
	_ =	sdelay $0x3  }
0x92: {  	_ =	strace s18  }
0x93: {  	s2 =	sld [smem:$0x3FFC];
	_ =	sdelay $0x3  }
0x94: {  	_ =	strace s2  }
0x95: {  	s2 =	sld [smem:$0x3FFD];
	_ =	sdelay $0x3  }
0x96: {  	_ =	strace s2  }
0x97: {  	_ =	strace $0x8FFFFFFF  }
0x98: {  	s19 =	sld [smem:$0x3FDB];
	_ =	sdelay $0x1  }
0x99: {  	s20 =	simm.s32 $_scs_section_size  }
0x9a: {  	s4 =	simm.s32 $_size__tile_overlayer_lowered;
	s5 =	simm.s32 $_tile_overlayer_lowered  }
0x9b: {  	s6 =	simm.s32 $0x1BFF;
	s21 =	sshll.u32 s5, $0x1;
	s3 =	sadd.s32 s20, s19  }
0x9c: {  	s22 =	simm.s32 $0x0;
	s4 =	sshll.u32 s4, $0x1;
	s5 =	sadd.s32 s21, s3  }
0x9d: {  	[timem:s22], [sflag:s6] =	dma.local [hbm:s5], s4  }
0x9e: {  	_ =	swait.ge [sflag:s6], s4  }
0x9f: {  	s4 =	ssub.s32 $0x0, s4;
	[sflag:s6] =	ssyncset.done $0x0  }
0xa0: {  	[sflag:s6] =	ssyncadd.s32 s4;
	_ =	sdelay $0x1  }
0xa1: {  	s23 =	simm.s32 $0x1B8B  }
0xa2: {  	_ =	swait.ge [sflag:s23], $0x1  }
0xa3: {  	[sflag:s23] =	ssyncset.done $0x0  }
0xa4: {  	[sflag:s23] =	ssyncadd.s32 $0xFFFFFFFF  }
0xa5: {  	s4 =	sld [smem:$0x0]  }
0xa6: {  	s5 =	sand.u32 $0xFFFFFFFE, s1  }
0xa7: {  	p0 =	sne.s32 s1, s5  }
0xa8: {  	s5 =	sshll.u32 @p0 s5, $0xE  }
0xa9: {  	s5 =	sadd.s32 @p0 $0x11B8D, s5;
	s6 =	sshll.u32 @p0 s4, $0x11  }
0xaa: {  	s5 =	sor.u32 @p0 s6, s5  }
0xab: {  	[sflag:s5] =	ssyncadd.remote.s32 @p0 $0x1;
	_ =	sdelay $0x1  }
0xac: {  	s5 =	simm.s32 @p0 $0x1B8D  }
0xad: {  	_ =	swait.eq @p0 [sflag:s5], $0x1  }
0xae: {  	[sflag:s5] =	ssyncadd.s32 @p0 $0xFFFFFFFF  }
0xaf: {  	s6 =	sshll.u32 @!p0 s1, $0xE  }
0xb0: {  	s6 =	sor.u32 @!p0 $0x4000, s6;
	s5 =	simm.s32 @!p0 $0x1B8D  }
0xb1: {  	s4 =	sshll.u32 @!p0 s4, $0x11;
	s6 =	sadd.s32 @!p0 $0x11B8D, s6;
	_ =	swait.eq @!p0 [sflag:s5], $0x1  }
0xb2: {  	s4 =	sor.u32 @!p0 s4, s6;
	[sflag:s5] =	ssyncadd.s32 @!p0 $0xFFFFFFFF  }
0xb3: {  	s25 =	simm.s32 $0x1B8E;
	s24 =	sld [smem:$0x3FFE];
	[sflag:s4] =	ssyncadd.remote.s32 @!p0 $0x1  }
0xb4: {  	s26 =	simm.s32 $execute0_lowered;
	[smem:$0x3FD2] =	sst s25  }
0xb5: {  	s5 =	sshll.u32 s26, $0x1;
	_ =	strace $0x80000049;
	[dreg:$0x1] =	wrdreg $0xFFFFFFFF  }
0xb6: {  	s28 =	simm.s32 $_size_execute0_lowered;
	s3 =	sadd.s32 s3, s5;
	[dreg:$0x0] =	wrdreg $0x0  }
0xb7: {  	s5 =	sshll.u32 s28, $0x1;
	[dreg:$0x2] =	wrdreg s3  }
0xb8: {  	[dreg:$0x3] =	wrdreg s5  }
0xb9: {  	[dreg:$0x4] =	wrdreg $0xC0  }
0xba: {  	_ =	task [dreg:s22], $0x5FFFF  }
0xbb: {  	[dreg:$0x1] =	wrdreg $0xFFFFFFFF  }
0xbc: {  	[dreg:$0x0] =	wrdreg $0x60  }
0xbd: {  	[dreg:$0x2] =	wrdreg s24  }
0xbe: {  	[dreg:$0x3] =	wrdreg $0xB  }
0xbf: {  	_ =	task.clear_ibuf [dreg:s22], $0x4FFFF;
	_ =	strace $0x90000049  }
0xc0: {  	s29 =	simm.s32 $0xB;
	_ =	strace $0x8000004B  }
0xc1: {  	_ =	swait.ge [sflag:s29], $0x1  }
0xc2: {  	[sflag:s29] =	ssyncadd.s32 $0xFFFFFFFF  }
0xc3: {  	_ =	strace $0x9000004B  }
0xc4: {  	_ =	sfence  }
0xc5: {  	s30 =	sld [smem:$0x0];
	_ =	sdelay $0x2  }
0xc6: {  	s31 =	sshll.u32 s1, $0xD;
	s1 =	sshrl.u32 s1, $0x2  }
0xc7: {  	s4 =	sand.u32 $0x4000, s31;
	s1 =	sadd.s32 s1, s30  }
0xc8: {  	s0 =	sor.u32 s4, s0;
	s1 =	sshll.u32 s1, $0x11  }
0xc9: {  	s0 =	sor.u32 s1, s0  }
0xca: {  	s0 =	sadd.s32 $0x8F2B, s0  }
0xcb: {  	[sflag:s0] =	ssyncadd.remote.s32 $0x1  }
0xcc: {  	_ =	sfence.sel $0xFFFF  }
0xcd: {  	[dreg:$0x0] =	wrdreg $0xFFFFFFFF;
	(pc) =	sbr.abs _section_cstart, $3  }
0xce: {  	[dreg:$0x1] =	wrdreg $0xFFFFFFFF  }
0xcf: {  	_ =	task.clear_ibuf [dreg:s22], $0x2FFFF;
	_ =	strace $0x9FFFFFFF  }
0xd0: {  	(tm) =	ssettm $0x7FFFFFFF  }
0xd1: {  	_ =	shalt  }
tec
execute0_lowered:
.L_overlay_start_1:
0x0: {  	(tag) =	ssettag $0x1  }
0x1: {  	s1 =	srdreg.scid;
	s0 =	stileid.u32  }
0x2: {  	s6 =	rddreg [dreg:$0x0];
	s2 =	simm.s32 $0x0;
	s15 =	simm.s32 $0x1900  }
0x3: {  	s16 =	simm.s32 $0x2900;
	s17 =	simm.s32 $0x3900;
	s18 =	simm.s32 $0x4900  }
0x4: {  	s19 =	simm.s32 $0x5900;
	s20 =	simm.s32 $0x1;
	s21 =	simm.s32 $0x6900  }
0x5: {  	s22 =	simm.s32 $0x6980;
	s10 =	sand.u32 $0x1, s1;
	s1 =	rddreg [dreg:$0x1]  }
0x6: {  	s23 =	simm.s32 $0x0;
	s3 =	sshll.u32 s0, $0x1;
	[smem:$0x7FF] =	sst s2  }
0x7: {  	s5 =	sadd.s32 $0x40DC00, s6;
	s11 =	sshll.u32 s0, $0xA;
	s7 =	sor.u32 s10, s3  }
0x8: {  	_ =	strace $0x8000004A;
	s12 =	ssub.s32 $0x2, s10;
	s13 =	sadd.s32 s11, s6  }
0x9: {  	s14 =	sshll.u32 s10, $0x9;
	s3 =	smul.u32 $0x320, s7;
	s4 =	sshll.u32 s7, $0x4  }
0xa: {  	s7 =	sshll.u32 s7, $0x9;
	s30 =	sshrl.u32 s12, $0x1;
	s31 =	sadd.s32 s14, s13  }
0xb: {  	s13 =	simm.s32 $0x2;
	s14 =	simm.s32 $0x80;
	s9 =	sadd.s32 s4, s6  }
0xc: {  	s4 =	sadd.s32 $0x3D200, s6;
	s29 =	sadd.s32 s7, s6;
	s12 =	ssub.s32 s12, s30  }
0xd: {  	s8 =	sadd.s32 s3, s6;
	s3 =	sadd.s32 $0xF7F600, s6;
	s7 =	sadd.s32 $0x5400, s9  }
0xe: {  	s10 =	sadd.s32 $0x8B2600, s29;
	s11 =	smax.u32 s12, $0x1;
	s12 =	sadd.s32 $0x8C6600, s31  }
0xf: {  	s9 =	sadd.s32 $0x5600, s9;
	s6 =	sadd.s32 $0x5E00, s8;
	s8 =	sadd.s32 $0x8AE600, s29  }
.LBB2_1:
0x10: {  	[tilespmem:s2], [sflag:$0x2] =	stream.linear.gather [hbm4b:s6+s2], $0x1900, $0x38;
	[tilespmem:$0x6A00] =	vst v63  }
0x11: {  	_ =	swait.ge [sflag:s13], $0x1900  }
0x12: {  	[sflag:s13] =	ssyncset.done $0x0  }
0x13: {  	s24 =	simm.s32 $0x0;
	[sflag:s13] =	ssyncadd.s32 $0xFFFFE700  }
0x14: {  	[tilespmem:s15], [sflag:$0x1] =	stream.indirect.gather [hbm4b:s4+s14], $0x20, s24, s14, $0xb8;
	[tilespmem:$0x6A00] =	vst v63  }
0x15: {  	s29 =	simm.s32 $0x80  }
0x16: {  	[tilespmem:s16], [sflag:$0x1] =	stream.indirect.gather [hbm4b:s4+s14], $0x20, s29, s14, $0xb8;
	[tilespmem:$0x6A00] =	vst v63  }
0x17: {  	s30 =	simm.s32 $0x100  }
0x18: {  	[tilespmem:s17], [sflag:$0x1] =	stream.indirect.gather [hbm4b:s4+s14], $0x20, s30, s14, $0xb8;
	[tilespmem:$0x6A00] =	vst v63  }
0x19: {  	s31 =	simm.s32 $0x180  }
0x1a: {  	[tilespmem:s18], [sflag:$0x1] =	stream.indirect.gather [hbm4b:s4+s14], $0x20, s31, s14, $0xb8;
	[tilespmem:$0x6A00] =	vst v63  }
0x1b: {  	s25 =	simm.s32 $0x200  }
0x1c: {  	[tilespmem:s19], [sflag:$0x1] =	stream.indirect.gather [hbm4b:s4+s14], $0x20, s25, s14, $0xb8;
	[tilespmem:$0x6A00] =	vst v63  }
0x1d: {  	_ =	swait.ge [sflag:s20], $0x1000  }
0x1e: {  	[sflag:s20] =	ssyncset.done $0x0  }
0x1f: {  	[sflag:s20] =	ssyncadd.s32 $0xFFFFF000  }
0x20: {  	_ =	swait.ge [sflag:s20], $0x1000  }
0x21: {  	[sflag:s20] =	ssyncset.done $0x0  }
0x22: {  	[sflag:s20] =	ssyncadd.s32 $0xFFFFF000  }
0x23: {  	_ =	swait.ge [sflag:s20], $0x1000  }
0x24: {  	[sflag:s20] =	ssyncset.done $0x0  }
0x25: {  	[sflag:s20] =	ssyncadd.s32 $0xFFFFF000  }
0x26: {  	_ =	swait.ge [sflag:s20], $0x1000  }
0x27: {  	[sflag:s20] =	ssyncset.done $0x0  }
0x28: {  	[sflag:s20] =	ssyncadd.s32 $0xFFFFF000  }
0x29: {  	_ =	swait.ge [sflag:s20], $0x1000  }
0x2a: {  	[sflag:s20] =	ssyncset.done $0x0  }
0x2b: {  	s26 =	sadd.s32 $0xFFFF0000, s12;
	[sflag:s20] =	ssyncadd.s32 $0xFFFFF000  }
0x2c: {  	[hbm4b:s26+s2] =	stream.linear.scatter [tilespmem:s15], [sflag:$0x2], $0x1000, $0x38;
	[tilespmem:$0x6A00] =	vst v63  }
0x2d: {  	_ =	swait.ge [sflag:s13], $0x1000  }
0x2e: {  	[sflag:s13] =	ssyncset.done $0x0  }
0x2f: {  	s29 =	sadd.s32 $0xFFFF4000, s12;
	[sflag:s13] =	ssyncadd.s32 $0xFFFFF000  }
0x30: {  	[hbm4b:s29+s2] =	stream.linear.scatter [tilespmem:s16], [sflag:$0x2], $0x1000, $0x38;
	[tilespmem:$0x6A00] =	vst v63  }
0x31: {  	_ =	swait.ge [sflag:s13], $0x1000  }
0x32: {  	[sflag:s13] =	ssyncset.done $0x0  }
0x33: {  	s30 =	sadd.s32 $0xFFFF8000, s12;
	[sflag:s13] =	ssyncadd.s32 $0xFFFFF000  }
0x34: {  	[hbm4b:s30+s2] =	stream.linear.scatter [tilespmem:s17], [sflag:$0x2], $0x1000, $0x38;
	[tilespmem:$0x6A00] =	vst v63  }
0x35: {  	_ =	swait.ge [sflag:s13], $0x1000  }
0x36: {  	[sflag:s13] =	ssyncset.done $0x0  }
0x37: {  	s31 =	sadd.s32 $0xFFFFC000, s12;
	[sflag:s13] =	ssyncadd.s32 $0xFFFFF000  }
0x38: {  	[hbm4b:s31+s2] =	stream.linear.scatter [tilespmem:s18], [sflag:$0x2], $0x1000, $0x38;
	[tilespmem:$0x6A00] =	vst v63  }
0x39: {  	_ =	swait.ge [sflag:s13], $0x1000  }
0x3a: {  	[sflag:s13] =	ssyncset.done $0x0  }
0x3b: {  	[sflag:s13] =	ssyncadd.s32 $0xFFFFF000  }
0x3c: {  	[hbm4b:s12+s2] =	stream.linear.scatter [tilespmem:s19], [sflag:$0x2], $0x1000, $0x38;
	[tilespmem:$0x6A00] =	vst v63  }
0x3d: {  	s28 =	simm.s32 $0x1400;
	_ =	swait.ge [sflag:s13], $0x1000  }
0x3e: {  	s24 =	sadd.s32 $0x14000, s12;
	s25 =	simm.s32 $0xA00;
	[sflag:s13] =	ssyncset.done $0x0  }
.LBB2_2:
0x3f: {  	s29 =	sshra.s32 s25, $0x2  }
0x40: {  	[sflag:s13] =	ssyncadd.s32 $0xFFFFF000;
	s25 =	smov.u32 s28;
	s26 =	sadd.s32 $0xA00, s28  }
0x41: {  	[tilespmem:s15], [sflag:$0x1] =	stream.indirect.gather [hbm4b:s4+s14], $0x20, s29, s14, $0xb8;
	[tilespmem:$0x6A00] =	vst v63  }
0x42: {  	p0 =	sne.s32 s28, $0x5A00;
	s28 =	sadd.s32 $0x80, s29  }
0x43: {  	[tilespmem:s16], [sflag:$0x1] =	stream.indirect.gather [hbm4b:s4+s14], $0x20, s28, s14, $0xb8;
	[tilespmem:$0x6A00] =	vst v63  }
0x44: {  	s28 =	sadd.s32 $0x100, s29  }
0x45: {  	[tilespmem:s17], [sflag:$0x1] =	stream.indirect.gather [hbm4b:s4+s14], $0x20, s28, s14, $0xb8;
	[tilespmem:$0x6A00] =	vst v63  }
0x46: {  	s28 =	sadd.s32 $0x180, s29  }
0x47: {  	[tilespmem:s18], [sflag:$0x1] =	stream.indirect.gather [hbm4b:s4+s14], $0x20, s28, s14, $0xb8;
	[tilespmem:$0x6A00] =	vst v63  }
0x48: {  	s28 =	sadd.s32 $0x200, s29  }
0x49: {  	[tilespmem:s19], [sflag:$0x1] =	stream.indirect.gather [hbm4b:s4+s14], $0x20, s28, s14, $0xb8;
	[tilespmem:$0x6A00] =	vst v63  }
0x4a: {  	_ =	swait.ge [sflag:s20], $0x1000  }
0x4b: {  	[sflag:s20] =	ssyncset.done $0x0  }
0x4c: {  	[sflag:s20] =	ssyncadd.s32 $0xFFFFF000  }
0x4d: {  	_ =	swait.ge [sflag:s20], $0x1000  }
0x4e: {  	[sflag:s20] =	ssyncset.done $0x0  }
0x4f: {  	[sflag:s20] =	ssyncadd.s32 $0xFFFFF000  }
0x50: {  	_ =	swait.ge [sflag:s20], $0x1000  }
0x51: {  	[sflag:s20] =	ssyncset.done $0x0  }
0x52: {  	[sflag:s20] =	ssyncadd.s32 $0xFFFFF000  }
0x53: {  	_ =	swait.ge [sflag:s20], $0x1000  }
0x54: {  	[sflag:s20] =	ssyncset.done $0x0  }
0x55: {  	[sflag:s20] =	ssyncadd.s32 $0xFFFFF000  }
0x56: {  	_ =	swait.ge [sflag:s20], $0x1000  }
0x57: {  	[sflag:s20] =	ssyncset.done $0x0  }
0x58: {  	s28 =	sadd.s32 $0xFFFF0000, s24;
	[sflag:s20] =	ssyncadd.s32 $0xFFFFF000  }
0x59: {  	[hbm4b:s28+s2] =	stream.linear.scatter [tilespmem:s15], [sflag:$0x2], $0x1000, $0x38;
	[tilespmem:$0x6A00] =	vst v63  }
0x5a: {  	_ =	swait.ge [sflag:s13], $0x1000  }
0x5b: {  	[sflag:s13] =	ssyncset.done $0x0  }
0x5c: {  	s28 =	sadd.s32 $0xFFFF4000, s24;
	[sflag:s13] =	ssyncadd.s32 $0xFFFFF000  }
0x5d: {  	[hbm4b:s28+s2] =	stream.linear.scatter [tilespmem:s16], [sflag:$0x2], $0x1000, $0x38;
	[tilespmem:$0x6A00] =	vst v63  }
0x5e: {  	_ =	swait.ge [sflag:s13], $0x1000  }
0x5f: {  	[sflag:s13] =	ssyncset.done $0x0  }
0x60: {  	s28 =	sadd.s32 $0xFFFF8000, s24;
	[sflag:s13] =	ssyncadd.s32 $0xFFFFF000  }
0x61: {  	[hbm4b:s28+s2] =	stream.linear.scatter [tilespmem:s17], [sflag:$0x2], $0x1000, $0x38;
	[tilespmem:$0x6A00] =	vst v63  }
0x62: {  	_ =	swait.ge [sflag:s13], $0x1000  }
0x63: {  	[sflag:s13] =	ssyncset.done $0x0  }
0x64: {  	s28 =	sadd.s32 $0xFFFFC000, s24;
	[sflag:s13] =	ssyncadd.s32 $0xFFFFF000  }
0x65: {  	[hbm4b:s28+s2] =	stream.linear.scatter [tilespmem:s18], [sflag:$0x2], $0x1000, $0x38;
	[tilespmem:$0x6A00] =	vst v63  }
0x66: {  	_ =	swait.ge [sflag:s13], $0x1000  }
.Ltmp0:
0x67: {  	[sflag:s13] =	ssyncset.done $0x0;
	(pc) =	sbr.rel @p0 .LBB2_2-.Ltmp0, $4  }
0x68: {  	[sflag:s13] =	ssyncadd.s32 $0xFFFFF000  }
0x69: {  	[hbm4b:s24+s2] =	stream.linear.scatter [tilespmem:s19], [sflag:$0x2], $0x1000, $0x38;
	[tilespmem:$0x6A00] =	vst v63  }
0x6a: {  	_ =	swait.ge [sflag:s13], $0x1000  }
0x6b: {  	s28 =	smov.u32 s26;
	s24 =	sadd.s32 $0x14000, s24;
	[sflag:s13] =	ssyncset.done $0x0  }
0x6c: {  	s25 =	sshra.s32 s25, $0x2;
	[sflag:s13] =	ssyncadd.s32 $0xFFFFF000  }
0x6d: {  	[tilespmem:s15], [sflag:$0x1] =	stream.indirect.gather [hbm4b:s4+s14], $0x20, s25, s14, $0xb8;
	[tilespmem:$0x6A00] =	vst v63  }
0x6e: {  	s26 =	sadd.s32 $0x80, s25  }
0x6f: {  	[tilespmem:s16], [sflag:$0x1] =	stream.indirect.gather [hbm4b:s4+s14], $0x20, s26, s14, $0xb8;
	[tilespmem:$0x6A00] =	vst v63  }
0x70: {  	s30 =	sadd.s32 $0x100, s25  }
0x71: {  	[tilespmem:s17], [sflag:$0x1] =	stream.indirect.gather [hbm4b:s4+s14], $0x20, s30, s14, $0xb8;
	[tilespmem:$0x6A00] =	vst v63  }
0x72: {  	s31 =	sadd.s32 $0x180, s25  }
0x73: {  	[tilespmem:s18], [sflag:$0x1] =	stream.indirect.gather [hbm4b:s4+s14], $0x20, s31, s14, $0xb8;
	[tilespmem:$0x6A00] =	vst v63  }
0x74: {  	s25 =	sadd.s32 $0x200, s25  }
0x75: {  	[tilespmem:s19], [sflag:$0x1] =	stream.indirect.gather [hbm4b:s4+s14], $0x20, s25, s14, $0xb8;
	[tilespmem:$0x6A00] =	vst v63  }
0x76: {  	_ =	swait.ge [sflag:s20], $0x1000  }
0x77: {  	[sflag:s20] =	ssyncset.done $0x0  }
0x78: {  	[sflag:s20] =	ssyncadd.s32 $0xFFFFF000  }
0x79: {  	_ =	swait.ge [sflag:s20], $0x1000  }
0x7a: {  	[sflag:s20] =	ssyncset.done $0x0  }
0x7b: {  	[sflag:s20] =	ssyncadd.s32 $0xFFFFF000  }
0x7c: {  	_ =	swait.ge [sflag:s20], $0x1000  }
0x7d: {  	[sflag:s20] =	ssyncset.done $0x0  }
0x7e: {  	[sflag:s20] =	ssyncadd.s32 $0xFFFFF000  }
0x7f: {  	_ =	swait.ge [sflag:s20], $0x1000  }
0x80: {  	[sflag:s20] =	ssyncset.done $0x0  }
0x81: {  	[sflag:s20] =	ssyncadd.s32 $0xFFFFF000  }
0x82: {  	_ =	swait.ge [sflag:s20], $0x1000  }
0x83: {  	[sflag:s20] =	ssyncset.done $0x0  }
0x84: {  	s28 =	sadd.s32 $0xFFFF0000, s24;
	[sflag:s20] =	ssyncadd.s32 $0xFFFFF000  }
0x85: {  	[hbm4b:s28+s2] =	stream.linear.scatter [tilespmem:s15], [sflag:$0x2], $0x1000, $0x38;
	[tilespmem:$0x6A00] =	vst v63  }
0x86: {  	_ =	swait.ge [sflag:s13], $0x1000  }
0x87: {  	[sflag:s13] =	ssyncset.done $0x0  }
0x88: {  	s29 =	sadd.s32 $0xFFFF4000, s24;
	[sflag:s13] =	ssyncadd.s32 $0xFFFFF000  }
0x89: {  	[hbm4b:s29+s2] =	stream.linear.scatter [tilespmem:s16], [sflag:$0x2], $0x1000, $0x38;
	[tilespmem:$0x6A00] =	vst v63  }
0x8a: {  	_ =	swait.ge [sflag:s13], $0x1000  }
0x8b: {  	[sflag:s13] =	ssyncset.done $0x0  }
0x8c: {  	s30 =	sadd.s32 $0xFFFF8000, s24;
	[sflag:s13] =	ssyncadd.s32 $0xFFFFF000  }
0x8d: {  	[hbm4b:s30+s2] =	stream.linear.scatter [tilespmem:s17], [sflag:$0x2], $0x1000, $0x38;
	[tilespmem:$0x6A00] =	vst v63  }
0x8e: {  	_ =	swait.ge [sflag:s13], $0x1000  }
0x8f: {  	[sflag:s13] =	ssyncset.done $0x0  }
0x90: {  	s31 =	sadd.s32 $0xFFFFC000, s24;
	[sflag:s13] =	ssyncadd.s32 $0xFFFFF000  }
0x91: {  	[hbm4b:s31+s2] =	stream.linear.scatter [tilespmem:s18], [sflag:$0x2], $0x1000, $0x38;
	[tilespmem:$0x6A00] =	vst v63  }
0x92: {  	_ =	swait.ge [sflag:s13], $0x1000  }
0x93: {  	[sflag:s13] =	ssyncset.done $0x0  }
0x94: {  	[sflag:s13] =	ssyncadd.s32 $0xFFFFF000  }
0x95: {  	[hbm4b:s24+s2] =	stream.linear.scatter [tilespmem:s19], [sflag:$0x2], $0x1000, $0x38;
	[tilespmem:$0x6A00] =	vst v63  }
0x96: {  	_ =	swait.ge [sflag:s13], $0x1000  }
0x97: {  	[sflag:s13] =	ssyncset.done $0x0  }
0x98: {  	[sflag:s13] =	ssyncadd.s32 $0xFFFFF000  }
0x99: {  	[tilespmem:s21], [sflag:$0x2] =	stream.linear.gather [hbm4b:s7+s2], $0x80, $0x38;
	[tilespmem:$0x6A00] =	vst v63  }
0x9a: {  	_ =	swait.ge [sflag:s13], $0x80  }
0x9b: {  	[sflag:s13] =	ssyncset.done $0x0  }
0x9c: {  	[sflag:s13] =	ssyncadd.s32 $0xFFFFFF80  }
0x9d: {  	[tilespmem:s15], [sflag:$0x1] =	stream.indirect.gather [hbm4b:s3+s14], $0x20, s21, s14, $0xb8;
	[tilespmem:$0x6A00] =	vst v63  }
0x9e: {  	_ =	swait.ge [sflag:s20], $0x1000  }
0x9f: {  	[sflag:s20] =	ssyncset.done $0x0  }
0xa0: {  	[sflag:s20] =	ssyncadd.s32 $0xFFFFF000  }
0xa1: {  	[hbm4b:s8+s2] =	stream.linear.scatter [tilespmem:s15], [sflag:$0x2], $0x1000, $0x38;
	[tilespmem:$0x6A00] =	vst v63  }
0xa2: {  	_ =	swait.ge [sflag:s13], $0x1000  }
0xa3: {  	[sflag:s13] =	ssyncset.done $0x0  }
0xa4: {  	[sflag:s13] =	ssyncadd.s32 $0xFFFFF000  }
0xa5: {  	[tilespmem:s22], [sflag:$0x2] =	stream.linear.gather [hbm4b:s9+s2], $0x80, $0x38;
	[tilespmem:$0x6A00] =	vst v63  }
0xa6: {  	_ =	swait.ge [sflag:s13], $0x80  }
0xa7: {  	[sflag:s13] =	ssyncset.done $0x0  }
0xa8: {  	[sflag:s13] =	ssyncadd.s32 $0xFFFFFF80  }
0xa9: {  	[tilespmem:s15], [sflag:$0x1] =	stream.indirect.gather [hbm4b:s5+s14], $0x20, s22, s14, $0xb8;
	[tilespmem:$0x6A00] =	vst v63  }
0xaa: {  	s23 =	sadd.s32 $0x1, s23;
	_ =	swait.ge [sflag:s20], $0x1000  }
0xab: {  	p0 =	sne.s32 s23, s11;
	[sflag:s20] =	ssyncset.done $0x0  }
.Ltmp1:
0xac: {  	[sflag:s20] =	ssyncadd.s32 $0xFFFFF000;
	(pc) =	sbr.rel @p0 .LBB2_1-.Ltmp1, $4  }
0xad: {  	[hbm4b:s10+s2] =	stream.linear.scatter [tilespmem:s15], [sflag:$0x2], $0x1000, $0x38;
	[tilespmem:$0x6A00] =	vst v63  }
0xae: {  	_ =	swait.ge [sflag:s13], $0x1000  }
0xaf: {  	[sflag:s13] =	ssyncset.done $0x0  }
0xb0: {  	[sflag:s13] =	ssyncadd.s32 $0xFFFFF000  }
0xb1: {  	_ =	sfence.sel $0x180000  }
0xb2: {  	[bflag:$0x0] =	sbarrier.arrive $0xFFFF  }
0xb3: {  	p0 =	sne.s32 s0, $0x0;
	_ =	strace $0x9000004A  }
0xb4: {  	s0 =	sadd.s32 @!p0 $0x100000, s1;
	[bflag:$0x2] =	sbarrier.arrive $0xFFFF  }
0xb5: {  	[sflag:s0] =	ssyncadd.tile.s32 @!p0 $0x1;
	_ =	shalt  }
.Lfunc_end2:
_tile_overlayer_lowered:
.L_overlay_start_2:
0xb6: {  	(tag) =	ssettag $0x2  }
0xb7: {  	s0 =	rddreg [dreg:$0x0];
	s2 =	stileid.u32  }
0xb8: {  	s1 =	rddreg [dreg:$0x1];
	p0 =	sne.s32 s2, $0x0  }
0xb9: {  	s3 =	rddreg [dreg:$0x2];
	[bflag:$0x3] =	sbarrier.arrive $0xFFFF;
	s2 =	simm.s32 @!p0 $0x1C02  }
0xba: {  	[timem:s3], [sflag:s2] =	dma.local @!p0 [hbm:s0], s1  }
0xbb: {  	s0 =	simm.s32 @!p0 $0x2  }
0xbc: {  	_ =	swait.ge @!p0 [sflag:s0], s1  }
0xbd: {  	s1 =	ssub.s32 @!p0 $0x0, s1;
	[sflag:s0] =	ssyncset.done @!p0 $0x0  }
0xbe: {  	[sflag:s0] =	ssyncadd.s32 @!p0 s1  }
0xbf: {  	[bflag:$0x3] =	sbarrier.arrive $0xFFFF  }
0xc0: {  	_ =	shalt  }

// kernel: kernel.19.cloned.1.call-start
scs
__scs_entry_jumppad:
0x0: {  	(pc) =	sbr.rel $0x88, $3  }
0x1: {  	(tag) =	ssettag $0x0;
	lr =	simm.s32 $0x1  }
0x2: {  	[smem:$0x3F96] =	sst lr;
	_ =	strace $0xD0000000  }
0x3: {  	_ = 	snop  }
0x4: {  	_ = 	snop  }
0x5: {  	_ = 	snop  }
0x6: {  	_ = 	snop  }
0x7: {  	_ = 	snop  }
__scs_overlays_trampoline_lowered:
0x8: {  	[smem:$0x3FA5] =	sst s0  }
0x9: {  	[smem:$0x3FA6] =	sst s1  }
0xa: {  	[smem:$0x3FA7] =	sst s2  }
0xb: {  	[smem:$0x3FA8] =	sst s3  }
0xc: {  	[smem:$0x3FA9] =	sst s4  }
0xd: {  	[smem:$0x3FAA] =	sst s5  }
0xe: {  	[smem:$0x3FAB] =	sst s6  }
0xf: {  	[smem:$0x3FAC] =	sst s7  }
0x10: {  	[smem:$0x3FAD] =	sst s8  }
0x11: {  	[smem:$0x3FAE] =	sst s9;
	s0 =	simm.s32 @!p0 $0x0  }
0x12: {  	s1 =	sld [smem:$0x3F94];
	s0 =	simm.s32 @p0 $0x1  }
0x13: {  	[smem:$0x3FAF] =	sst s0;
	s0 =	simm.s32 @!p1 $0x0  }
0x14: {  	s2 =	sld [smem:$0x3F93];
	s0 =	simm.s32 @p1 $0x1  }
0x15: {  	[smem:$0x3FB0] =	sst s0;
	s0 =	simm.s32 @!p2 $0x0  }
0x16: {  	s3 =	sld [smem:$0x3FDB];
	s0 =	simm.s32 @p2 $0x1  }
0x17: {  	s4 =	simm.s32 $0x1BF5;
	[smem:$0x3FB2] =	sst s0  }
0x18: {  	s0 =	sld [smem:$0x3F95];
	_ =	swait.ge [sflag:s4], $0x0  }
0x19: {  	s7 =	sld [smem:$0x3F96]  }
0x1a: {  	s8 =	sadd.s32 $0xFFFFE003, lr  }
0x1b: {  	s9 =	sadd.s32 $0xFFFFFEF7, lr;
	s5 =	simm.s32 $0xFFFFFFFF;
	p2 =	slt.u32 s8, $0xFFFFF086  }
0x1c: {  	p1 =	slt.u32 s9, $0xF7A;
	s5 =	simm.s32 @!p2 $0x0  }
0x1d: {  	s5 =	simm.s32 @p1 $0x1;
	p0 =	seq.s32 s7, s2  }
0x1e: {  	s7 =	smul.u32 @!p0 $0xF7A, s2;
	p2 =	seq.s32 @!p0 s5, $0x0  }
0x1f: {  	s9 =	smul.u32 $0xF7A, s1;
	s8 =	simm.s32 @!p0 $0x1BF5;
	p2 =	por !p2, p0  }
0x20: {  	[sflag:s8] =	ssyncset.s32 @!p0 $0xFFFFF086;
	s6 =	sadd.s32 @!p0 s3, s7;
	s7 =	simm.s32 @!p0 $0x108  }
0x21: {  	s3 =	sadd.s32 s3, s9;
	s6 =	sadd.s32 @!p0 $0x88, s6;
	s7 =	simm.s32 @p2 $0x1082  }
0x22: {  	[simem:s7], [sflag:s8] =	dma.local @!p0 [hbm:s6], $0xF7A  }
0x23: {  	s9 =	sor.u32 $0xD0000000, s2;
	s6 =	simm.s32 $0x108;
	_ =	swait.ge @!p0 [sflag:s8], $0x0  }
0x24: {  	s3 =	sadd.s32 $0x88, s3;
	s6 =	simm.s32 @!p1 $0x1082;
	[sflag:s4] =	ssyncset.s32 $0xFFFFF086  }
0x25: {  	[simem:s6], [sflag:s4] =	dma.local [hbm:s3], $0xF7A  }
0x26: {  	[smem:$0x3F96] =	sst s1;
	(tag) =	ssettag s2;
	_ =	strace s9  }
0x27: {  	s1 =	sld [smem:$0x3FA6]  }
0x28: {  	s2 =	sld [smem:$0x3FA7]  }
0x29: {  	s4 =	sld [smem:$0x3FA9]  }
0x2a: {  	p0 =	seq.s32 s5, $0x0;
	s5 =	sld [smem:$0x3FAA]  }
0x2b: {  	s6 =	sld [smem:$0x3FAB]  }
0x2c: {  	s7 =	sld [smem:$0x3FAC]  }
0x2d: {  	s3 =	simm.s32 $0x108;
	s8 =	sld [smem:$0x3FAD]  }
0x2e: {  	s3 =	simm.s32 @!p0 $0x1082;
	s9 =	sld [smem:$0x3FAE]  }
0x2f: {  	lr =	sadd.s32 s0, s3;
	s0 =	sld [smem:$0x3FA5]  }
0x30: {  	s3 =	sld [smem:$0x3FA8]  }
0x31: {  	[smem:$0x3FB1] =	sst s10  }
0x32: {  	s10 =	sld [smem:$0x3FAF];
	_ =	sdelay $0x3  }
0x33: {  	p0 =	seq.s32 s10, $0x1;
	s10 =	sld [smem:$0x3FB1];
	_ =	sdelay $0x3  }
0x34: {  	[smem:$0x3FB1] =	sst s10  }
0x35: {  	s10 =	sld [smem:$0x3FB0];
	_ =	sdelay $0x3  }
0x36: {  	p1 =	seq.s32 s10, $0x1;
	s10 =	sld [smem:$0x3FB1];
	_ =	sdelay $0x3  }
0x37: {  	[smem:$0x3FB1] =	sst s10  }
0x38: {  	s10 =	sld [smem:$0x3FB2]  }
0x39: {  	_ = 	snop;
	(pc) =	sbr.ind lr, $3  }
0x3a: {  	_ = 	snop  }
0x3b: {  	_ = 	snop  }
0x3c: {  	p2 =	seq.s32 s10, $0x1;
	s10 =	sld [smem:$0x3FB1]  }
0x3d: {  	_ =	shalt  }
0x3e: {  	_ =	shalt  }
0x3f: {  	_ =	shalt  }
0x40: {  	_ =	shalt  }
0x41: {  	_ =	shalt  }
0x42: {  	_ =	shalt  }
0x43: {  	_ =	shalt  }
0x44: {  	_ =	shalt  }
0x45: {  	_ =	shalt  }
0x46: {  	_ =	shalt  }
0x47: {  	_ =	shalt  }
0x48: {  	_ =	shalt  }
0x49: {  	_ =	shalt  }
0x4a: {  	_ =	shalt  }
0x4b: {  	_ =	shalt  }
0x4c: {  	_ =	shalt  }
0x4d: {  	_ =	shalt  }
0x4e: {  	_ =	shalt  }
0x4f: {  	_ =	shalt  }
0x50: {  	_ =	shalt  }
0x51: {  	_ =	shalt  }
0x52: {  	_ =	shalt  }
0x53: {  	_ =	shalt  }
0x54: {  	_ =	shalt  }
0x55: {  	_ =	shalt  }
0x56: {  	_ =	shalt  }
0x57: {  	_ =	shalt  }
0x58: {  	_ =	shalt  }
0x59: {  	_ =	shalt  }
0x5a: {  	_ =	shalt  }
0x5b: {  	_ =	shalt  }
0x5c: {  	_ =	shalt  }
0x5d: {  	_ =	shalt  }
0x5e: {  	_ =	shalt  }
0x5f: {  	_ =	shalt  }
0x60: {  	_ =	shalt  }
0x61: {  	_ =	shalt  }
0x62: {  	_ =	shalt  }
0x63: {  	_ =	shalt  }
0x64: {  	_ =	shalt  }
0x65: {  	_ =	shalt  }
0x66: {  	_ =	shalt  }
0x67: {  	_ =	shalt  }
0x68: {  	_ =	shalt  }
0x69: {  	_ =	shalt  }
0x6a: {  	_ =	shalt  }
0x6b: {  	_ =	shalt  }
0x6c: {  	_ =	shalt  }
0x6d: {  	_ =	shalt  }
0x6e: {  	_ =	shalt  }
0x6f: {  	_ =	shalt  }
0x70: {  	_ =	shalt  }
0x71: {  	_ =	shalt  }
0x72: {  	_ =	shalt  }
0x73: {  	_ =	shalt  }
0x74: {  	_ =	shalt  }
0x75: {  	_ =	shalt  }
0x76: {  	_ =	shalt  }
0x77: {  	_ =	shalt  }
0x78: {  	_ =	shalt  }
0x79: {  	_ =	shalt  }
0x7a: {  	_ =	shalt  }
0x7b: {  	_ =	shalt  }
0x7c: {  	_ =	shalt  }
0x7d: {  	_ =	shalt  }
0x7e: {  	_ =	shalt  }
0x7f: {  	_ =	shalt  }
0x80: {  	_ =	shalt  }
0x81: {  	_ =	shalt  }
0x82: {  	_ =	shalt  }
0x83: {  	_ =	shalt  }
0x84: {  	_ =	shalt  }
0x85: {  	_ =	shalt  }
0x86: {  	_ =	shalt  }
0x87: {  	_ =	shalt  }
.Lfunc_end0:
.L_simem_size_0:
called_computation.3_lowered:
.L_overlay_start_0:
0x88: {  	s2 =	sld [smem:$0x3FD9]  }
0x89: {  	s3 =	sld [smem:$0x3FFE];
	_ =	sdelay $0x1  }
0x8a: {  	s1 =	srdreg.scid  }
0x8b: {  	s0 =	sand.u32 $0x1, s1  }
0x8c: {  	s16 =	sshll.u32 s0, $0xA;
	s2 =	sadd.s32 s3, s2  }
0x8d: {  	s2 =	sadd.s32 s2, s16  }
0x8e: {  	[smem:$0x3FBD] =	sst s2  }
0x8f: {  	_ = 	snop  }
0x90: {  	(tm) =	ssettm $0x1  }
0x91: {  	s17 =	sld [smem:$0x3FFB];
	_ =	sdelay $0x3  }
0x92: {  	_ =	strace s17  }
0x93: {  	s2 =	sld [smem:$0x3FFC];
	_ =	sdelay $0x3  }
0x94: {  	_ =	strace s2  }
0x95: {  	s2 =	sld [smem:$0x3FFD];
	_ =	sdelay $0x3  }
0x96: {  	_ =	strace s2  }
0x97: {  	_ =	strace $0x8FFFFFFF  }
0x98: {  	s18 =	sld [smem:$0x3FDB];
	_ =	sdelay $0x1  }
0x99: {  	s19 =	simm.s32 $_scs_section_size  }
0x9a: {  	s4 =	simm.s32 $_size__tile_overlayer_lowered;
	s5 =	simm.s32 $_tile_overlayer_lowered  }
0x9b: {  	s22 =	simm.s32 $0x1BFF;
	s21 =	sshll.u32 s5, $0x1;
	s2 =	sadd.s32 s19, s18  }
0x9c: {  	s6 =	simm.s32 $0x0;
	s20 =	sshll.u32 s4, $0x1;
	s4 =	sadd.s32 s21, s2  }
0x9d: {  	[timem:s6], [sflag:s22] =	dma.local [hbm:s4], s20  }
0x9e: {  	_ =	swait.ge [sflag:s22], s20  }
0x9f: {  	s3 =	ssub.s32 $0x0, s20;
	[sflag:s22] =	ssyncset.done $0x0  }
0xa0: {  	[sflag:s22] =	ssyncadd.s32 s3;
	_ =	sdelay $0x1  }
0xa1: {  	s23 =	simm.s32 $0x1B8B  }
0xa2: {  	_ =	swait.ge [sflag:s23], $0x1  }
0xa3: {  	[sflag:s23] =	ssyncset.done $0x0  }
0xa4: {  	s25 =	simm.s32 $0x1B8E;
	s24 =	sld [smem:$0x3FFE];
	[sflag:s23] =	ssyncadd.s32 $0xFFFFFFFF  }
0xa5: {  	s26 =	simm.s32 $execute0_lowered;
	[smem:$0x3FD2] =	sst s25  }
0xa6: {  	s4 =	sshll.u32 s26, $0x1;
	_ =	strace $0x80000046;
	[dreg:$0x1] =	wrdreg $0xFFFFFFFF  }
0xa7: {  	s28 =	simm.s32 $_size_execute0_lowered;
	s2 =	sadd.s32 s2, s4;
	[dreg:$0x0] =	wrdreg $0x0  }
0xa8: {  	s4 =	sshll.u32 s28, $0x1;
	[dreg:$0x2] =	wrdreg s2  }
0xa9: {  	[dreg:$0x3] =	wrdreg s4  }
0xaa: {  	[dreg:$0x4] =	wrdreg $0xC0  }
0xab: {  	_ =	task [dreg:s6], $0x5FFFF  }
0xac: {  	[dreg:$0x1] =	wrdreg $0xFFFFFFFF  }
0xad: {  	[dreg:$0x0] =	wrdreg $0x60  }
0xae: {  	[dreg:$0x2] =	wrdreg s24  }
0xaf: {  	[dreg:$0x3] =	wrdreg $0xC  }
0xb0: {  	_ =	task.clear_ibuf [dreg:s6], $0x4FFFF;
	_ =	strace $0x90000046  }
0xb1: {  	s29 =	simm.s32 $0xC;
	_ =	strace $0x80000048  }
0xb2: {  	_ =	swait.ge [sflag:s29], $0x1  }
0xb3: {  	[sflag:s29] =	ssyncadd.s32 $0xFFFFFFFF  }
0xb4: {  	_ =	strace $0x90000048  }
0xb5: {  	_ =	sfence  }
0xb6: {  	s30 =	sld [smem:$0x0];
	_ =	sdelay $0x2  }
0xb7: {  	s31 =	sshll.u32 s1, $0xD;
	s1 =	sshrl.u32 s1, $0x2  }
0xb8: {  	s3 =	sand.u32 $0x4000, s31;
	s1 =	sadd.s32 s1, s30  }
0xb9: {  	s0 =	sor.u32 s3, s0;
	s1 =	sshll.u32 s1, $0x11  }
0xba: {  	s0 =	sor.u32 s1, s0  }
0xbb: {  	s0 =	sadd.s32 $0x8F2B, s0  }
0xbc: {  	[sflag:s0] =	ssyncadd.remote.s32 $0x1  }
0xbd: {  	_ =	sfence.sel $0xFFFF  }
0xbe: {  	[dreg:$0x0] =	wrdreg $0xFFFFFFFF;
	(pc) =	sbr.abs _section_cstart, $3  }
0xbf: {  	[dreg:$0x1] =	wrdreg $0xFFFFFFFF  }
0xc0: {  	_ =	task.clear_ibuf [dreg:s6], $0x2FFFF;
	_ =	strace $0x9FFFFFFF  }
0xc1: {  	(tm) =	ssettm $0x7FFFFFFF  }
tec
execute0_lowered:
.L_overlay_start_1:
0x0: {  	(tag) =	ssettag $0x1  }
0x1: {  	s1 =	srdreg.scid;
	s0 =	stileid.u32  }
0x2: {  	s6 =	rddreg [dreg:$0x0];
	s2 =	simm.s32 $0x0;
	s15 =	simm.s32 $0x1900  }
0x3: {  	s16 =	simm.s32 $0x2900;
	s17 =	simm.s32 $0x3900;
	s18 =	simm.s32 $0x4900  }
0x4: {  	s19 =	simm.s32 $0x5900;
	s20 =	simm.s32 $0x1;
	s21 =	simm.s32 $0x6900  }
0x5: {  	s22 =	simm.s32 $0x6980;
	s10 =	sand.u32 $0x1, s1;
	s1 =	rddreg [dreg:$0x1]  }
0x6: {  	s23 =	simm.s32 $0x0;
	s3 =	sshll.u32 s0, $0x1;
	[smem:$0x7FF] =	sst s2  }
0x7: {  	s5 =	sadd.s32 $0x40DC00, s6;
	s11 =	sshll.u32 s0, $0xA;
	s7 =	sor.u32 s10, s3  }
0x8: {  	_ =	strace $0x80000047;
	s12 =	ssub.s32 $0x2, s10;
	s13 =	sadd.s32 s11, s6  }
0x9: {  	s14 =	sshll.u32 s10, $0x9;
	s3 =	smul.u32 $0x320, s7;
	s4 =	sshll.u32 s7, $0x4  }
0xa: {  	s7 =	sshll.u32 s7, $0x9;
	s30 =	sshrl.u32 s12, $0x1;
	s31 =	sadd.s32 s14, s13  }
0xb: {  	s13 =	simm.s32 $0x2;
	s14 =	simm.s32 $0x80;
	s9 =	sadd.s32 s4, s6  }
0xc: {  	s4 =	sadd.s32 $0x3D200, s6;
	s29 =	sadd.s32 s7, s6;
	s12 =	ssub.s32 s12, s30  }
0xd: {  	s8 =	sadd.s32 s3, s6;
	s3 =	sadd.s32 $0xF7F600, s6;
	s7 =	sadd.s32 $0x5000, s9  }
0xe: {  	s10 =	sadd.s32 $0x7E2600, s29;
	s11 =	smax.u32 s12, $0x1;
	s12 =	sadd.s32 $0x7F6600, s31  }
0xf: {  	s9 =	sadd.s32 $0x5200, s9;
	s6 =	sadd.s32 $0x36E00, s8;
	s8 =	sadd.s32 $0x7DE600, s29  }
.LBB2_1:
0x10: {  	[tilespmem:s2], [sflag:$0x2] =	stream.linear.gather [hbm4b:s6+s2], $0x1900, $0x38;
	[tilespmem:$0x6A00] =	vst v63  }
0x11: {  	_ =	swait.ge [sflag:s13], $0x1900  }
0x12: {  	[sflag:s13] =	ssyncset.done $0x0  }
0x13: {  	s24 =	simm.s32 $0x0;
	[sflag:s13] =	ssyncadd.s32 $0xFFFFE700  }
0x14: {  	[tilespmem:s15], [sflag:$0x1] =	stream.indirect.gather [hbm4b:s4+s14], $0x20, s24, s14, $0xb8;
	[tilespmem:$0x6A00] =	vst v63  }
0x15: {  	s29 =	simm.s32 $0x80  }
0x16: {  	[tilespmem:s16], [sflag:$0x1] =	stream.indirect.gather [hbm4b:s4+s14], $0x20, s29, s14, $0xb8;
	[tilespmem:$0x6A00] =	vst v63  }
0x17: {  	s30 =	simm.s32 $0x100  }
0x18: {  	[tilespmem:s17], [sflag:$0x1] =	stream.indirect.gather [hbm4b:s4+s14], $0x20, s30, s14, $0xb8;
	[tilespmem:$0x6A00] =	vst v63  }
0x19: {  	s31 =	simm.s32 $0x180  }
0x1a: {  	[tilespmem:s18], [sflag:$0x1] =	stream.indirect.gather [hbm4b:s4+s14], $0x20, s31, s14, $0xb8;
	[tilespmem:$0x6A00] =	vst v63  }
0x1b: {  	s25 =	simm.s32 $0x200  }
0x1c: {  	[tilespmem:s19], [sflag:$0x1] =	stream.indirect.gather [hbm4b:s4+s14], $0x20, s25, s14, $0xb8;
	[tilespmem:$0x6A00] =	vst v63  }
0x1d: {  	_ =	swait.ge [sflag:s20], $0x1000  }
0x1e: {  	[sflag:s20] =	ssyncset.done $0x0  }
0x1f: {  	[sflag:s20] =	ssyncadd.s32 $0xFFFFF000  }
0x20: {  	_ =	swait.ge [sflag:s20], $0x1000  }
0x21: {  	[sflag:s20] =	ssyncset.done $0x0  }
0x22: {  	[sflag:s20] =	ssyncadd.s32 $0xFFFFF000  }
0x23: {  	_ =	swait.ge [sflag:s20], $0x1000  }
0x24: {  	[sflag:s20] =	ssyncset.done $0x0  }
0x25: {  	[sflag:s20] =	ssyncadd.s32 $0xFFFFF000  }
0x26: {  	_ =	swait.ge [sflag:s20], $0x1000  }
0x27: {  	[sflag:s20] =	ssyncset.done $0x0  }
0x28: {  	[sflag:s20] =	ssyncadd.s32 $0xFFFFF000  }
0x29: {  	_ =	swait.ge [sflag:s20], $0x1000  }
0x2a: {  	[sflag:s20] =	ssyncset.done $0x0  }
0x2b: {  	s26 =	sadd.s32 $0xFFFF0000, s12;
	[sflag:s20] =	ssyncadd.s32 $0xFFFFF000  }
0x2c: {  	[hbm4b:s26+s2] =	stream.linear.scatter [tilespmem:s15], [sflag:$0x2], $0x1000, $0x38;
	[tilespmem:$0x6A00] =	vst v63  }
0x2d: {  	_ =	swait.ge [sflag:s13], $0x1000  }
0x2e: {  	[sflag:s13] =	ssyncset.done $0x0  }
0x2f: {  	s29 =	sadd.s32 $0xFFFF4000, s12;
	[sflag:s13] =	ssyncadd.s32 $0xFFFFF000  }
0x30: {  	[hbm4b:s29+s2] =	stream.linear.scatter [tilespmem:s16], [sflag:$0x2], $0x1000, $0x38;
	[tilespmem:$0x6A00] =	vst v63  }
0x31: {  	_ =	swait.ge [sflag:s13], $0x1000  }
0x32: {  	[sflag:s13] =	ssyncset.done $0x0  }
0x33: {  	s30 =	sadd.s32 $0xFFFF8000, s12;
	[sflag:s13] =	ssyncadd.s32 $0xFFFFF000  }
0x34: {  	[hbm4b:s30+s2] =	stream.linear.scatter [tilespmem:s17], [sflag:$0x2], $0x1000, $0x38;
	[tilespmem:$0x6A00] =	vst v63  }
0x35: {  	_ =	swait.ge [sflag:s13], $0x1000  }
0x36: {  	[sflag:s13] =	ssyncset.done $0x0  }
0x37: {  	s31 =	sadd.s32 $0xFFFFC000, s12;
	[sflag:s13] =	ssyncadd.s32 $0xFFFFF000  }
0x38: {  	[hbm4b:s31+s2] =	stream.linear.scatter [tilespmem:s18], [sflag:$0x2], $0x1000, $0x38;
	[tilespmem:$0x6A00] =	vst v63  }
0x39: {  	_ =	swait.ge [sflag:s13], $0x1000  }
0x3a: {  	[sflag:s13] =	ssyncset.done $0x0  }
0x3b: {  	[sflag:s13] =	ssyncadd.s32 $0xFFFFF000  }
0x3c: {  	[hbm4b:s12+s2] =	stream.linear.scatter [tilespmem:s19], [sflag:$0x2], $0x1000, $0x38;
	[tilespmem:$0x6A00] =	vst v63  }
0x3d: {  	s28 =	simm.s32 $0x1400;
	_ =	swait.ge [sflag:s13], $0x1000  }
0x3e: {  	s24 =	sadd.s32 $0x14000, s12;
	s25 =	simm.s32 $0xA00;
	[sflag:s13] =	ssyncset.done $0x0  }
.LBB2_2:
0x3f: {  	s29 =	sshra.s32 s25, $0x2  }
0x40: {  	[sflag:s13] =	ssyncadd.s32 $0xFFFFF000;
	s25 =	smov.u32 s28;
	s26 =	sadd.s32 $0xA00, s28  }
0x41: {  	[tilespmem:s15], [sflag:$0x1] =	stream.indirect.gather [hbm4b:s4+s14], $0x20, s29, s14, $0xb8;
	[tilespmem:$0x6A00] =	vst v63  }
0x42: {  	p0 =	sne.s32 s28, $0x5A00;
	s28 =	sadd.s32 $0x80, s29  }
0x43: {  	[tilespmem:s16], [sflag:$0x1] =	stream.indirect.gather [hbm4b:s4+s14], $0x20, s28, s14, $0xb8;
	[tilespmem:$0x6A00] =	vst v63  }
0x44: {  	s28 =	sadd.s32 $0x100, s29  }
0x45: {  	[tilespmem:s17], [sflag:$0x1] =	stream.indirect.gather [hbm4b:s4+s14], $0x20, s28, s14, $0xb8;
	[tilespmem:$0x6A00] =	vst v63  }
0x46: {  	s28 =	sadd.s32 $0x180, s29  }
0x47: {  	[tilespmem:s18], [sflag:$0x1] =	stream.indirect.gather [hbm4b:s4+s14], $0x20, s28, s14, $0xb8;
	[tilespmem:$0x6A00] =	vst v63  }
0x48: {  	s28 =	sadd.s32 $0x200, s29  }
0x49: {  	[tilespmem:s19], [sflag:$0x1] =	stream.indirect.gather [hbm4b:s4+s14], $0x20, s28, s14, $0xb8;
	[tilespmem:$0x6A00] =	vst v63  }
0x4a: {  	_ =	swait.ge [sflag:s20], $0x1000  }
0x4b: {  	[sflag:s20] =	ssyncset.done $0x0  }
0x4c: {  	[sflag:s20] =	ssyncadd.s32 $0xFFFFF000  }
0x4d: {  	_ =	swait.ge [sflag:s20], $0x1000  }
0x4e: {  	[sflag:s20] =	ssyncset.done $0x0  }
0x4f: {  	[sflag:s20] =	ssyncadd.s32 $0xFFFFF000  }
0x50: {  	_ =	swait.ge [sflag:s20], $0x1000  }
0x51: {  	[sflag:s20] =	ssyncset.done $0x0  }
0x52: {  	[sflag:s20] =	ssyncadd.s32 $0xFFFFF000  }
0x53: {  	_ =	swait.ge [sflag:s20], $0x1000  }
0x54: {  	[sflag:s20] =	ssyncset.done $0x0  }
0x55: {  	[sflag:s20] =	ssyncadd.s32 $0xFFFFF000  }
0x56: {  	_ =	swait.ge [sflag:s20], $0x1000  }
0x57: {  	[sflag:s20] =	ssyncset.done $0x0  }
0x58: {  	s28 =	sadd.s32 $0xFFFF0000, s24;
	[sflag:s20] =	ssyncadd.s32 $0xFFFFF000  }
0x59: {  	[hbm4b:s28+s2] =	stream.linear.scatter [tilespmem:s15], [sflag:$0x2], $0x1000, $0x38;
	[tilespmem:$0x6A00] =	vst v63  }
0x5a: {  	_ =	swait.ge [sflag:s13], $0x1000  }
0x5b: {  	[sflag:s13] =	ssyncset.done $0x0  }
0x5c: {  	s28 =	sadd.s32 $0xFFFF4000, s24;
	[sflag:s13] =	ssyncadd.s32 $0xFFFFF000  }
0x5d: {  	[hbm4b:s28+s2] =	stream.linear.scatter [tilespmem:s16], [sflag:$0x2], $0x1000, $0x38;
	[tilespmem:$0x6A00] =	vst v63  }
0x5e: {  	_ =	swait.ge [sflag:s13], $0x1000  }
0x5f: {  	[sflag:s13] =	ssyncset.done $0x0  }
0x60: {  	s28 =	sadd.s32 $0xFFFF8000, s24;
	[sflag:s13] =	ssyncadd.s32 $0xFFFFF000  }
0x61: {  	[hbm4b:s28+s2] =	stream.linear.scatter [tilespmem:s17], [sflag:$0x2], $0x1000, $0x38;
	[tilespmem:$0x6A00] =	vst v63  }
0x62: {  	_ =	swait.ge [sflag:s13], $0x1000  }
0x63: {  	[sflag:s13] =	ssyncset.done $0x0  }
0x64: {  	s28 =	sadd.s32 $0xFFFFC000, s24;
	[sflag:s13] =	ssyncadd.s32 $0xFFFFF000  }
0x65: {  	[hbm4b:s28+s2] =	stream.linear.scatter [tilespmem:s18], [sflag:$0x2], $0x1000, $0x38;
	[tilespmem:$0x6A00] =	vst v63  }
0x66: {  	_ =	swait.ge [sflag:s13], $0x1000  }
.Ltmp0:
0x67: {  	[sflag:s13] =	ssyncset.done $0x0;
	(pc) =	sbr.rel @p0 .LBB2_2-.Ltmp0, $4  }
0x68: {  	[sflag:s13] =	ssyncadd.s32 $0xFFFFF000  }
0x69: {  	[hbm4b:s24+s2] =	stream.linear.scatter [tilespmem:s19], [sflag:$0x2], $0x1000, $0x38;
	[tilespmem:$0x6A00] =	vst v63  }
0x6a: {  	_ =	swait.ge [sflag:s13], $0x1000  }
0x6b: {  	s28 =	smov.u32 s26;
	s24 =	sadd.s32 $0x14000, s24;
	[sflag:s13] =	ssyncset.done $0x0  }
0x6c: {  	s25 =	sshra.s32 s25, $0x2;
	[sflag:s13] =	ssyncadd.s32 $0xFFFFF000  }
0x6d: {  	[tilespmem:s15], [sflag:$0x1] =	stream.indirect.gather [hbm4b:s4+s14], $0x20, s25, s14, $0xb8;
	[tilespmem:$0x6A00] =	vst v63  }
0x6e: {  	s26 =	sadd.s32 $0x80, s25  }
0x6f: {  	[tilespmem:s16], [sflag:$0x1] =	stream.indirect.gather [hbm4b:s4+s14], $0x20, s26, s14, $0xb8;
	[tilespmem:$0x6A00] =	vst v63  }
0x70: {  	s30 =	sadd.s32 $0x100, s25  }
0x71: {  	[tilespmem:s17], [sflag:$0x1] =	stream.indirect.gather [hbm4b:s4+s14], $0x20, s30, s14, $0xb8;
	[tilespmem:$0x6A00] =	vst v63  }
0x72: {  	s31 =	sadd.s32 $0x180, s25  }
0x73: {  	[tilespmem:s18], [sflag:$0x1] =	stream.indirect.gather [hbm4b:s4+s14], $0x20, s31, s14, $0xb8;
	[tilespmem:$0x6A00] =	vst v63  }
0x74: {  	s25 =	sadd.s32 $0x200, s25  }
0x75: {  	[tilespmem:s19], [sflag:$0x1] =	stream.indirect.gather [hbm4b:s4+s14], $0x20, s25, s14, $0xb8;
	[tilespmem:$0x6A00] =	vst v63  }
0x76: {  	_ =	swait.ge [sflag:s20], $0x1000  }
0x77: {  	[sflag:s20] =	ssyncset.done $0x0  }
0x78: {  	[sflag:s20] =	ssyncadd.s32 $0xFFFFF000  }
0x79: {  	_ =	swait.ge [sflag:s20], $0x1000  }
0x7a: {  	[sflag:s20] =	ssyncset.done $0x0  }
0x7b: {  	[sflag:s20] =	ssyncadd.s32 $0xFFFFF000  }
0x7c: {  	_ =	swait.ge [sflag:s20], $0x1000  }
0x7d: {  	[sflag:s20] =	ssyncset.done $0x0  }
0x7e: {  	[sflag:s20] =	ssyncadd.s32 $0xFFFFF000  }
0x7f: {  	_ =	swait.ge [sflag:s20], $0x1000  }
0x80: {  	[sflag:s20] =	ssyncset.done $0x0  }
0x81: {  	[sflag:s20] =	ssyncadd.s32 $0xFFFFF000  }
0x82: {  	_ =	swait.ge [sflag:s20], $0x1000  }
0x83: {  	[sflag:s20] =	ssyncset.done $0x0  }
0x84: {  	s28 =	sadd.s32 $0xFFFF0000, s24;
	[sflag:s20] =	ssyncadd.s32 $0xFFFFF000  }
0x85: {  	[hbm4b:s28+s2] =	stream.linear.scatter [tilespmem:s15], [sflag:$0x2], $0x1000, $0x38;
	[tilespmem:$0x6A00] =	vst v63  }
0x86: {  	_ =	swait.ge [sflag:s13], $0x1000  }
0x87: {  	[sflag:s13] =	ssyncset.done $0x0  }
0x88: {  	s29 =	sadd.s32 $0xFFFF4000, s24;
	[sflag:s13] =	ssyncadd.s32 $0xFFFFF000  }
0x89: {  	[hbm4b:s29+s2] =	stream.linear.scatter [tilespmem:s16], [sflag:$0x2], $0x1000, $0x38;
	[tilespmem:$0x6A00] =	vst v63  }
0x8a: {  	_ =	swait.ge [sflag:s13], $0x1000  }
0x8b: {  	[sflag:s13] =	ssyncset.done $0x0  }
0x8c: {  	s30 =	sadd.s32 $0xFFFF8000, s24;
	[sflag:s13] =	ssyncadd.s32 $0xFFFFF000  }
0x8d: {  	[hbm4b:s30+s2] =	stream.linear.scatter [tilespmem:s17], [sflag:$0x2], $0x1000, $0x38;
	[tilespmem:$0x6A00] =	vst v63  }
0x8e: {  	_ =	swait.ge [sflag:s13], $0x1000  }
0x8f: {  	[sflag:s13] =	ssyncset.done $0x0  }
0x90: {  	s31 =	sadd.s32 $0xFFFFC000, s24;
	[sflag:s13] =	ssyncadd.s32 $0xFFFFF000  }
0x91: {  	[hbm4b:s31+s2] =	stream.linear.scatter [tilespmem:s18], [sflag:$0x2], $0x1000, $0x38;
	[tilespmem:$0x6A00] =	vst v63  }
0x92: {  	_ =	swait.ge [sflag:s13], $0x1000  }
0x93: {  	[sflag:s13] =	ssyncset.done $0x0  }
0x94: {  	[sflag:s13] =	ssyncadd.s32 $0xFFFFF000  }
0x95: {  	[hbm4b:s24+s2] =	stream.linear.scatter [tilespmem:s19], [sflag:$0x2], $0x1000, $0x38;
	[tilespmem:$0x6A00] =	vst v63  }
0x96: {  	_ =	swait.ge [sflag:s13], $0x1000  }
0x97: {  	[sflag:s13] =	ssyncset.done $0x0  }
0x98: {  	[sflag:s13] =	ssyncadd.s32 $0xFFFFF000  }
0x99: {  	[tilespmem:s21], [sflag:$0x2] =	stream.linear.gather [hbm4b:s7+s2], $0x80, $0x38;
	[tilespmem:$0x6A00] =	vst v63  }
0x9a: {  	_ =	swait.ge [sflag:s13], $0x80  }
0x9b: {  	[sflag:s13] =	ssyncset.done $0x0  }
0x9c: {  	[sflag:s13] =	ssyncadd.s32 $0xFFFFFF80  }
0x9d: {  	[tilespmem:s15], [sflag:$0x1] =	stream.indirect.gather [hbm4b:s3+s14], $0x20, s21, s14, $0xb8;
	[tilespmem:$0x6A00] =	vst v63  }
0x9e: {  	_ =	swait.ge [sflag:s20], $0x1000  }
0x9f: {  	[sflag:s20] =	ssyncset.done $0x0  }
0xa0: {  	[sflag:s20] =	ssyncadd.s32 $0xFFFFF000  }
0xa1: {  	[hbm4b:s8+s2] =	stream.linear.scatter [tilespmem:s15], [sflag:$0x2], $0x1000, $0x38;
	[tilespmem:$0x6A00] =	vst v63  }
0xa2: {  	_ =	swait.ge [sflag:s13], $0x1000  }
0xa3: {  	[sflag:s13] =	ssyncset.done $0x0  }
0xa4: {  	[sflag:s13] =	ssyncadd.s32 $0xFFFFF000  }
0xa5: {  	[tilespmem:s22], [sflag:$0x2] =	stream.linear.gather [hbm4b:s9+s2], $0x80, $0x38;
	[tilespmem:$0x6A00] =	vst v63  }
0xa6: {  	_ =	swait.ge [sflag:s13], $0x80  }
0xa7: {  	[sflag:s13] =	ssyncset.done $0x0  }
0xa8: {  	[sflag:s13] =	ssyncadd.s32 $0xFFFFFF80  }
0xa9: {  	[tilespmem:s15], [sflag:$0x1] =	stream.indirect.gather [hbm4b:s5+s14], $0x20, s22, s14, $0xb8;
	[tilespmem:$0x6A00] =	vst v63  }
0xaa: {  	s23 =	sadd.s32 $0x1, s23;
	_ =	swait.ge [sflag:s20], $0x1000  }
0xab: {  	p0 =	sne.s32 s23, s11;
	[sflag:s20] =	ssyncset.done $0x0  }
.Ltmp1:
0xac: {  	[sflag:s20] =	ssyncadd.s32 $0xFFFFF000;
	(pc) =	sbr.rel @p0 .LBB2_1-.Ltmp1, $4  }
0xad: {  	[hbm4b:s10+s2] =	stream.linear.scatter [tilespmem:s15], [sflag:$0x2], $0x1000, $0x38;
	[tilespmem:$0x6A00] =	vst v63  }
0xae: {  	_ =	swait.ge [sflag:s13], $0x1000  }
0xaf: {  	[sflag:s13] =	ssyncset.done $0x0  }
0xb0: {  	[sflag:s13] =	ssyncadd.s32 $0xFFFFF000  }
0xb1: {  	_ =	sfence.sel $0x180000  }
0xb2: {  	[bflag:$0x0] =	sbarrier.arrive $0xFFFF  }
0xb3: {  	p0 =	sne.s32 s0, $0x0;
	_ =	strace $0x90000047  }
0xb4: {  	s0 =	sadd.s32 @!p0 $0x100000, s1;
	[bflag:$0x2] =	sbarrier.arrive $0xFFFF  }
0xb5: {  	[sflag:s0] =	ssyncadd.tile.s32 @!p0 $0x1;
	_ =	shalt  }
.Lfunc_end2:
_tile_overlayer_lowered:
.L_overlay_start_2:
0xb6: {  	(tag) =	ssettag $0x2  }
0xb7: {  	s0 =	rddreg [dreg:$0x0];
	s2 =	stileid.u32  }
0xb8: {  	s1 =	rddreg [dreg:$0x1];
	p0 =	sne.s32 s2, $0x0  }
0xb9: {  	s3 =	rddreg [dreg:$0x2];
	[bflag:$0x3] =	sbarrier.arrive $0xFFFF;
	s2 =	simm.s32 @!p0 $0x1C02  }
0xba: {  	[timem:s3], [sflag:s2] =	dma.local @!p0 [hbm:s0], s1  }
0xbb: {  	s0 =	simm.s32 @!p0 $0x2  }
0xbc: {  	_ =	swait.ge @!p0 [sflag:s0], s1  }
0xbd: {  	s1 =	ssub.s32 @!p0 $0x0, s1;
	[sflag:s0] =	ssyncset.done @!p0 $0x0  }
0xbe: {  	[sflag:s0] =	ssyncadd.s32 @!p0 s1  }
0xbf: {  	[bflag:$0x3] =	sbarrier.arrive $0xFFFF  }
0xc0: {  	_ =	shalt  }

</sc_bundles>
